<compile_context>
chip_gen: v7x
topology: tpu7x:2x2x1
jax: 0.10.2.dev20260603
libtpu: 0.0.44.dev20260713+nightly
codegen_flags: <defaults>
</compile_context>

<pallas_src>
import functools

import jax
import jax.numpy as jnp
from jax import lax
from jax.experimental import pallas as pl
from jax.experimental.pallas import tpu as pltpu
from jax.experimental.pallas import tpu_sc as plsc

N = 10000
NPAD = 10008
D = 512
G = 64
E = 160000
EPAD = 163840
NB = 80
BE = 128
NBH = NB // 2
BN = 1112
GRID = NPAD // BN
NCHUNK = 4

def _make_mesh():
    return plsc.VectorSubcoreMesh(core_axis_name="c", subcore_axis_name="s")


def _deg_body(dst3, ones_big, out, didx, ones_v, shared, sem):
    del sem
    cid = lax.axis_index("c")
    sid = lax.axis_index("s")
    pltpu.sync_copy(dst3.at[sid], didx)
    pltpu.sync_copy(ones_big.at[pl.ds(0, BE)], ones_v)

    @pl.when(sid == 0)
    def _():
        pltpu.sync_copy(ones_big, shared)

    plsc.subcore_barrier()

    def body(t, carry):
        pltpu.sync_copy(ones_v, shared.at[didx.at[t]], add=True)
        return carry

    lax.fori_loop(0, NB, body, 0)
    plsc.subcore_barrier()

    @pl.when((sid == 0) & (cid == 0))
    def _():
        pltpu.sync_copy(shared, out)


def _deg_kernel(dst3, ones_big):
    fn = pl.kernel(
        _deg_body,
        mesh=_make_mesh(),
        out_type=jax.ShapeDtypeStruct((NPAD, 128), jnp.float32),
        scratch_types=[
            pltpu.VMEM((NB, BE), jnp.int32),
            pltpu.VMEM((BE, 128), jnp.float32),
            pltpu.VMEM_SHARED((NPAD, 128), jnp.float32),
            pltpu.SemaphoreType.DMA,
        ],
    )
    return fn(dst3, ones_big)


def _scatter_body(hs4, src3, dst3, out, sidx, didx, rows_a, rows_b, shared,
                  sem_a, sem_b):
    cid = lax.axis_index("c")
    sid = lax.axis_index("s")
    for jj in range(NCHUNK // 2):
        chunk = cid * (NCHUNK // 2) + jj

        @pl.when(sid == 0)
        def _():
            pltpu.sync_copy(hs4.at[chunk], shared)

        plsc.subcore_barrier()

        for half in range(NB // NBH):
            pltpu.sync_copy(src3.at[sid].at[pl.ds(half * NBH, NBH)], sidx)
            pltpu.sync_copy(dst3.at[sid].at[pl.ds(half * NBH, NBH)], didx)

            pltpu.async_copy(hs4.at[chunk].at[sidx.at[0]], rows_a, sem_a)

            def body(k, carry):
                ta = 2 * k
                tb = 2 * k + 1
                pltpu.async_copy(hs4.at[chunk].at[sidx.at[tb]], rows_b, sem_b)
                pltpu.make_async_copy(
                    hs4.at[chunk].at[sidx.at[ta]], rows_a, sem_a).wait()
                pltpu.sync_copy(rows_a, shared.at[didx.at[ta]], add=True)

                @pl.when(ta + 2 < NBH)
                def _():
                    pltpu.async_copy(
                        hs4.at[chunk].at[sidx.at[ta + 2]], rows_a, sem_a)

                pltpu.make_async_copy(
                    hs4.at[chunk].at[sidx.at[tb]], rows_b, sem_b).wait()
                pltpu.sync_copy(rows_b, shared.at[didx.at[tb]], add=True)
                return carry

            lax.fori_loop(0, NBH // 2, body, 0)
        plsc.subcore_barrier()

        @pl.when(sid == 0)
        def _():
            pltpu.sync_copy(shared, out.at[chunk])

        plsc.subcore_barrier()


def _scatter_kernel(hs4, src3, dst3):
    fn = pl.kernel(
        _scatter_body,
        mesh=_make_mesh(),
        out_type=jax.ShapeDtypeStruct((NCHUNK, NPAD, 128), jnp.float32),
        scratch_types=[
            pltpu.VMEM((NBH, BE), jnp.int32),
            pltpu.VMEM((NBH, BE), jnp.int32),
            pltpu.VMEM((BE, 128), jnp.float32),
            pltpu.VMEM((BE, 128), jnp.float32),
            pltpu.VMEM_SHARED((NPAD, 128), jnp.float32),
            pltpu.SemaphoreType.DMA,
            pltpu.SemaphoreType.DMA,
        ],
    )
    return fn(hs4, src3, dst3)


def _mm_body(x_ref, dis_ref, w_ref, out_ref):
    xs = x_ref[...] * dis_ref[...]
    h = jnp.dot(xs, w_ref[...], preferred_element_type=jnp.float32)
    for j in range(NCHUNK):
        out_ref[j] = h[:, j * 128:(j + 1) * 128]


def _mm_scaled(x, dis, w):
    return pl.pallas_call(
        _mm_body,
        grid=(GRID,),
        in_specs=[
            pl.BlockSpec((BN, D), lambda i: (i, 0)),
            pl.BlockSpec((BN, 1), lambda i: (i, 0)),
            pl.BlockSpec((D, D), lambda i: (0, 0)),
        ],
        out_specs=pl.BlockSpec((NCHUNK, BN, 128), lambda i: (0, i, 0)),
        out_shape=jax.ShapeDtypeStruct((NCHUNK, NPAD, 128), jnp.float32),
    )(x, dis, w)


def _ew_body(acc_ref, dis_ref, b_ref, res_ref, out_ref):
    h = jnp.concatenate([acc_ref[j] for j in range(NCHUNK)], axis=-1)
    out_ref[...] = res_ref[...] + jax.nn.relu(h * dis_ref[...] + b_ref[...])


def _epilogue(acc4, dis, b, res):
    return pl.pallas_call(
        _ew_body,
        grid=(GRID,),
        in_specs=[
            pl.BlockSpec((NCHUNK, BN, 128), lambda i: (0, i, 0)),
            pl.BlockSpec((BN, 1), lambda i: (i, 0)),
            pl.BlockSpec((1, D), lambda i: (0, 0)),
            pl.BlockSpec((BN, D), lambda i: (i, 0)),
        ],
        out_specs=pl.BlockSpec((BN, D), lambda i: (i, 0)),
        out_shape=jax.ShapeDtypeStruct((NPAD, D), jnp.float32),
    )(acc4, dis, b.reshape(1, D), res)


def _segmax_body(h_ref, b_ref, out_ref):
    i = pl.program_id(0)

    @pl.when(i == 0)
    def _():
        out_ref[...] = jnp.full((G, D), -jnp.inf, jnp.float32)

    bblk = b_ref[...]
    h = h_ref[...]
    g0 = bblk[0, 0]
    g1 = bblk[BN - 1, 0]

    def body(g, carry):
        m = jnp.where(bblk == g, h, -jnp.inf)
        row = jnp.max(m, axis=0, keepdims=True)
        out_ref[pl.ds(g, 1), :] = jnp.maximum(out_ref[pl.ds(g, 1), :], row)
        return carry

    lax.fori_loop(g0, g1 + 1, body, 0)


def _segmax(h, batch2d):
    return pl.pallas_call(
        _segmax_body,
        grid=(GRID,),
        in_specs=[
            pl.BlockSpec((BN, D), lambda i: (i, 0)),
            pl.BlockSpec((BN, 1), lambda i: (i, 0)),
        ],
        out_specs=pl.BlockSpec((G, D), lambda i: (0, 0)),
        out_shape=jax.ShapeDtypeStruct((G, D), jnp.float32),
    )(h, batch2d)


def kernel(x, edge_index, batch, W1, b1, W2, b2, W3, b3):
    x_pad = jnp.pad(x, ((0, NPAD - N), (0, 0)))
    pad_e = EPAD - E
    src3 = jnp.concatenate(
        [edge_index[0], jnp.full((pad_e,), N, jnp.int32)]).reshape(16, NB, BE)
    dst3 = jnp.concatenate(
        [edge_index[1], jnp.full((pad_e,), N, jnp.int32)]).reshape(16, NB, BE)
    batch2d = jnp.concatenate(
        [batch, jnp.full((NPAD - N,), batch[N - 1], batch.dtype)]
    ).reshape(NPAD, 1)

    ones_big = jnp.ones((NPAD, 128), jnp.float32)
    deg_big = _deg_kernel(dst3, ones_big)
    deg = deg_big[:, 0]
    dis = jnp.where(jnp.arange(NPAD) < N, lax.rsqrt(deg), 0.0)
    dis = dis.reshape(NPAD, 1).astype(jnp.float32)

    zeros_res = jnp.zeros((NPAD, D), jnp.float32)

    hs4 = _mm_scaled(x_pad, dis, W1)
    acc4 = _scatter_kernel(hs4, src3, dst3)
    z1 = _epilogue(acc4, dis, b1, zeros_res)

    hs4 = _mm_scaled(z1, dis, W2)
    acc4 = _scatter_kernel(hs4, src3, dst3)
    z2 = _epilogue(acc4, dis, b2, z1)

    hs4 = _mm_scaled(z2, dis, W3)
    acc4 = _scatter_kernel(hs4, src3, dst3)
    out_n = _epilogue(acc4, dis, b3, z2)

    g_feat = _segmax(out_n, batch2d)
    return out_n[:N], g_feat

# --- scband reference (transcript-rebuilt; emitter-appended) ---
"""Pipeline reference for scband-graph-cnn-16922171147064 (READ-ONLY COPY).

The authoritative reference and input builder live on the scoring server;
editing this copy changes nothing except your own understanding.
"""

import jax, jax.numpy as jnp
import numpy as np

N = 10000
E = 160000
D = 512
G = 64


def gcn_conv(x, edge_index, W, b, num_nodes):
    # torch_geometric GCNConv with add_self_loops=True, normalize=True
    src = jnp.concatenate([edge_index[0], jnp.arange(num_nodes, dtype=edge_index.dtype)])
    dst = jnp.concatenate([edge_index[1], jnp.arange(num_nodes, dtype=edge_index.dtype)])
    h = x @ W
    deg = jnp.zeros((num_nodes,), dtype=h.dtype).at[dst].add(1.0)
    dis = jnp.where(deg > 0, jax.lax.rsqrt(jnp.maximum(deg, 1e-12)), 0.0)
    norm = dis[src] * dis[dst]
    msgs = h[src] * norm[:, None]
    out = jnp.zeros((num_nodes, W.shape[1]), dtype=h.dtype).at[dst].add(msgs)
    return out + b


def setup_inputs(seed: int = 0):
    key = jax.random.key(seed)
    ks = jax.random.split(key, 12)
    x = jax.random.normal(ks[0], (N, D), dtype=jnp.float32)
    edge_index = jax.random.randint(ks[1], (2, E), 0, N, dtype=jnp.int32)
    batch = jnp.sort(jax.random.randint(ks[2], (N,), 0, G, dtype=jnp.int32))
    s = 1.0 / np.sqrt(D)
    W1 = jax.random.uniform(ks[3], (D, D), jnp.float32, -s, s)
    b1 = jnp.zeros((D,), jnp.float32)
    W2 = jax.random.uniform(ks[4], (D, D), jnp.float32, -s, s)
    b2 = jnp.zeros((D,), jnp.float32)
    W3 = jax.random.uniform(ks[5], (D, D), jnp.float32, -s, s)
    b3 = jnp.zeros((D,), jnp.float32)
    return {"x": x, "edge_index": edge_index, "batch": batch,
            "W1": W1, "b1": b1, "W2": W2, "b2": b2, "W3": W3, "b3": b3}


def reference(x, edge_index, batch, W1, b1, W2, b2, W3, b3):
    # dropout (p=0.2) treated as identity (eval mode)
    h = jax.nn.relu(gcn_conv(x, edge_index, W1, b1, N))          # idx 0
    h = h + jax.nn.relu(gcn_conv(h, edge_index, W2, b2, N))      # idx 1 (residual)
    final_conv_acts = gcn_conv(h, edge_index, W3, b3, N)         # idx 2
    h = h + jax.nn.relu(final_conv_acts)
    # pooling == 'gmp': global max pool per graph
    g_level_feat = jax.ops.segment_max(h, batch, num_segments=G)
    n_level_feat = h
    return (n_level_feat, g_level_feat)

if __name__ == "__main__":
    import jax
    _d = setup_inputs()
    print(jax.jit(kernel)(*tuple(_d.values())))

</pallas_src>

<mosaic_0001>
#map = affine_map<(d0, d1) -> (0, 0, 0)>
module attributes {stable_mosaic.version = 14 : i64} {
  func.func @_scatter_body(%arg0: i32, %arg1: i32, %arg2: memref<4x10008x128xf32, #tpu.memory_space<hbm>>, %arg3: memref<16x80x128xi32, #tpu.memory_space<hbm>>, %arg4: memref<16x80x128xi32, #tpu.memory_space<hbm>>, %arg5: memref<4x10008x128xf32, #tpu.memory_space<hbm>>, %arg6: memref<40x128xi32, #tpu.memory_space<vmem>>, %arg7: memref<40x128xi32, #tpu.memory_space<vmem>>, %arg8: memref<128x128xf32, #tpu.memory_space<vmem>>, %arg9: memref<128x128xf32, #tpu.memory_space<vmem>>, %arg10: memref<10008x128xf32, #tpu.memory_space<vmem_shared>>, %arg11: memref<!tpu.dma_semaphore, #tpu.memory_space<semaphore_mem>>, %arg12: memref<!tpu.dma_semaphore, #tpu.memory_space<semaphore_mem>>) attributes {dimension_semantics = [#tpu.dimension_semantics<core_parallel>, #tpu.dimension_semantics<subcore_parallel>], iteration_bounds = array<i64: 2, 16>, scalar_prefetch = 0 : i64, scratch_operands = 7 : i64, tpu.core_type = #tpu.core_type<sc_vector_subcore>, window_params = [{transform_indices = #map}, {transform_indices = #map}, {transform_indices = #map}, {transform_indices = #map}]} {
    %mul3A = arith.constant 2 : i32
    %mul3A_0 = arith.muli %arg0, %mul3A : i32
    %add3A = arith.constant 0 : i32
    %add3A_1 = arith.addi %mul3A_0, %add3A : i32
    %eq3A = arith.constant 0 : i32
    %eq3A_2 = arith.cmpi eq, %arg1, %eq3A : i32
    %convert_element_type3A = arith.extui %eq3A_2 : i1 to i32
    %cond3A = arith.constant 0 : i32
    %cond3A_3 = arith.cmpi ne, %convert_element_type3A, %cond3A : i32
    scf.if %cond3A_3 {
      "tpu.region"() ({
        %run_scoped3A = tpu.sem_alloc : memref<!tpu.dma_semaphore, #tpu.memory_space<semaphore_mem>>
        %dma_start3A_94 = arith.constant 0 : i32
        %dma_start3A_95 = arith.constant 0 : i32
        %dma_start3A_96 = tpu.memref_slice %arg2[%add3A_1, %dma_start3A_94, %dma_start3A_95] : memref<4x10008x128xf32, #tpu.memory_space<hbm>> -> memref<1x10008x128xf32, #tpu.memory_space<hbm>>
        %dma_start3A_97 = tpu.memref_squeeze %dma_start3A_96 : memref<1x10008x128xf32, #tpu.memory_space<hbm>> -> memref<10008x128xf32, #tpu.memory_space<hbm>>
        tpu.enqueue_dma source(%dma_start3A_97 : memref<10008x128xf32, #tpu.memory_space<hbm>>) target(%arg10 : memref<10008x128xf32, #tpu.memory_space<vmem_shared>>) target_semaphore(%run_scoped3A : memref<!tpu.dma_semaphore, #tpu.memory_space<semaphore_mem>>)
        %dma_wait3A = arith.constant 0 : i32
        %dma_wait3A_98 = arith.constant 0 : i32
        %dma_wait3A_99 = tpu.memref_slice %arg2[%add3A_1, %dma_wait3A, %dma_wait3A_98] : memref<4x10008x128xf32, #tpu.memory_space<hbm>> -> memref<1x10008x128xf32, #tpu.memory_space<hbm>>
        %dma_wait3A_100 = tpu.memref_squeeze %dma_wait3A_99 : memref<1x10008x128xf32, #tpu.memory_space<hbm>> -> memref<10008x128xf32, #tpu.memory_space<hbm>>
        tpu.wait_dma2 semaphore(%run_scoped3A : memref<!tpu.dma_semaphore, #tpu.memory_space<semaphore_mem>>) src(%dma_wait3A_100 : memref<10008x128xf32, #tpu.memory_space<hbm>>) dst(%arg10 : memref<10008x128xf32, #tpu.memory_space<vmem_shared>>)
        tpu.yield
      }) : () -> ()
    } else {
    }
    %barrier3A = arith.constant 0 : index
    tpu.barrier barrier_id(%barrier3A)
    "tpu.region"() ({
      %run_scoped3A = tpu.sem_alloc : memref<!tpu.dma_semaphore, #tpu.memory_space<semaphore_mem>>
      %dma_start3A_94 = arith.constant 0 : i32
      %dma_start3A_95 = arith.constant 0 : i32
      %dma_start3A_96 = tpu.memref_slice %arg3[%arg1, %dma_start3A_94, %dma_start3A_95] : memref<16x80x128xi32, #tpu.memory_space<hbm>> -> memref<1x80x128xi32, #tpu.memory_space<hbm>>
      %dma_start3A_97 = tpu.memref_squeeze %dma_start3A_96 : memref<1x80x128xi32, #tpu.memory_space<hbm>> -> memref<80x128xi32, #tpu.memory_space<hbm>>
      %dma_start3A_98 = arith.constant 0 : i32
      %dma_start3A_99 = arith.constant 0 : i32
      %dma_start3A_100 = tpu.memref_slice %dma_start3A_97[%dma_start3A_98, %dma_start3A_99] : memref<80x128xi32, #tpu.memory_space<hbm>> -> memref<40x128xi32, #tpu.memory_space<hbm>>
      %dma_start3A_101 = arith.constant 0 : i32
      %dma_start3A_102 = arith.constant 0 : i32
      %dma_start3A_103 = tpu.memref_slice %arg3[%arg1, %dma_start3A_101, %dma_start3A_102] : memref<16x80x128xi32, #tpu.memory_space<hbm>> -> memref<1x80x128xi32, #tpu.memory_space<hbm>>
      %dma_start3A_104 = tpu.memref_squeeze %dma_start3A_103 : memref<1x80x128xi32, #tpu.memory_space<hbm>> -> memref<80x128xi32, #tpu.memory_space<hbm>>
      %dma_start3A_105 = arith.constant 0 : i32
      %dma_start3A_106 = arith.constant 0 : i32
      %dma_start3A_107 = tpu.memref_slice %dma_start3A_104[%dma_start3A_105, %dma_start3A_106] : memref<80x128xi32, #tpu.memory_space<hbm>> -> memref<40x128xi32, #tpu.memory_space<hbm>>
      tpu.enqueue_dma source(%dma_start3A_107 : memref<40x128xi32, #tpu.memory_space<hbm>>) target(%arg6 : memref<40x128xi32, #tpu.memory_space<vmem>>) target_semaphore(%run_scoped3A : memref<!tpu.dma_semaphore, #tpu.memory_space<semaphore_mem>>)
      %dma_wait3A = arith.constant 0 : i32
      %dma_wait3A_108 = arith.constant 0 : i32
      %dma_wait3A_109 = tpu.memref_slice %arg3[%arg1, %dma_wait3A, %dma_wait3A_108] : memref<16x80x128xi32, #tpu.memory_space<hbm>> -> memref<1x80x128xi32, #tpu.memory_space<hbm>>
      %dma_wait3A_110 = tpu.memref_squeeze %dma_wait3A_109 : memref<1x80x128xi32, #tpu.memory_space<hbm>> -> memref<80x128xi32, #tpu.memory_space<hbm>>
      %dma_wait3A_111 = arith.constant 0 : i32
      %dma_wait3A_112 = arith.constant 0 : i32
      %dma_wait3A_113 = tpu.memref_slice %dma_wait3A_110[%dma_wait3A_111, %dma_wait3A_112] : memref<80x128xi32, #tpu.memory_space<hbm>> -> memref<40x128xi32, #tpu.memory_space<hbm>>
      %dma_wait3A_114 = arith.constant 0 : i32
      %dma_wait3A_115 = arith.constant 0 : i32
      %dma_wait3A_116 = tpu.memref_slice %arg3[%arg1, %dma_wait3A_114, %dma_wait3A_115] : memref<16x80x128xi32, #tpu.memory_space<hbm>> -> memref<1x80x128xi32, #tpu.memory_space<hbm>>
      %dma_wait3A_117 = tpu.memref_squeeze %dma_wait3A_116 : memref<1x80x128xi32, #tpu.memory_space<hbm>> -> memref<80x128xi32, #tpu.memory_space<hbm>>
      %dma_wait3A_118 = arith.constant 0 : i32
      %dma_wait3A_119 = arith.constant 0 : i32
      %dma_wait3A_120 = tpu.memref_slice %dma_wait3A_117[%dma_wait3A_118, %dma_wait3A_119] : memref<80x128xi32, #tpu.memory_space<hbm>> -> memref<40x128xi32, #tpu.memory_space<hbm>>
      tpu.wait_dma2 semaphore(%run_scoped3A : memref<!tpu.dma_semaphore, #tpu.memory_space<semaphore_mem>>) src(%dma_wait3A_120 : memref<40x128xi32, #tpu.memory_space<hbm>>) dst(%arg6 : memref<40x128xi32, #tpu.memory_space<vmem>>)
      tpu.yield
    }) : () -> ()
    "tpu.region"() ({
      %run_scoped3A = tpu.sem_alloc : memref<!tpu.dma_semaphore, #tpu.memory_space<semaphore_mem>>
      %dma_start3A_94 = arith.constant 0 : i32
      %dma_start3A_95 = arith.constant 0 : i32
      %dma_start3A_96 = tpu.memref_slice %arg4[%arg1, %dma_start3A_94, %dma_start3A_95] : memref<16x80x128xi32, #tpu.memory_space<hbm>> -> memref<1x80x128xi32, #tpu.memory_space<hbm>>
      %dma_start3A_97 = tpu.memref_squeeze %dma_start3A_96 : memref<1x80x128xi32, #tpu.memory_space<hbm>> -> memref<80x128xi32, #tpu.memory_space<hbm>>
      %dma_start3A_98 = arith.constant 0 : i32
      %dma_start3A_99 = arith.constant 0 : i32
      %dma_start3A_100 = tpu.memref_slice %dma_start3A_97[%dma_start3A_98, %dma_start3A_99] : memref<80x128xi32, #tpu.memory_space<hbm>> -> memref<40x128xi32, #tpu.memory_space<hbm>>
      %dma_start3A_101 = arith.constant 0 : i32
      %dma_start3A_102 = arith.constant 0 : i32
      %dma_start3A_103 = tpu.memref_slice %arg4[%arg1, %dma_start3A_101, %dma_start3A_102] : memref<16x80x128xi32, #tpu.memory_space<hbm>> -> memref<1x80x128xi32, #tpu.memory_space<hbm>>
      %dma_start3A_104 = tpu.memref_squeeze %dma_start3A_103 : memref<1x80x128xi32, #tpu.memory_space<hbm>> -> memref<80x128xi32, #tpu.memory_space<hbm>>
      %dma_start3A_105 = arith.constant 0 : i32
      %dma_start3A_106 = arith.constant 0 : i32
      %dma_start3A_107 = tpu.memref_slice %dma_start3A_104[%dma_start3A_105, %dma_start3A_106] : memref<80x128xi32, #tpu.memory_space<hbm>> -> memref<40x128xi32, #tpu.memory_space<hbm>>
      tpu.enqueue_dma source(%dma_start3A_107 : memref<40x128xi32, #tpu.memory_space<hbm>>) target(%arg7 : memref<40x128xi32, #tpu.memory_space<vmem>>) target_semaphore(%run_scoped3A : memref<!tpu.dma_semaphore, #tpu.memory_space<semaphore_mem>>)
      %dma_wait3A = arith.constant 0 : i32
      %dma_wait3A_108 = arith.constant 0 : i32
      %dma_wait3A_109 = tpu.memref_slice %arg4[%arg1, %dma_wait3A, %dma_wait3A_108] : memref<16x80x128xi32, #tpu.memory_space<hbm>> -> memref<1x80x128xi32, #tpu.memory_space<hbm>>
      %dma_wait3A_110 = tpu.memref_squeeze %dma_wait3A_109 : memref<1x80x128xi32, #tpu.memory_space<hbm>> -> memref<80x128xi32, #tpu.memory_space<hbm>>
      %dma_wait3A_111 = arith.constant 0 : i32
      %dma_wait3A_112 = arith.constant 0 : i32
      %dma_wait3A_113 = tpu.memref_slice %dma_wait3A_110[%dma_wait3A_111, %dma_wait3A_112] : memref<80x128xi32, #tpu.memory_space<hbm>> -> memref<40x128xi32, #tpu.memory_space<hbm>>
      %dma_wait3A_114 = arith.constant 0 : i32
      %dma_wait3A_115 = arith.constant 0 : i32
      %dma_wait3A_116 = tpu.memref_slice %arg4[%arg1, %dma_wait3A_114, %dma_wait3A_115] : memref<16x80x128xi32, #tpu.memory_space<hbm>> -> memref<1x80x128xi32, #tpu.memory_space<hbm>>
      %dma_wait3A_117 = tpu.memref_squeeze %dma_wait3A_116 : memref<1x80x128xi32, #tpu.memory_space<hbm>> -> memref<80x128xi32, #tpu.memory_space<hbm>>
      %dma_wait3A_118 = arith.constant 0 : i32
      %dma_wait3A_119 = arith.constant 0 : i32
      %dma_wait3A_120 = tpu.memref_slice %dma_wait3A_117[%dma_wait3A_118, %dma_wait3A_119] : memref<80x128xi32, #tpu.memory_space<hbm>> -> memref<40x128xi32, #tpu.memory_space<hbm>>
      tpu.wait_dma2 semaphore(%run_scoped3A : memref<!tpu.dma_semaphore, #tpu.memory_space<semaphore_mem>>) src(%dma_wait3A_120 : memref<40x128xi32, #tpu.memory_space<hbm>>) dst(%arg7 : memref<40x128xi32, #tpu.memory_space<vmem>>)
      tpu.yield
    }) : () -> ()
    %dma_start3A = arith.constant 0 : i32
    %dma_start3A_4 = arith.constant 0 : i32
    %dma_start3A_5 = tpu.memref_slice %arg6[%dma_start3A, %dma_start3A_4] : memref<40x128xi32, #tpu.memory_space<vmem>> -> memref<1x128xi32, #tpu.memory_space<vmem>>
    %dma_start3A_6 = tpu.memref_squeeze %dma_start3A_5 : memref<1x128xi32, #tpu.memory_space<vmem>> -> memref<128xi32, #tpu.memory_space<vmem>>
    %dma_start3A_7 = arith.constant 0 : i32
    %dma_start3A_8 = arith.constant 0 : i32
    %dma_start3A_9 = tpu.memref_slice %arg2[%add3A_1, %dma_start3A_7, %dma_start3A_8] : memref<4x10008x128xf32, #tpu.memory_space<hbm>> -> memref<1x10008x128xf32, #tpu.memory_space<hbm>>
    %dma_start3A_10 = tpu.memref_squeeze %dma_start3A_9 : memref<1x10008x128xf32, #tpu.memory_space<hbm>> -> memref<10008x128xf32, #tpu.memory_space<hbm>>
    %dma_start3A_11 = arith.constant 0 : i32
    %dma_start3A_12 = arith.constant 0 : i32
    %dma_start3A_13 = tpu.memref_slice %dma_start3A_10[%dma_start3A_11, %dma_start3A_12] : memref<10008x128xf32, #tpu.memory_space<hbm>> -> memref<10008x128xf32, #tpu.memory_space<hbm>>
    tpu.enqueue_indirect_dma source(%dma_start3A_13 : memref<10008x128xf32, #tpu.memory_space<hbm>>) target(%arg8 : memref<128x128xf32, #tpu.memory_space<vmem>>) offsets(%dma_start3A_6 : memref<128xi32, #tpu.memory_space<vmem>>) semaphore(%arg11 : memref<!tpu.dma_semaphore, #tpu.memory_space<semaphore_mem>>)
    %scan3A = arith.constant 0 : i32
    %scan3A_14 = arith.constant 0 : i32
    %scan3A_15 = arith.constant 20 : i32
    %scan3A_16 = arith.addi %scan3A_14, %scan3A_15 : i32
    %scan3A_17 = arith.constant 1 : i32
    scf.for %scan3A_94 = %scan3A_14 to %scan3A_16 step %scan3A_17  : i32 {
      %mul3A_95 = arith.constant 2 : i32
      %mul3A_96 = arith.muli %mul3A_95, %scan3A_94 : i32
      %mul3A_97 = arith.constant 2 : i32
      %mul3A_98 = arith.muli %mul3A_97, %scan3A_94 : i32
      %add3A_99 = arith.constant 1 : i32
      %add3A_100 = arith.addi %mul3A_98, %add3A_99 : i32
      %dma_start3A_101 = arith.constant 0 : i32
      %dma_start3A_102 = tpu.memref_slice %arg6[%add3A_100, %dma_start3A_101] : memref<40x128xi32, #tpu.memory_space<vmem>> -> memref<1x128xi32, #tpu.memory_space<vmem>>
      %dma_start3A_103 = tpu.memref_squeeze %dma_start3A_102 : memref<1x128xi32, #tpu.memory_space<vmem>> -> memref<128xi32, #tpu.memory_space<vmem>>
      %dma_start3A_104 = arith.constant 0 : i32
      %dma_start3A_105 = arith.constant 0 : i32
      %dma_start3A_106 = tpu.memref_slice %arg2[%add3A_1, %dma_start3A_104, %dma_start3A_105] : memref<4x10008x128xf32, #tpu.memory_space<hbm>> -> memref<1x10008x128xf32, #tpu.memory_space<hbm>>
      %dma_start3A_107 = tpu.memref_squeeze %dma_start3A_106 : memref<1x10008x128xf32, #tpu.memory_space<hbm>> -> memref<10008x128xf32, #tpu.memory_space<hbm>>
      %dma_start3A_108 = arith.constant 0 : i32
      %dma_start3A_109 = arith.constant 0 : i32
      %dma_start3A_110 = tpu.memref_slice %dma_start3A_107[%dma_start3A_108, %dma_start3A_109] : memref<10008x128xf32, #tpu.memory_space<hbm>> -> memref<10008x128xf32, #tpu.memory_space<hbm>>
      tpu.enqueue_indirect_dma source(%dma_start3A_110 : memref<10008x128xf32, #tpu.memory_space<hbm>>) target(%arg9 : memref<128x128xf32, #tpu.memory_space<vmem>>) offsets(%dma_start3A_103 : memref<128xi32, #tpu.memory_space<vmem>>) semaphore(%arg12 : memref<!tpu.dma_semaphore, #tpu.memory_space<semaphore_mem>>)
      %dma_wait3A = arith.constant 0 : i32
      %dma_wait3A_111 = tpu.memref_slice %arg6[%mul3A_96, %dma_wait3A] : memref<40x128xi32, #tpu.memory_space<vmem>> -> memref<1x128xi32, #tpu.memory_space<vmem>>
      %dma_wait3A_112 = tpu.memref_squeeze %dma_wait3A_111 : memref<1x128xi32, #tpu.memory_space<vmem>> -> memref<128xi32, #tpu.memory_space<vmem>>
      %dma_wait3A_113 = arith.constant 0 : i32
      %dma_wait3A_114 = arith.constant 0 : i32
      %dma_wait3A_115 = tpu.memref_slice %arg2[%add3A_1, %dma_wait3A_113, %dma_wait3A_114] : memref<4x10008x128xf32, #tpu.memory_space<hbm>> -> memref<1x10008x128xf32, #tpu.memory_space<hbm>>
      %dma_wait3A_116 = tpu.memref_squeeze %dma_wait3A_115 : memref<1x10008x128xf32, #tpu.memory_space<hbm>> -> memref<10008x128xf32, #tpu.memory_space<hbm>>
      %dma_wait3A_117 = arith.constant 0 : i32
      %dma_wait3A_118 = arith.constant 0 : i32
      %dma_wait3A_119 = tpu.memref_slice %dma_wait3A_116[%dma_wait3A_117, %dma_wait3A_118] : memref<10008x128xf32, #tpu.memory_space<hbm>> -> memref<10008x128xf32, #tpu.memory_space<hbm>>
      tpu.wait_indirect_dma semaphore(%arg11 : memref<!tpu.dma_semaphore, #tpu.memory_space<semaphore_mem>>) src(%dma_wait3A_119 : memref<10008x128xf32, #tpu.memory_space<hbm>>) dst(%arg8 : memref<128x128xf32, #tpu.memory_space<vmem>>)
      "tpu.region"() ({
        %run_scoped3A = tpu.sem_alloc : memref<!tpu.dma_semaphore, #tpu.memory_space<semaphore_mem>>
        %dma_start3A_136 = arith.constant 0 : i32
        %dma_start3A_137 = tpu.memref_slice %arg7[%mul3A_96, %dma_start3A_136] : memref<40x128xi32, #tpu.memory_space<vmem>> -> memref<1x128xi32, #tpu.memory_space<vmem>>
        %dma_start3A_138 = tpu.memref_squeeze %dma_start3A_137 : memref<1x128xi32, #tpu.memory_space<vmem>> -> memref<128xi32, #tpu.memory_space<vmem>>
        %dma_start3A_139 = arith.constant 0 : i32
        %dma_start3A_140 = arith.constant 0 : i32
        %dma_start3A_141 = tpu.memref_slice %arg10[%dma_start3A_139, %dma_start3A_140] : memref<10008x128xf32, #tpu.memory_space<vmem_shared>> -> memref<10008x128xf32, #tpu.memory_space<vmem_shared>>
        tpu.enqueue_indirect_dma source(%arg8 : memref<128x128xf32, #tpu.memory_space<vmem>>) target(%dma_start3A_141 : memref<10008x128xf32, #tpu.memory_space<vmem_shared>>) offsets(%dma_start3A_138 : memref<128xi32, #tpu.memory_space<vmem>>) semaphore(%run_scoped3A : memref<!tpu.dma_semaphore, #tpu.memory_space<semaphore_mem>>) {add = true}
        %dma_wait3A_142 = arith.constant 0 : i32
        %dma_wait3A_143 = tpu.memref_slice %arg7[%mul3A_96, %dma_wait3A_142] : memref<40x128xi32, #tpu.memory_space<vmem>> -> memref<1x128xi32, #tpu.memory_space<vmem>>
        %dma_wait3A_144 = tpu.memref_squeeze %dma_wait3A_143 : memref<1x128xi32, #tpu.memory_space<vmem>> -> memref<128xi32, #tpu.memory_space<vmem>>
        %dma_wait3A_145 = arith.constant 0 : i32
        %dma_wait3A_146 = arith.constant 0 : i32
        %dma_wait3A_147 = tpu.memref_slice %arg10[%dma_wait3A_145, %dma_wait3A_146] : memref<10008x128xf32, #tpu.memory_space<vmem_shared>> -> memref<10008x128xf32, #tpu.memory_space<vmem_shared>>
        tpu.wait_indirect_dma semaphore(%run_scoped3A : memref<!tpu.dma_semaphore, #tpu.memory_space<semaphore_mem>>) src(%arg8 : memref<128x128xf32, #tpu.memory_space<vmem>>) dst(%dma_wait3A_147 : memref<10008x128xf32, #tpu.memory_space<vmem_shared>>)
        tpu.yield
      }) : () -> ()
      %add3A_120 = arith.constant 2 : i32
      %add3A_121 = arith.addi %mul3A_96, %add3A_120 : i32
      %lt3A = arith.constant 40 : i32
      %lt3A_122 = arith.cmpi slt, %add3A_121, %lt3A : i32
      %convert_element_type3A_123 = arith.extui %lt3A_122 : i1 to i32
      %cond3A_124 = arith.constant 0 : i32
      %cond3A_125 = arith.cmpi ne, %convert_element_type3A_123, %cond3A_124 : i32
      scf.if %cond3A_125 {
        %add3A_136 = arith.constant 2 : i32
        %add3A_137 = arith.addi %mul3A_96, %add3A_136 : i32
        %dma_start3A_138 = arith.constant 0 : i32
        %dma_start3A_139 = tpu.memref_slice %arg6[%add3A_137, %dma_start3A_138] : memref<40x128xi32, #tpu.memory_space<vmem>> -> memref<1x128xi32, #tpu.memory_space<vmem>>
        %dma_start3A_140 = tpu.memref_squeeze %dma_start3A_139 : memref<1x128xi32, #tpu.memory_space<vmem>> -> memref<128xi32, #tpu.memory_space<vmem>>
        %dma_start3A_141 = arith.constant 0 : i32
        %dma_start3A_142 = arith.constant 0 : i32
        %dma_start3A_143 = tpu.memref_slice %arg2[%add3A_1, %dma_start3A_141, %dma_start3A_142] : memref<4x10008x128xf32, #tpu.memory_space<hbm>> -> memref<1x10008x128xf32, #tpu.memory_space<hbm>>
        %dma_start3A_144 = tpu.memref_squeeze %dma_start3A_143 : memref<1x10008x128xf32, #tpu.memory_space<hbm>> -> memref<10008x128xf32, #tpu.memory_space<hbm>>
        %dma_start3A_145 = arith.constant 0 : i32
        %dma_start3A_146 = arith.constant 0 : i32
        %dma_start3A_147 = tpu.memref_slice %dma_start3A_144[%dma_start3A_145, %dma_start3A_146] : memref<10008x128xf32, #tpu.memory_space<hbm>> -> memref<10008x128xf32, #tpu.memory_space<hbm>>
        tpu.enqueue_indirect_dma source(%dma_start3A_147 : memref<10008x128xf32, #tpu.memory_space<hbm>>) target(%arg8 : memref<128x128xf32, #tpu.memory_space<vmem>>) offsets(%dma_start3A_140 : memref<128xi32, #tpu.memory_space<vmem>>) semaphore(%arg11 : memref<!tpu.dma_semaphore, #tpu.memory_space<semaphore_mem>>)
      } else {
      }
      %dma_wait3A_126 = arith.constant 0 : i32
      %dma_wait3A_127 = tpu.memref_slice %arg6[%add3A_100, %dma_wait3A_126] : memref<40x128xi32, #tpu.memory_space<vmem>> -> memref<1x128xi32, #tpu.memory_space<vmem>>
      %dma_wait3A_128 = tpu.memref_squeeze %dma_wait3A_127 : memref<1x128xi32, #tpu.memory_space<vmem>> -> memref<128xi32, #tpu.memory_space<vmem>>
      %dma_wait3A_129 = arith.constant 0 : i32
      %dma_wait3A_130 = arith.constant 0 : i32
      %dma_wait3A_131 = tpu.memref_slice %arg2[%add3A_1, %dma_wait3A_129, %dma_wait3A_130] : memref<4x10008x128xf32, #tpu.memory_space<hbm>> -> memref<1x10008x128xf32, #tpu.memory_space<hbm>>
      %dma_wait3A_132 = tpu.memref_squeeze %dma_wait3A_131 : memref<1x10008x128xf32, #tpu.memory_space<hbm>> -> memref<10008x128xf32, #tpu.memory_space<hbm>>
      %dma_wait3A_133 = arith.constant 0 : i32
      %dma_wait3A_134 = arith.constant 0 : i32
      %dma_wait3A_135 = tpu.memref_slice %dma_wait3A_132[%dma_wait3A_133, %dma_wait3A_134] : memref<10008x128xf32, #tpu.memory_space<hbm>> -> memref<10008x128xf32, #tpu.memory_space<hbm>>
      tpu.wait_indirect_dma semaphore(%arg12 : memref<!tpu.dma_semaphore, #tpu.memory_space<semaphore_mem>>) src(%dma_wait3A_135 : memref<10008x128xf32, #tpu.memory_space<hbm>>) dst(%arg9 : memref<128x128xf32, #tpu.memory_space<vmem>>)
      "tpu.region"() ({
        %run_scoped3A = tpu.sem_alloc : memref<!tpu.dma_semaphore, #tpu.memory_space<semaphore_mem>>
        %dma_start3A_136 = arith.constant 0 : i32
        %dma_start3A_137 = tpu.memref_slice %arg7[%add3A_100, %dma_start3A_136] : memref<40x128xi32, #tpu.memory_space<vmem>> -> memref<1x128xi32, #tpu.memory_space<vmem>>
        %dma_start3A_138 = tpu.memref_squeeze %dma_start3A_137 : memref<1x128xi32, #tpu.memory_space<vmem>> -> memref<128xi32, #tpu.memory_space<vmem>>
        %dma_start3A_139 = arith.constant 0 : i32
        %dma_start3A_140 = arith.constant 0 : i32
        %dma_start3A_141 = tpu.memref_slice %arg10[%dma_start3A_139, %dma_start3A_140] : memref<10008x128xf32, #tpu.memory_space<vmem_shared>> -> memref<10008x128xf32, #tpu.memory_space<vmem_shared>>
        tpu.enqueue_indirect_dma source(%arg9 : memref<128x128xf32, #tpu.memory_space<vmem>>) target(%dma_start3A_141 : memref<10008x128xf32, #tpu.memory_space<vmem_shared>>) offsets(%dma_start3A_138 : memref<128xi32, #tpu.memory_space<vmem>>) semaphore(%run_scoped3A : memref<!tpu.dma_semaphore, #tpu.memory_space<semaphore_mem>>) {add = true}
        %dma_wait3A_142 = arith.constant 0 : i32
        %dma_wait3A_143 = tpu.memref_slice %arg7[%add3A_100, %dma_wait3A_142] : memref<40x128xi32, #tpu.memory_space<vmem>> -> memref<1x128xi32, #tpu.memory_space<vmem>>
        %dma_wait3A_144 = tpu.memref_squeeze %dma_wait3A_143 : memref<1x128xi32, #tpu.memory_space<vmem>> -> memref<128xi32, #tpu.memory_space<vmem>>
        %dma_wait3A_145 = arith.constant 0 : i32
        %dma_wait3A_146 = arith.constant 0 : i32
        %dma_wait3A_147 = tpu.memref_slice %arg10[%dma_wait3A_145, %dma_wait3A_146] : memref<10008x128xf32, #tpu.memory_space<vmem_shared>> -> memref<10008x128xf32, #tpu.memory_space<vmem_shared>>
        tpu.wait_indirect_dma semaphore(%run_scoped3A : memref<!tpu.dma_semaphore, #tpu.memory_space<semaphore_mem>>) src(%arg9 : memref<128x128xf32, #tpu.memory_space<vmem>>) dst(%dma_wait3A_147 : memref<10008x128xf32, #tpu.memory_space<vmem_shared>>)
        tpu.yield
      }) : () -> ()
    }
    %scan3A_18 = arith.constant 20 : i32
    "tpu.region"() ({
      %run_scoped3A = tpu.sem_alloc : memref<!tpu.dma_semaphore, #tpu.memory_space<semaphore_mem>>
      %dma_start3A_94 = arith.constant 0 : i32
      %dma_start3A_95 = arith.constant 0 : i32
      %dma_start3A_96 = tpu.memref_slice %arg3[%arg1, %dma_start3A_94, %dma_start3A_95] : memref<16x80x128xi32, #tpu.memory_space<hbm>> -> memref<1x80x128xi32, #tpu.memory_space<hbm>>
      %dma_start3A_97 = tpu.memref_squeeze %dma_start3A_96 : memref<1x80x128xi32, #tpu.memory_space<hbm>> -> memref<80x128xi32, #tpu.memory_space<hbm>>
      %dma_start3A_98 = arith.constant 40 : i32
      %dma_start3A_99 = arith.constant 0 : i32
      %dma_start3A_100 = tpu.memref_slice %dma_start3A_97[%dma_start3A_98, %dma_start3A_99] : memref<80x128xi32, #tpu.memory_space<hbm>> -> memref<40x128xi32, #tpu.memory_space<hbm>>
      %dma_start3A_101 = arith.constant 0 : i32
      %dma_start3A_102 = arith.constant 0 : i32
      %dma_start3A_103 = tpu.memref_slice %arg3[%arg1, %dma_start3A_101, %dma_start3A_102] : memref<16x80x128xi32, #tpu.memory_space<hbm>> -> memref<1x80x128xi32, #tpu.memory_space<hbm>>
      %dma_start3A_104 = tpu.memref_squeeze %dma_start3A_103 : memref<1x80x128xi32, #tpu.memory_space<hbm>> -> memref<80x128xi32, #tpu.memory_space<hbm>>
      %dma_start3A_105 = arith.constant 40 : i32
      %dma_start3A_106 = arith.constant 0 : i32
      %dma_start3A_107 = tpu.memref_slice %dma_start3A_104[%dma_start3A_105, %dma_start3A_106] : memref<80x128xi32, #tpu.memory_space<hbm>> -> memref<40x128xi32, #tpu.memory_space<hbm>>
      tpu.enqueue_dma source(%dma_start3A_107 : memref<40x128xi32, #tpu.memory_space<hbm>>) target(%arg6 : memref<40x128xi32, #tpu.memory_space<vmem>>) target_semaphore(%run_scoped3A : memref<!tpu.dma_semaphore, #tpu.memory_space<semaphore_mem>>)
      %dma_wait3A = arith.constant 0 : i32
      %dma_wait3A_108 = arith.constant 0 : i32
      %dma_wait3A_109 = tpu.memref_slice %arg3[%arg1, %dma_wait3A, %dma_wait3A_108] : memref<16x80x128xi32, #tpu.memory_space<hbm>> -> memref<1x80x128xi32, #tpu.memory_space<hbm>>
      %dma_wait3A_110 = tpu.memref_squeeze %dma_wait3A_109 : memref<1x80x128xi32, #tpu.memory_space<hbm>> -> memref<80x128xi32, #tpu.memory_space<hbm>>
      %dma_wait3A_111 = arith.constant 40 : i32
      %dma_wait3A_112 = arith.constant 0 : i32
      %dma_wait3A_113 = tpu.memref_slice %dma_wait3A_110[%dma_wait3A_111, %dma_wait3A_112] : memref<80x128xi32, #tpu.memory_space<hbm>> -> memref<40x128xi32, #tpu.memory_space<hbm>>
      %dma_wait3A_114 = arith.constant 0 : i32
      %dma_wait3A_115 = arith.constant 0 : i32
      %dma_wait3A_116 = tpu.memref_slice %arg3[%arg1, %dma_wait3A_114, %dma_wait3A_115] : memref<16x80x128xi32, #tpu.memory_space<hbm>> -> memref<1x80x128xi32, #tpu.memory_space<hbm>>
      %dma_wait3A_117 = tpu.memref_squeeze %dma_wait3A_116 : memref<1x80x128xi32, #tpu.memory_space<hbm>> -> memref<80x128xi32, #tpu.memory_space<hbm>>
      %dma_wait3A_118 = arith.constant 40 : i32
      %dma_wait3A_119 = arith.constant 0 : i32
      %dma_wait3A_120 = tpu.memref_slice %dma_wait3A_117[%dma_wait3A_118, %dma_wait3A_119] : memref<80x128xi32, #tpu.memory_space<hbm>> -> memref<40x128xi32, #tpu.memory_space<hbm>>
      tpu.wait_dma2 semaphore(%run_scoped3A : memref<!tpu.dma_semaphore, #tpu.memory_space<semaphore_mem>>) src(%dma_wait3A_120 : memref<40x128xi32, #tpu.memory_space<hbm>>) dst(%arg6 : memref<40x128xi32, #tpu.memory_space<vmem>>)
      tpu.yield
    }) : () -> ()
    "tpu.region"() ({
      %run_scoped3A = tpu.sem_alloc : memref<!tpu.dma_semaphore, #tpu.memory_space<semaphore_mem>>
      %dma_start3A_94 = arith.constant 0 : i32
      %dma_start3A_95 = arith.constant 0 : i32
      %dma_start3A_96 = tpu.memref_slice %arg4[%arg1, %dma_start3A_94, %dma_start3A_95] : memref<16x80x128xi32, #tpu.memory_space<hbm>> -> memref<1x80x128xi32, #tpu.memory_space<hbm>>
      %dma_start3A_97 = tpu.memref_squeeze %dma_start3A_96 : memref<1x80x128xi32, #tpu.memory_space<hbm>> -> memref<80x128xi32, #tpu.memory_space<hbm>>
      %dma_start3A_98 = arith.constant 40 : i32
      %dma_start3A_99 = arith.constant 0 : i32
      %dma_start3A_100 = tpu.memref_slice %dma_start3A_97[%dma_start3A_98, %dma_start3A_99] : memref<80x128xi32, #tpu.memory_space<hbm>> -> memref<40x128xi32, #tpu.memory_space<hbm>>
      %dma_start3A_101 = arith.constant 0 : i32
      %dma_start3A_102 = arith.constant 0 : i32
      %dma_start3A_103 = tpu.memref_slice %arg4[%arg1, %dma_start3A_101, %dma_start3A_102] : memref<16x80x128xi32, #tpu.memory_space<hbm>> -> memref<1x80x128xi32, #tpu.memory_space<hbm>>
      %dma_start3A_104 = tpu.memref_squeeze %dma_start3A_103 : memref<1x80x128xi32, #tpu.memory_space<hbm>> -> memref<80x128xi32, #tpu.memory_space<hbm>>
      %dma_start3A_105 = arith.constant 40 : i32
      %dma_start3A_106 = arith.constant 0 : i32
      %dma_start3A_107 = tpu.memref_slice %dma_start3A_104[%dma_start3A_105, %dma_start3A_106] : memref<80x128xi32, #tpu.memory_space<hbm>> -> memref<40x128xi32, #tpu.memory_space<hbm>>
      tpu.enqueue_dma source(%dma_start3A_107 : memref<40x128xi32, #tpu.memory_space<hbm>>) target(%arg7 : memref<40x128xi32, #tpu.memory_space<vmem>>) target_semaphore(%run_scoped3A : memref<!tpu.dma_semaphore, #tpu.memory_space<semaphore_mem>>)
      %dma_wait3A = arith.constant 0 : i32
      %dma_wait3A_108 = arith.constant 0 : i32
      %dma_wait3A_109 = tpu.memref_slice %arg4[%arg1, %dma_wait3A, %dma_wait3A_108] : memref<16x80x128xi32, #tpu.memory_space<hbm>> -> memref<1x80x128xi32, #tpu.memory_space<hbm>>
      %dma_wait3A_110 = tpu.memref_squeeze %dma_wait3A_109 : memref<1x80x128xi32, #tpu.memory_space<hbm>> -> memref<80x128xi32, #tpu.memory_space<hbm>>
      %dma_wait3A_111 = arith.constant 40 : i32
      %dma_wait3A_112 = arith.constant 0 : i32
      %dma_wait3A_113 = tpu.memref_slice %dma_wait3A_110[%dma_wait3A_111, %dma_wait3A_112] : memref<80x128xi32, #tpu.memory_space<hbm>> -> memref<40x128xi32, #tpu.memory_space<hbm>>
      %dma_wait3A_114 = arith.constant 0 : i32
      %dma_wait3A_115 = arith.constant 0 : i32
      %dma_wait3A_116 = tpu.memref_slice %arg4[%arg1, %dma_wait3A_114, %dma_wait3A_115] : memref<16x80x128xi32, #tpu.memory_space<hbm>> -> memref<1x80x128xi32, #tpu.memory_space<hbm>>
      %dma_wait3A_117 = tpu.memref_squeeze %dma_wait3A_116 : memref<1x80x128xi32, #tpu.memory_space<hbm>> -> memref<80x128xi32, #tpu.memory_space<hbm>>
      %dma_wait3A_118 = arith.constant 40 : i32
      %dma_wait3A_119 = arith.constant 0 : i32
      %dma_wait3A_120 = tpu.memref_slice %dma_wait3A_117[%dma_wait3A_118, %dma_wait3A_119] : memref<80x128xi32, #tpu.memory_space<hbm>> -> memref<40x128xi32, #tpu.memory_space<hbm>>
      tpu.wait_dma2 semaphore(%run_scoped3A : memref<!tpu.dma_semaphore, #tpu.memory_space<semaphore_mem>>) src(%dma_wait3A_120 : memref<40x128xi32, #tpu.memory_space<hbm>>) dst(%arg7 : memref<40x128xi32, #tpu.memory_space<vmem>>)
      tpu.yield
    }) : () -> ()
    %dma_start3A_19 = arith.constant 0 : i32
    %dma_start3A_20 = arith.constant 0 : i32
    %dma_start3A_21 = tpu.memref_slice %arg6[%dma_start3A_19, %dma_start3A_20] : memref<40x128xi32, #tpu.memory_space<vmem>> -> memref<1x128xi32, #tpu.memory_space<vmem>>
    %dma_start3A_22 = tpu.memref_squeeze %dma_start3A_21 : memref<1x128xi32, #tpu.memory_space<vmem>> -> memref<128xi32, #tpu.memory_space<vmem>>
    %dma_start3A_23 = arith.constant 0 : i32
    %dma_start3A_24 = arith.constant 0 : i32
    %dma_start3A_25 = tpu.memref_slice %arg2[%add3A_1, %dma_start3A_23, %dma_start3A_24] : memref<4x10008x128xf32, #tpu.memory_space<hbm>> -> memref<1x10008x128xf32, #tpu.memory_space<hbm>>
    %dma_start3A_26 = tpu.memref_squeeze %dma_start3A_25 : memref<1x10008x128xf32, #tpu.memory_space<hbm>> -> memref<10008x128xf32, #tpu.memory_space<hbm>>
    %dma_start3A_27 = arith.constant 0 : i32
    %dma_start3A_28 = arith.constant 0 : i32
    %dma_start3A_29 = tpu.memref_slice %dma_start3A_26[%dma_start3A_27, %dma_start3A_28] : memref<10008x128xf32, #tpu.memory_space<hbm>> -> memref<10008x128xf32, #tpu.memory_space<hbm>>
    tpu.enqueue_indirect_dma source(%dma_start3A_29 : memref<10008x128xf32, #tpu.memory_space<hbm>>) target(%arg8 : memref<128x128xf32, #tpu.memory_space<vmem>>) offsets(%dma_start3A_22 : memref<128xi32, #tpu.memory_space<vmem>>) semaphore(%arg11 : memref<!tpu.dma_semaphore, #tpu.memory_space<semaphore_mem>>)
    %scan3A_30 = arith.constant 0 : i32
    %scan3A_31 = arith.constant 0 : i32
    %scan3A_32 = arith.constant 20 : i32
    %scan3A_33 = arith.addi %scan3A_31, %scan3A_32 : i32
    %scan3A_34 = arith.constant 1 : i32
    scf.for %scan3A_94 = %scan3A_31 to %scan3A_33 step %scan3A_34  : i32 {
      %mul3A_95 = arith.constant 2 : i32
      %mul3A_96 = arith.muli %mul3A_95, %scan3A_94 : i32
      %mul3A_97 = arith.constant 2 : i32
      %mul3A_98 = arith.muli %mul3A_97, %scan3A_94 : i32
      %add3A_99 = arith.constant 1 : i32
      %add3A_100 = arith.addi %mul3A_98, %add3A_99 : i32
      %dma_start3A_101 = arith.constant 0 : i32
      %dma_start3A_102 = tpu.memref_slice %arg6[%add3A_100, %dma_start3A_101] : memref<40x128xi32, #tpu.memory_space<vmem>> -> memref<1x128xi32, #tpu.memory_space<vmem>>
      %dma_start3A_103 = tpu.memref_squeeze %dma_start3A_102 : memref<1x128xi32, #tpu.memory_space<vmem>> -> memref<128xi32, #tpu.memory_space<vmem>>
      %dma_start3A_104 = arith.constant 0 : i32
      %dma_start3A_105 = arith.constant 0 : i32
      %dma_start3A_106 = tpu.memref_slice %arg2[%add3A_1, %dma_start3A_104, %dma_start3A_105] : memref<4x10008x128xf32, #tpu.memory_space<hbm>> -> memref<1x10008x128xf32, #tpu.memory_space<hbm>>
      %dma_start3A_107 = tpu.memref_squeeze %dma_start3A_106 : memref<1x10008x128xf32, #tpu.memory_space<hbm>> -> memref<10008x128xf32, #tpu.memory_space<hbm>>
      %dma_start3A_108 = arith.constant 0 : i32
      %dma_start3A_109 = arith.constant 0 : i32
      %dma_start3A_110 = tpu.memref_slice %dma_start3A_107[%dma_start3A_108, %dma_start3A_109] : memref<10008x128xf32, #tpu.memory_space<hbm>> -> memref<10008x128xf32, #tpu.memory_space<hbm>>
      tpu.enqueue_indirect_dma source(%dma_start3A_110 : memref<10008x128xf32, #tpu.memory_space<hbm>>) target(%arg9 : memref<128x128xf32, #tpu.memory_space<vmem>>) offsets(%dma_start3A_103 : memref<128xi32, #tpu.memory_space<vmem>>) semaphore(%arg12 : memref<!tpu.dma_semaphore, #tpu.memory_space<semaphore_mem>>)
      %dma_wait3A = arith.constant 0 : i32
      %dma_wait3A_111 = tpu.memref_slice %arg6[%mul3A_96, %dma_wait3A] : memref<40x128xi32, #tpu.memory_space<vmem>> -> memref<1x128xi32, #tpu.memory_space<vmem>>
      %dma_wait3A_112 = tpu.memref_squeeze %dma_wait3A_111 : memref<1x128xi32, #tpu.memory_space<vmem>> -> memref<128xi32, #tpu.memory_space<vmem>>
      %dma_wait3A_113 = arith.constant 0 : i32
      %dma_wait3A_114 = arith.constant 0 : i32
      %dma_wait3A_115 = tpu.memref_slice %arg2[%add3A_1, %dma_wait3A_113, %dma_wait3A_114] : memref<4x10008x128xf32, #tpu.memory_space<hbm>> -> memref<1x10008x128xf32, #tpu.memory_space<hbm>>
      %dma_wait3A_116 = tpu.memref_squeeze %dma_wait3A_115 : memref<1x10008x128xf32, #tpu.memory_space<hbm>> -> memref<10008x128xf32, #tpu.memory_space<hbm>>
      %dma_wait3A_117 = arith.constant 0 : i32
      %dma_wait3A_118 = arith.constant 0 : i32
      %dma_wait3A_119 = tpu.memref_slice %dma_wait3A_116[%dma_wait3A_117, %dma_wait3A_118] : memref<10008x128xf32, #tpu.memory_space<hbm>> -> memref<10008x128xf32, #tpu.memory_space<hbm>>
      tpu.wait_indirect_dma semaphore(%arg11 : memref<!tpu.dma_semaphore, #tpu.memory_space<semaphore_mem>>) src(%dma_wait3A_119 : memref<10008x128xf32, #tpu.memory_space<hbm>>) dst(%arg8 : memref<128x128xf32, #tpu.memory_space<vmem>>)
      "tpu.region"() ({
        %run_scoped3A = tpu.sem_alloc : memref<!tpu.dma_semaphore, #tpu.memory_space<semaphore_mem>>
        %dma_start3A_136 = arith.constant 0 : i32
        %dma_start3A_137 = tpu.memref_slice %arg7[%mul3A_96, %dma_start3A_136] : memref<40x128xi32, #tpu.memory_space<vmem>> -> memref<1x128xi32, #tpu.memory_space<vmem>>
        %dma_start3A_138 = tpu.memref_squeeze %dma_start3A_137 : memref<1x128xi32, #tpu.memory_space<vmem>> -> memref<128xi32, #tpu.memory_space<vmem>>
        %dma_start3A_139 = arith.constant 0 : i32
        %dma_start3A_140 = arith.constant 0 : i32
        %dma_start3A_141 = tpu.memref_slice %arg10[%dma_start3A_139, %dma_start3A_140] : memref<10008x128xf32, #tpu.memory_space<vmem_shared>> -> memref<10008x128xf32, #tpu.memory_space<vmem_shared>>
        tpu.enqueue_indirect_dma source(%arg8 : memref<128x128xf32, #tpu.memory_space<vmem>>) target(%dma_start3A_141 : memref<10008x128xf32, #tpu.memory_space<vmem_shared>>) offsets(%dma_start3A_138 : memref<128xi32, #tpu.memory_space<vmem>>) semaphore(%run_scoped3A : memref<!tpu.dma_semaphore, #tpu.memory_space<semaphore_mem>>) {add = true}
        %dma_wait3A_142 = arith.constant 0 : i32
        %dma_wait3A_143 = tpu.memref_slice %arg7[%mul3A_96, %dma_wait3A_142] : memref<40x128xi32, #tpu.memory_space<vmem>> -> memref<1x128xi32, #tpu.memory_space<vmem>>
        %dma_wait3A_144 = tpu.memref_squeeze %dma_wait3A_143 : memref<1x128xi32, #tpu.memory_space<vmem>> -> memref<128xi32, #tpu.memory_space<vmem>>
        %dma_wait3A_145 = arith.constant 0 : i32
        %dma_wait3A_146 = arith.constant 0 : i32
        %dma_wait3A_147 = tpu.memref_slice %arg10[%dma_wait3A_145, %dma_wait3A_146] : memref<10008x128xf32, #tpu.memory_space<vmem_shared>> -> memref<10008x128xf32, #tpu.memory_space<vmem_shared>>
        tpu.wait_indirect_dma semaphore(%run_scoped3A : memref<!tpu.dma_semaphore, #tpu.memory_space<semaphore_mem>>) src(%arg8 : memref<128x128xf32, #tpu.memory_space<vmem>>) dst(%dma_wait3A_147 : memref<10008x128xf32, #tpu.memory_space<vmem_shared>>)
        tpu.yield
      }) : () -> ()
      %add3A_120 = arith.constant 2 : i32
      %add3A_121 = arith.addi %mul3A_96, %add3A_120 : i32
      %lt3A = arith.constant 40 : i32
      %lt3A_122 = arith.cmpi slt, %add3A_121, %lt3A : i32
      %convert_element_type3A_123 = arith.extui %lt3A_122 : i1 to i32
      %cond3A_124 = arith.constant 0 : i32
      %cond3A_125 = arith.cmpi ne, %convert_element_type3A_123, %cond3A_124 : i32
      scf.if %cond3A_125 {
        %add3A_136 = arith.constant 2 : i32
        %add3A_137 = arith.addi %mul3A_96, %add3A_136 : i32
        %dma_start3A_138 = arith.constant 0 : i32
        %dma_start3A_139 = tpu.memref_slice %arg6[%add3A_137, %dma_start3A_138] : memref<40x128xi32, #tpu.memory_space<vmem>> -> memref<1x128xi32, #tpu.memory_space<vmem>>
        %dma_start3A_140 = tpu.memref_squeeze %dma_start3A_139 : memref<1x128xi32, #tpu.memory_space<vmem>> -> memref<128xi32, #tpu.memory_space<vmem>>
        %dma_start3A_141 = arith.constant 0 : i32
        %dma_start3A_142 = arith.constant 0 : i32
        %dma_start3A_143 = tpu.memref_slice %arg2[%add3A_1, %dma_start3A_141, %dma_start3A_142] : memref<4x10008x128xf32, #tpu.memory_space<hbm>> -> memref<1x10008x128xf32, #tpu.memory_space<hbm>>
        %dma_start3A_144 = tpu.memref_squeeze %dma_start3A_143 : memref<1x10008x128xf32, #tpu.memory_space<hbm>> -> memref<10008x128xf32, #tpu.memory_space<hbm>>
        %dma_start3A_145 = arith.constant 0 : i32
        %dma_start3A_146 = arith.constant 0 : i32
        %dma_start3A_147 = tpu.memref_slice %dma_start3A_144[%dma_start3A_145, %dma_start3A_146] : memref<10008x128xf32, #tpu.memory_space<hbm>> -> memref<10008x128xf32, #tpu.memory_space<hbm>>
        tpu.enqueue_indirect_dma source(%dma_start3A_147 : memref<10008x128xf32, #tpu.memory_space<hbm>>) target(%arg8 : memref<128x128xf32, #tpu.memory_space<vmem>>) offsets(%dma_start3A_140 : memref<128xi32, #tpu.memory_space<vmem>>) semaphore(%arg11 : memref<!tpu.dma_semaphore, #tpu.memory_space<semaphore_mem>>)
      } else {
      }
      %dma_wait3A_126 = arith.constant 0 : i32
      %dma_wait3A_127 = tpu.memref_slice %arg6[%add3A_100, %dma_wait3A_126] : memref<40x128xi32, #tpu.memory_space<vmem>> -> memref<1x128xi32, #tpu.memory_space<vmem>>
      %dma_wait3A_128 = tpu.memref_squeeze %dma_wait3A_127 : memref<1x128xi32, #tpu.memory_space<vmem>> -> memref<128xi32, #tpu.memory_space<vmem>>
      %dma_wait3A_129 = arith.constant 0 : i32
      %dma_wait3A_130 = arith.constant 0 : i32
      %dma_wait3A_131 = tpu.memref_slice %arg2[%add3A_1, %dma_wait3A_129, %dma_wait3A_130] : memref<4x10008x128xf32, #tpu.memory_space<hbm>> -> memref<1x10008x128xf32, #tpu.memory_space<hbm>>
      %dma_wait3A_132 = tpu.memref_squeeze %dma_wait3A_131 : memref<1x10008x128xf32, #tpu.memory_space<hbm>> -> memref<10008x128xf32, #tpu.memory_space<hbm>>
      %dma_wait3A_133 = arith.constant 0 : i32
      %dma_wait3A_134 = arith.constant 0 : i32
      %dma_wait3A_135 = tpu.memref_slice %dma_wait3A_132[%dma_wait3A_133, %dma_wait3A_134] : memref<10008x128xf32, #tpu.memory_space<hbm>> -> memref<10008x128xf32, #tpu.memory_space<hbm>>
      tpu.wait_indirect_dma semaphore(%arg12 : memref<!tpu.dma_semaphore, #tpu.memory_space<semaphore_mem>>) src(%dma_wait3A_135 : memref<10008x128xf32, #tpu.memory_space<hbm>>) dst(%arg9 : memref<128x128xf32, #tpu.memory_space<vmem>>)
      "tpu.region"() ({
        %run_scoped3A = tpu.sem_alloc : memref<!tpu.dma_semaphore, #tpu.memory_space<semaphore_mem>>
        %dma_start3A_136 = arith.constant 0 : i32
        %dma_start3A_137 = tpu.memref_slice %arg7[%add3A_100, %dma_start3A_136] : memref<40x128xi32, #tpu.memory_space<vmem>> -> memref<1x128xi32, #tpu.memory_space<vmem>>
        %dma_start3A_138 = tpu.memref_squeeze %dma_start3A_137 : memref<1x128xi32, #tpu.memory_space<vmem>> -> memref<128xi32, #tpu.memory_space<vmem>>
        %dma_start3A_139 = arith.constant 0 : i32
        %dma_start3A_140 = arith.constant 0 : i32
        %dma_start3A_141 = tpu.memref_slice %arg10[%dma_start3A_139, %dma_start3A_140] : memref<10008x128xf32, #tpu.memory_space<vmem_shared>> -> memref<10008x128xf32, #tpu.memory_space<vmem_shared>>
        tpu.enqueue_indirect_dma source(%arg9 : memref<128x128xf32, #tpu.memory_space<vmem>>) target(%dma_start3A_141 : memref<10008x128xf32, #tpu.memory_space<vmem_shared>>) offsets(%dma_start3A_138 : memref<128xi32, #tpu.memory_space<vmem>>) semaphore(%run_scoped3A : memref<!tpu.dma_semaphore, #tpu.memory_space<semaphore_mem>>) {add = true}
        %dma_wait3A_142 = arith.constant 0 : i32
        %dma_wait3A_143 = tpu.memref_slice %arg7[%add3A_100, %dma_wait3A_142] : memref<40x128xi32, #tpu.memory_space<vmem>> -> memref<1x128xi32, #tpu.memory_space<vmem>>
        %dma_wait3A_144 = tpu.memref_squeeze %dma_wait3A_143 : memref<1x128xi32, #tpu.memory_space<vmem>> -> memref<128xi32, #tpu.memory_space<vmem>>
        %dma_wait3A_145 = arith.constant 0 : i32
        %dma_wait3A_146 = arith.constant 0 : i32
        %dma_wait3A_147 = tpu.memref_slice %arg10[%dma_wait3A_145, %dma_wait3A_146] : memref<10008x128xf32, #tpu.memory_space<vmem_shared>> -> memref<10008x128xf32, #tpu.memory_space<vmem_shared>>
        tpu.wait_indirect_dma semaphore(%run_scoped3A : memref<!tpu.dma_semaphore, #tpu.memory_space<semaphore_mem>>) src(%arg9 : memref<128x128xf32, #tpu.memory_space<vmem>>) dst(%dma_wait3A_147 : memref<10008x128xf32, #tpu.memory_space<vmem_shared>>)
        tpu.yield
      }) : () -> ()
    }
    %scan3A_35 = arith.constant 20 : i32
    %barrier3A_36 = arith.constant 0 : index
    tpu.barrier barrier_id(%barrier3A_36)
    %eq3A_37 = arith.constant 0 : i32
    %eq3A_38 = arith.cmpi eq, %arg1, %eq3A_37 : i32
    %convert_element_type3A_39 = arith.extui %eq3A_38 : i1 to i32
    %cond3A_40 = arith.constant 0 : i32
    %cond3A_41 = arith.cmpi ne, %convert_element_type3A_39, %cond3A_40 : i32
    scf.if %cond3A_41 {
      "tpu.region"() ({
        %run_scoped3A = tpu.sem_alloc : memref<!tpu.dma_semaphore, #tpu.memory_space<semaphore_mem>>
        %dma_start3A_94 = arith.constant 0 : i32
        %dma_start3A_95 = arith.constant 0 : i32
        %dma_start3A_96 = tpu.memref_slice %arg5[%add3A_1, %dma_start3A_94, %dma_start3A_95] : memref<4x10008x128xf32, #tpu.memory_space<hbm>> -> memref<1x10008x128xf32, #tpu.memory_space<hbm>>
        %dma_start3A_97 = tpu.memref_squeeze %dma_start3A_96 : memref<1x10008x128xf32, #tpu.memory_space<hbm>> -> memref<10008x128xf32, #tpu.memory_space<hbm>>
        tpu.enqueue_dma source(%arg10 : memref<10008x128xf32, #tpu.memory_space<vmem_shared>>) target(%dma_start3A_97 : memref<10008x128xf32, #tpu.memory_space<hbm>>) target_semaphore(%run_scoped3A : memref<!tpu.dma_semaphore, #tpu.memory_space<semaphore_mem>>)
        %dma_wait3A = arith.constant 0 : i32
        %dma_wait3A_98 = arith.constant 0 : i32
        %dma_wait3A_99 = tpu.memref_slice %arg5[%add3A_1, %dma_wait3A, %dma_wait3A_98] : memref<4x10008x128xf32, #tpu.memory_space<hbm>> -> memref<1x10008x128xf32, #tpu.memory_space<hbm>>
        %dma_wait3A_100 = tpu.memref_squeeze %dma_wait3A_99 : memref<1x10008x128xf32, #tpu.memory_space<hbm>> -> memref<10008x128xf32, #tpu.memory_space<hbm>>
        tpu.wait_dma2 semaphore(%run_scoped3A : memref<!tpu.dma_semaphore, #tpu.memory_space<semaphore_mem>>) src(%arg10 : memref<10008x128xf32, #tpu.memory_space<vmem_shared>>) dst(%dma_wait3A_100 : memref<10008x128xf32, #tpu.memory_space<hbm>>)
        tpu.yield
      }) : () -> ()
    } else {
    }
    %barrier3A_42 = arith.constant 0 : index
    tpu.barrier barrier_id(%barrier3A_42)
    %mul3A_43 = arith.constant 2 : i32
    %mul3A_44 = arith.muli %arg0, %mul3A_43 : i32
    %add3A_45 = arith.constant 1 : i32
    %add3A_46 = arith.addi %mul3A_44, %add3A_45 : i32
    %eq3A_47 = arith.constant 0 : i32
    %eq3A_48 = arith.cmpi eq, %arg1, %eq3A_47 : i32
    %convert_element_type3A_49 = arith.extui %eq3A_48 : i1 to i32
    %cond3A_50 = arith.constant 0 : i32
    %cond3A_51 = arith.cmpi ne, %convert_element_type3A_49, %cond3A_50 : i32
    scf.if %cond3A_51 {
      "tpu.region"() ({
        %run_scoped3A = tpu.sem_alloc : memref<!tpu.dma_semaphore, #tpu.memory_space<semaphore_mem>>
        %dma_start3A_94 = arith.constant 0 : i32
        %dma_start3A_95 = arith.constant 0 : i32
        %dma_start3A_96 = tpu.memref_slice %arg2[%add3A_46, %dma_start3A_94, %dma_start3A_95] : memref<4x10008x128xf32, #tpu.memory_space<hbm>> -> memref<1x10008x128xf32, #tpu.memory_space<hbm>>
        %dma_start3A_97 = tpu.memref_squeeze %dma_start3A_96 : memref<1x10008x128xf32, #tpu.memory_space<hbm>> -> memref<10008x128xf32, #tpu.memory_space<hbm>>
        tpu.enqueue_dma source(%dma_start3A_97 : memref<10008x128xf32, #tpu.memory_space<hbm>>) target(%arg10 : memref<10008x128xf32, #tpu.memory_space<vmem_shared>>) target_semaphore(%run_scoped3A : memref<!tpu.dma_semaphore, #tpu.memory_space<semaphore_mem>>)
        %dma_wait3A = arith.constant 0 : i32
        %dma_wait3A_98 = arith.constant 0 : i32
        %dma_wait3A_99 = tpu.memref_slice %arg2[%add3A_46, %dma_wait3A, %dma_wait3A_98] : memref<4x10008x128xf32, #tpu.memory_space<hbm>> -> memref<1x10008x128xf32, #tpu.memory_space<hbm>>
        %dma_wait3A_100 = tpu.memref_squeeze %dma_wait3A_99 : memref<1x10008x128xf32, #tpu.memory_space<hbm>> -> memref<10008x128xf32, #tpu.memory_space<hbm>>
        tpu.wait_dma2 semaphore(%run_scoped3A : memref<!tpu.dma_semaphore, #tpu.memory_space<semaphore_mem>>) src(%dma_wait3A_100 : memref<10008x128xf32, #tpu.memory_space<hbm>>) dst(%arg10 : memref<10008x128xf32, #tpu.memory_space<vmem_shared>>)
        tpu.yield
      }) : () -> ()
    } else {
    }
    %barrier3A_52 = arith.constant 0 : index
    tpu.barrier barrier_id(%barrier3A_52)
    "tpu.region"() ({
      %run_scoped3A = tpu.sem_alloc : memref<!tpu.dma_semaphore, #tpu.memory_space<semaphore_mem>>
      %dma_start3A_94 = arith.constant 0 : i32
      %dma_start3A_95 = arith.constant 0 : i32
      %dma_start3A_96 = tpu.memref_slice %arg3[%arg1, %dma_start3A_94, %dma_start3A_95] : memref<16x80x128xi32, #tpu.memory_space<hbm>> -> memref<1x80x128xi32, #tpu.memory_space<hbm>>
      %dma_start3A_97 = tpu.memref_squeeze %dma_start3A_96 : memref<1x80x128xi32, #tpu.memory_space<hbm>> -> memref<80x128xi32, #tpu.memory_space<hbm>>
      %dma_start3A_98 = arith.constant 0 : i32
      %dma_start3A_99 = arith.constant 0 : i32
      %dma_start3A_100 = tpu.memref_slice %dma_start3A_97[%dma_start3A_98, %dma_start3A_99] : memref<80x128xi32, #tpu.memory_space<hbm>> -> memref<40x128xi32, #tpu.memory_space<hbm>>
      %dma_start3A_101 = arith.constant 0 : i32
      %dma_start3A_102 = arith.constant 0 : i32
      %dma_start3A_103 = tpu.memref_slice %arg3[%arg1, %dma_start3A_101, %dma_start3A_102] : memref<16x80x128xi32, #tpu.memory_space<hbm>> -> memref<1x80x128xi32, #tpu.memory_space<hbm>>
      %dma_start3A_104 = tpu.memref_squeeze %dma_start3A_103 : memref<1x80x128xi32, #tpu.memory_space<hbm>> -> memref<80x128xi32, #tpu.memory_space<hbm>>
      %dma_start3A_105 = arith.constant 0 : i32
      %dma_start3A_106 = arith.constant 0 : i32
      %dma_start3A_107 = tpu.memref_slice %dma_start3A_104[%dma_start3A_105, %dma_start3A_106] : memref<80x128xi32, #tpu.memory_space<hbm>> -> memref<40x128xi32, #tpu.memory_space<hbm>>
      tpu.enqueue_dma source(%dma_start3A_107 : memref<40x128xi32, #tpu.memory_space<hbm>>) target(%arg6 : memref<40x128xi32, #tpu.memory_space<vmem>>) target_semaphore(%run_scoped3A : memref<!tpu.dma_semaphore, #tpu.memory_space<semaphore_mem>>)
      %dma_wait3A = arith.constant 0 : i32
      %dma_wait3A_108 = arith.constant 0 : i32
      %dma_wait3A_109 = tpu.memref_slice %arg3[%arg1, %dma_wait3A, %dma_wait3A_108] : memref<16x80x128xi32, #tpu.memory_space<hbm>> -> memref<1x80x128xi32, #tpu.memory_space<hbm>>
      %dma_wait3A_110 = tpu.memref_squeeze %dma_wait3A_109 : memref<1x80x128xi32, #tpu.memory_space<hbm>> -> memref<80x128xi32, #tpu.memory_space<hbm>>
      %dma_wait3A_111 = arith.constant 0 : i32
      %dma_wait3A_112 = arith.constant 0 : i32
      %dma_wait3A_113 = tpu.memref_slice %dma_wait3A_110[%dma_wait3A_111, %dma_wait3A_112] : memref<80x128xi32, #tpu.memory_space<hbm>> -> memref<40x128xi32, #tpu.memory_space<hbm>>
      %dma_wait3A_114 = arith.constant 0 : i32
      %dma_wait3A_115 = arith.constant 0 : i32
      %dma_wait3A_116 = tpu.memref_slice %arg3[%arg1, %dma_wait3A_114, %dma_wait3A_115] : memref<16x80x128xi32, #tpu.memory_space<hbm>> -> memref<1x80x128xi32, #tpu.memory_space<hbm>>
      %dma_wait3A_117 = tpu.memref_squeeze %dma_wait3A_116 : memref<1x80x128xi32, #tpu.memory_space<hbm>> -> memref<80x128xi32, #tpu.memory_space<hbm>>
      %dma_wait3A_118 = arith.constant 0 : i32
      %dma_wait3A_119 = arith.constant 0 : i32
      %dma_wait3A_120 = tpu.memref_slice %dma_wait3A_117[%dma_wait3A_118, %dma_wait3A_119] : memref<80x128xi32, #tpu.memory_space<hbm>> -> memref<40x128xi32, #tpu.memory_space<hbm>>
      tpu.wait_dma2 semaphore(%run_scoped3A : memref<!tpu.dma_semaphore, #tpu.memory_space<semaphore_mem>>) src(%dma_wait3A_120 : memref<40x128xi32, #tpu.memory_space<hbm>>) dst(%arg6 : memref<40x128xi32, #tpu.memory_space<vmem>>)
      tpu.yield
    }) : () -> ()
    "tpu.region"() ({
      %run_scoped3A = tpu.sem_alloc : memref<!tpu.dma_semaphore, #tpu.memory_space<semaphore_mem>>
      %dma_start3A_94 = arith.constant 0 : i32
      %dma_start3A_95 = arith.constant 0 : i32
      %dma_start3A_96 = tpu.memref_slice %arg4[%arg1, %dma_start3A_94, %dma_start3A_95] : memref<16x80x128xi32, #tpu.memory_space<hbm>> -> memref<1x80x128xi32, #tpu.memory_space<hbm>>
      %dma_start3A_97 = tpu.memref_squeeze %dma_start3A_96 : memref<1x80x128xi32, #tpu.memory_space<hbm>> -> memref<80x128xi32, #tpu.memory_space<hbm>>
      %dma_start3A_98 = arith.constant 0 : i32
      %dma_start3A_99 = arith.constant 0 : i32
      %dma_start3A_100 = tpu.memref_slice %dma_start3A_97[%dma_start3A_98, %dma_start3A_99] : memref<80x128xi32, #tpu.memory_space<hbm>> -> memref<40x128xi32, #tpu.memory_space<hbm>>
      %dma_start3A_101 = arith.constant 0 : i32
      %dma_start3A_102 = arith.constant 0 : i32
      %dma_start3A_103 = tpu.memref_slice %arg4[%arg1, %dma_start3A_101, %dma_start3A_102] : memref<16x80x128xi32, #tpu.memory_space<hbm>> -> memref<1x80x128xi32, #tpu.memory_space<hbm>>
      %dma_start3A_104 = tpu.memref_squeeze %dma_start3A_103 : memref<1x80x128xi32, #tpu.memory_space<hbm>> -> memref<80x128xi32, #tpu.memory_space<hbm>>
      %dma_start3A_105 = arith.constant 0 : i32
      %dma_start3A_106 = arith.constant 0 : i32
      %dma_start3A_107 = tpu.memref_slice %dma_start3A_104[%dma_start3A_105, %dma_start3A_106] : memref<80x128xi32, #tpu.memory_space<hbm>> -> memref<40x128xi32, #tpu.memory_space<hbm>>
      tpu.enqueue_dma source(%dma_start3A_107 : memref<40x128xi32, #tpu.memory_space<hbm>>) target(%arg7 : memref<40x128xi32, #tpu.memory_space<vmem>>) target_semaphore(%run_scoped3A : memref<!tpu.dma_semaphore, #tpu.memory_space<semaphore_mem>>)
      %dma_wait3A = arith.constant 0 : i32
      %dma_wait3A_108 = arith.constant 0 : i32
      %dma_wait3A_109 = tpu.memref_slice %arg4[%arg1, %dma_wait3A, %dma_wait3A_108] : memref<16x80x128xi32, #tpu.memory_space<hbm>> -> memref<1x80x128xi32, #tpu.memory_space<hbm>>
      %dma_wait3A_110 = tpu.memref_squeeze %dma_wait3A_109 : memref<1x80x128xi32, #tpu.memory_space<hbm>> -> memref<80x128xi32, #tpu.memory_space<hbm>>
      %dma_wait3A_111 = arith.constant 0 : i32
      %dma_wait3A_112 = arith.constant 0 : i32
      %dma_wait3A_113 = tpu.memref_slice %dma_wait3A_110[%dma_wait3A_111, %dma_wait3A_112] : memref<80x128xi32, #tpu.memory_space<hbm>> -> memref<40x128xi32, #tpu.memory_space<hbm>>
      %dma_wait3A_114 = arith.constant 0 : i32
      %dma_wait3A_115 = arith.constant 0 : i32
      %dma_wait3A_116 = tpu.memref_slice %arg4[%arg1, %dma_wait3A_114, %dma_wait3A_115] : memref<16x80x128xi32, #tpu.memory_space<hbm>> -> memref<1x80x128xi32, #tpu.memory_space<hbm>>
      %dma_wait3A_117 = tpu.memref_squeeze %dma_wait3A_116 : memref<1x80x128xi32, #tpu.memory_space<hbm>> -> memref<80x128xi32, #tpu.memory_space<hbm>>
      %dma_wait3A_118 = arith.constant 0 : i32
      %dma_wait3A_119 = arith.constant 0 : i32
      %dma_wait3A_120 = tpu.memref_slice %dma_wait3A_117[%dma_wait3A_118, %dma_wait3A_119] : memref<80x128xi32, #tpu.memory_space<hbm>> -> memref<40x128xi32, #tpu.memory_space<hbm>>
      tpu.wait_dma2 semaphore(%run_scoped3A : memref<!tpu.dma_semaphore, #tpu.memory_space<semaphore_mem>>) src(%dma_wait3A_120 : memref<40x128xi32, #tpu.memory_space<hbm>>) dst(%arg7 : memref<40x128xi32, #tpu.memory_space<vmem>>)
      tpu.yield
    }) : () -> ()
    %dma_start3A_53 = arith.constant 0 : i32
    %dma_start3A_54 = arith.constant 0 : i32
    %dma_start3A_55 = tpu.memref_slice %arg6[%dma_start3A_53, %dma_start3A_54] : memref<40x128xi32, #tpu.memory_space<vmem>> -> memref<1x128xi32, #tpu.memory_space<vmem>>
    %dma_start3A_56 = tpu.memref_squeeze %dma_start3A_55 : memref<1x128xi32, #tpu.memory_space<vmem>> -> memref<128xi32, #tpu.memory_space<vmem>>
    %dma_start3A_57 = arith.constant 0 : i32
    %dma_start3A_58 = arith.constant 0 : i32
    %dma_start3A_59 = tpu.memref_slice %arg2[%add3A_46, %dma_start3A_57, %dma_start3A_58] : memref<4x10008x128xf32, #tpu.memory_space<hbm>> -> memref<1x10008x128xf32, #tpu.memory_space<hbm>>
    %dma_start3A_60 = tpu.memref_squeeze %dma_start3A_59 : memref<1x10008x128xf32, #tpu.memory_space<hbm>> -> memref<10008x128xf32, #tpu.memory_space<hbm>>
    %dma_start3A_61 = arith.constant 0 : i32
    %dma_start3A_62 = arith.constant 0 : i32
    %dma_start3A_63 = tpu.memref_slice %dma_start3A_60[%dma_start3A_61, %dma_start3A_62] : memref<10008x128xf32, #tpu.memory_space<hbm>> -> memref<10008x128xf32, #tpu.memory_space<hbm>>
    tpu.enqueue_indirect_dma source(%dma_start3A_63 : memref<10008x128xf32, #tpu.memory_space<hbm>>) target(%arg8 : memref<128x128xf32, #tpu.memory_space<vmem>>) offsets(%dma_start3A_56 : memref<128xi32, #tpu.memory_space<vmem>>) semaphore(%arg11 : memref<!tpu.dma_semaphore, #tpu.memory_space<semaphore_mem>>)
    %scan3A_64 = arith.constant 0 : i32
    %scan3A_65 = arith.constant 0 : i32
    %scan3A_66 = arith.constant 20 : i32
    %scan3A_67 = arith.addi %scan3A_65, %scan3A_66 : i32
    %scan3A_68 = arith.constant 1 : i32
    scf.for %scan3A_94 = %scan3A_65 to %scan3A_67 step %scan3A_68  : i32 {
      %mul3A_95 = arith.constant 2 : i32
      %mul3A_96 = arith.muli %mul3A_95, %scan3A_94 : i32
      %mul3A_97 = arith.constant 2 : i32
      %mul3A_98 = arith.muli %mul3A_97, %scan3A_94 : i32
      %add3A_99 = arith.constant 1 : i32
      %add3A_100 = arith.addi %mul3A_98, %add3A_99 : i32
      %dma_start3A_101 = arith.constant 0 : i32
      %dma_start3A_102 = tpu.memref_slice %arg6[%add3A_100, %dma_start3A_101] : memref<40x128xi32, #tpu.memory_space<vmem>> -> memref<1x128xi32, #tpu.memory_space<vmem>>
      %dma_start3A_103 = tpu.memref_squeeze %dma_start3A_102 : memref<1x128xi32, #tpu.memory_space<vmem>> -> memref<128xi32, #tpu.memory_space<vmem>>
      %dma_start3A_104 = arith.constant 0 : i32
      %dma_start3A_105 = arith.constant 0 : i32
      %dma_start3A_106 = tpu.memref_slice %arg2[%add3A_46, %dma_start3A_104, %dma_start3A_105] : memref<4x10008x128xf32, #tpu.memory_space<hbm>> -> memref<1x10008x128xf32, #tpu.memory_space<hbm>>
      %dma_start3A_107 = tpu.memref_squeeze %dma_start3A_106 : memref<1x10008x128xf32, #tpu.memory_space<hbm>> -> memref<10008x128xf32, #tpu.memory_space<hbm>>
      %dma_start3A_108 = arith.constant 0 : i32
      %dma_start3A_109 = arith.constant 0 : i32
      %dma_start3A_110 = tpu.memref_slice %dma_start3A_107[%dma_start3A_108, %dma_start3A_109] : memref<10008x128xf32, #tpu.memory_space<hbm>> -> memref<10008x128xf32, #tpu.memory_space<hbm>>
      tpu.enqueue_indirect_dma source(%dma_start3A_110 : memref<10008x128xf32, #tpu.memory_space<hbm>>) target(%arg9 : memref<128x128xf32, #tpu.memory_space<vmem>>) offsets(%dma_start3A_103 : memref<128xi32, #tpu.memory_space<vmem>>) semaphore(%arg12 : memref<!tpu.dma_semaphore, #tpu.memory_space<semaphore_mem>>)
      %dma_wait3A = arith.constant 0 : i32
      %dma_wait3A_111 = tpu.memref_slice %arg6[%mul3A_96, %dma_wait3A] : memref<40x128xi32, #tpu.memory_space<vmem>> -> memref<1x128xi32, #tpu.memory_space<vmem>>
      %dma_wait3A_112 = tpu.memref_squeeze %dma_wait3A_111 : memref<1x128xi32, #tpu.memory_space<vmem>> -> memref<128xi32, #tpu.memory_space<vmem>>
      %dma_wait3A_113 = arith.constant 0 : i32
      %dma_wait3A_114 = arith.constant 0 : i32
      %dma_wait3A_115 = tpu.memref_slice %arg2[%add3A_46, %dma_wait3A_113, %dma_wait3A_114] : memref<4x10008x128xf32, #tpu.memory_space<hbm>> -> memref<1x10008x128xf32, #tpu.memory_space<hbm>>
      %dma_wait3A_116 = tpu.memref_squeeze %dma_wait3A_115 : memref<1x10008x128xf32, #tpu.memory_space<hbm>> -> memref<10008x128xf32, #tpu.memory_space<hbm>>
      %dma_wait3A_117 = arith.constant 0 : i32
      %dma_wait3A_118 = arith.constant 0 : i32
      %dma_wait3A_119 = tpu.memref_slice %dma_wait3A_116[%dma_wait3A_117, %dma_wait3A_118] : memref<10008x128xf32, #tpu.memory_space<hbm>> -> memref<10008x128xf32, #tpu.memory_space<hbm>>
      tpu.wait_indirect_dma semaphore(%arg11 : memref<!tpu.dma_semaphore, #tpu.memory_space<semaphore_mem>>) src(%dma_wait3A_119 : memref<10008x128xf32, #tpu.memory_space<hbm>>) dst(%arg8 : memref<128x128xf32, #tpu.memory_space<vmem>>)
      "tpu.region"() ({
        %run_scoped3A = tpu.sem_alloc : memref<!tpu.dma_semaphore, #tpu.memory_space<semaphore_mem>>
        %dma_start3A_136 = arith.constant 0 : i32
        %dma_start3A_137 = tpu.memref_slice %arg7[%mul3A_96, %dma_start3A_136] : memref<40x128xi32, #tpu.memory_space<vmem>> -> memref<1x128xi32, #tpu.memory_space<vmem>>
        %dma_start3A_138 = tpu.memref_squeeze %dma_start3A_137 : memref<1x128xi32, #tpu.memory_space<vmem>> -> memref<128xi32, #tpu.memory_space<vmem>>
        %dma_start3A_139 = arith.constant 0 : i32
        %dma_start3A_140 = arith.constant 0 : i32
        %dma_start3A_141 = tpu.memref_slice %arg10[%dma_start3A_139, %dma_start3A_140] : memref<10008x128xf32, #tpu.memory_space<vmem_shared>> -> memref<10008x128xf32, #tpu.memory_space<vmem_shared>>
        tpu.enqueue_indirect_dma source(%arg8 : memref<128x128xf32, #tpu.memory_space<vmem>>) target(%dma_start3A_141 : memref<10008x128xf32, #tpu.memory_space<vmem_shared>>) offsets(%dma_start3A_138 : memref<128xi32, #tpu.memory_space<vmem>>) semaphore(%run_scoped3A : memref<!tpu.dma_semaphore, #tpu.memory_space<semaphore_mem>>) {add = true}
        %dma_wait3A_142 = arith.constant 0 : i32
        %dma_wait3A_143 = tpu.memref_slice %arg7[%mul3A_96, %dma_wait3A_142] : memref<40x128xi32, #tpu.memory_space<vmem>> -> memref<1x128xi32, #tpu.memory_space<vmem>>
        %dma_wait3A_144 = tpu.memref_squeeze %dma_wait3A_143 : memref<1x128xi32, #tpu.memory_space<vmem>> -> memref<128xi32, #tpu.memory_space<vmem>>
        %dma_wait3A_145 = arith.constant 0 : i32
        %dma_wait3A_146 = arith.constant 0 : i32
        %dma_wait3A_147 = tpu.memref_slice %arg10[%dma_wait3A_145, %dma_wait3A_146] : memref<10008x128xf32, #tpu.memory_space<vmem_shared>> -> memref<10008x128xf32, #tpu.memory_space<vmem_shared>>
        tpu.wait_indirect_dma semaphore(%run_scoped3A : memref<!tpu.dma_semaphore, #tpu.memory_space<semaphore_mem>>) src(%arg8 : memref<128x128xf32, #tpu.memory_space<vmem>>) dst(%dma_wait3A_147 : memref<10008x128xf32, #tpu.memory_space<vmem_shared>>)
        tpu.yield
      }) : () -> ()
      %add3A_120 = arith.constant 2 : i32
      %add3A_121 = arith.addi %mul3A_96, %add3A_120 : i32
      %lt3A = arith.constant 40 : i32
      %lt3A_122 = arith.cmpi slt, %add3A_121, %lt3A : i32
      %convert_element_type3A_123 = arith.extui %lt3A_122 : i1 to i32
      %cond3A_124 = arith.constant 0 : i32
      %cond3A_125 = arith.cmpi ne, %convert_element_type3A_123, %cond3A_124 : i32
      scf.if %cond3A_125 {
        %add3A_136 = arith.constant 2 : i32
        %add3A_137 = arith.addi %mul3A_96, %add3A_136 : i32
        %dma_start3A_138 = arith.constant 0 : i32
        %dma_start3A_139 = tpu.memref_slice %arg6[%add3A_137, %dma_start3A_138] : memref<40x128xi32, #tpu.memory_space<vmem>> -> memref<1x128xi32, #tpu.memory_space<vmem>>
        %dma_start3A_140 = tpu.memref_squeeze %dma_start3A_139 : memref<1x128xi32, #tpu.memory_space<vmem>> -> memref<128xi32, #tpu.memory_space<vmem>>
        %dma_start3A_141 = arith.constant 0 : i32
        %dma_start3A_142 = arith.constant 0 : i32
        %dma_start3A_143 = tpu.memref_slice %arg2[%add3A_46, %dma_start3A_141, %dma_start3A_142] : memref<4x10008x128xf32, #tpu.memory_space<hbm>> -> memref<1x10008x128xf32, #tpu.memory_space<hbm>>
        %dma_start3A_144 = tpu.memref_squeeze %dma_start3A_143 : memref<1x10008x128xf32, #tpu.memory_space<hbm>> -> memref<10008x128xf32, #tpu.memory_space<hbm>>
        %dma_start3A_145 = arith.constant 0 : i32
        %dma_start3A_146 = arith.constant 0 : i32
        %dma_start3A_147 = tpu.memref_slice %dma_start3A_144[%dma_start3A_145, %dma_start3A_146] : memref<10008x128xf32, #tpu.memory_space<hbm>> -> memref<10008x128xf32, #tpu.memory_space<hbm>>
        tpu.enqueue_indirect_dma source(%dma_start3A_147 : memref<10008x128xf32, #tpu.memory_space<hbm>>) target(%arg8 : memref<128x128xf32, #tpu.memory_space<vmem>>) offsets(%dma_start3A_140 : memref<128xi32, #tpu.memory_space<vmem>>) semaphore(%arg11 : memref<!tpu.dma_semaphore, #tpu.memory_space<semaphore_mem>>)
      } else {
      }
      %dma_wait3A_126 = arith.constant 0 : i32
      %dma_wait3A_127 = tpu.memref_slice %arg6[%add3A_100, %dma_wait3A_126] : memref<40x128xi32, #tpu.memory_space<vmem>> -> memref<1x128xi32, #tpu.memory_space<vmem>>
      %dma_wait3A_128 = tpu.memref_squeeze %dma_wait3A_127 : memref<1x128xi32, #tpu.memory_space<vmem>> -> memref<128xi32, #tpu.memory_space<vmem>>
      %dma_wait3A_129 = arith.constant 0 : i32
      %dma_wait3A_130 = arith.constant 0 : i32
      %dma_wait3A_131 = tpu.memref_slice %arg2[%add3A_46, %dma_wait3A_129, %dma_wait3A_130] : memref<4x10008x128xf32, #tpu.memory_space<hbm>> -> memref<1x10008x128xf32, #tpu.memory_space<hbm>>
      %dma_wait3A_132 = tpu.memref_squeeze %dma_wait3A_131 : memref<1x10008x128xf32, #tpu.memory_space<hbm>> -> memref<10008x128xf32, #tpu.memory_space<hbm>>
      %dma_wait3A_133 = arith.constant 0 : i32
      %dma_wait3A_134 = arith.constant 0 : i32
      %dma_wait3A_135 = tpu.memref_slice %dma_wait3A_132[%dma_wait3A_133, %dma_wait3A_134] : memref<10008x128xf32, #tpu.memory_space<hbm>> -> memref<10008x128xf32, #tpu.memory_space<hbm>>
      tpu.wait_indirect_dma semaphore(%arg12 : memref<!tpu.dma_semaphore, #tpu.memory_space<semaphore_mem>>) src(%dma_wait3A_135 : memref<10008x128xf32, #tpu.memory_space<hbm>>) dst(%arg9 : memref<128x128xf32, #tpu.memory_space<vmem>>)
      "tpu.region"() ({
        %run_scoped3A = tpu.sem_alloc : memref<!tpu.dma_semaphore, #tpu.memory_space<semaphore_mem>>
        %dma_start3A_136 = arith.constant 0 : i32
        %dma_start3A_137 = tpu.memref_slice %arg7[%add3A_100, %dma_start3A_136] : memref<40x128xi32, #tpu.memory_space<vmem>> -> memref<1x128xi32, #tpu.memory_space<vmem>>
        %dma_start3A_138 = tpu.memref_squeeze %dma_start3A_137 : memref<1x128xi32, #tpu.memory_space<vmem>> -> memref<128xi32, #tpu.memory_space<vmem>>
        %dma_start3A_139 = arith.constant 0 : i32
        %dma_start3A_140 = arith.constant 0 : i32
        %dma_start3A_141 = tpu.memref_slice %arg10[%dma_start3A_139, %dma_start3A_140] : memref<10008x128xf32, #tpu.memory_space<vmem_shared>> -> memref<10008x128xf32, #tpu.memory_space<vmem_shared>>
        tpu.enqueue_indirect_dma source(%arg9 : memref<128x128xf32, #tpu.memory_space<vmem>>) target(%dma_start3A_141 : memref<10008x128xf32, #tpu.memory_space<vmem_shared>>) offsets(%dma_start3A_138 : memref<128xi32, #tpu.memory_space<vmem>>) semaphore(%run_scoped3A : memref<!tpu.dma_semaphore, #tpu.memory_space<semaphore_mem>>) {add = true}
        %dma_wait3A_142 = arith.constant 0 : i32
        %dma_wait3A_143 = tpu.memref_slice %arg7[%add3A_100, %dma_wait3A_142] : memref<40x128xi32, #tpu.memory_space<vmem>> -> memref<1x128xi32, #tpu.memory_space<vmem>>
        %dma_wait3A_144 = tpu.memref_squeeze %dma_wait3A_143 : memref<1x128xi32, #tpu.memory_space<vmem>> -> memref<128xi32, #tpu.memory_space<vmem>>
        %dma_wait3A_145 = arith.constant 0 : i32
        %dma_wait3A_146 = arith.constant 0 : i32
        %dma_wait3A_147 = tpu.memref_slice %arg10[%dma_wait3A_145, %dma_wait3A_146] : memref<10008x128xf32, #tpu.memory_space<vmem_shared>> -> memref<10008x128xf32, #tpu.memory_space<vmem_shared>>
        tpu.wait_indirect_dma semaphore(%run_scoped3A : memref<!tpu.dma_semaphore, #tpu.memory_space<semaphore_mem>>) src(%arg9 : memref<128x128xf32, #tpu.memory_space<vmem>>) dst(%dma_wait3A_147 : memref<10008x128xf32, #tpu.memory_space<vmem_shared>>)
        tpu.yield
      }) : () -> ()
    }
    %scan3A_69 = arith.constant 20 : i32
    "tpu.region"() ({
      %run_scoped3A = tpu.sem_alloc : memref<!tpu.dma_semaphore, #tpu.memory_space<semaphore_mem>>
      %dma_start3A_94 = arith.constant 0 : i32
      %dma_start3A_95 = arith.constant 0 : i32
      %dma_start3A_96 = tpu.memref_slice %arg3[%arg1, %dma_start3A_94, %dma_start3A_95] : memref<16x80x128xi32, #tpu.memory_space<hbm>> -> memref<1x80x128xi32, #tpu.memory_space<hbm>>
      %dma_start3A_97 = tpu.memref_squeeze %dma_start3A_96 : memref<1x80x128xi32, #tpu.memory_space<hbm>> -> memref<80x128xi32, #tpu.memory_space<hbm>>
      %dma_start3A_98 = arith.constant 40 : i32
      %dma_start3A_99 = arith.constant 0 : i32
      %dma_start3A_100 = tpu.memref_slice %dma_start3A_97[%dma_start3A_98, %dma_start3A_99] : memref<80x128xi32, #tpu.memory_space<hbm>> -> memref<40x128xi32, #tpu.memory_space<hbm>>
      %dma_start3A_101 = arith.constant 0 : i32
      %dma_start3A_102 = arith.constant 0 : i32
      %dma_start3A_103 = tpu.memref_slice %arg3[%arg1, %dma_start3A_101, %dma_start3A_102] : memref<16x80x128xi32, #tpu.memory_space<hbm>> -> memref<1x80x128xi32, #tpu.memory_space<hbm>>
      %dma_start3A_104 = tpu.memref_squeeze %dma_start3A_103 : memref<1x80x128xi32, #tpu.memory_space<hbm>> -> memref<80x128xi32, #tpu.memory_space<hbm>>
      %dma_start3A_105 = arith.constant 40 : i32
      %dma_start3A_106 = arith.constant 0 : i32
      %dma_start3A_107 = tpu.memref_slice %dma_start3A_104[%dma_start3A_105, %dma_start3A_106] : memref<80x128xi32, #tpu.memory_space<hbm>> -> memref<40x128xi32, #tpu.memory_space<hbm>>
      tpu.enqueue_dma source(%dma_start3A_107 : memref<40x128xi32, #tpu.memory_space<hbm>>) target(%arg6 : memref<40x128xi32, #tpu.memory_space<vmem>>) target_semaphore(%run_scoped3A : memref<!tpu.dma_semaphore, #tpu.memory_space<semaphore_mem>>)
      %dma_wait3A = arith.constant 0 : i32
      %dma_wait3A_108 = arith.constant 0 : i32
      %dma_wait3A_109 = tpu.memref_slice %arg3[%arg1, %dma_wait3A, %dma_wait3A_108] : memref<16x80x128xi32, #tpu.memory_space<hbm>> -> memref<1x80x128xi32, #tpu.memory_space<hbm>>
      %dma_wait3A_110 = tpu.memref_squeeze %dma_wait3A_109 : memref<1x80x128xi32, #tpu.memory_space<hbm>> -> memref<80x128xi32, #tpu.memory_space<hbm>>
      %dma_wait3A_111 = arith.constant 40 : i32
      %dma_wait3A_112 = arith.constant 0 : i32
      %dma_wait3A_113 = tpu.memref_slice %dma_wait3A_110[%dma_wait3A_111, %dma_wait3A_112] : memref<80x128xi32, #tpu.memory_space<hbm>> -> memref<40x128xi32, #tpu.memory_space<hbm>>
      %dma_wait3A_114 = arith.constant 0 : i32
      %dma_wait3A_115 = arith.constant 0 : i32
      %dma_wait3A_116 = tpu.memref_slice %arg3[%arg1, %dma_wait3A_114, %dma_wait3A_115] : memref<16x80x128xi32, #tpu.memory_space<hbm>> -> memref<1x80x128xi32, #tpu.memory_space<hbm>>
      %dma_wait3A_117 = tpu.memref_squeeze %dma_wait3A_116 : memref<1x80x128xi32, #tpu.memory_space<hbm>> -> memref<80x128xi32, #tpu.memory_space<hbm>>
      %dma_wait3A_118 = arith.constant 40 : i32
      %dma_wait3A_119 = arith.constant 0 : i32
      %dma_wait3A_120 = tpu.memref_slice %dma_wait3A_117[%dma_wait3A_118, %dma_wait3A_119] : memref<80x128xi32, #tpu.memory_space<hbm>> -> memref<40x128xi32, #tpu.memory_space<hbm>>
      tpu.wait_dma2 semaphore(%run_scoped3A : memref<!tpu.dma_semaphore, #tpu.memory_space<semaphore_mem>>) src(%dma_wait3A_120 : memref<40x128xi32, #tpu.memory_space<hbm>>) dst(%arg6 : memref<40x128xi32, #tpu.memory_space<vmem>>)
      tpu.yield
    }) : () -> ()
    "tpu.region"() ({
      %run_scoped3A = tpu.sem_alloc : memref<!tpu.dma_semaphore, #tpu.memory_space<semaphore_mem>>
      %dma_start3A_94 = arith.constant 0 : i32
      %dma_start3A_95 = arith.constant 0 : i32
      %dma_start3A_96 = tpu.memref_slice %arg4[%arg1, %dma_start3A_94, %dma_start3A_95] : memref<16x80x128xi32, #tpu.memory_space<hbm>> -> memref<1x80x128xi32, #tpu.memory_space<hbm>>
      %dma_start3A_97 = tpu.memref_squeeze %dma_start3A_96 : memref<1x80x128xi32, #tpu.memory_space<hbm>> -> memref<80x128xi32, #tpu.memory_space<hbm>>
      %dma_start3A_98 = arith.constant 40 : i32
      %dma_start3A_99 = arith.constant 0 : i32
      %dma_start3A_100 = tpu.memref_slice %dma_start3A_97[%dma_start3A_98, %dma_start3A_99] : memref<80x128xi32, #tpu.memory_space<hbm>> -> memref<40x128xi32, #tpu.memory_space<hbm>>
      %dma_start3A_101 = arith.constant 0 : i32
      %dma_start3A_102 = arith.constant 0 : i32
      %dma_start3A_103 = tpu.memref_slice %arg4[%arg1, %dma_start3A_101, %dma_start3A_102] : memref<16x80x128xi32, #tpu.memory_space<hbm>> -> memref<1x80x128xi32, #tpu.memory_space<hbm>>
      %dma_start3A_104 = tpu.memref_squeeze %dma_start3A_103 : memref<1x80x128xi32, #tpu.memory_space<hbm>> -> memref<80x128xi32, #tpu.memory_space<hbm>>
      %dma_start3A_105 = arith.constant 40 : i32
      %dma_start3A_106 = arith.constant 0 : i32
      %dma_start3A_107 = tpu.memref_slice %dma_start3A_104[%dma_start3A_105, %dma_start3A_106] : memref<80x128xi32, #tpu.memory_space<hbm>> -> memref<40x128xi32, #tpu.memory_space<hbm>>
      tpu.enqueue_dma source(%dma_start3A_107 : memref<40x128xi32, #tpu.memory_space<hbm>>) target(%arg7 : memref<40x128xi32, #tpu.memory_space<vmem>>) target_semaphore(%run_scoped3A : memref<!tpu.dma_semaphore, #tpu.memory_space<semaphore_mem>>)
      %dma_wait3A = arith.constant 0 : i32
      %dma_wait3A_108 = arith.constant 0 : i32
      %dma_wait3A_109 = tpu.memref_slice %arg4[%arg1, %dma_wait3A, %dma_wait3A_108] : memref<16x80x128xi32, #tpu.memory_space<hbm>> -> memref<1x80x128xi32, #tpu.memory_space<hbm>>
      %dma_wait3A_110 = tpu.memref_squeeze %dma_wait3A_109 : memref<1x80x128xi32, #tpu.memory_space<hbm>> -> memref<80x128xi32, #tpu.memory_space<hbm>>
      %dma_wait3A_111 = arith.constant 40 : i32
      %dma_wait3A_112 = arith.constant 0 : i32
      %dma_wait3A_113 = tpu.memref_slice %dma_wait3A_110[%dma_wait3A_111, %dma_wait3A_112] : memref<80x128xi32, #tpu.memory_space<hbm>> -> memref<40x128xi32, #tpu.memory_space<hbm>>
      %dma_wait3A_114 = arith.constant 0 : i32
      %dma_wait3A_115 = arith.constant 0 : i32
      %dma_wait3A_116 = tpu.memref_slice %arg4[%arg1, %dma_wait3A_114, %dma_wait3A_115] : memref<16x80x128xi32, #tpu.memory_space<hbm>> -> memref<1x80x128xi32, #tpu.memory_space<hbm>>
      %dma_wait3A_117 = tpu.memref_squeeze %dma_wait3A_116 : memref<1x80x128xi32, #tpu.memory_space<hbm>> -> memref<80x128xi32, #tpu.memory_space<hbm>>
      %dma_wait3A_118 = arith.constant 40 : i32
      %dma_wait3A_119 = arith.constant 0 : i32
      %dma_wait3A_120 = tpu.memref_slice %dma_wait3A_117[%dma_wait3A_118, %dma_wait3A_119] : memref<80x128xi32, #tpu.memory_space<hbm>> -> memref<40x128xi32, #tpu.memory_space<hbm>>
      tpu.wait_dma2 semaphore(%run_scoped3A : memref<!tpu.dma_semaphore, #tpu.memory_space<semaphore_mem>>) src(%dma_wait3A_120 : memref<40x128xi32, #tpu.memory_space<hbm>>) dst(%arg7 : memref<40x128xi32, #tpu.memory_space<vmem>>)
      tpu.yield
    }) : () -> ()
    %dma_start3A_70 = arith.constant 0 : i32
    %dma_start3A_71 = arith.constant 0 : i32
    %dma_start3A_72 = tpu.memref_slice %arg6[%dma_start3A_70, %dma_start3A_71] : memref<40x128xi32, #tpu.memory_space<vmem>> -> memref<1x128xi32, #tpu.memory_space<vmem>>
    %dma_start3A_73 = tpu.memref_squeeze %dma_start3A_72 : memref<1x128xi32, #tpu.memory_space<vmem>> -> memref<128xi32, #tpu.memory_space<vmem>>
    %dma_start3A_74 = arith.constant 0 : i32
    %dma_start3A_75 = arith.constant 0 : i32
    %dma_start3A_76 = tpu.memref_slice %arg2[%add3A_46, %dma_start3A_74, %dma_start3A_75] : memref<4x10008x128xf32, #tpu.memory_space<hbm>> -> memref<1x10008x128xf32, #tpu.memory_space<hbm>>
    %dma_start3A_77 = tpu.memref_squeeze %dma_start3A_76 : memref<1x10008x128xf32, #tpu.memory_space<hbm>> -> memref<10008x128xf32, #tpu.memory_space<hbm>>
    %dma_start3A_78 = arith.constant 0 : i32
    %dma_start3A_79 = arith.constant 0 : i32
    %dma_start3A_80 = tpu.memref_slice %dma_start3A_77[%dma_start3A_78, %dma_start3A_79] : memref<10008x128xf32, #tpu.memory_space<hbm>> -> memref<10008x128xf32, #tpu.memory_space<hbm>>
    tpu.enqueue_indirect_dma source(%dma_start3A_80 : memref<10008x128xf32, #tpu.memory_space<hbm>>) target(%arg8 : memref<128x128xf32, #tpu.memory_space<vmem>>) offsets(%dma_start3A_73 : memref<128xi32, #tpu.memory_space<vmem>>) semaphore(%arg11 : memref<!tpu.dma_semaphore, #tpu.memory_space<semaphore_mem>>)
    %scan3A_81 = arith.constant 0 : i32
    %scan3A_82 = arith.constant 0 : i32
    %scan3A_83 = arith.constant 20 : i32
    %scan3A_84 = arith.addi %scan3A_82, %scan3A_83 : i32
    %scan3A_85 = arith.constant 1 : i32
    scf.for %scan3A_94 = %scan3A_82 to %scan3A_84 step %scan3A_85  : i32 {
      %mul3A_95 = arith.constant 2 : i32
      %mul3A_96 = arith.muli %mul3A_95, %scan3A_94 : i32
      %mul3A_97 = arith.constant 2 : i32
      %mul3A_98 = arith.muli %mul3A_97, %scan3A_94 : i32
      %add3A_99 = arith.constant 1 : i32
      %add3A_100 = arith.addi %mul3A_98, %add3A_99 : i32
      %dma_start3A_101 = arith.constant 0 : i32
      %dma_start3A_102 = tpu.memref_slice %arg6[%add3A_100, %dma_start3A_101] : memref<40x128xi32, #tpu.memory_space<vmem>> -> memref<1x128xi32, #tpu.memory_space<vmem>>
      %dma_start3A_103 = tpu.memref_squeeze %dma_start3A_102 : memref<1x128xi32, #tpu.memory_space<vmem>> -> memref<128xi32, #tpu.memory_space<vmem>>
      %dma_start3A_104 = arith.constant 0 : i32
      %dma_start3A_105 = arith.constant 0 : i32
      %dma_start3A_106 = tpu.memref_slice %arg2[%add3A_46, %dma_start3A_104, %dma_start3A_105] : memref<4x10008x128xf32, #tpu.memory_space<hbm>> -> memref<1x10008x128xf32, #tpu.memory_space<hbm>>
      %dma_start3A_107 = tpu.memref_squeeze %dma_start3A_106 : memref<1x10008x128xf32, #tpu.memory_space<hbm>> -> memref<10008x128xf32, #tpu.memory_space<hbm>>
      %dma_start3A_108 = arith.constant 0 : i32
      %dma_start3A_109 = arith.constant 0 : i32
      %dma_start3A_110 = tpu.memref_slice %dma_start3A_107[%dma_start3A_108, %dma_start3A_109] : memref<10008x128xf32, #tpu.memory_space<hbm>> -> memref<10008x128xf32, #tpu.memory_space<hbm>>
      tpu.enqueue_indirect_dma source(%dma_start3A_110 : memref<10008x128xf32, #tpu.memory_space<hbm>>) target(%arg9 : memref<128x128xf32, #tpu.memory_space<vmem>>) offsets(%dma_start3A_103 : memref<128xi32, #tpu.memory_space<vmem>>) semaphore(%arg12 : memref<!tpu.dma_semaphore, #tpu.memory_space<semaphore_mem>>)
      %dma_wait3A = arith.constant 0 : i32
      %dma_wait3A_111 = tpu.memref_slice %arg6[%mul3A_96, %dma_wait3A] : memref<40x128xi32, #tpu.memory_space<vmem>> -> memref<1x128xi32, #tpu.memory_space<vmem>>
      %dma_wait3A_112 = tpu.memref_squeeze %dma_wait3A_111 : memref<1x128xi32, #tpu.memory_space<vmem>> -> memref<128xi32, #tpu.memory_space<vmem>>
      %dma_wait3A_113 = arith.constant 0 : i32
      %dma_wait3A_114 = arith.constant 0 : i32
      %dma_wait3A_115 = tpu.memref_slice %arg2[%add3A_46, %dma_wait3A_113, %dma_wait3A_114] : memref<4x10008x128xf32, #tpu.memory_space<hbm>> -> memref<1x10008x128xf32, #tpu.memory_space<hbm>>
      %dma_wait3A_116 = tpu.memref_squeeze %dma_wait3A_115 : memref<1x10008x128xf32, #tpu.memory_space<hbm>> -> memref<10008x128xf32, #tpu.memory_space<hbm>>
      %dma_wait3A_117 = arith.constant 0 : i32
      %dma_wait3A_118 = arith.constant 0 : i32
      %dma_wait3A_119 = tpu.memref_slice %dma_wait3A_116[%dma_wait3A_117, %dma_wait3A_118] : memref<10008x128xf32, #tpu.memory_space<hbm>> -> memref<10008x128xf32, #tpu.memory_space<hbm>>
      tpu.wait_indirect_dma semaphore(%arg11 : memref<!tpu.dma_semaphore, #tpu.memory_space<semaphore_mem>>) src(%dma_wait3A_119 : memref<10008x128xf32, #tpu.memory_space<hbm>>) dst(%arg8 : memref<128x128xf32, #tpu.memory_space<vmem>>)
      "tpu.region"() ({
        %run_scoped3A = tpu.sem_alloc : memref<!tpu.dma_semaphore, #tpu.memory_space<semaphore_mem>>
        %dma_start3A_136 = arith.constant 0 : i32
        %dma_start3A_137 = tpu.memref_slice %arg7[%mul3A_96, %dma_start3A_136] : memref<40x128xi32, #tpu.memory_space<vmem>> -> memref<1x128xi32, #tpu.memory_space<vmem>>
        %dma_start3A_138 = tpu.memref_squeeze %dma_start3A_137 : memref<1x128xi32, #tpu.memory_space<vmem>> -> memref<128xi32, #tpu.memory_space<vmem>>
        %dma_start3A_139 = arith.constant 0 : i32
        %dma_start3A_140 = arith.constant 0 : i32
        %dma_start3A_141 = tpu.memref_slice %arg10[%dma_start3A_139, %dma_start3A_140] : memref<10008x128xf32, #tpu.memory_space<vmem_shared>> -> memref<10008x128xf32, #tpu.memory_space<vmem_shared>>
        tpu.enqueue_indirect_dma source(%arg8 : memref<128x128xf32, #tpu.memory_space<vmem>>) target(%dma_start3A_141 : memref<10008x128xf32, #tpu.memory_space<vmem_shared>>) offsets(%dma_start3A_138 : memref<128xi32, #tpu.memory_space<vmem>>) semaphore(%run_scoped3A : memref<!tpu.dma_semaphore, #tpu.memory_space<semaphore_mem>>) {add = true}
        %dma_wait3A_142 = arith.constant 0 : i32
        %dma_wait3A_143 = tpu.memref_slice %arg7[%mul3A_96, %dma_wait3A_142] : memref<40x128xi32, #tpu.memory_space<vmem>> -> memref<1x128xi32, #tpu.memory_space<vmem>>
        %dma_wait3A_144 = tpu.memref_squeeze %dma_wait3A_143 : memref<1x128xi32, #tpu.memory_space<vmem>> -> memref<128xi32, #tpu.memory_space<vmem>>
        %dma_wait3A_145 = arith.constant 0 : i32
        %dma_wait3A_146 = arith.constant 0 : i32
        %dma_wait3A_147 = tpu.memref_slice %arg10[%dma_wait3A_145, %dma_wait3A_146] : memref<10008x128xf32, #tpu.memory_space<vmem_shared>> -> memref<10008x128xf32, #tpu.memory_space<vmem_shared>>
        tpu.wait_indirect_dma semaphore(%run_scoped3A : memref<!tpu.dma_semaphore, #tpu.memory_space<semaphore_mem>>) src(%arg8 : memref<128x128xf32, #tpu.memory_space<vmem>>) dst(%dma_wait3A_147 : memref<10008x128xf32, #tpu.memory_space<vmem_shared>>)
        tpu.yield
      }) : () -> ()
      %add3A_120 = arith.constant 2 : i32
      %add3A_121 = arith.addi %mul3A_96, %add3A_120 : i32
      %lt3A = arith.constant 40 : i32
      %lt3A_122 = arith.cmpi slt, %add3A_121, %lt3A : i32
      %convert_element_type3A_123 = arith.extui %lt3A_122 : i1 to i32
      %cond3A_124 = arith.constant 0 : i32
      %cond3A_125 = arith.cmpi ne, %convert_element_type3A_123, %cond3A_124 : i32
      scf.if %cond3A_125 {
        %add3A_136 = arith.constant 2 : i32
        %add3A_137 = arith.addi %mul3A_96, %add3A_136 : i32
        %dma_start3A_138 = arith.constant 0 : i32
        %dma_start3A_139 = tpu.memref_slice %arg6[%add3A_137, %dma_start3A_138] : memref<40x128xi32, #tpu.memory_space<vmem>> -> memref<1x128xi32, #tpu.memory_space<vmem>>
        %dma_start3A_140 = tpu.memref_squeeze %dma_start3A_139 : memref<1x128xi32, #tpu.memory_space<vmem>> -> memref<128xi32, #tpu.memory_space<vmem>>
        %dma_start3A_141 = arith.constant 0 : i32
        %dma_start3A_142 = arith.constant 0 : i32
        %dma_start3A_143 = tpu.memref_slice %arg2[%add3A_46, %dma_start3A_141, %dma_start3A_142] : memref<4x10008x128xf32, #tpu.memory_space<hbm>> -> memref<1x10008x128xf32, #tpu.memory_space<hbm>>
        %dma_start3A_144 = tpu.memref_squeeze %dma_start3A_143 : memref<1x10008x128xf32, #tpu.memory_space<hbm>> -> memref<10008x128xf32, #tpu.memory_space<hbm>>
        %dma_start3A_145 = arith.constant 0 : i32
        %dma_start3A_146 = arith.constant 0 : i32
        %dma_start3A_147 = tpu.memref_slice %dma_start3A_144[%dma_start3A_145, %dma_start3A_146] : memref<10008x128xf32, #tpu.memory_space<hbm>> -> memref<10008x128xf32, #tpu.memory_space<hbm>>
        tpu.enqueue_indirect_dma source(%dma_start3A_147 : memref<10008x128xf32, #tpu.memory_space<hbm>>) target(%arg8 : memref<128x128xf32, #tpu.memory_space<vmem>>) offsets(%dma_start3A_140 : memref<128xi32, #tpu.memory_space<vmem>>) semaphore(%arg11 : memref<!tpu.dma_semaphore, #tpu.memory_space<semaphore_mem>>)
      } else {
      }
      %dma_wait3A_126 = arith.constant 0 : i32
      %dma_wait3A_127 = tpu.memref_slice %arg6[%add3A_100, %dma_wait3A_126] : memref<40x128xi32, #tpu.memory_space<vmem>> -> memref<1x128xi32, #tpu.memory_space<vmem>>
      %dma_wait3A_128 = tpu.memref_squeeze %dma_wait3A_127 : memref<1x128xi32, #tpu.memory_space<vmem>> -> memref<128xi32, #tpu.memory_space<vmem>>
      %dma_wait3A_129 = arith.constant 0 : i32
      %dma_wait3A_130 = arith.constant 0 : i32
      %dma_wait3A_131 = tpu.memref_slice %arg2[%add3A_46, %dma_wait3A_129, %dma_wait3A_130] : memref<4x10008x128xf32, #tpu.memory_space<hbm>> -> memref<1x10008x128xf32, #tpu.memory_space<hbm>>
      %dma_wait3A_132 = tpu.memref_squeeze %dma_wait3A_131 : memref<1x10008x128xf32, #tpu.memory_space<hbm>> -> memref<10008x128xf32, #tpu.memory_space<hbm>>
      %dma_wait3A_133 = arith.constant 0 : i32
      %dma_wait3A_134 = arith.constant 0 : i32
      %dma_wait3A_135 = tpu.memref_slice %dma_wait3A_132[%dma_wait3A_133, %dma_wait3A_134] : memref<10008x128xf32, #tpu.memory_space<hbm>> -> memref<10008x128xf32, #tpu.memory_space<hbm>>
      tpu.wait_indirect_dma semaphore(%arg12 : memref<!tpu.dma_semaphore, #tpu.memory_space<semaphore_mem>>) src(%dma_wait3A_135 : memref<10008x128xf32, #tpu.memory_space<hbm>>) dst(%arg9 : memref<128x128xf32, #tpu.memory_space<vmem>>)
      "tpu.region"() ({
        %run_scoped3A = tpu.sem_alloc : memref<!tpu.dma_semaphore, #tpu.memory_space<semaphore_mem>>
        %dma_start3A_136 = arith.constant 0 : i32
        %dma_start3A_137 = tpu.memref_slice %arg7[%add3A_100, %dma_start3A_136] : memref<40x128xi32, #tpu.memory_space<vmem>> -> memref<1x128xi32, #tpu.memory_space<vmem>>
        %dma_start3A_138 = tpu.memref_squeeze %dma_start3A_137 : memref<1x128xi32, #tpu.memory_space<vmem>> -> memref<128xi32, #tpu.memory_space<vmem>>
        %dma_start3A_139 = arith.constant 0 : i32
        %dma_start3A_140 = arith.constant 0 : i32
        %dma_start3A_141 = tpu.memref_slice %arg10[%dma_start3A_139, %dma_start3A_140] : memref<10008x128xf32, #tpu.memory_space<vmem_shared>> -> memref<10008x128xf32, #tpu.memory_space<vmem_shared>>
        tpu.enqueue_indirect_dma source(%arg9 : memref<128x128xf32, #tpu.memory_space<vmem>>) target(%dma_start3A_141 : memref<10008x128xf32, #tpu.memory_space<vmem_shared>>) offsets(%dma_start3A_138 : memref<128xi32, #tpu.memory_space<vmem>>) semaphore(%run_scoped3A : memref<!tpu.dma_semaphore, #tpu.memory_space<semaphore_mem>>) {add = true}
        %dma_wait3A_142 = arith.constant 0 : i32
        %dma_wait3A_143 = tpu.memref_slice %arg7[%add3A_100, %dma_wait3A_142] : memref<40x128xi32, #tpu.memory_space<vmem>> -> memref<1x128xi32, #tpu.memory_space<vmem>>
        %dma_wait3A_144 = tpu.memref_squeeze %dma_wait3A_143 : memref<1x128xi32, #tpu.memory_space<vmem>> -> memref<128xi32, #tpu.memory_space<vmem>>
        %dma_wait3A_145 = arith.constant 0 : i32
        %dma_wait3A_146 = arith.constant 0 : i32
        %dma_wait3A_147 = tpu.memref_slice %arg10[%dma_wait3A_145, %dma_wait3A_146] : memref<10008x128xf32, #tpu.memory_space<vmem_shared>> -> memref<10008x128xf32, #tpu.memory_space<vmem_shared>>
        tpu.wait_indirect_dma semaphore(%run_scoped3A : memref<!tpu.dma_semaphore, #tpu.memory_space<semaphore_mem>>) src(%arg9 : memref<128x128xf32, #tpu.memory_space<vmem>>) dst(%dma_wait3A_147 : memref<10008x128xf32, #tpu.memory_space<vmem_shared>>)
        tpu.yield
      }) : () -> ()
    }
    %scan3A_86 = arith.constant 20 : i32
    %barrier3A_87 = arith.constant 0 : index
    tpu.barrier barrier_id(%barrier3A_87)
    %eq3A_88 = arith.constant 0 : i32
    %eq3A_89 = arith.cmpi eq, %arg1, %eq3A_88 : i32
    %convert_element_type3A_90 = arith.extui %eq3A_89 : i1 to i32
    %cond3A_91 = arith.constant 0 : i32
    %cond3A_92 = arith.cmpi ne, %convert_element_type3A_90, %cond3A_91 : i32
    scf.if %cond3A_92 {
      "tpu.region"() ({
        %run_scoped3A = tpu.sem_alloc : memref<!tpu.dma_semaphore, #tpu.memory_space<semaphore_mem>>
        %dma_start3A_94 = arith.constant 0 : i32
        %dma_start3A_95 = arith.constant 0 : i32
        %dma_start3A_96 = tpu.memref_slice %arg5[%add3A_46, %dma_start3A_94, %dma_start3A_95] : memref<4x10008x128xf32, #tpu.memory_space<hbm>> -> memref<1x10008x128xf32, #tpu.memory_space<hbm>>
        %dma_start3A_97 = tpu.memref_squeeze %dma_start3A_96 : memref<1x10008x128xf32, #tpu.memory_space<hbm>> -> memref<10008x128xf32, #tpu.memory_space<hbm>>
        tpu.enqueue_dma source(%arg10 : memref<10008x128xf32, #tpu.memory_space<vmem_shared>>) target(%dma_start3A_97 : memref<10008x128xf32, #tpu.memory_space<hbm>>) target_semaphore(%run_scoped3A : memref<!tpu.dma_semaphore, #tpu.memory_space<semaphore_mem>>)
        %dma_wait3A = arith.constant 0 : i32
        %dma_wait3A_98 = arith.constant 0 : i32
        %dma_wait3A_99 = tpu.memref_slice %arg5[%add3A_46, %dma_wait3A, %dma_wait3A_98] : memref<4x10008x128xf32, #tpu.memory_space<hbm>> -> memref<1x10008x128xf32, #tpu.memory_space<hbm>>
        %dma_wait3A_100 = tpu.memref_squeeze %dma_wait3A_99 : memref<1x10008x128xf32, #tpu.memory_space<hbm>> -> memref<10008x128xf32, #tpu.memory_space<hbm>>
        tpu.wait_dma2 semaphore(%run_scoped3A : memref<!tpu.dma_semaphore, #tpu.memory_space<semaphore_mem>>) src(%arg10 : memref<10008x128xf32, #tpu.memory_space<vmem_shared>>) dst(%dma_wait3A_100 : memref<10008x128xf32, #tpu.memory_space<hbm>>)
        tpu.yield
      }) : () -> ()
    } else {
    }
    %barrier3A_93 = arith.constant 0 : index
    tpu.barrier barrier_id(%barrier3A_93)
    return
  }
}

#map = affine_map<(d0, d1) -> (0, 0, 0)>
module attributes {stable_mosaic.version = 14 : i64} {
  func.func @_scatter_body(%arg0: i32, %arg1: i32, %arg2: memref<4x10008x128xf32, #tpu.memory_space<hbm>>, %arg3: memref<16x80x128xi32, #tpu.memory_space<hbm>>, %arg4: memref<16x80x128xi32, #tpu.memory_space<hbm>>, %arg5: memref<4x10008x128xf32, #tpu.memory_space<hbm>>, %arg6: memref<40x128xi32, #tpu.memory_space<vmem>>, %arg7: memref<40x128xi32, #tpu.memory_space<vmem>>, %arg8: memref<128x128xf32, #tpu.memory_space<vmem>>, %arg9: memref<128x128xf32, #tpu.memory_space<vmem>>, %arg10: memref<10008x128xf32, #tpu.memory_space<vmem_shared>>, %arg11: memref<!tpu.dma_semaphore, #tpu.memory_space<semaphore_mem>>, %arg12: memref<!tpu.dma_semaphore, #tpu.memory_space<semaphore_mem>>) attributes {dimension_semantics = [#tpu.dimension_semantics<core_parallel>, #tpu.dimension_semantics<subcore_parallel>], iteration_bounds = array<i64: 2, 16>, scalar_prefetch = 0 : i64, scratch_operands = 7 : i64, tpu.core_type = #tpu.core_type<sc_vector_subcore>, window_params = [{transform_indices = #map}, {transform_indices = #map}, {transform_indices = #map}, {transform_indices = #map}]} {
    %mul3A = arith.constant 2 : i32
    %mul3A_0 = arith.muli %arg0, %mul3A : i32
    %add3A = arith.constant 0 : i32
    %add3A_1 = arith.addi %mul3A_0, %add3A : i32
    %eq3A = arith.constant 0 : i32
    %eq3A_2 = arith.cmpi eq, %arg1, %eq3A : i32
    %convert_element_type3A = arith.extui %eq3A_2 : i1 to i32
    %cond3A = arith.constant 0 : i32
    %cond3A_3 = arith.cmpi ne, %convert_element_type3A, %cond3A : i32
    scf.if %cond3A_3 {
      "tpu.region"() ({
        %run_scoped3A = tpu.sem_alloc : memref<!tpu.dma_semaphore, #tpu.memory_space<semaphore_mem>>
        %dma_start3A_94 = arith.constant 0 : i32
        %dma_start3A_95 = arith.constant 0 : i32
        %dma_start3A_96 = tpu.memref_slice %arg2[%add3A_1, %dma_start3A_94, %dma_start3A_95] : memref<4x10008x128xf32, #tpu.memory_space<hbm>> -> memref<1x10008x128xf32, #tpu.memory_space<hbm>>
        %dma_start3A_97 = tpu.memref_squeeze %dma_start3A_96 : memref<1x10008x128xf32, #tpu.memory_space<hbm>> -> memref<10008x128xf32, #tpu.memory_space<hbm>>
        tpu.enqueue_dma source(%dma_start3A_97 : memref<10008x128xf32, #tpu.memory_space<hbm>>) target(%arg10 : memref<10008x128xf32, #tpu.memory_space<vmem_shared>>) target_semaphore(%run_scoped3A : memref<!tpu.dma_semaphore, #tpu.memory_space<semaphore_mem>>)
        %dma_wait3A = arith.constant 0 : i32
        %dma_wait3A_98 = arith.constant 0 : i32
        %dma_wait3A_99 = tpu.memref_slice %arg2[%add3A_1, %dma_wait3A, %dma_wait3A_98] : memref<4x10008x128xf32, #tpu.memory_space<hbm>> -> memref<1x10008x128xf32, #tpu.memory_space<hbm>>
        %dma_wait3A_100 = tpu.memref_squeeze %dma_wait3A_99 : memref<1x10008x128xf32, #tpu.memory_space<hbm>> -> memref<10008x128xf32, #tpu.memory_space<hbm>>
        tpu.wait_dma2 semaphore(%run_scoped3A : memref<!tpu.dma_semaphore, #tpu.memory_space<semaphore_mem>>) src(%dma_wait3A_100 : memref<10008x128xf32, #tpu.memory_space<hbm>>) dst(%arg10 : memref<10008x128xf32, #tpu.memory_space<vmem_shared>>)
        tpu.yield
      }) : () -> ()
    } else {
    }
    %barrier3A = arith.constant 0 : index
    tpu.barrier barrier_id(%barrier3A)
    "tpu.region"() ({
      %run_scoped3A = tpu.sem_alloc : memref<!tpu.dma_semaphore, #tpu.memory_space<semaphore_mem>>
      %dma_start3A_94 = arith.constant 0 : i32
      %dma_start3A_95 = arith.constant 0 : i32
      %dma_start3A_96 = tpu.memref_slice %arg3[%arg1, %dma_start3A_94, %dma_start3A_95] : memref<16x80x128xi32, #tpu.memory_space<hbm>> -> memref<1x80x128xi32, #tpu.memory_space<hbm>>
      %dma_start3A_97 = tpu.memref_squeeze %dma_start3A_96 : memref<1x80x128xi32, #tpu.memory_space<hbm>> -> memref<80x128xi32, #tpu.memory_space<hbm>>
      %dma_start3A_98 = arith.constant 0 : i32
      %dma_start3A_99 = arith.constant 0 : i32
      %dma_start3A_100 = tpu.memref_slice %dma_start3A_97[%dma_start3A_98, %dma_start3A_99] : memref<80x128xi32, #tpu.memory_space<hbm>> -> memref<40x128xi32, #tpu.memory_space<hbm>>
      %dma_start3A_101 = arith.constant 0 : i32
      %dma_start3A_102 = arith.constant 0 : i32
      %dma_start3A_103 = tpu.memref_slice %arg3[%arg1, %dma_start3A_101, %dma_start3A_102] : memref<16x80x128xi32, #tpu.memory_space<hbm>> -> memref<1x80x128xi32, #tpu.memory_space<hbm>>
      %dma_start3A_104 = tpu.memref_squeeze %dma_start3A_103 : memref<1x80x128xi32, #tpu.memory_space<hbm>> -> memref<80x128xi32, #tpu.memory_space<hbm>>
      %dma_start3A_105 = arith.constant 0 : i32
      %dma_start3A_106 = arith.constant 0 : i32
      %dma_start3A_107 = tpu.memref_slice %dma_start3A_104[%dma_start3A_105, %dma_start3A_106] : memref<80x128xi32, #tpu.memory_space<hbm>> -> memref<40x128xi32, #tpu.memory_space<hbm>>
      tpu.enqueue_dma source(%dma_start3A_107 : memref<40x128xi32, #tpu.memory_space<hbm>>) target(%arg6 : memref<40x128xi32, #tpu.memory_space<vmem>>) target_semaphore(%run_scoped3A : memref<!tpu.dma_semaphore, #tpu.memory_space<semaphore_mem>>)
      %dma_wait3A = arith.constant 0 : i32
      %dma_wait3A_108 = arith.constant 0 : i32
      %dma_wait3A_109 = tpu.memref_slice %arg3[%arg1, %dma_wait3A, %dma_wait3A_108] : memref<16x80x128xi32, #tpu.memory_space<hbm>> -> memref<1x80x128xi32, #tpu.memory_space<hbm>>
      %dma_wait3A_110 = tpu.memref_squeeze %dma_wait3A_109 : memref<1x80x128xi32, #tpu.memory_space<hbm>> -> memref<80x128xi32, #tpu.memory_space<hbm>>
      %dma_wait3A_111 = arith.constant 0 : i32
      %dma_wait3A_112 = arith.constant 0 : i32
      %dma_wait3A_113 = tpu.memref_slice %dma_wait3A_110[%dma_wait3A_111, %dma_wait3A_112] : memref<80x128xi32, #tpu.memory_space<hbm>> -> memref<40x128xi32, #tpu.memory_space<hbm>>
      %dma_wait3A_114 = arith.constant 0 : i32
      %dma_wait3A_115 = arith.constant 0 : i32
      %dma_wait3A_116 = tpu.memref_slice %arg3[%arg1, %dma_wait3A_114, %dma_wait3A_115] : memref<16x80x128xi32, #tpu.memory_space<hbm>> -> memref<1x80x128xi32, #tpu.memory_space<hbm>>
      %dma_wait3A_117 = tpu.memref_squeeze %dma_wait3A_116 : memref<1x80x128xi32, #tpu.memory_space<hbm>> -> memref<80x128xi32, #tpu.memory_space<hbm>>
      %dma_wait3A_118 = arith.constant 0 : i32
      %dma_wait3A_119 = arith.constant 0 : i32
      %dma_wait3A_120 = tpu.memref_slice %dma_wait3A_117[%dma_wait3A_118, %dma_wait3A_119] : memref<80x128xi32, #tpu.memory_space<hbm>> -> memref<40x128xi32, #tpu.memory_space<hbm>>
      tpu.wait_dma2 semaphore(%run_scoped3A : memref<!tpu.dma_semaphore, #tpu.memory_space<semaphore_mem>>) src(%dma_wait3A_120 : memref<40x128xi32, #tpu.memory_space<hbm>>) dst(%arg6 : memref<40x128xi32, #tpu.memory_space<vmem>>)
      tpu.yield
    }) : () -> ()
    "tpu.region"() ({
      %run_scoped3A = tpu.sem_alloc : memref<!tpu.dma_semaphore, #tpu.memory_space<semaphore_mem>>
      %dma_start3A_94 = arith.constant 0 : i32
      %dma_start3A_95 = arith.constant 0 : i32
      %dma_start3A_96 = tpu.memref_slice %arg4[%arg1, %dma_start3A_94, %dma_start3A_95] : memref<16x80x128xi32, #tpu.memory_space<hbm>> -> memref<1x80x128xi32, #tpu.memory_space<hbm>>
      %dma_start3A_97 = tpu.memref_squeeze %dma_start3A_96 : memref<1x80x128xi32, #tpu.memory_space<hbm>> -> memref<80x128xi32, #tpu.memory_space<hbm>>
      %dma_start3A_98 = arith.constant 0 : i32
      %dma_start3A_99 = arith.constant 0 : i32
      %dma_start3A_100 = tpu.memref_slice %dma_start3A_97[%dma_start3A_98, %dma_start3A_99] : memref<80x128xi32, #tpu.memory_space<hbm>> -> memref<40x128xi32, #tpu.memory_space<hbm>>
      %dma_start3A_101 = arith.constant 0 : i32
      %dma_start3A_102 = arith.constant 0 : i32
      %dma_start3A_103 = tpu.memref_slice %arg4[%arg1, %dma_start3A_101, %dma_start3A_102] : memref<16x80x128xi32, #tpu.memory_space<hbm>> -> memref<1x80x128xi32, #tpu.memory_space<hbm>>
      %dma_start3A_104 = tpu.memref_squeeze %dma_start3A_103 : memref<1x80x128xi32, #tpu.memory_space<hbm>> -> memref<80x128xi32, #tpu.memory_space<hbm>>
      %dma_start3A_105 = arith.constant 0 : i32
      %dma_start3A_106 = arith.constant 0 : i32
      %dma_start3A_107 = tpu.memref_slice %dma_start3A_104[%dma_start3A_105, %dma_start3A_106] : memref<80x128xi32, #tpu.memory_space<hbm>> -> memref<40x128xi32, #tpu.memory_space<hbm>>
      tpu.enqueue_dma source(%dma_start3A_107 : memref<40x128xi32, #tpu.memory_space<hbm>>) target(%arg7 : memref<40x128xi32, #tpu.memory_space<vmem>>) target_semaphore(%run_scoped3A : memref<!tpu.dma_semaphore, #tpu.memory_space<semaphore_mem>>)
      %dma_wait3A = arith.constant 0 : i32
      %dma_wait3A_108 = arith.constant 0 : i32
      %dma_wait3A_109 = tpu.memref_slice %arg4[%arg1, %dma_wait3A, %dma_wait3A_108] : memref<16x80x128xi32, #tpu.memory_space<hbm>> -> memref<1x80x128xi32, #tpu.memory_space<hbm>>
      %dma_wait3A_110 = tpu.memref_squeeze %dma_wait3A_109 : memref<1x80x128xi32, #tpu.memory_space<hbm>> -> memref<80x128xi32, #tpu.memory_space<hbm>>
      %dma_wait3A_111 = arith.constant 0 : i32
      %dma_wait3A_112 = arith.constant 0 : i32
      %dma_wait3A_113 = tpu.memref_slice %dma_wait3A_110[%dma_wait3A_111, %dma_wait3A_112] : memref<80x128xi32, #tpu.memory_space<hbm>> -> memref<40x128xi32, #tpu.memory_space<hbm>>
      %dma_wait3A_114 = arith.constant 0 : i32
      %dma_wait3A_115 = arith.constant 0 : i32
      %dma_wait3A_116 = tpu.memref_slice %arg4[%arg1, %dma_wait3A_114, %dma_wait3A_115] : memref<16x80x128xi32, #tpu.memory_space<hbm>> -> memref<1x80x128xi32, #tpu.memory_space<hbm>>
      %dma_wait3A_117 = tpu.memref_squeeze %dma_wait3A_116 : memref<1x80x128xi32, #tpu.memory_space<hbm>> -> memref<80x128xi32, #tpu.memory_space<hbm>>
      %dma_wait3A_118 = arith.constant 0 : i32
      %dma_wait3A_119 = arith.constant 0 : i32
      %dma_wait3A_120 = tpu.memref_slice %dma_wait3A_117[%dma_wait3A_118, %dma_wait3A_119] : memref<80x128xi32, #tpu.memory_space<hbm>> -> memref<40x128xi32, #tpu.memory_space<hbm>>
      tpu.wait_dma2 semaphore(%run_scoped3A : memref<!tpu.dma_semaphore, #tpu.memory_space<semaphore_mem>>) src(%dma_wait3A_120 : memref<40x128xi32, #tpu.memory_space<hbm>>) dst(%arg7 : memref<40x128xi32, #tpu.memory_space<vmem>>)
      tpu.yield
    }) : () -> ()
    %dma_start3A = arith.constant 0 : i32
    %dma_start3A_4 = arith.constant 0 : i32
    %dma_start3A_5 = tpu.memref_slice %arg6[%dma_start3A, %dma_start3A_4] : memref<40x128xi32, #tpu.memory_space<vmem>> -> memref<1x128xi32, #tpu.memory_space<vmem>>
    %dma_start3A_6 = tpu.memref_squeeze %dma_start3A_5 : memref<1x128xi32, #tpu.memory_space<vmem>> -> memref<128xi32, #tpu.memory_space<vmem>>
    %dma_start3A_7 = arith.constant 0 : i32
    %dma_start3A_8 = arith.constant 0 : i32
    %dma_start3A_9 = tpu.memref_slice %arg2[%add3A_1, %dma_start3A_7, %dma_start3A_8] : memref<4x10008x128xf32, #tpu.memory_space<hbm>> -> memref<1x10008x128xf32, #tpu.memory_space<hbm>>
    %dma_start3A_10 = tpu.memref_squeeze %dma_start3A_9 : memref<1x10008x128xf32, #tpu.memory_space<hbm>> -> memref<10008x128xf32, #tpu.memory_space<hbm>>
    %dma_start3A_11 = arith.constant 0 : i32
    %dma_start3A_12 = arith.constant 0 : i32
    %dma_start3A_13 = tpu.memref_slice %dma_start3A_10[%dma_start3A_11, %dma_start3A_12] : memref<10008x128xf32, #tpu.memory_space<hbm>> -> memref<10008x128xf32, #tpu.memory_space<hbm>>
    tpu.enqueue_indirect_dma source(%dma_start3A_13 : memref<10008x128xf32, #tpu.memory_space<hbm>>) target(%arg8 : memref<128x128xf32, #tpu.memory_space<vmem>>) offsets(%dma_start3A_6 : memref<128xi32, #tpu.memory_space<vmem>>) semaphore(%arg11 : memref<!tpu.dma_semaphore, #tpu.memory_space<semaphore_mem>>)
    %scan3A = arith.constant 0 : i32
    %scan3A_14 = arith.constant 0 : i32
    %scan3A_15 = arith.constant 20 : i32
    %scan3A_16 = arith.addi %scan3A_14, %scan3A_15 : i32
    %scan3A_17 = arith.constant 1 : i32
    scf.for %scan3A_94 = %scan3A_14 to %scan3A_16 step %scan3A_17  : i32 {
      %mul3A_95 = arith.constant 2 : i32
      %mul3A_96 = arith.muli %mul3A_95, %scan3A_94 : i32
      %mul3A_97 = arith.constant 2 : i32
      %mul3A_98 = arith.muli %mul3A_97, %scan3A_94 : i32
      %add3A_99 = arith.constant 1 : i32
      %add3A_100 = arith.addi %mul3A_98, %add3A_99 : i32
      %dma_start3A_101 = arith.constant 0 : i32
      %dma_start3A_102 = tpu.memref_slice %arg6[%add3A_100, %dma_start3A_101] : memref<40x128xi32, #tpu.memory_space<vmem>> -> memref<1x128xi32, #tpu.memory_space<vmem>>
      %dma_start3A_103 = tpu.memref_squeeze %dma_start3A_102 : memref<1x128xi32, #tpu.memory_space<vmem>> -> memref<128xi32, #tpu.memory_space<vmem>>
      %dma_start3A_104 = arith.constant 0 : i32
      %dma_start3A_105 = arith.constant 0 : i32
      %dma_start3A_106 = tpu.memref_slice %arg2[%add3A_1, %dma_start3A_104, %dma_start3A_105] : memref<4x10008x128xf32, #tpu.memory_space<hbm>> -> memref<1x10008x128xf32, #tpu.memory_space<hbm>>
      %dma_start3A_107 = tpu.memref_squeeze %dma_start3A_106 : memref<1x10008x128xf32, #tpu.memory_space<hbm>> -> memref<10008x128xf32, #tpu.memory_space<hbm>>
      %dma_start3A_108 = arith.constant 0 : i32
      %dma_start3A_109 = arith.constant 0 : i32
      %dma_start3A_110 = tpu.memref_slice %dma_start3A_107[%dma_start3A_108, %dma_start3A_109] : memref<10008x128xf32, #tpu.memory_space<hbm>> -> memref<10008x128xf32, #tpu.memory_space<hbm>>
      tpu.enqueue_indirect_dma source(%dma_start3A_110 : memref<10008x128xf32, #tpu.memory_space<hbm>>) target(%arg9 : memref<128x128xf32, #tpu.memory_space<vmem>>) offsets(%dma_start3A_103 : memref<128xi32, #tpu.memory_space<vmem>>) semaphore(%arg12 : memref<!tpu.dma_semaphore, #tpu.memory_space<semaphore_mem>>)
      %dma_wait3A = arith.constant 0 : i32
      %dma_wait3A_111 = tpu.memref_slice %arg6[%mul3A_96, %dma_wait3A] : memref<40x128xi32, #tpu.memory_space<vmem>> -> memref<1x128xi32, #tpu.memory_space<vmem>>
      %dma_wait3A_112 = tpu.memref_squeeze %dma_wait3A_111 : memref<1x128xi32, #tpu.memory_space<vmem>> -> memref<128xi32, #tpu.memory_space<vmem>>
      %dma_wait3A_113 = arith.constant 0 : i32
      %dma_wait3A_114 = arith.constant 0 : i32
      %dma_wait3A_115 = tpu.memref_slice %arg2[%add3A_1, %dma_wait3A_113, %dma_wait3A_114] : memref<4x10008x128xf32, #tpu.memory_space<hbm>> -> memref<1x10008x128xf32, #tpu.memory_space<hbm>>
      %dma_wait3A_116 = tpu.memref_squeeze %dma_wait3A_115 : memref<1x10008x128xf32, #tpu.memory_space<hbm>> -> memref<10008x128xf32, #tpu.memory_space<hbm>>
      %dma_wait3A_117 = arith.constant 0 : i32
      %dma_wait3A_118 = arith.constant 0 : i32
      %dma_wait3A_119 = tpu.memref_slice %dma_wait3A_116[%dma_wait3A_117, %dma_wait3A_118] : memref<10008x128xf32, #tpu.memory_space<hbm>> -> memref<10008x128xf32, #tpu.memory_space<hbm>>
      tpu.wait_indirect_dma semaphore(%arg11 : memref<!tpu.dma_semaphore, #tpu.memory_space<semaphore_mem>>) src(%dma_wait3A_119 : memref<10008x128xf32, #tpu.memory_space<hbm>>) dst(%arg8 : memref<128x128xf32, #tpu.memory_space<vmem>>)
      "tpu.region"() ({
        %run_scoped3A = tpu.sem_alloc : memref<!tpu.dma_semaphore, #tpu.memory_space<semaphore_mem>>
        %dma_start3A_136 = arith.constant 0 : i32
        %dma_start3A_137 = tpu.memref_slice %arg7[%mul3A_96, %dma_start3A_136] : memref<40x128xi32, #tpu.memory_space<vmem>> -> memref<1x128xi32, #tpu.memory_space<vmem>>
        %dma_start3A_138 = tpu.memref_squeeze %dma_start3A_137 : memref<1x128xi32, #tpu.memory_space<vmem>> -> memref<128xi32, #tpu.memory_space<vmem>>
        %dma_start3A_139 = arith.constant 0 : i32
        %dma_start3A_140 = arith.constant 0 : i32
        %dma_start3A_141 = tpu.memref_slice %arg10[%dma_start3A_139, %dma_start3A_140] : memref<10008x128xf32, #tpu.memory_space<vmem_shared>> -> memref<10008x128xf32, #tpu.memory_space<vmem_shared>>
        tpu.enqueue_indirect_dma source(%arg8 : memref<128x128xf32, #tpu.memory_space<vmem>>) target(%dma_start3A_141 : memref<10008x128xf32, #tpu.memory_space<vmem_shared>>) offsets(%dma_start3A_138 : memref<128xi32, #tpu.memory_space<vmem>>) semaphore(%run_scoped3A : memref<!tpu.dma_semaphore, #tpu.memory_space<semaphore_mem>>) {add = true}
        %dma_wait3A_142 = arith.constant 0 : i32
        %dma_wait3A_143 = tpu.memref_slice %arg7[%mul3A_96, %dma_wait3A_142] : memref<40x128xi32, #tpu.memory_space<vmem>> -> memref<1x128xi32, #tpu.memory_space<vmem>>
        %dma_wait3A_144 = tpu.memref_squeeze %dma_wait3A_143 : memref<1x128xi32, #tpu.memory_space<vmem>> -> memref<128xi32, #tpu.memory_space<vmem>>
        %dma_wait3A_145 = arith.constant 0 : i32
        %dma_wait3A_146 = arith.constant 0 : i32
        %dma_wait3A_147 = tpu.memref_slice %arg10[%dma_wait3A_145, %dma_wait3A_146] : memref<10008x128xf32, #tpu.memory_space<vmem_shared>> -> memref<10008x128xf32, #tpu.memory_space<vmem_shared>>
        tpu.wait_indirect_dma semaphore(%run_scoped3A : memref<!tpu.dma_semaphore, #tpu.memory_space<semaphore_mem>>) src(%arg8 : memref<128x128xf32, #tpu.memory_space<vmem>>) dst(%dma_wait3A_147 : memref<10008x128xf32, #tpu.memory_space<vmem_shared>>)
        tpu.yield
      }) : () -> ()
      %add3A_120 = arith.constant 2 : i32
      %add3A_121 = arith.addi %mul3A_96, %add3A_120 : i32
      %lt3A = arith.constant 40 : i32
      %lt3A_122 = arith.cmpi slt, %add3A_121, %lt3A : i32
      %convert_element_type3A_123 = arith.extui %lt3A_122 : i1 to i32
      %cond3A_124 = arith.constant 0 : i32
      %cond3A_125 = arith.cmpi ne, %convert_element_type3A_123, %cond3A_124 : i32
      scf.if %cond3A_125 {
        %add3A_136 = arith.constant 2 : i32
        %add3A_137 = arith.addi %mul3A_96, %add3A_136 : i32
        %dma_start3A_138 = arith.constant 0 : i32
        %dma_start3A_139 = tpu.memref_slice %arg6[%add3A_137, %dma_start3A_138] : memref<40x128xi32, #tpu.memory_space<vmem>> -> memref<1x128xi32, #tpu.memory_space<vmem>>
        %dma_start3A_140 = tpu.memref_squeeze %dma_start3A_139 : memref<1x128xi32, #tpu.memory_space<vmem>> -> memref<128xi32, #tpu.memory_space<vmem>>
        %dma_start3A_141 = arith.constant 0 : i32
        %dma_start3A_142 = arith.constant 0 : i32
        %dma_start3A_143 = tpu.memref_slice %arg2[%add3A_1, %dma_start3A_141, %dma_start3A_142] : memref<4x10008x128xf32, #tpu.memory_space<hbm>> -> memref<1x10008x128xf32, #tpu.memory_space<hbm>>
        %dma_start3A_144 = tpu.memref_squeeze %dma_start3A_143 : memref<1x10008x128xf32, #tpu.memory_space<hbm>> -> memref<10008x128xf32, #tpu.memory_space<hbm>>
        %dma_start3A_145 = arith.constant 0 : i32
        %dma_start3A_146 = arith.constant 0 : i32
        %dma_start3A_147 = tpu.memref_slice %dma_start3A_144[%dma_start3A_145, %dma_start3A_146] : memref<10008x128xf32, #tpu.memory_space<hbm>> -> memref<10008x128xf32, #tpu.memory_space<hbm>>
        tpu.enqueue_indirect_dma source(%dma_start3A_147 : memref<10008x128xf32, #tpu.memory_space<hbm>>) target(%arg8 : memref<128x128xf32, #tpu.memory_space<vmem>>) offsets(%dma_start3A_140 : memref<128xi32, #tpu.memory_space<vmem>>) semaphore(%arg11 : memref<!tpu.dma_semaphore, #tpu.memory_space<semaphore_mem>>)
      } else {
      }
      %dma_wait3A_126 = arith.constant 0 : i32
      %dma_wait3A_127 = tpu.memref_slice %arg6[%add3A_100, %dma_wait3A_126] : memref<40x128xi32, #tpu.memory_space<vmem>> -> memref<1x128xi32, #tpu.memory_space<vmem>>
      %dma_wait3A_128 = tpu.memref_squeeze %dma_wait3A_127 : memref<1x128xi32, #tpu.memory_space<vmem>> -> memref<128xi32, #tpu.memory_space<vmem>>
      %dma_wait3A_129 = arith.constant 0 : i32
      %dma_wait3A_130 = arith.constant 0 : i32
      %dma_wait3A_131 = tpu.memref_slice %arg2[%add3A_1, %dma_wait3A_129, %dma_wait3A_130] : memref<4x10008x128xf32, #tpu.memory_space<hbm>> -> memref<1x10008x128xf32, #tpu.memory_space<hbm>>
      %dma_wait3A_132 = tpu.memref_squeeze %dma_wait3A_131 : memref<1x10008x128xf32, #tpu.memory_space<hbm>> -> memref<10008x128xf32, #tpu.memory_space<hbm>>
      %dma_wait3A_133 = arith.constant 0 : i32
      %dma_wait3A_134 = arith.constant 0 : i32
      %dma_wait3A_135 = tpu.memref_slice %dma_wait3A_132[%dma_wait3A_133, %dma_wait3A_134] : memref<10008x128xf32, #tpu.memory_space<hbm>> -> memref<10008x128xf32, #tpu.memory_space<hbm>>
      tpu.wait_indirect_dma semaphore(%arg12 : memref<!tpu.dma_semaphore, #tpu.memory_space<semaphore_mem>>) src(%dma_wait3A_135 : memref<10008x128xf32, #tpu.memory_space<hbm>>) dst(%arg9 : memref<128x128xf32, #tpu.memory_space<vmem>>)
      "tpu.region"() ({
        %run_scoped3A = tpu.sem_alloc : memref<!tpu.dma_semaphore, #tpu.memory_space<semaphore_mem>>
        %dma_start3A_136 = arith.constant 0 : i32
        %dma_start3A_137 = tpu.memref_slice %arg7[%add3A_100, %dma_start3A_136] : memref<40x128xi32, #tpu.memory_space<vmem>> -> memref<1x128xi32, #tpu.memory_space<vmem>>
        %dma_start3A_138 = tpu.memref_squeeze %dma_start3A_137 : memref<1x128xi32, #tpu.memory_space<vmem>> -> memref<128xi32, #tpu.memory_space<vmem>>
        %dma_start3A_139 = arith.constant 0 : i32
        %dma_start3A_140 = arith.constant 0 : i32
        %dma_start3A_141 = tpu.memref_slice %arg10[%dma_start3A_139, %dma_start3A_140] : memref<10008x128xf32, #tpu.memory_space<vmem_shared>> -> memref<10008x128xf32, #tpu.memory_space<vmem_shared>>
        tpu.enqueue_indirect_dma source(%arg9 : memref<128x128xf32, #tpu.memory_space<vmem>>) target(%dma_start3A_141 : memref<10008x128xf32, #tpu.memory_space<vmem_shared>>) offsets(%dma_start3A_138 : memref<128xi32, #tpu.memory_space<vmem>>) semaphore(%run_scoped3A : memref<!tpu.dma_semaphore, #tpu.memory_space<semaphore_mem>>) {add = true}
        %dma_wait3A_142 = arith.constant 0 : i32
        %dma_wait3A_143 = tpu.memref_slice %arg7[%add3A_100, %dma_wait3A_142] : memref<40x128xi32, #tpu.memory_space<vmem>> -> memref<1x128xi32, #tpu.memory_space<vmem>>
        %dma_wait3A_144 = tpu.memref_squeeze %dma_wait3A_143 : memref<1x128xi32, #tpu.memory_space<vmem>> -> memref<128xi32, #tpu.memory_space<vmem>>
        %dma_wait3A_145 = arith.constant 0 : i32
        %dma_wait3A_146 = arith.constant 0 : i32
        %dma_wait3A_147 = tpu.memref_slice %arg10[%dma_wait3A_145, %dma_wait3A_146] : memref<10008x128xf32, #tpu.memory_space<vmem_shared>> -> memref<10008x128xf32, #tpu.memory_space<vmem_shared>>
        tpu.wait_indirect_dma semaphore(%run_scoped3A : memref<!tpu.dma_semaphore, #tpu.memory_space<semaphore_mem>>) src(%arg9 : memref<128x128xf32, #tpu.memory_space<vmem>>) dst(%dma_wait3A_147 : memref<10008x128xf32, #tpu.memory_space<vmem_shared>>)
        tpu.yield
      }) : () -> ()
    }
    %scan3A_18 = arith.constant 20 : i32
    "tpu.region"() ({
      %run_scoped3A = tpu.sem_alloc : memref<!tpu.dma_semaphore, #tpu.memory_space<semaphore_mem>>
      %dma_start3A_94 = arith.constant 0 : i32
      %dma_start3A_95 = arith.constant 0 : i32
      %dma_start3A_96 = tpu.memref_slice %arg3[%arg1, %dma_start3A_94, %dma_start3A_95] : memref<16x80x128xi32, #tpu.memory_space<hbm>> -> memref<1x80x128xi32, #tpu.memory_space<hbm>>
      %dma_start3A_97 = tpu.memref_squeeze %dma_start3A_96 : memref<1x80x128xi32, #tpu.memory_space<hbm>> -> memref<80x128xi32, #tpu.memory_space<hbm>>
      %dma_start3A_98 = arith.constant 40 : i32
      %dma_start3A_99 = arith.constant 0 : i32
      %dma_start3A_100 = tpu.memref_slice %dma_start3A_97[%dma_start3A_98, %dma_start3A_99] : memref<80x128xi32, #tpu.memory_space<hbm>> -> memref<40x128xi32, #tpu.memory_space<hbm>>
      %dma_start3A_101 = arith.constant 0 : i32
      %dma_start3A_102 = arith.constant 0 : i32
      %dma_start3A_103 = tpu.memref_slice %arg3[%arg1, %dma_start3A_101, %dma_start3A_102] : memref<16x80x128xi32, #tpu.memory_space<hbm>> -> memref<1x80x128xi32, #tpu.memory_space<hbm>>
      %dma_start3A_104 = tpu.memref_squeeze %dma_start3A_103 : memref<1x80x128xi32, #tpu.memory_space<hbm>> -> memref<80x128xi32, #tpu.memory_space<hbm>>
      %dma_start3A_105 = arith.constant 40 : i32
      %dma_start3A_106 = arith.constant 0 : i32
      %dma_start3A_107 = tpu.memref_slice %dma_start3A_104[%dma_start3A_105, %dma_start3A_106] : memref<80x128xi32, #tpu.memory_space<hbm>> -> memref<40x128xi32, #tpu.memory_space<hbm>>
      tpu.enqueue_dma source(%dma_start3A_107 : memref<40x128xi32, #tpu.memory_space<hbm>>) target(%arg6 : memref<40x128xi32, #tpu.memory_space<vmem>>) target_semaphore(%run_scoped3A : memref<!tpu.dma_semaphore, #tpu.memory_space<semaphore_mem>>)
      %dma_wait3A = arith.constant 0 : i32
      %dma_wait3A_108 = arith.constant 0 : i32
      %dma_wait3A_109 = tpu.memref_slice %arg3[%arg1, %dma_wait3A, %dma_wait3A_108] : memref<16x80x128xi32, #tpu.memory_space<hbm>> -> memref<1x80x128xi32, #tpu.memory_space<hbm>>
      %dma_wait3A_110 = tpu.memref_squeeze %dma_wait3A_109 : memref<1x80x128xi32, #tpu.memory_space<hbm>> -> memref<80x128xi32, #tpu.memory_space<hbm>>
      %dma_wait3A_111 = arith.constant 40 : i32
      %dma_wait3A_112 = arith.constant 0 : i32
      %dma_wait3A_113 = tpu.memref_slice %dma_wait3A_110[%dma_wait3A_111, %dma_wait3A_112] : memref<80x128xi32, #tpu.memory_space<hbm>> -> memref<40x128xi32, #tpu.memory_space<hbm>>
      %dma_wait3A_114 = arith.constant 0 : i32
      %dma_wait3A_115 = arith.constant 0 : i32
      %dma_wait3A_116 = tpu.memref_slice %arg3[%arg1, %dma_wait3A_114, %dma_wait3A_115] : memref<16x80x128xi32, #tpu.memory_space<hbm>> -> memref<1x80x128xi32, #tpu.memory_space<hbm>>
      %dma_wait3A_117 = tpu.memref_squeeze %dma_wait3A_116 : memref<1x80x128xi32, #tpu.memory_space<hbm>> -> memref<80x128xi32, #tpu.memory_space<hbm>>
      %dma_wait3A_118 = arith.constant 40 : i32
      %dma_wait3A_119 = arith.constant 0 : i32
      %dma_wait3A_120 = tpu.memref_slice %dma_wait3A_117[%dma_wait3A_118, %dma_wait3A_119] : memref<80x128xi32, #tpu.memory_space<hbm>> -> memref<40x128xi32, #tpu.memory_space<hbm>>
      tpu.wait_dma2 semaphore(%run_scoped3A : memref<!tpu.dma_semaphore, #tpu.memory_space<semaphore_mem>>) src(%dma_wait3A_120 : memref<40x128xi32, #tpu.memory_space<hbm>>) dst(%arg6 : memref<40x128xi32, #tpu.memory_space<vmem>>)
      tpu.yield
    }) : () -> ()
    "tpu.region"() ({
      %run_scoped3A = tpu.sem_alloc : memref<!tpu.dma_semaphore, #tpu.memory_space<semaphore_mem>>
      %dma_start3A_94 = arith.constant 0 : i32
      %dma_start3A_95 = arith.constant 0 : i32
      %dma_start3A_96 = tpu.memref_slice %arg4[%arg1, %dma_start3A_94, %dma_start3A_95] : memref<16x80x128xi32, #tpu.memory_space<hbm>> -> memref<1x80x128xi32, #tpu.memory_space<hbm>>
      %dma_start3A_97 = tpu.memref_squeeze %dma_start3A_96 : memref<1x80x128xi32, #tpu.memory_space<hbm>> -> memref<80x128xi32, #tpu.memory_space<hbm>>
      %dma_start3A_98 = arith.constant 40 : i32
      %dma_start3A_99 = arith.constant 0 : i32
      %dma_start3A_100 = tpu.memref_slice %dma_start3A_97[%dma_start3A_98, %dma_start3A_99] : memref<80x128xi32, #tpu.memory_space<hbm>> -> memref<40x128xi32, #tpu.memory_space<hbm>>
      %dma_start3A_101 = arith.constant 0 : i32
      %dma_start3A_102 = arith.constant 0 : i32
      %dma_start3A_103 = tpu.memref_slice %arg4[%arg1, %dma_start3A_101, %dma_start3A_102] : memref<16x80x128xi32, #tpu.memory_space<hbm>> -> memref<1x80x128xi32, #tpu.memory_space<hbm>>
      %dma_start3A_104 = tpu.memref_squeeze %dma_start3A_103 : memref<1x80x128xi32, #tpu.memory_space<hbm>> -> memref<80x128xi32, #tpu.memory_space<hbm>>
      %dma_start3A_105 = arith.constant 40 : i32
      %dma_start3A_106 = arith.constant 0 : i32
      %dma_start3A_107 = tpu.memref_slice %dma_start3A_104[%dma_start3A_105, %dma_start3A_106] : memref<80x128xi32, #tpu.memory_space<hbm>> -> memref<40x128xi32, #tpu.memory_space<hbm>>
      tpu.enqueue_dma source(%dma_start3A_107 : memref<40x128xi32, #tpu.memory_space<hbm>>) target(%arg7 : memref<40x128xi32, #tpu.memory_space<vmem>>) target_semaphore(%run_scoped3A : memref<!tpu.dma_semaphore, #tpu.memory_space<semaphore_mem>>)
      %dma_wait3A = arith.constant 0 : i32
      %dma_wait3A_108 = arith.constant 0 : i32
      %dma_wait3A_109 = tpu.memref_slice %arg4[%arg1, %dma_wait3A, %dma_wait3A_108] : memref<16x80x128xi32, #tpu.memory_space<hbm>> -> memref<1x80x128xi32, #tpu.memory_space<hbm>>
      %dma_wait3A_110 = tpu.memref_squeeze %dma_wait3A_109 : memref<1x80x128xi32, #tpu.memory_space<hbm>> -> memref<80x128xi32, #tpu.memory_space<hbm>>
      %dma_wait3A_111 = arith.constant 40 : i32
      %dma_wait3A_112 = arith.constant 0 : i32
      %dma_wait3A_113 = tpu.memref_slice %dma_wait3A_110[%dma_wait3A_111, %dma_wait3A_112] : memref<80x128xi32, #tpu.memory_space<hbm>> -> memref<40x128xi32, #tpu.memory_space<hbm>>
      %dma_wait3A_114 = arith.constant 0 : i32
      %dma_wait3A_115 = arith.constant 0 : i32
      %dma_wait3A_116 = tpu.memref_slice %arg4[%arg1, %dma_wait3A_114, %dma_wait3A_115] : memref<16x80x128xi32, #tpu.memory_space<hbm>> -> memref<1x80x128xi32, #tpu.memory_space<hbm>>
      %dma_wait3A_117 = tpu.memref_squeeze %dma_wait3A_116 : memref<1x80x128xi32, #tpu.memory_space<hbm>> -> memref<80x128xi32, #tpu.memory_space<hbm>>
      %dma_wait3A_118 = arith.constant 40 : i32
      %dma_wait3A_119 = arith.constant 0 : i32
      %dma_wait3A_120 = tpu.memref_slice %dma_wait3A_117[%dma_wait3A_118, %dma_wait3A_119] : memref<80x128xi32, #tpu.memory_space<hbm>> -> memref<40x128xi32, #tpu.memory_space<hbm>>
      tpu.wait_dma2 semaphore(%run_scoped3A : memref<!tpu.dma_semaphore, #tpu.memory_space<semaphore_mem>>) src(%dma_wait3A_120 : memref<40x128xi32, #tpu.memory_space<hbm>>) dst(%arg7 : memref<40x128xi32, #tpu.memory_space<vmem>>)
      tpu.yield
    }) : () -> ()
    %dma_start3A_19 = arith.constant 0 : i32
    %dma_start3A_20 = arith.constant 0 : i32
    %dma_start3A_21 = tpu.memref_slice %arg6[%dma_start3A_19, %dma_start3A_20] : memref<40x128xi32, #tpu.memory_space<vmem>> -> memref<1x128xi32, #tpu.memory_space<vmem>>
    %dma_start3A_22 = tpu.memref_squeeze %dma_start3A_21 : memref<1x128xi32, #tpu.memory_space<vmem>> -> memref<128xi32, #tpu.memory_space<vmem>>
    %dma_start3A_23 = arith.constant 0 : i32
    %dma_start3A_24 = arith.constant 0 : i32
    %dma_start3A_25 = tpu.memref_slice %arg2[%add3A_1, %dma_start3A_23, %dma_start3A_24] : memref<4x10008x128xf32, #tpu.memory_space<hbm>> -> memref<1x10008x128xf32, #tpu.memory_space<hbm>>
    %dma_start3A_26 = tpu.memref_squeeze %dma_start3A_25 : memref<1x10008x128xf32, #tpu.memory_space<hbm>> -> memref<10008x128xf32, #tpu.memory_space<hbm>>
    %dma_start3A_27 = arith.constant 0 : i32
    %dma_start3A_28 = arith.constant 0 : i32
    %dma_start3A_29 = tpu.memref_slice %dma_start3A_26[%dma_start3A_27, %dma_start3A_28] : memref<10008x128xf32, #tpu.memory_space<hbm>> -> memref<10008x128xf32, #tpu.memory_space<hbm>>
    tpu.enqueue_indirect_dma source(%dma_start3A_29 : memref<10008x128xf32, #tpu.memory_space<hbm>>) target(%arg8 : memref<128x128xf32, #tpu.memory_space<vmem>>) offsets(%dma_start3A_22 : memref<128xi32, #tpu.memory_space<vmem>>) semaphore(%arg11 : memref<!tpu.dma_semaphore, #tpu.memory_space<semaphore_mem>>)
    %scan3A_30 = arith.constant 0 : i32
    %scan3A_31 = arith.constant 0 : i32
    %scan3A_32 = arith.constant 20 : i32
    %scan3A_33 = arith.addi %scan3A_31, %scan3A_32 : i32
    %scan3A_34 = arith.constant 1 : i32
    scf.for %scan3A_94 = %scan3A_31 to %scan3A_33 step %scan3A_34  : i32 {
      %mul3A_95 = arith.constant 2 : i32
      %mul3A_96 = arith.muli %mul3A_95, %scan3A_94 : i32
      %mul3A_97 = arith.constant 2 : i32
      %mul3A_98 = arith.muli %mul3A_97, %scan3A_94 : i32
      %add3A_99 = arith.constant 1 : i32
      %add3A_100 = arith.addi %mul3A_98, %add3A_99 : i32
      %dma_start3A_101 = arith.constant 0 : i32
      %dma_start3A_102 = tpu.memref_slice %arg6[%add3A_100, %dma_start3A_101] : memref<40x128xi32, #tpu.memory_space<vmem>> -> memref<1x128xi32, #tpu.memory_space<vmem>>
      %dma_start3A_103 = tpu.memref_squeeze %dma_start3A_102 : memref<1x128xi32, #tpu.memory_space<vmem>> -> memref<128xi32, #tpu.memory_space<vmem>>
      %dma_start3A_104 = arith.constant 0 : i32
      %dma_start3A_105 = arith.constant 0 : i32
      %dma_start3A_106 = tpu.memref_slice %arg2[%add3A_1, %dma_start3A_104, %dma_start3A_105] : memref<4x10008x128xf32, #tpu.memory_space<hbm>> -> memref<1x10008x128xf32, #tpu.memory_space<hbm>>
      %dma_start3A_107 = tpu.memref_squeeze %dma_start3A_106 : memref<1x10008x128xf32, #tpu.memory_space<hbm>> -> memref<10008x128xf32, #tpu.memory_space<hbm>>
      %dma_start3A_108 = arith.constant 0 : i32
      %dma_start3A_109 = arith.constant 0 : i32
      %dma_start3A_110 = tpu.memref_slice %dma_start3A_107[%dma_start3A_108, %dma_start3A_109] : memref<10008x128xf32, #tpu.memory_space<hbm>> -> memref<10008x128xf32, #tpu.memory_space<hbm>>
      tpu.enqueue_indirect_dma source(%dma_start3A_110 : memref<10008x128xf32, #tpu.memory_space<hbm>>) target(%arg9 : memref<128x128xf32, #tpu.memory_space<vmem>>) offsets(%dma_start3A_103 : memref<128xi32, #tpu.memory_space<vmem>>) semaphore(%arg12 : memref<!tpu.dma_semaphore, #tpu.memory_space<semaphore_mem>>)
      %dma_wait3A = arith.constant 0 : i32
      %dma_wait3A_111 = tpu.memref_slice %arg6[%mul3A_96, %dma_wait3A] : memref<40x128xi32, #tpu.memory_space<vmem>> -> memref<1x128xi32, #tpu.memory_space<vmem>>
      %dma_wait3A_112 = tpu.memref_squeeze %dma_wait3A_111 : memref<1x128xi32, #tpu.memory_space<vmem>> -> memref<128xi32, #tpu.memory_space<vmem>>
      %dma_wait3A_113 = arith.constant 0 : i32
      %dma_wait3A_114 = arith.constant 0 : i32
      %dma_wait3A_115 = tpu.memref_slice %arg2[%add3A_1, %dma_wait3A_113, %dma_wait3A_114] : memref<4x10008x128xf32, #tpu.memory_space<hbm>> -> memref<1x10008x128xf32, #tpu.memory_space<hbm>>
      %dma_wait3A_116 = tpu.memref_squeeze %dma_wait3A_115 : memref<1x10008x128xf32, #tpu.memory_space<hbm>> -> memref<10008x128xf32, #tpu.memory_space<hbm>>
      %dma_wait3A_117 = arith.constant 0 : i32
      %dma_wait3A_118 = arith.constant 0 : i32
      %dma_wait3A_119 = tpu.memref_slice %dma_wait3A_116[%dma_wait3A_117, %dma_wait3A_118] : memref<10008x128xf32, #tpu.memory_space<hbm>> -> memref<10008x128xf32, #tpu.memory_space<hbm>>
      tpu.wait_indirect_dma semaphore(%arg11 : memref<!tpu.dma_semaphore, #tpu.memory_space<semaphore_mem>>) src(%dma_wait3A_119 : memref<10008x128xf32, #tpu.memory_space<hbm>>) dst(%arg8 : memref<128x128xf32, #tpu.memory_space<vmem>>)
      "tpu.region"() ({
        %run_scoped3A = tpu.sem_alloc : memref<!tpu.dma_semaphore, #tpu.memory_space<semaphore_mem>>
        %dma_start3A_136 = arith.constant 0 : i32
        %dma_start3A_137 = tpu.memref_slice %arg7[%mul3A_96, %dma_start3A_136] : memref<40x128xi32, #tpu.memory_space<vmem>> -> memref<1x128xi32, #tpu.memory_space<vmem>>
        %dma_start3A_138 = tpu.memref_squeeze %dma_start3A_137 : memref<1x128xi32, #tpu.memory_space<vmem>> -> memref<128xi32, #tpu.memory_space<vmem>>
        %dma_start3A_139 = arith.constant 0 : i32
        %dma_start3A_140 = arith.constant 0 : i32
        %dma_start3A_141 = tpu.memref_slice %arg10[%dma_start3A_139, %dma_start3A_140] : memref<10008x128xf32, #tpu.memory_space<vmem_shared>> -> memref<10008x128xf32, #tpu.memory_space<vmem_shared>>
        tpu.enqueue_indirect_dma source(%arg8 : memref<128x128xf32, #tpu.memory_space<vmem>>) target(%dma_start3A_141 : memref<10008x128xf32, #tpu.memory_space<vmem_shared>>) offsets(%dma_start3A_138 : memref<128xi32, #tpu.memory_space<vmem>>) semaphore(%run_scoped3A : memref<!tpu.dma_semaphore, #tpu.memory_space<semaphore_mem>>) {add = true}
        %dma_wait3A_142 = arith.constant 0 : i32
        %dma_wait3A_143 = tpu.memref_slice %arg7[%mul3A_96, %dma_wait3A_142] : memref<40x128xi32, #tpu.memory_space<vmem>> -> memref<1x128xi32, #tpu.memory_space<vmem>>
        %dma_wait3A_144 = tpu.memref_squeeze %dma_wait3A_143 : memref<1x128xi32, #tpu.memory_space<vmem>> -> memref<128xi32, #tpu.memory_space<vmem>>
        %dma_wait3A_145 = arith.constant 0 : i32
        %dma_wait3A_146 = arith.constant 0 : i32
        %dma_wait3A_147 = tpu.memref_slice %arg10[%dma_wait3A_145, %dma_wait3A_146] : memref<10008x128xf32, #tpu.memory_space<vmem_shared>> -> memref<10008x128xf32, #tpu.memory_space<vmem_shared>>
        tpu.wait_indirect_dma semaphore(%run_scoped3A : memref<!tpu.dma_semaphore, #tpu.memory_space<semaphore_mem>>) src(%arg8 : memref<128x128xf32, #tpu.memory_space<vmem>>) dst(%dma_wait3A_147 : memref<10008x128xf32, #tpu.memory_space<vmem_shared>>)
        tpu.yield
      }) : () -> ()
      %add3A_120 = arith.constant 2 : i32
      %add3A_121 = arith.addi %mul3A_96, %add3A_120 : i32
      %lt3A = arith.constant 40 : i32
      %lt3A_122 = arith.cmpi slt, %add3A_121, %lt3A : i32
      %convert_element_type3A_123 = arith.extui %lt3A_122 : i1 to i32
      %cond3A_124 = arith.constant 0 : i32
      %cond3A_125 = arith.cmpi ne, %convert_element_type3A_123, %cond3A_124 : i32
      scf.if %cond3A_125 {
        %add3A_136 = arith.constant 2 : i32
        %add3A_137 = arith.addi %mul3A_96, %add3A_136 : i32
        %dma_start3A_138 = arith.constant 0 : i32
        %dma_start3A_139 = tpu.memref_slice %arg6[%add3A_137, %dma_start3A_138] : memref<40x128xi32, #tpu.memory_space<vmem>> -> memref<1x128xi32, #tpu.memory_space<vmem>>
        %dma_start3A_140 = tpu.memref_squeeze %dma_start3A_139 : memref<1x128xi32, #tpu.memory_space<vmem>> -> memref<128xi32, #tpu.memory_space<vmem>>
        %dma_start3A_141 = arith.constant 0 : i32
        %dma_start3A_142 = arith.constant 0 : i32
        %dma_start3A_143 = tpu.memref_slice %arg2[%add3A_1, %dma_start3A_141, %dma_start3A_142] : memref<4x10008x128xf32, #tpu.memory_space<hbm>> -> memref<1x10008x128xf32, #tpu.memory_space<hbm>>
        %dma_start3A_144 = tpu.memref_squeeze %dma_start3A_143 : memref<1x10008x128xf32, #tpu.memory_space<hbm>> -> memref<10008x128xf32, #tpu.memory_space<hbm>>
        %dma_start3A_145 = arith.constant 0 : i32
        %dma_start3A_146 = arith.constant 0 : i32
        %dma_start3A_147 = tpu.memref_slice %dma_start3A_144[%dma_start3A_145, %dma_start3A_146] : memref<10008x128xf32, #tpu.memory_space<hbm>> -> memref<10008x128xf32, #tpu.memory_space<hbm>>
        tpu.enqueue_indirect_dma source(%dma_start3A_147 : memref<10008x128xf32, #tpu.memory_space<hbm>>) target(%arg8 : memref<128x128xf32, #tpu.memory_space<vmem>>) offsets(%dma_start3A_140 : memref<128xi32, #tpu.memory_space<vmem>>) semaphore(%arg11 : memref<!tpu.dma_semaphore, #tpu.memory_space<semaphore_mem>>)
      } else {
      }
      %dma_wait3A_126 = arith.constant 0 : i32
      %dma_wait3A_127 = tpu.memref_slice %arg6[%add3A_100, %dma_wait3A_126] : memref<40x128xi32, #tpu.memory_space<vmem>> -> memref<1x128xi32, #tpu.memory_space<vmem>>
      %dma_wait3A_128 = tpu.memref_squeeze %dma_wait3A_127 : memref<1x128xi32, #tpu.memory_space<vmem>> -> memref<128xi32, #tpu.memory_space<vmem>>
      %dma_wait3A_129 = arith.constant 0 : i32
      %dma_wait3A_130 = arith.constant 0 : i32
      %dma_wait3A_131 = tpu.memref_slice %arg2[%add3A_1, %dma_wait3A_129, %dma_wait3A_130] : memref<4x10008x128xf32, #tpu.memory_space<hbm>> -> memref<1x10008x128xf32, #tpu.memory_space<hbm>>
      %dma_wait3A_132 = tpu.memref_squeeze %dma_wait3A_131 : memref<1x10008x128xf32, #tpu.memory_space<hbm>> -> memref<10008x128xf32, #tpu.memory_space<hbm>>
      %dma_wait3A_133 = arith.constant 0 : i32
      %dma_wait3A_134 = arith.constant 0 : i32
      %dma_wait3A_135 = tpu.memref_slice %dma_wait3A_132[%dma_wait3A_133, %dma_wait3A_134] : memref<10008x128xf32, #tpu.memory_space<hbm>> -> memref<10008x128xf32, #tpu.memory_space<hbm>>
      tpu.wait_indirect_dma semaphore(%arg12 : memref<!tpu.dma_semaphore, #tpu.memory_space<semaphore_mem>>) src(%dma_wait3A_135 : memref<10008x128xf32, #tpu.memory_space<hbm>>) dst(%arg9 : memref<128x128xf32, #tpu.memory_space<vmem>>)
      "tpu.region"() ({
        %run_scoped3A = tpu.sem_alloc : memref<!tpu.dma_semaphore, #tpu.memory_space<semaphore_mem>>
        %dma_start3A_136 = arith.constant 0 : i32
        %dma_start3A_137 = tpu.memref_slice %arg7[%add3A_100, %dma_start3A_136] : memref<40x128xi32, #tpu.memory_space<vmem>> -> memref<1x128xi32, #tpu.memory_space<vmem>>
        %dma_start3A_138 = tpu.memref_squeeze %dma_start3A_137 : memref<1x128xi32, #tpu.memory_space<vmem>> -> memref<128xi32, #tpu.memory_space<vmem>>
        %dma_start3A_139 = arith.constant 0 : i32
        %dma_start3A_140 = arith.constant 0 : i32
        %dma_start3A_141 = tpu.memref_slice %arg10[%dma_start3A_139, %dma_start3A_140] : memref<10008x128xf32, #tpu.memory_space<vmem_shared>> -> memref<10008x128xf32, #tpu.memory_space<vmem_shared>>
        tpu.enqueue_indirect_dma source(%arg9 : memref<128x128xf32, #tpu.memory_space<vmem>>) target(%dma_start3A_141 : memref<10008x128xf32, #tpu.memory_space<vmem_shared>>) offsets(%dma_start3A_138 : memref<128xi32, #tpu.memory_space<vmem>>) semaphore(%run_scoped3A : memref<!tpu.dma_semaphore, #tpu.memory_space<semaphore_mem>>) {add = true}
        %dma_wait3A_142 = arith.constant 0 : i32
        %dma_wait3A_143 = tpu.memref_slice %arg7[%add3A_100, %dma_wait3A_142] : memref<40x128xi32, #tpu.memory_space<vmem>> -> memref<1x128xi32, #tpu.memory_space<vmem>>
        %dma_wait3A_144 = tpu.memref_squeeze %dma_wait3A_143 : memref<1x128xi32, #tpu.memory_space<vmem>> -> memref<128xi32, #tpu.memory_space<vmem>>
        %dma_wait3A_145 = arith.constant 0 : i32
        %dma_wait3A_146 = arith.constant 0 : i32
        %dma_wait3A_147 = tpu.memref_slice %arg10[%dma_wait3A_145, %dma_wait3A_146] : memref<10008x128xf32, #tpu.memory_space<vmem_shared>> -> memref<10008x128xf32, #tpu.memory_space<vmem_shared>>
        tpu.wait_indirect_dma semaphore(%run_scoped3A : memref<!tpu.dma_semaphore, #tpu.memory_space<semaphore_mem>>) src(%arg9 : memref<128x128xf32, #tpu.memory_space<vmem>>) dst(%dma_wait3A_147 : memref<10008x128xf32, #tpu.memory_space<vmem_shared>>)
        tpu.yield
      }) : () -> ()
    }
    %scan3A_35 = arith.constant 20 : i32
    %barrier3A_36 = arith.constant 0 : index
    tpu.barrier barrier_id(%barrier3A_36)
    %eq3A_37 = arith.constant 0 : i32
    %eq3A_38 = arith.cmpi eq, %arg1, %eq3A_37 : i32
    %convert_element_type3A_39 = arith.extui %eq3A_38 : i1 to i32
    %cond3A_40 = arith.constant 0 : i32
    %cond3A_41 = arith.cmpi ne, %convert_element_type3A_39, %cond3A_40 : i32
    scf.if %cond3A_41 {
      "tpu.region"() ({
        %run_scoped3A = tpu.sem_alloc : memref<!tpu.dma_semaphore, #tpu.memory_space<semaphore_mem>>
        %dma_start3A_94 = arith.constant 0 : i32
        %dma_start3A_95 = arith.constant 0 : i32
        %dma_start3A_96 = tpu.memref_slice %arg5[%add3A_1, %dma_start3A_94, %dma_start3A_95] : memref<4x10008x128xf32, #tpu.memory_space<hbm>> -> memref<1x10008x128xf32, #tpu.memory_space<hbm>>
        %dma_start3A_97 = tpu.memref_squeeze %dma_start3A_96 : memref<1x10008x128xf32, #tpu.memory_space<hbm>> -> memref<10008x128xf32, #tpu.memory_space<hbm>>
        tpu.enqueue_dma source(%arg10 : memref<10008x128xf32, #tpu.memory_space<vmem_shared>>) target(%dma_start3A_97 : memref<10008x128xf32, #tpu.memory_space<hbm>>) target_semaphore(%run_scoped3A : memref<!tpu.dma_semaphore, #tpu.memory_space<semaphore_mem>>)
        %dma_wait3A = arith.constant 0 : i32
        %dma_wait3A_98 = arith.constant 0 : i32
        %dma_wait3A_99 = tpu.memref_slice %arg5[%add3A_1, %dma_wait3A, %dma_wait3A_98] : memref<4x10008x128xf32, #tpu.memory_space<hbm>> -> memref<1x10008x128xf32, #tpu.memory_space<hbm>>
        %dma_wait3A_100 = tpu.memref_squeeze %dma_wait3A_99 : memref<1x10008x128xf32, #tpu.memory_space<hbm>> -> memref<10008x128xf32, #tpu.memory_space<hbm>>
        tpu.wait_dma2 semaphore(%run_scoped3A : memref<!tpu.dma_semaphore, #tpu.memory_space<semaphore_mem>>) src(%arg10 : memref<10008x128xf32, #tpu.memory_space<vmem_shared>>) dst(%dma_wait3A_100 : memref<10008x128xf32, #tpu.memory_space<hbm>>)
        tpu.yield
      }) : () -> ()
    } else {
    }
    %barrier3A_42 = arith.constant 0 : index
    tpu.barrier barrier_id(%barrier3A_42)
    %mul3A_43 = arith.constant 2 : i32
    %mul3A_44 = arith.muli %arg0, %mul3A_43 : i32
    %add3A_45 = arith.constant 1 : i32
    %add3A_46 = arith.addi %mul3A_44, %add3A_45 : i32
    %eq3A_47 = arith.constant 0 : i32
    %eq3A_48 = arith.cmpi eq, %arg1, %eq3A_47 : i32
    %convert_element_type3A_49 = arith.extui %eq3A_48 : i1 to i32
    %cond3A_50 = arith.constant 0 : i32
    %cond3A_51 = arith.cmpi ne, %convert_element_type3A_49, %cond3A_50 : i32
    scf.if %cond3A_51 {
      "tpu.region"() ({
        %run_scoped3A = tpu.sem_alloc : memref<!tpu.dma_semaphore, #tpu.memory_space<semaphore_mem>>
        %dma_start3A_94 = arith.constant 0 : i32
        %dma_start3A_95 = arith.constant 0 : i32
        %dma_start3A_96 = tpu.memref_slice %arg2[%add3A_46, %dma_start3A_94, %dma_start3A_95] : memref<4x10008x128xf32, #tpu.memory_space<hbm>> -> memref<1x10008x128xf32, #tpu.memory_space<hbm>>
        %dma_start3A_97 = tpu.memref_squeeze %dma_start3A_96 : memref<1x10008x128xf32, #tpu.memory_space<hbm>> -> memref<10008x128xf32, #tpu.memory_space<hbm>>
        tpu.enqueue_dma source(%dma_start3A_97 : memref<10008x128xf32, #tpu.memory_space<hbm>>) target(%arg10 : memref<10008x128xf32, #tpu.memory_space<vmem_shared>>) target_semaphore(%run_scoped3A : memref<!tpu.dma_semaphore, #tpu.memory_space<semaphore_mem>>)
        %dma_wait3A = arith.constant 0 : i32
        %dma_wait3A_98 = arith.constant 0 : i32
        %dma_wait3A_99 = tpu.memref_slice %arg2[%add3A_46, %dma_wait3A, %dma_wait3A_98] : memref<4x10008x128xf32, #tpu.memory_space<hbm>> -> memref<1x10008x128xf32, #tpu.memory_space<hbm>>
        %dma_wait3A_100 = tpu.memref_squeeze %dma_wait3A_99 : memref<1x10008x128xf32, #tpu.memory_space<hbm>> -> memref<10008x128xf32, #tpu.memory_space<hbm>>
        tpu.wait_dma2 semaphore(%run_scoped3A : memref<!tpu.dma_semaphore, #tpu.memory_space<semaphore_mem>>) src(%dma_wait3A_100 : memref<10008x128xf32, #tpu.memory_space<hbm>>) dst(%arg10 : memref<10008x128xf32, #tpu.memory_space<vmem_shared>>)
        tpu.yield
      }) : () -> ()
    } else {
    }
    %barrier3A_52 = arith.constant 0 : index
    tpu.barrier barrier_id(%barrier3A_52)
    "tpu.region"() ({
      %run_scoped3A = tpu.sem_alloc : memref<!tpu.dma_semaphore, #tpu.memory_space<semaphore_mem>>
      %dma_start3A_94 = arith.constant 0 : i32
      %dma_start3A_95 = arith.constant 0 : i32
      %dma_start3A_96 = tpu.memref_slice %arg3[%arg1, %dma_start3A_94, %dma_start3A_95] : memref<16x80x128xi32, #tpu.memory_space<hbm>> -> memref<1x80x128xi32, #tpu.memory_space<hbm>>
      %dma_start3A_97 = tpu.memref_squeeze %dma_start3A_96 : memref<1x80x128xi32, #tpu.memory_space<hbm>> -> memref<80x128xi32, #tpu.memory_space<hbm>>
      %dma_start3A_98 = arith.constant 0 : i32
      %dma_start3A_99 = arith.constant 0 : i32
      %dma_start3A_100 = tpu.memref_slice %dma_start3A_97[%dma_start3A_98, %dma_start3A_99] : memref<80x128xi32, #tpu.memory_space<hbm>> -> memref<40x128xi32, #tpu.memory_space<hbm>>
      %dma_start3A_101 = arith.constant 0 : i32
      %dma_start3A_102 = arith.constant 0 : i32
      %dma_start3A_103 = tpu.memref_slice %arg3[%arg1, %dma_start3A_101, %dma_start3A_102] : memref<16x80x128xi32, #tpu.memory_space<hbm>> -> memref<1x80x128xi32, #tpu.memory_space<hbm>>
      %dma_start3A_104 = tpu.memref_squeeze %dma_start3A_103 : memref<1x80x128xi32, #tpu.memory_space<hbm>> -> memref<80x128xi32, #tpu.memory_space<hbm>>
      %dma_start3A_105 = arith.constant 0 : i32
      %dma_start3A_106 = arith.constant 0 : i32
      %dma_start3A_107 = tpu.memref_slice %dma_start3A_104[%dma_start3A_105, %dma_start3A_106] : memref<80x128xi32, #tpu.memory_space<hbm>> -> memref<40x128xi32, #tpu.memory_space<hbm>>
      tpu.enqueue_dma source(%dma_start3A_107 : memref<40x128xi32, #tpu.memory_space<hbm>>) target(%arg6 : memref<40x128xi32, #tpu.memory_space<vmem>>) target_semaphore(%run_scoped3A : memref<!tpu.dma_semaphore, #tpu.memory_space<semaphore_mem>>)
      %dma_wait3A = arith.constant 0 : i32
      %dma_wait3A_108 = arith.constant 0 : i32
      %dma_wait3A_109 = tpu.memref_slice %arg3[%arg1, %dma_wait3A, %dma_wait3A_108] : memref<16x80x128xi32, #tpu.memory_space<hbm>> -> memref<1x80x128xi32, #tpu.memory_space<hbm>>
      %dma_wait3A_110 = tpu.memref_squeeze %dma_wait3A_109 : memref<1x80x128xi32, #tpu.memory_space<hbm>> -> memref<80x128xi32, #tpu.memory_space<hbm>>
      %dma_wait3A_111 = arith.constant 0 : i32
      %dma_wait3A_112 = arith.constant 0 : i32
      %dma_wait3A_113 = tpu.memref_slice %dma_wait3A_110[%dma_wait3A_111, %dma_wait3A_112] : memref<80x128xi32, #tpu.memory_space<hbm>> -> memref<40x128xi32, #tpu.memory_space<hbm>>
      %dma_wait3A_114 = arith.constant 0 : i32
      %dma_wait3A_115 = arith.constant 0 : i32
      %dma_wait3A_116 = tpu.memref_slice %arg3[%arg1, %dma_wait3A_114, %dma_wait3A_115] : memref<16x80x128xi32, #tpu.memory_space<hbm>> -> memref<1x80x128xi32, #tpu.memory_space<hbm>>
      %dma_wait3A_117 = tpu.memref_squeeze %dma_wait3A_116 : memref<1x80x128xi32, #tpu.memory_space<hbm>> -> memref<80x128xi32, #tpu.memory_space<hbm>>
      %dma_wait3A_118 = arith.constant 0 : i32
      %dma_wait3A_119 = arith.constant 0 : i32
      %dma_wait3A_120 = tpu.memref_slice %dma_wait3A_117[%dma_wait3A_118, %dma_wait3A_119] : memref<80x128xi32, #tpu.memory_space<hbm>> -> memref<40x128xi32, #tpu.memory_space<hbm>>
      tpu.wait_dma2 semaphore(%run_scoped3A : memref<!tpu.dma_semaphore, #tpu.memory_space<semaphore_mem>>) src(%dma_wait3A_120 : memref<40x128xi32, #tpu.memory_space<hbm>>) dst(%arg6 : memref<40x128xi32, #tpu.memory_space<vmem>>)
      tpu.yield
    }) : () -> ()
    "tpu.region"() ({
      %run_scoped3A = tpu.sem_alloc : memref<!tpu.dma_semaphore, #tpu.memory_space<semaphore_mem>>
      %dma_start3A_94 = arith.constant 0 : i32
      %dma_start3A_95 = arith.constant 0 : i32
      %dma_start3A_96 = tpu.memref_slice %arg4[%arg1, %dma_start3A_94, %dma_start3A_95] : memref<16x80x128xi32, #tpu.memory_space<hbm>> -> memref<1x80x128xi32, #tpu.memory_space<hbm>>
      %dma_start3A_97 = tpu.memref_squeeze %dma_start3A_96 : memref<1x80x128xi32, #tpu.memory_space<hbm>> -> memref<80x128xi32, #tpu.memory_space<hbm>>
      %dma_start3A_98 = arith.constant 0 : i32
      %dma_start3A_99 = arith.constant 0 : i32
      %dma_start3A_100 = tpu.memref_slice %dma_start3A_97[%dma_start3A_98, %dma_start3A_99] : memref<80x128xi32, #tpu.memory_space<hbm>> -> memref<40x128xi32, #tpu.memory_space<hbm>>
      %dma_start3A_101 = arith.constant 0 : i32
      %dma_start3A_102 = arith.constant 0 : i32
      %dma_start3A_103 = tpu.memref_slice %arg4[%arg1, %dma_start3A_101, %dma_start3A_102] : memref<16x80x128xi32, #tpu.memory_space<hbm>> -> memref<1x80x128xi32, #tpu.memory_space<hbm>>
      %dma_start3A_104 = tpu.memref_squeeze %dma_start3A_103 : memref<1x80x128xi32, #tpu.memory_space<hbm>> -> memref<80x128xi32, #tpu.memory_space<hbm>>
      %dma_start3A_105 = arith.constant 0 : i32
      %dma_start3A_106 = arith.constant 0 : i32
      %dma_start3A_107 = tpu.memref_slice %dma_start3A_104[%dma_start3A_105, %dma_start3A_106] : memref<80x128xi32, #tpu.memory_space<hbm>> -> memref<40x128xi32, #tpu.memory_space<hbm>>
      tpu.enqueue_dma source(%dma_start3A_107 : memref<40x128xi32, #tpu.memory_space<hbm>>) target(%arg7 : memref<40x128xi32, #tpu.memory_space<vmem>>) target_semaphore(%run_scoped3A : memref<!tpu.dma_semaphore, #tpu.memory_space<semaphore_mem>>)
      %dma_wait3A = arith.constant 0 : i32
      %dma_wait3A_108 = arith.constant 0 : i32
      %dma_wait3A_109 = tpu.memref_slice %arg4[%arg1, %dma_wait3A, %dma_wait3A_108] : memref<16x80x128xi32, #tpu.memory_space<hbm>> -> memref<1x80x128xi32, #tpu.memory_space<hbm>>
      %dma_wait3A_110 = tpu.memref_squeeze %dma_wait3A_109 : memref<1x80x128xi32, #tpu.memory_space<hbm>> -> memref<80x128xi32, #tpu.memory_space<hbm>>
      %dma_wait3A_111 = arith.constant 0 : i32
      %dma_wait3A_112 = arith.constant 0 : i32
      %dma_wait3A_113 = tpu.memref_slice %dma_wait3A_110[%dma_wait3A_111, %dma_wait3A_112] : memref<80x128xi32, #tpu.memory_space<hbm>> -> memref<40x128xi32, #tpu.memory_space<hbm>>
      %dma_wait3A_114 = arith.constant 0 : i32
      %dma_wait3A_115 = arith.constant 0 : i32
      %dma_wait3A_116 = tpu.memref_slice %arg4[%arg1, %dma_wait3A_114, %dma_wait3A_115] : memref<16x80x128xi32, #tpu.memory_space<hbm>> -> memref<1x80x128xi32, #tpu.memory_space<hbm>>
      %dma_wait3A_117 = tpu.memref_squeeze %dma_wait3A_116 : memref<1x80x128xi32, #tpu.memory_space<hbm>> -> memref<80x128xi32, #tpu.memory_space<hbm>>
      %dma_wait3A_118 = arith.constant 0 : i32
      %dma_wait3A_119 = arith.constant 0 : i32
      %dma_wait3A_120 = tpu.memref_slice %dma_wait3A_117[%dma_wait3A_118, %dma_wait3A_119] : memref<80x128xi32, #tpu.memory_space<hbm>> -> memref<40x128xi32, #tpu.memory_space<hbm>>
      tpu.wait_dma2 semaphore(%run_scoped3A : memref<!tpu.dma_semaphore, #tpu.memory_space<semaphore_mem>>) src(%dma_wait3A_120 : memref<40x128xi32, #tpu.memory_space<hbm>>) dst(%arg7 : memref<40x128xi32, #tpu.memory_space<vmem>>)
      tpu.yield
    }) : () -> ()
    %dma_start3A_53 = arith.constant 0 : i32
    %dma_start3A_54 = arith.constant 0 : i32
    %dma_start3A_55 = tpu.memref_slice %arg6[%dma_start3A_53, %dma_start3A_54] : memref<40x128xi32, #tpu.memory_space<vmem>> -> memref<1x128xi32, #tpu.memory_space<vmem>>
    %dma_start3A_56 = tpu.memref_squeeze %dma_start3A_55 : memref<1x128xi32, #tpu.memory_space<vmem>> -> memref<128xi32, #tpu.memory_space<vmem>>
    %dma_start3A_57 = arith.constant 0 : i32
    %dma_start3A_58 = arith.constant 0 : i32
    %dma_start3A_59 = tpu.memref_slice %arg2[%add3A_46, %dma_start3A_57, %dma_start3A_58] : memref<4x10008x128xf32, #tpu.memory_space<hbm>> -> memref<1x10008x128xf32, #tpu.memory_space<hbm>>
    %dma_start3A_60 = tpu.memref_squeeze %dma_start3A_59 : memref<1x10008x128xf32, #tpu.memory_space<hbm>> -> memref<10008x128xf32, #tpu.memory_space<hbm>>
    %dma_start3A_61 = arith.constant 0 : i32
    %dma_start3A_62 = arith.constant 0 : i32
    %dma_start3A_63 = tpu.memref_slice %dma_start3A_60[%dma_start3A_61, %dma_start3A_62] : memref<10008x128xf32, #tpu.memory_space<hbm>> -> memref<10008x128xf32, #tpu.memory_space<hbm>>
    tpu.enqueue_indirect_dma source(%dma_start3A_63 : memref<10008x128xf32, #tpu.memory_space<hbm>>) target(%arg8 : memref<128x128xf32, #tpu.memory_space<vmem>>) offsets(%dma_start3A_56 : memref<128xi32, #tpu.memory_space<vmem>>) semaphore(%arg11 : memref<!tpu.dma_semaphore, #tpu.memory_space<semaphore_mem>>)
    %scan3A_64 = arith.constant 0 : i32
    %scan3A_65 = arith.constant 0 : i32
    %scan3A_66 = arith.constant 20 : i32
    %scan3A_67 = arith.addi %scan3A_65, %scan3A_66 : i32
    %scan3A_68 = arith.constant 1 : i32
    scf.for %scan3A_94 = %scan3A_65 to %scan3A_67 step %scan3A_68  : i32 {
      %mul3A_95 = arith.constant 2 : i32
      %mul3A_96 = arith.muli %mul3A_95, %scan3A_94 : i32
      %mul3A_97 = arith.constant 2 : i32
      %mul3A_98 = arith.muli %mul3A_97, %scan3A_94 : i32
      %add3A_99 = arith.constant 1 : i32
      %add3A_100 = arith.addi %mul3A_98, %add3A_99 : i32
      %dma_start3A_101 = arith.constant 0 : i32
      %dma_start3A_102 = tpu.memref_slice %arg6[%add3A_100, %dma_start3A_101] : memref<40x128xi32, #tpu.memory_space<vmem>> -> memref<1x128xi32, #tpu.memory_space<vmem>>
      %dma_start3A_103 = tpu.memref_squeeze %dma_start3A_102 : memref<1x128xi32, #tpu.memory_space<vmem>> -> memref<128xi32, #tpu.memory_space<vmem>>
      %dma_start3A_104 = arith.constant 0 : i32
      %dma_start3A_105 = arith.constant 0 : i32
      %dma_start3A_106 = tpu.memref_slice %arg2[%add3A_46, %dma_start3A_104, %dma_start3A_105] : memref<4x10008x128xf32, #tpu.memory_space<hbm>> -> memref<1x10008x128xf32, #tpu.memory_space<hbm>>
      %dma_start3A_107 = tpu.memref_squeeze %dma_start3A_106 : memref<1x10008x128xf32, #tpu.memory_space<hbm>> -> memref<10008x128xf32, #tpu.memory_space<hbm>>
      %dma_start3A_108 = arith.constant 0 : i32
      %dma_start3A_109 = arith.constant 0 : i32
      %dma_start3A_110 = tpu.memref_slice %dma_start3A_107[%dma_start3A_108, %dma_start3A_109] : memref<10008x128xf32, #tpu.memory_space<hbm>> -> memref<10008x128xf32, #tpu.memory_space<hbm>>
      tpu.enqueue_indirect_dma source(%dma_start3A_110 : memref<10008x128xf32, #tpu.memory_space<hbm>>) target(%arg9 : memref<128x128xf32, #tpu.memory_space<vmem>>) offsets(%dma_start3A_103 : memref<128xi32, #tpu.memory_space<vmem>>) semaphore(%arg12 : memref<!tpu.dma_semaphore, #tpu.memory_space<semaphore_mem>>)
      %dma_wait3A = arith.constant 0 : i32
      %dma_wait3A_111 = tpu.memref_slice %arg6[%mul3A_96, %dma_wait3A] : memref<40x128xi32, #tpu.memory_space<vmem>> -> memref<1x128xi32, #tpu.memory_space<vmem>>
      %dma_wait3A_112 = tpu.memref_squeeze %dma_wait3A_111 : memref<1x128xi32, #tpu.memory_space<vmem>> -> memref<128xi32, #tpu.memory_space<vmem>>
      %dma_wait3A_113 = arith.constant 0 : i32
      %dma_wait3A_114 = arith.constant 0 : i32
      %dma_wait3A_115 = tpu.memref_slice %arg2[%add3A_46, %dma_wait3A_113, %dma_wait3A_114] : memref<4x10008x128xf32, #tpu.memory_space<hbm>> -> memref<1x10008x128xf32, #tpu.memory_space<hbm>>
      %dma_wait3A_116 = tpu.memref_squeeze %dma_wait3A_115 : memref<1x10008x128xf32, #tpu.memory_space<hbm>> -> memref<10008x128xf32, #tpu.memory_space<hbm>>
      %dma_wait3A_117 = arith.constant 0 : i32
      %dma_wait3A_118 = arith.constant 0 : i32
      %dma_wait3A_119 = tpu.memref_slice %dma_wait3A_116[%dma_wait3A_117, %dma_wait3A_118] : memref<10008x128xf32, #tpu.memory_space<hbm>> -> memref<10008x128xf32, #tpu.memory_space<hbm>>
      tpu.wait_indirect_dma semaphore(%arg11 : memref<!tpu.dma_semaphore, #tpu.memory_space<semaphore_mem>>) src(%dma_wait3A_119 : memref<10008x128xf32, #tpu.memory_space<hbm>>) dst(%arg8 : memref<128x128xf32, #tpu.memory_space<vmem>>)
      "tpu.region"() ({
        %run_scoped3A = tpu.sem_alloc : memref<!tpu.dma_semaphore, #tpu.memory_space<semaphore_mem>>
        %dma_start3A_136 = arith.constant 0 : i32
        %dma_start3A_137 = tpu.memref_slice %arg7[%mul3A_96, %dma_start3A_136] : memref<40x128xi32, #tpu.memory_space<vmem>> -> memref<1x128xi32, #tpu.memory_space<vmem>>
        %dma_start3A_138 = tpu.memref_squeeze %dma_start3A_137 : memref<1x128xi32, #tpu.memory_space<vmem>> -> memref<128xi32, #tpu.memory_space<vmem>>
        %dma_start3A_139 = arith.constant 0 : i32
        %dma_start3A_140 = arith.constant 0 : i32
        %dma_start3A_141 = tpu.memref_slice %arg10[%dma_start3A_139, %dma_start3A_140] : memref<10008x128xf32, #tpu.memory_space<vmem_shared>> -> memref<10008x128xf32, #tpu.memory_space<vmem_shared>>
        tpu.enqueue_indirect_dma source(%arg8 : memref<128x128xf32, #tpu.memory_space<vmem>>) target(%dma_start3A_141 : memref<10008x128xf32, #tpu.memory_space<vmem_shared>>) offsets(%dma_start3A_138 : memref<128xi32, #tpu.memory_space<vmem>>) semaphore(%run_scoped3A : memref<!tpu.dma_semaphore, #tpu.memory_space<semaphore_mem>>) {add = true}
        %dma_wait3A_142 = arith.constant 0 : i32
        %dma_wait3A_143 = tpu.memref_slice %arg7[%mul3A_96, %dma_wait3A_142] : memref<40x128xi32, #tpu.memory_space<vmem>> -> memref<1x128xi32, #tpu.memory_space<vmem>>
        %dma_wait3A_144 = tpu.memref_squeeze %dma_wait3A_143 : memref<1x128xi32, #tpu.memory_space<vmem>> -> memref<128xi32, #tpu.memory_space<vmem>>
        %dma_wait3A_145 = arith.constant 0 : i32
        %dma_wait3A_146 = arith.constant 0 : i32
        %dma_wait3A_147 = tpu.memref_slice %arg10[%dma_wait3A_145, %dma_wait3A_146] : memref<10008x128xf32, #tpu.memory_space<vmem_shared>> -> memref<10008x128xf32, #tpu.memory_space<vmem_shared>>
        tpu.wait_indirect_dma semaphore(%run_scoped3A : memref<!tpu.dma_semaphore, #tpu.memory_space<semaphore_mem>>) src(%arg8 : memref<128x128xf32, #tpu.memory_space<vmem>>) dst(%dma_wait3A_147 : memref<10008x128xf32, #tpu.memory_space<vmem_shared>>)
        tpu.yield
      }) : () -> ()
      %add3A_120 = arith.constant 2 : i32
      %add3A_121 = arith.addi %mul3A_96, %add3A_120 : i32
      %lt3A = arith.constant 40 : i32
      %lt3A_122 = arith.cmpi slt, %add3A_121, %lt3A : i32
      %convert_element_type3A_123 = arith.extui %lt3A_122 : i1 to i32
      %cond3A_124 = arith.constant 0 : i32
      %cond3A_125 = arith.cmpi ne, %convert_element_type3A_123, %cond3A_124 : i32
      scf.if %cond3A_125 {
        %add3A_136 = arith.constant 2 : i32
        %add3A_137 = arith.addi %mul3A_96, %add3A_136 : i32
        %dma_start3A_138 = arith.constant 0 : i32
        %dma_start3A_139 = tpu.memref_slice %arg6[%add3A_137, %dma_start3A_138] : memref<40x128xi32, #tpu.memory_space<vmem>> -> memref<1x128xi32, #tpu.memory_space<vmem>>
        %dma_start3A_140 = tpu.memref_squeeze %dma_start3A_139 : memref<1x128xi32, #tpu.memory_space<vmem>> -> memref<128xi32, #tpu.memory_space<vmem>>
        %dma_start3A_141 = arith.constant 0 : i32
        %dma_start3A_142 = arith.constant 0 : i32
        %dma_start3A_143 = tpu.memref_slice %arg2[%add3A_46, %dma_start3A_141, %dma_start3A_142] : memref<4x10008x128xf32, #tpu.memory_space<hbm>> -> memref<1x10008x128xf32, #tpu.memory_space<hbm>>
        %dma_start3A_144 = tpu.memref_squeeze %dma_start3A_143 : memref<1x10008x128xf32, #tpu.memory_space<hbm>> -> memref<10008x128xf32, #tpu.memory_space<hbm>>
        %dma_start3A_145 = arith.constant 0 : i32
        %dma_start3A_146 = arith.constant 0 : i32
        %dma_start3A_147 = tpu.memref_slice %dma_start3A_144[%dma_start3A_145, %dma_start3A_146] : memref<10008x128xf32, #tpu.memory_space<hbm>> -> memref<10008x128xf32, #tpu.memory_space<hbm>>
        tpu.enqueue_indirect_dma source(%dma_start3A_147 : memref<10008x128xf32, #tpu.memory_space<hbm>>) target(%arg8 : memref<128x128xf32, #tpu.memory_space<vmem>>) offsets(%dma_start3A_140 : memref<128xi32, #tpu.memory_space<vmem>>) semaphore(%arg11 : memref<!tpu.dma_semaphore, #tpu.memory_space<semaphore_mem>>)
      } else {
      }
      %dma_wait3A_126 = arith.constant 0 : i32
      %dma_wait3A_127 = tpu.memref_slice %arg6[%add3A_100, %dma_wait3A_126] : memref<40x128xi32, #tpu.memory_space<vmem>> -> memref<1x128xi32, #tpu.memory_space<vmem>>
      %dma_wait3A_128 = tpu.memref_squeeze %dma_wait3A_127 : memref<1x128xi32, #tpu.memory_space<vmem>> -> memref<128xi32, #tpu.memory_space<vmem>>
      %dma_wait3A_129 = arith.constant 0 : i32
      %dma_wait3A_130 = arith.constant 0 : i32
      %dma_wait3A_131 = tpu.memref_slice %arg2[%add3A_46, %dma_wait3A_129, %dma_wait3A_130] : memref<4x10008x128xf32, #tpu.memory_space<hbm>> -> memref<1x10008x128xf32, #tpu.memory_space<hbm>>
      %dma_wait3A_132 = tpu.memref_squeeze %dma_wait3A_131 : memref<1x10008x128xf32, #tpu.memory_space<hbm>> -> memref<10008x128xf32, #tpu.memory_space<hbm>>
      %dma_wait3A_133 = arith.constant 0 : i32
      %dma_wait3A_134 = arith.constant 0 : i32
      %dma_wait3A_135 = tpu.memref_slice %dma_wait3A_132[%dma_wait3A_133, %dma_wait3A_134] : memref<10008x128xf32, #tpu.memory_space<hbm>> -> memref<10008x128xf32, #tpu.memory_space<hbm>>
      tpu.wait_indirect_dma semaphore(%arg12 : memref<!tpu.dma_semaphore, #tpu.memory_space<semaphore_mem>>) src(%dma_wait3A_135 : memref<10008x128xf32, #tpu.memory_space<hbm>>) dst(%arg9 : memref<128x128xf32, #tpu.memory_space<vmem>>)
      "tpu.region"() ({
        %run_scoped3A = tpu.sem_alloc : memref<!tpu.dma_semaphore, #tpu.memory_space<semaphore_mem>>
        %dma_start3A_136 = arith.constant 0 : i32
        %dma_start3A_137 = tpu.memref_slice %arg7[%add3A_100, %dma_start3A_136] : memref<40x128xi32, #tpu.memory_space<vmem>> -> memref<1x128xi32, #tpu.memory_space<vmem>>
        %dma_start3A_138 = tpu.memref_squeeze %dma_start3A_137 : memref<1x128xi32, #tpu.memory_space<vmem>> -> memref<128xi32, #tpu.memory_space<vmem>>
        %dma_start3A_139 = arith.constant 0 : i32
        %dma_start3A_140 = arith.constant 0 : i32
        %dma_start3A_141 = tpu.memref_slice %arg10[%dma_start3A_139, %dma_start3A_140] : memref<10008x128xf32, #tpu.memory_space<vmem_shared>> -> memref<10008x128xf32, #tpu.memory_space<vmem_shared>>
        tpu.enqueue_indirect_dma source(%arg9 : memref<128x128xf32, #tpu.memory_space<vmem>>) target(%dma_start3A_141 : memref<10008x128xf32, #tpu.memory_space<vmem_shared>>) offsets(%dma_start3A_138 : memref<128xi32, #tpu.memory_space<vmem>>) semaphore(%run_scoped3A : memref<!tpu.dma_semaphore, #tpu.memory_space<semaphore_mem>>) {add = true}
        %dma_wait3A_142 = arith.constant 0 : i32
        %dma_wait3A_143 = tpu.memref_slice %arg7[%add3A_100, %dma_wait3A_142] : memref<40x128xi32, #tpu.memory_space<vmem>> -> memref<1x128xi32, #tpu.memory_space<vmem>>
        %dma_wait3A_144 = tpu.memref_squeeze %dma_wait3A_143 : memref<1x128xi32, #tpu.memory_space<vmem>> -> memref<128xi32, #tpu.memory_space<vmem>>
        %dma_wait3A_145 = arith.constant 0 : i32
        %dma_wait3A_146 = arith.constant 0 : i32
        %dma_wait3A_147 = tpu.memref_slice %arg10[%dma_wait3A_145, %dma_wait3A_146] : memref<10008x128xf32, #tpu.memory_space<vmem_shared>> -> memref<10008x128xf32, #tpu.memory_space<vmem_shared>>
        tpu.wait_indirect_dma semaphore(%run_scoped3A : memref<!tpu.dma_semaphore, #tpu.memory_space<semaphore_mem>>) src(%arg9 : memref<128x128xf32, #tpu.memory_space<vmem>>) dst(%dma_wait3A_147 : memref<10008x128xf32, #tpu.memory_space<vmem_shared>>)
        tpu.yield
      }) : () -> ()
    }
    %scan3A_69 = arith.constant 20 : i32
    "tpu.region"() ({
      %run_scoped3A = tpu.sem_alloc : memref<!tpu.dma_semaphore, #tpu.memory_space<semaphore_mem>>
      %dma_start3A_94 = arith.constant 0 : i32
      %dma_start3A_95 = arith.constant 0 : i32
      %dma_start3A_96 = tpu.memref_slice %arg3[%arg1, %dma_start3A_94, %dma_start3A_95] : memref<16x80x128xi32, #tpu.memory_space<hbm>> -> memref<1x80x128xi32, #tpu.memory_space<hbm>>
      %dma_start3A_97 = tpu.memref_squeeze %dma_start3A_96 : memref<1x80x128xi32, #tpu.memory_space<hbm>> -> memref<80x128xi32, #tpu.memory_space<hbm>>
      %dma_start3A_98 = arith.constant 40 : i32
      %dma_start3A_99 = arith.constant 0 : i32
      %dma_start3A_100 = tpu.memref_slice %dma_start3A_97[%dma_start3A_98, %dma_start3A_99] : memref<80x128xi32, #tpu.memory_space<hbm>> -> memref<40x128xi32, #tpu.memory_space<hbm>>
      %dma_start3A_101 = arith.constant 0 : i32
      %dma_start3A_102 = arith.constant 0 : i32
      %dma_start3A_103 = tpu.memref_slice %arg3[%arg1, %dma_start3A_101, %dma_start3A_102] : memref<16x80x128xi32, #tpu.memory_space<hbm>> -> memref<1x80x128xi32, #tpu.memory_space<hbm>>
      %dma_start3A_104 = tpu.memref_squeeze %dma_start3A_103 : memref<1x80x128xi32, #tpu.memory_space<hbm>> -> memref<80x128xi32, #tpu.memory_space<hbm>>
      %dma_start3A_105 = arith.constant 40 : i32
      %dma_start3A_106 = arith.constant 0 : i32
      %dma_start3A_107 = tpu.memref_slice %dma_start3A_104[%dma_start3A_105, %dma_start3A_106] : memref<80x128xi32, #tpu.memory_space<hbm>> -> memref<40x128xi32, #tpu.memory_space<hbm>>
      tpu.enqueue_dma source(%dma_start3A_107 : memref<40x128xi32, #tpu.memory_space<hbm>>) target(%arg6 : memref<40x128xi32, #tpu.memory_space<vmem>>) target_semaphore(%run_scoped3A : memref<!tpu.dma_semaphore, #tpu.memory_space<semaphore_mem>>)
      %dma_wait3A = arith.constant 0 : i32
      %dma_wait3A_108 = arith.constant 0 : i32
      %dma_wait3A_109 = tpu.memref_slice %arg3[%arg1, %dma_wait3A, %dma_wait3A_108] : memref<16x80x128xi32, #tpu.memory_space<hbm>> -> memref<1x80x128xi32, #tpu.memory_space<hbm>>
      %dma_wait3A_110 = tpu.memref_squeeze %dma_wait3A_109 : memref<1x80x128xi32, #tpu.memory_space<hbm>> -> memref<80x128xi32, #tpu.memory_space<hbm>>
      %dma_wait3A_111 = arith.constant 40 : i32
      %dma_wait3A_112 = arith.constant 0 : i32
      %dma_wait3A_113 = tpu.memref_slice %dma_wait3A_110[%dma_wait3A_111, %dma_wait3A_112] : memref<80x128xi32, #tpu.memory_space<hbm>> -> memref<40x128xi32, #tpu.memory_space<hbm>>
      %dma_wait3A_114 = arith.constant 0 : i32
      %dma_wait3A_115 = arith.constant 0 : i32
      %dma_wait3A_116 = tpu.memref_slice %arg3[%arg1, %dma_wait3A_114, %dma_wait3A_115] : memref<16x80x128xi32, #tpu.memory_space<hbm>> -> memref<1x80x128xi32, #tpu.memory_space<hbm>>
      %dma_wait3A_117 = tpu.memref_squeeze %dma_wait3A_116 : memref<1x80x128xi32, #tpu.memory_space<hbm>> -> memref<80x128xi32, #tpu.memory_space<hbm>>
      %dma_wait3A_118 = arith.constant 40 : i32
      %dma_wait3A_119 = arith.constant 0 : i32
      %dma_wait3A_120 = tpu.memref_slice %dma_wait3A_117[%dma_wait3A_118, %dma_wait3A_119] : memref<80x128xi32, #tpu.memory_space<hbm>> -> memref<40x128xi32, #tpu.memory_space<hbm>>
      tpu.wait_dma2 semaphore(%run_scoped3A : memref<!tpu.dma_semaphore, #tpu.memory_space<semaphore_mem>>) src(%dma_wait3A_120 : memref<40x128xi32, #tpu.memory_space<hbm>>) dst(%arg6 : memref<40x128xi32, #tpu.memory_space<vmem>>)
      tpu.yield
    }) : () -> ()
    "tpu.region"() ({
      %run_scoped3A = tpu.sem_alloc : memref<!tpu.dma_semaphore, #tpu.memory_space<semaphore_mem>>
      %dma_start3A_94 = arith.constant 0 : i32
      %dma_start3A_95 = arith.constant 0 : i32
      %dma_start3A_96 = tpu.memref_slice %arg4[%arg1, %dma_start3A_94, %dma_start3A_95] : memref<16x80x128xi32, #tpu.memory_space<hbm>> -> memref<1x80x128xi32, #tpu.memory_space<hbm>>
      %dma_start3A_97 = tpu.memref_squeeze %dma_start3A_96 : memref<1x80x128xi32, #tpu.memory_space<hbm>> -> memref<80x128xi32, #tpu.memory_space<hbm>>
      %dma_start3A_98 = arith.constant 40 : i32
      %dma_start3A_99 = arith.constant 0 : i32
      %dma_start3A_100 = tpu.memref_slice %dma_start3A_97[%dma_start3A_98, %dma_start3A_99] : memref<80x128xi32, #tpu.memory_space<hbm>> -> memref<40x128xi32, #tpu.memory_space<hbm>>
      %dma_start3A_101 = arith.constant 0 : i32
      %dma_start3A_102 = arith.constant 0 : i32
      %dma_start3A_103 = tpu.memref_slice %arg4[%arg1, %dma_start3A_101, %dma_start3A_102] : memref<16x80x128xi32, #tpu.memory_space<hbm>> -> memref<1x80x128xi32, #tpu.memory_space<hbm>>
      %dma_start3A_104 = tpu.memref_squeeze %dma_start3A_103 : memref<1x80x128xi32, #tpu.memory_space<hbm>> -> memref<80x128xi32, #tpu.memory_space<hbm>>
      %dma_start3A_105 = arith.constant 40 : i32
      %dma_start3A_106 = arith.constant 0 : i32
      %dma_start3A_107 = tpu.memref_slice %dma_start3A_104[%dma_start3A_105, %dma_start3A_106] : memref<80x128xi32, #tpu.memory_space<hbm>> -> memref<40x128xi32, #tpu.memory_space<hbm>>
      tpu.enqueue_dma source(%dma_start3A_107 : memref<40x128xi32, #tpu.memory_space<hbm>>) target(%arg7 : memref<40x128xi32, #tpu.memory_space<vmem>>) target_semaphore(%run_scoped3A : memref<!tpu.dma_semaphore, #tpu.memory_space<semaphore_mem>>)
      %dma_wait3A = arith.constant 0 : i32
      %dma_wait3A_108 = arith.constant 0 : i32
      %dma_wait3A_109 = tpu.memref_slice %arg4[%arg1, %dma_wait3A, %dma_wait3A_108] : memref<16x80x128xi32, #tpu.memory_space<hbm>> -> memref<1x80x128xi32, #tpu.memory_space<hbm>>
      %dma_wait3A_110 = tpu.memref_squeeze %dma_wait3A_109 : memref<1x80x128xi32, #tpu.memory_space<hbm>> -> memref<80x128xi32, #tpu.memory_space<hbm>>
      %dma_wait3A_111 = arith.constant 40 : i32
      %dma_wait3A_112 = arith.constant 0 : i32
      %dma_wait3A_113 = tpu.memref_slice %dma_wait3A_110[%dma_wait3A_111, %dma_wait3A_112] : memref<80x128xi32, #tpu.memory_space<hbm>> -> memref<40x128xi32, #tpu.memory_space<hbm>>
      %dma_wait3A_114 = arith.constant 0 : i32
      %dma_wait3A_115 = arith.constant 0 : i32
      %dma_wait3A_116 = tpu.memref_slice %arg4[%arg1, %dma_wait3A_114, %dma_wait3A_115] : memref<16x80x128xi32, #tpu.memory_space<hbm>> -> memref<1x80x128xi32, #tpu.memory_space<hbm>>
      %dma_wait3A_117 = tpu.memref_squeeze %dma_wait3A_116 : memref<1x80x128xi32, #tpu.memory_space<hbm>> -> memref<80x128xi32, #tpu.memory_space<hbm>>
      %dma_wait3A_118 = arith.constant 40 : i32
      %dma_wait3A_119 = arith.constant 0 : i32
      %dma_wait3A_120 = tpu.memref_slice %dma_wait3A_117[%dma_wait3A_118, %dma_wait3A_119] : memref<80x128xi32, #tpu.memory_space<hbm>> -> memref<40x128xi32, #tpu.memory_space<hbm>>
      tpu.wait_dma2 semaphore(%run_scoped3A : memref<!tpu.dma_semaphore, #tpu.memory_space<semaphore_mem>>) src(%dma_wait3A_120 : memref<40x128xi32, #tpu.memory_space<hbm>>) dst(%arg7 : memref<40x128xi32, #tpu.memory_space<vmem>>)
      tpu.yield
    }) : () -> ()
    %dma_start3A_70 = arith.constant 0 : i32
    %dma_start3A_71 = arith.constant 0 : i32
    %dma_start3A_72 = tpu.memref_slice %arg6[%dma_start3A_70, %dma_start3A_71] : memref<40x128xi32, #tpu.memory_space<vmem>> -> memref<1x128xi32, #tpu.memory_space<vmem>>
    %dma_start3A_73 = tpu.memref_squeeze %dma_start3A_72 : memref<1x128xi32, #tpu.memory_space<vmem>> -> memref<128xi32, #tpu.memory_space<vmem>>
    %dma_start3A_74 = arith.constant 0 : i32
    %dma_start3A_75 = arith.constant 0 : i32
    %dma_start3A_76 = tpu.memref_slice %arg2[%add3A_46, %dma_start3A_74, %dma_start3A_75] : memref<4x10008x128xf32, #tpu.memory_space<hbm>> -> memref<1x10008x128xf32, #tpu.memory_space<hbm>>
    %dma_start3A_77 = tpu.memref_squeeze %dma_start3A_76 : memref<1x10008x128xf32, #tpu.memory_space<hbm>> -> memref<10008x128xf32, #tpu.memory_space<hbm>>
    %dma_start3A_78 = arith.constant 0 : i32
    %dma_start3A_79 = arith.constant 0 : i32
    %dma_start3A_80 = tpu.memref_slice %dma_start3A_77[%dma_start3A_78, %dma_start3A_79] : memref<10008x128xf32, #tpu.memory_space<hbm>> -> memref<10008x128xf32, #tpu.memory_space<hbm>>
    tpu.enqueue_indirect_dma source(%dma_start3A_80 : memref<10008x128xf32, #tpu.memory_space<hbm>>) target(%arg8 : memref<128x128xf32, #tpu.memory_space<vmem>>) offsets(%dma_start3A_73 : memref<128xi32, #tpu.memory_space<vmem>>) semaphore(%arg11 : memref<!tpu.dma_semaphore, #tpu.memory_space<semaphore_mem>>)
    %scan3A_81 = arith.constant 0 : i32
    %scan3A_82 = arith.constant 0 : i32
    %scan3A_83 = arith.constant 20 : i32
    %scan3A_84 = arith.addi %scan3A_82, %scan3A_83 : i32
    %scan3A_85 = arith.constant 1 : i32
    scf.for %scan3A_94 = %scan3A_82 to %scan3A_84 step %scan3A_85  : i32 {
      %mul3A_95 = arith.constant 2 : i32
      %mul3A_96 = arith.muli %mul3A_95, %scan3A_94 : i32
      %mul3A_97 = arith.constant 2 : i32
      %mul3A_98 = arith.muli %mul3A_97, %scan3A_94 : i32
      %add3A_99 = arith.constant 1 : i32
      %add3A_100 = arith.addi %mul3A_98, %add3A_99 : i32
      %dma_start3A_101 = arith.constant 0 : i32
      %dma_start3A_102 = tpu.memref_slice %arg6[%add3A_100, %dma_start3A_101] : memref<40x128xi32, #tpu.memory_space<vmem>> -> memref<1x128xi32, #tpu.memory_space<vmem>>
      %dma_start3A_103 = tpu.memref_squeeze %dma_start3A_102 : memref<1x128xi32, #tpu.memory_space<vmem>> -> memref<128xi32, #tpu.memory_space<vmem>>
      %dma_start3A_104 = arith.constant 0 : i32
      %dma_start3A_105 = arith.constant 0 : i32
      %dma_start3A_106 = tpu.memref_slice %arg2[%add3A_46, %dma_start3A_104, %dma_start3A_105] : memref<4x10008x128xf32, #tpu.memory_space<hbm>> -> memref<1x10008x128xf32, #tpu.memory_space<hbm>>
      %dma_start3A_107 = tpu.memref_squeeze %dma_start3A_106 : memref<1x10008x128xf32, #tpu.memory_space<hbm>> -> memref<10008x128xf32, #tpu.memory_space<hbm>>
      %dma_start3A_108 = arith.constant 0 : i32
      %dma_start3A_109 = arith.constant 0 : i32
      %dma_start3A_110 = tpu.memref_slice %dma_start3A_107[%dma_start3A_108, %dma_start3A_109] : memref<10008x128xf32, #tpu.memory_space<hbm>> -> memref<10008x128xf32, #tpu.memory_space<hbm>>
      tpu.enqueue_indirect_dma source(%dma_start3A_110 : memref<10008x128xf32, #tpu.memory_space<hbm>>) target(%arg9 : memref<128x128xf32, #tpu.memory_space<vmem>>) offsets(%dma_start3A_103 : memref<128xi32, #tpu.memory_space<vmem>>) semaphore(%arg12 : memref<!tpu.dma_semaphore, #tpu.memory_space<semaphore_mem>>)
      %dma_wait3A = arith.constant 0 : i32
      %dma_wait3A_111 = tpu.memref_slice %arg6[%mul3A_96, %dma_wait3A] : memref<40x128xi32, #tpu.memory_space<vmem>> -> memref<1x128xi32, #tpu.memory_space<vmem>>
      %dma_wait3A_112 = tpu.memref_squeeze %dma_wait3A_111 : memref<1x128xi32, #tpu.memory_space<vmem>> -> memref<128xi32, #tpu.memory_space<vmem>>
      %dma_wait3A_113 = arith.constant 0 : i32
      %dma_wait3A_114 = arith.constant 0 : i32
      %dma_wait3A_115 = tpu.memref_slice %arg2[%add3A_46, %dma_wait3A_113, %dma_wait3A_114] : memref<4x10008x128xf32, #tpu.memory_space<hbm>> -> memref<1x10008x128xf32, #tpu.memory_space<hbm>>
      %dma_wait3A_116 = tpu.memref_squeeze %dma_wait3A_115 : memref<1x10008x128xf32, #tpu.memory_space<hbm>> -> memref<10008x128xf32, #tpu.memory_space<hbm>>
      %dma_wait3A_117 = arith.constant 0 : i32
      %dma_wait3A_118 = arith.constant 0 : i32
      %dma_wait3A_119 = tpu.memref_slice %dma_wait3A_116[%dma_wait3A_117, %dma_wait3A_118] : memref<10008x128xf32, #tpu.memory_space<hbm>> -> memref<10008x128xf32, #tpu.memory_space<hbm>>
      tpu.wait_indirect_dma semaphore(%arg11 : memref<!tpu.dma_semaphore, #tpu.memory_space<semaphore_mem>>) src(%dma_wait3A_119 : memref<10008x128xf32, #tpu.memory_space<hbm>>) dst(%arg8 : memref<128x128xf32, #tpu.memory_space<vmem>>)
      "tpu.region"() ({
        %run_scoped3A = tpu.sem_alloc : memref<!tpu.dma_semaphore, #tpu.memory_space<semaphore_mem>>
        %dma_start3A_136 = arith.constant 0 : i32
        %dma_start3A_137 = tpu.memref_slice %arg7[%mul3A_96, %dma_start3A_136] : memref<40x128xi32, #tpu.memory_space<vmem>> -> memref<1x128xi32, #tpu.memory_space<vmem>>
        %dma_start3A_138 = tpu.memref_squeeze %dma_start3A_137 : memref<1x128xi32, #tpu.memory_space<vmem>> -> memref<128xi32, #tpu.memory_space<vmem>>
        %dma_start3A_139 = arith.constant 0 : i32
        %dma_start3A_140 = arith.constant 0 : i32
        %dma_start3A_141 = tpu.memref_slice %arg10[%dma_start3A_139, %dma_start3A_140] : memref<10008x128xf32, #tpu.memory_space<vmem_shared>> -> memref<10008x128xf32, #tpu.memory_space<vmem_shared>>
        tpu.enqueue_indirect_dma source(%arg8 : memref<128x128xf32, #tpu.memory_space<vmem>>) target(%dma_start3A_141 : memref<10008x128xf32, #tpu.memory_space<vmem_shared>>) offsets(%dma_start3A_138 : memref<128xi32, #tpu.memory_space<vmem>>) semaphore(%run_scoped3A : memref<!tpu.dma_semaphore, #tpu.memory_space<semaphore_mem>>) {add = true}
        %dma_wait3A_142 = arith.constant 0 : i32
        %dma_wait3A_143 = tpu.memref_slice %arg7[%mul3A_96, %dma_wait3A_142] : memref<40x128xi32, #tpu.memory_space<vmem>> -> memref<1x128xi32, #tpu.memory_space<vmem>>
        %dma_wait3A_144 = tpu.memref_squeeze %dma_wait3A_143 : memref<1x128xi32, #tpu.memory_space<vmem>> -> memref<128xi32, #tpu.memory_space<vmem>>
        %dma_wait3A_145 = arith.constant 0 : i32
        %dma_wait3A_146 = arith.constant 0 : i32
        %dma_wait3A_147 = tpu.memref_slice %arg10[%dma_wait3A_145, %dma_wait3A_146] : memref<10008x128xf32, #tpu.memory_space<vmem_shared>> -> memref<10008x128xf32, #tpu.memory_space<vmem_shared>>
        tpu.wait_indirect_dma semaphore(%run_scoped3A : memref<!tpu.dma_semaphore, #tpu.memory_space<semaphore_mem>>) src(%arg8 : memref<128x128xf32, #tpu.memory_space<vmem>>) dst(%dma_wait3A_147 : memref<10008x128xf32, #tpu.memory_space<vmem_shared>>)
        tpu.yield
      }) : () -> ()
      %add3A_120 = arith.constant 2 : i32
      %add3A_121 = arith.addi %mul3A_96, %add3A_120 : i32
      %lt3A = arith.constant 40 : i32
      %lt3A_122 = arith.cmpi slt, %add3A_121, %lt3A : i32
      %convert_element_type3A_123 = arith.extui %lt3A_122 : i1 to i32
      %cond3A_124 = arith.constant 0 : i32
      %cond3A_125 = arith.cmpi ne, %convert_element_type3A_123, %cond3A_124 : i32
      scf.if %cond3A_125 {
        %add3A_136 = arith.constant 2 : i32
        %add3A_137 = arith.addi %mul3A_96, %add3A_136 : i32
        %dma_start3A_138 = arith.constant 0 : i32
        %dma_start3A_139 = tpu.memref_slice %arg6[%add3A_137, %dma_start3A_138] : memref<40x128xi32, #tpu.memory_space<vmem>> -> memref<1x128xi32, #tpu.memory_space<vmem>>
        %dma_start3A_140 = tpu.memref_squeeze %dma_start3A_139 : memref<1x128xi32, #tpu.memory_space<vmem>> -> memref<128xi32, #tpu.memory_space<vmem>>
        %dma_start3A_141 = arith.constant 0 : i32
        %dma_start3A_142 = arith.constant 0 : i32
        %dma_start3A_143 = tpu.memref_slice %arg2[%add3A_46, %dma_start3A_141, %dma_start3A_142] : memref<4x10008x128xf32, #tpu.memory_space<hbm>> -> memref<1x10008x128xf32, #tpu.memory_space<hbm>>
        %dma_start3A_144 = tpu.memref_squeeze %dma_start3A_143 : memref<1x10008x128xf32, #tpu.memory_space<hbm>> -> memref<10008x128xf32, #tpu.memory_space<hbm>>
        %dma_start3A_145 = arith.constant 0 : i32
        %dma_start3A_146 = arith.constant 0 : i32
        %dma_start3A_147 = tpu.memref_slice %dma_start3A_144[%dma_start3A_145, %dma_start3A_146] : memref<10008x128xf32, #tpu.memory_space<hbm>> -> memref<10008x128xf32, #tpu.memory_space<hbm>>
        tpu.enqueue_indirect_dma source(%dma_start3A_147 : memref<10008x128xf32, #tpu.memory_space<hbm>>) target(%arg8 : memref<128x128xf32, #tpu.memory_space<vmem>>) offsets(%dma_start3A_140 : memref<128xi32, #tpu.memory_space<vmem>>) semaphore(%arg11 : memref<!tpu.dma_semaphore, #tpu.memory_space<semaphore_mem>>)
      } else {
      }
      %dma_wait3A_126 = arith.constant 0 : i32
      %dma_wait3A_127 = tpu.memref_slice %arg6[%add3A_100, %dma_wait3A_126] : memref<40x128xi32, #tpu.memory_space<vmem>> -> memref<1x128xi32, #tpu.memory_space<vmem>>
      %dma_wait3A_128 = tpu.memref_squeeze %dma_wait3A_127 : memref<1x128xi32, #tpu.memory_space<vmem>> -> memref<128xi32, #tpu.memory_space<vmem>>
      %dma_wait3A_129 = arith.constant 0 : i32
      %dma_wait3A_130 = arith.constant 0 : i32
      %dma_wait3A_131 = tpu.memref_slice %arg2[%add3A_46, %dma_wait3A_129, %dma_wait3A_130] : memref<4x10008x128xf32, #tpu.memory_space<hbm>> -> memref<1x10008x128xf32, #tpu.memory_space<hbm>>
      %dma_wait3A_132 = tpu.memref_squeeze %dma_wait3A_131 : memref<1x10008x128xf32, #tpu.memory_space<hbm>> -> memref<10008x128xf32, #tpu.memory_space<hbm>>
      %dma_wait3A_133 = arith.constant 0 : i32
      %dma_wait3A_134 = arith.constant 0 : i32
      %dma_wait3A_135 = tpu.memref_slice %dma_wait3A_132[%dma_wait3A_133, %dma_wait3A_134] : memref<10008x128xf32, #tpu.memory_space<hbm>> -> memref<10008x128xf32, #tpu.memory_space<hbm>>
      tpu.wait_indirect_dma semaphore(%arg12 : memref<!tpu.dma_semaphore, #tpu.memory_space<semaphore_mem>>) src(%dma_wait3A_135 : memref<10008x128xf32, #tpu.memory_space<hbm>>) dst(%arg9 : memref<128x128xf32, #tpu.memory_space<vmem>>)
      "tpu.region"() ({
        %run_scoped3A = tpu.sem_alloc : memref<!tpu.dma_semaphore, #tpu.memory_space<semaphore_mem>>
        %dma_start3A_136 = arith.constant 0 : i32
        %dma_start3A_137 = tpu.memref_slice %arg7[%add3A_100, %dma_start3A_136] : memref<40x128xi32, #tpu.memory_space<vmem>> -> memref<1x128xi32, #tpu.memory_space<vmem>>
        %dma_start3A_138 = tpu.memref_squeeze %dma_start3A_137 : memref<1x128xi32, #tpu.memory_space<vmem>> -> memref<128xi32, #tpu.memory_space<vmem>>
        %dma_start3A_139 = arith.constant 0 : i32
        %dma_start3A_140 = arith.constant 0 : i32
        %dma_start3A_141 = tpu.memref_slice %arg10[%dma_start3A_139, %dma_start3A_140] : memref<10008x128xf32, #tpu.memory_space<vmem_shared>> -> memref<10008x128xf32, #tpu.memory_space<vmem_shared>>
        tpu.enqueue_indirect_dma source(%arg9 : memref<128x128xf32, #tpu.memory_space<vmem>>) target(%dma_start3A_141 : memref<10008x128xf32, #tpu.memory_space<vmem_shared>>) offsets(%dma_start3A_138 : memref<128xi32, #tpu.memory_space<vmem>>) semaphore(%run_scoped3A : memref<!tpu.dma_semaphore, #tpu.memory_space<semaphore_mem>>) {add = true}
        %dma_wait3A_142 = arith.constant 0 : i32
        %dma_wait3A_143 = tpu.memref_slice %arg7[%add3A_100, %dma_wait3A_142] : memref<40x128xi32, #tpu.memory_space<vmem>> -> memref<1x128xi32, #tpu.memory_space<vmem>>
        %dma_wait3A_144 = tpu.memref_squeeze %dma_wait3A_143 : memref<1x128xi32, #tpu.memory_space<vmem>> -> memref<128xi32, #tpu.memory_space<vmem>>
        %dma_wait3A_145 = arith.constant 0 : i32
        %dma_wait3A_146 = arith.constant 0 : i32
        %dma_wait3A_147 = tpu.memref_slice %arg10[%dma_wait3A_145, %dma_wait3A_146] : memref<10008x128xf32, #tpu.memory_space<vmem_shared>> -> memref<10008x128xf32, #tpu.memory_space<vmem_shared>>
        tpu.wait_indirect_dma semaphore(%run_scoped3A : memref<!tpu.dma_semaphore, #tpu.memory_space<semaphore_mem>>) src(%arg9 : memref<128x128xf32, #tpu.memory_space<vmem>>) dst(%dma_wait3A_147 : memref<10008x128xf32, #tpu.memory_space<vmem_shared>>)
        tpu.yield
      }) : () -> ()
    }
    %scan3A_86 = arith.constant 20 : i32
    %barrier3A_87 = arith.constant 0 : index
    tpu.barrier barrier_id(%barrier3A_87)
    %eq3A_88 = arith.constant 0 : i32
    %eq3A_89 = arith.cmpi eq, %arg1, %eq3A_88 : i32
    %convert_element_type3A_90 = arith.extui %eq3A_89 : i1 to i32
    %cond3A_91 = arith.constant 0 : i32
    %cond3A_92 = arith.cmpi ne, %convert_element_type3A_90, %cond3A_91 : i32
    scf.if %cond3A_92 {
      "tpu.region"() ({
        %run_scoped3A = tpu.sem_alloc : memref<!tpu.dma_semaphore, #tpu.memory_space<semaphore_mem>>
        %dma_start3A_94 = arith.constant 0 : i32
        %dma_start3A_95 = arith.constant 0 : i32
        %dma_start3A_96 = tpu.memref_slice %arg5[%add3A_46, %dma_start3A_94, %dma_start3A_95] : memref<4x10008x128xf32, #tpu.memory_space<hbm>> -> memref<1x10008x128xf32, #tpu.memory_space<hbm>>
        %dma_start3A_97 = tpu.memref_squeeze %dma_start3A_96 : memref<1x10008x128xf32, #tpu.memory_space<hbm>> -> memref<10008x128xf32, #tpu.memory_space<hbm>>
        tpu.enqueue_dma source(%arg10 : memref<10008x128xf32, #tpu.memory_space<vmem_shared>>) target(%dma_start3A_97 : memref<10008x128xf32, #tpu.memory_space<hbm>>) target_semaphore(%run_scoped3A : memref<!tpu.dma_semaphore, #tpu.memory_space<semaphore_mem>>)
        %dma_wait3A = arith.constant 0 : i32
        %dma_wait3A_98 = arith.constant 0 : i32
        %dma_wait3A_99 = tpu.memref_slice %arg5[%add3A_46, %dma_wait3A, %dma_wait3A_98] : memref<4x10008x128xf32, #tpu.memory_space<hbm>> -> memref<1x10008x128xf32, #tpu.memory_space<hbm>>
        %dma_wait3A_100 = tpu.memref_squeeze %dma_wait3A_99 : memref<1x10008x128xf32, #tpu.memory_space<hbm>> -> memref<10008x128xf32, #tpu.memory_space<hbm>>
        tpu.wait_dma2 semaphore(%run_scoped3A : memref<!tpu.dma_semaphore, #tpu.memory_space<semaphore_mem>>) src(%arg10 : memref<10008x128xf32, #tpu.memory_space<vmem_shared>>) dst(%dma_wait3A_100 : memref<10008x128xf32, #tpu.memory_space<hbm>>)
        tpu.yield
      }) : () -> ()
    } else {
    }
    %barrier3A_93 = arith.constant 0 : index
    tpu.barrier barrier_id(%barrier3A_93)
    return
  }
}

#map = affine_map<(d0, d1) -> (0, 0, 0)>
#map1 = affine_map<(d0, d1) -> (0, 0)>
module attributes {stable_mosaic.version = 14 : i64} {
  func.func @_deg_body(%arg0: i32, %arg1: i32, %arg2: memref<16x80x128xi32, #tpu.memory_space<hbm>>, %arg3: memref<10008x128xf32, #tpu.memory_space<hbm>>, %arg4: memref<10008x128xf32, #tpu.memory_space<hbm>>, %arg5: memref<80x128xi32, #tpu.memory_space<vmem>>, %arg6: memref<128x128xf32, #tpu.memory_space<vmem>>, %arg7: memref<10008x128xf32, #tpu.memory_space<vmem_shared>>, %arg8: memref<!tpu.dma_semaphore, #tpu.memory_space<semaphore_mem>>) attributes {dimension_semantics = [#tpu.dimension_semantics<core_parallel>, #tpu.dimension_semantics<subcore_parallel>], iteration_bounds = array<i64: 2, 16>, scalar_prefetch = 0 : i64, scratch_operands = 4 : i64, tpu.core_type = #tpu.core_type<sc_vector_subcore>, window_params = [{transform_indices = #map}, {transform_indices = #map1}, {transform_indices = #map1}]} {
    "tpu.region"() ({
      %run_scoped3A = tpu.sem_alloc : memref<!tpu.dma_semaphore, #tpu.memory_space<semaphore_mem>>
      %dma_start3A = arith.constant 0 : i32
      %dma_start3A_15 = arith.constant 0 : i32
      %dma_start3A_16 = tpu.memref_slice %arg2[%arg1, %dma_start3A, %dma_start3A_15] : memref<16x80x128xi32, #tpu.memory_space<hbm>> -> memref<1x80x128xi32, #tpu.memory_space<hbm>>
      %dma_start3A_17 = tpu.memref_squeeze %dma_start3A_16 : memref<1x80x128xi32, #tpu.memory_space<hbm>> -> memref<80x128xi32, #tpu.memory_space<hbm>>
      %dma_start3A_18 = arith.constant 0 : i32
      %dma_start3A_19 = arith.constant 0 : i32
      %dma_start3A_20 = tpu.memref_slice %arg2[%arg1, %dma_start3A_18, %dma_start3A_19] : memref<16x80x128xi32, #tpu.memory_space<hbm>> -> memref<1x80x128xi32, #tpu.memory_space<hbm>>
      %dma_start3A_21 = tpu.memref_squeeze %dma_start3A_20 : memref<1x80x128xi32, #tpu.memory_space<hbm>> -> memref<80x128xi32, #tpu.memory_space<hbm>>
      tpu.enqueue_dma source(%dma_start3A_21 : memref<80x128xi32, #tpu.memory_space<hbm>>) target(%arg5 : memref<80x128xi32, #tpu.memory_space<vmem>>) target_semaphore(%run_scoped3A : memref<!tpu.dma_semaphore, #tpu.memory_space<semaphore_mem>>)
      %dma_wait3A = arith.constant 0 : i32
      %dma_wait3A_22 = arith.constant 0 : i32
      %dma_wait3A_23 = tpu.memref_slice %arg2[%arg1, %dma_wait3A, %dma_wait3A_22] : memref<16x80x128xi32, #tpu.memory_space<hbm>> -> memref<1x80x128xi32, #tpu.memory_space<hbm>>
      %dma_wait3A_24 = tpu.memref_squeeze %dma_wait3A_23 : memref<1x80x128xi32, #tpu.memory_space<hbm>> -> memref<80x128xi32, #tpu.memory_space<hbm>>
      %dma_wait3A_25 = arith.constant 0 : i32
      %dma_wait3A_26 = arith.constant 0 : i32
      %dma_wait3A_27 = tpu.memref_slice %arg2[%arg1, %dma_wait3A_25, %dma_wait3A_26] : memref<16x80x128xi32, #tpu.memory_space<hbm>> -> memref<1x80x128xi32, #tpu.memory_space<hbm>>
      %dma_wait3A_28 = tpu.memref_squeeze %dma_wait3A_27 : memref<1x80x128xi32, #tpu.memory_space<hbm>> -> memref<80x128xi32, #tpu.memory_space<hbm>>
      tpu.wait_dma2 semaphore(%run_scoped3A : memref<!tpu.dma_semaphore, #tpu.memory_space<semaphore_mem>>) src(%dma_wait3A_28 : memref<80x128xi32, #tpu.memory_space<hbm>>) dst(%arg5 : memref<80x128xi32, #tpu.memory_space<vmem>>)
      tpu.yield
    }) : () -> ()
    "tpu.region"() ({
      %run_scoped3A = tpu.sem_alloc : memref<!tpu.dma_semaphore, #tpu.memory_space<semaphore_mem>>
      %dma_start3A = arith.constant 0 : i32
      %dma_start3A_15 = arith.constant 0 : i32
      %dma_start3A_16 = tpu.memref_slice %arg3[%dma_start3A, %dma_start3A_15] : memref<10008x128xf32, #tpu.memory_space<hbm>> -> memref<128x128xf32, #tpu.memory_space<hbm>>
      %dma_start3A_17 = arith.constant 0 : i32
      %dma_start3A_18 = arith.constant 0 : i32
      %dma_start3A_19 = tpu.memref_slice %arg3[%dma_start3A_17, %dma_start3A_18] : memref<10008x128xf32, #tpu.memory_space<hbm>> -> memref<128x128xf32, #tpu.memory_space<hbm>>
      tpu.enqueue_dma source(%dma_start3A_19 : memref<128x128xf32, #tpu.memory_space<hbm>>) target(%arg6 : memref<128x128xf32, #tpu.memory_space<vmem>>) target_semaphore(%run_scoped3A : memref<!tpu.dma_semaphore, #tpu.memory_space<semaphore_mem>>)
      %dma_wait3A = arith.constant 0 : i32
      %dma_wait3A_20 = arith.constant 0 : i32
      %dma_wait3A_21 = tpu.memref_slice %arg3[%dma_wait3A, %dma_wait3A_20] : memref<10008x128xf32, #tpu.memory_space<hbm>> -> memref<128x128xf32, #tpu.memory_space<hbm>>
      %dma_wait3A_22 = arith.constant 0 : i32
      %dma_wait3A_23 = arith.constant 0 : i32
      %dma_wait3A_24 = tpu.memref_slice %arg3[%dma_wait3A_22, %dma_wait3A_23] : memref<10008x128xf32, #tpu.memory_space<hbm>> -> memref<128x128xf32, #tpu.memory_space<hbm>>
      tpu.wait_dma2 semaphore(%run_scoped3A : memref<!tpu.dma_semaphore, #tpu.memory_space<semaphore_mem>>) src(%dma_wait3A_24 : memref<128x128xf32, #tpu.memory_space<hbm>>) dst(%arg6 : memref<128x128xf32, #tpu.memory_space<vmem>>)
      tpu.yield
    }) : () -> ()
    %eq3A = arith.constant 0 : i32
    %eq3A_0 = arith.cmpi eq, %arg1, %eq3A : i32
    %convert_element_type3A = arith.extui %eq3A_0 : i1 to i32
    %cond3A = arith.constant 0 : i32
    %cond3A_1 = arith.cmpi ne, %convert_element_type3A, %cond3A : i32
    scf.if %cond3A_1 {
      "tpu.region"() ({
        %run_scoped3A = tpu.sem_alloc : memref<!tpu.dma_semaphore, #tpu.memory_space<semaphore_mem>>
        tpu.enqueue_dma source(%arg3 : memref<10008x128xf32, #tpu.memory_space<hbm>>) target(%arg7 : memref<10008x128xf32, #tpu.memory_space<vmem_shared>>) target_semaphore(%run_scoped3A : memref<!tpu.dma_semaphore, #tpu.memory_space<semaphore_mem>>)
        tpu.wait_dma2 semaphore(%run_scoped3A : memref<!tpu.dma_semaphore, #tpu.memory_space<semaphore_mem>>) src(%arg3 : memref<10008x128xf32, #tpu.memory_space<hbm>>) dst(%arg7 : memref<10008x128xf32, #tpu.memory_space<vmem_shared>>)
        tpu.yield
      }) : () -> ()
    } else {
    }
    %barrier3A = arith.constant 0 : index
    tpu.barrier barrier_id(%barrier3A)
    %scan3A = arith.constant 0 : i32
    %scan3A_2 = arith.constant 0 : i32
    %scan3A_3 = arith.constant 80 : i32
    %scan3A_4 = arith.addi %scan3A_2, %scan3A_3 : i32
    %scan3A_5 = arith.constant 1 : i32
    scf.for %scan3A_15 = %scan3A_2 to %scan3A_4 step %scan3A_5  : i32 {
      "tpu.region"() ({
        %run_scoped3A = tpu.sem_alloc : memref<!tpu.dma_semaphore, #tpu.memory_space<semaphore_mem>>
        %dma_start3A = arith.constant 0 : i32
        %dma_start3A_16 = tpu.memref_slice %arg5[%scan3A_15, %dma_start3A] : memref<80x128xi32, #tpu.memory_space<vmem>> -> memref<1x128xi32, #tpu.memory_space<vmem>>
        %dma_start3A_17 = tpu.memref_squeeze %dma_start3A_16 : memref<1x128xi32, #tpu.memory_space<vmem>> -> memref<128xi32, #tpu.memory_space<vmem>>
        %dma_start3A_18 = arith.constant 0 : i32
        %dma_start3A_19 = arith.constant 0 : i32
        %dma_start3A_20 = tpu.memref_slice %arg7[%dma_start3A_18, %dma_start3A_19] : memref<10008x128xf32, #tpu.memory_space<vmem_shared>> -> memref<10008x128xf32, #tpu.memory_space<vmem_shared>>
        tpu.enqueue_indirect_dma source(%arg6 : memref<128x128xf32, #tpu.memory_space<vmem>>) target(%dma_start3A_20 : memref<10008x128xf32, #tpu.memory_space<vmem_shared>>) offsets(%dma_start3A_17 : memref<128xi32, #tpu.memory_space<vmem>>) semaphore(%run_scoped3A : memref<!tpu.dma_semaphore, #tpu.memory_space<semaphore_mem>>) {add = true}
        %dma_wait3A = arith.constant 0 : i32
        %dma_wait3A_21 = tpu.memref_slice %arg5[%scan3A_15, %dma_wait3A] : memref<80x128xi32, #tpu.memory_space<vmem>> -> memref<1x128xi32, #tpu.memory_space<vmem>>
        %dma_wait3A_22 = tpu.memref_squeeze %dma_wait3A_21 : memref<1x128xi32, #tpu.memory_space<vmem>> -> memref<128xi32, #tpu.memory_space<vmem>>
        %dma_wait3A_23 = arith.constant 0 : i32
        %dma_wait3A_24 = arith.constant 0 : i32
        %dma_wait3A_25 = tpu.memref_slice %arg7[%dma_wait3A_23, %dma_wait3A_24] : memref<10008x128xf32, #tpu.memory_space<vmem_shared>> -> memref<10008x128xf32, #tpu.memory_space<vmem_shared>>
        tpu.wait_indirect_dma semaphore(%run_scoped3A : memref<!tpu.dma_semaphore, #tpu.memory_space<semaphore_mem>>) src(%arg6 : memref<128x128xf32, #tpu.memory_space<vmem>>) dst(%dma_wait3A_25 : memref<10008x128xf32, #tpu.memory_space<vmem_shared>>)
        tpu.yield
      }) : () -> ()
    }
    %scan3A_6 = arith.constant 80 : i32
    %barrier3A_7 = arith.constant 0 : index
    tpu.barrier barrier_id(%barrier3A_7)
    %eq3A_8 = arith.constant 0 : i32
    %eq3A_9 = arith.cmpi eq, %arg1, %eq3A_8 : i32
    %eq3A_10 = arith.constant 0 : i32
    %eq3A_11 = arith.cmpi eq, %arg0, %eq3A_10 : i32
    %and3A = arith.andi %eq3A_9, %eq3A_11 : i1
    %convert_element_type3A_12 = arith.extui %and3A : i1 to i32
    %cond3A_13 = arith.constant 0 : i32
    %cond3A_14 = arith.cmpi ne, %convert_element_type3A_12, %cond3A_13 : i32
    scf.if %cond3A_14 {
      "tpu.region"() ({
        %run_scoped3A = tpu.sem_alloc : memref<!tpu.dma_semaphore, #tpu.memory_space<semaphore_mem>>
        tpu.enqueue_dma source(%arg7 : memref<10008x128xf32, #tpu.memory_space<vmem_shared>>) target(%arg4 : memref<10008x128xf32, #tpu.memory_space<hbm>>) target_semaphore(%run_scoped3A : memref<!tpu.dma_semaphore, #tpu.memory_space<semaphore_mem>>)
        tpu.wait_dma2 semaphore(%run_scoped3A : memref<!tpu.dma_semaphore, #tpu.memory_space<semaphore_mem>>) src(%arg7 : memref<10008x128xf32, #tpu.memory_space<vmem_shared>>) dst(%arg4 : memref<10008x128xf32, #tpu.memory_space<hbm>>)
        tpu.yield
      }) : () -> ()
    } else {
    }
    return
  }
}

#map = affine_map<(d0, d1) -> (0, 0, 0)>
module attributes {stable_mosaic.version = 14 : i64} {
  func.func @_scatter_body(%arg0: i32, %arg1: i32, %arg2: memref<4x10008x128xf32, #tpu.memory_space<hbm>>, %arg3: memref<16x80x128xi32, #tpu.memory_space<hbm>>, %arg4: memref<16x80x128xi32, #tpu.memory_space<hbm>>, %arg5: memref<4x10008x128xf32, #tpu.memory_space<hbm>>, %arg6: memref<40x128xi32, #tpu.memory_space<vmem>>, %arg7: memref<40x128xi32, #tpu.memory_space<vmem>>, %arg8: memref<128x128xf32, #tpu.memory_space<vmem>>, %arg9: memref<128x128xf32, #tpu.memory_space<vmem>>, %arg10: memref<10008x128xf32, #tpu.memory_space<vmem_shared>>, %arg11: memref<!tpu.dma_semaphore, #tpu.memory_space<semaphore_mem>>, %arg12: memref<!tpu.dma_semaphore, #tpu.memory_space<semaphore_mem>>) attributes {dimension_semantics = [#tpu.dimension_semantics<core_parallel>, #tpu.dimension_semantics<subcore_parallel>], iteration_bounds = array<i64: 2, 16>, scalar_prefetch = 0 : i64, scratch_operands = 7 : i64, tpu.core_type = #tpu.core_type<sc_vector_subcore>, window_params = [{transform_indices = #map}, {transform_indices = #map}, {transform_indices = #map}, {transform_indices = #map}]} {
    %mul3A = arith.constant 2 : i32
    %mul3A_0 = arith.muli %arg0, %mul3A : i32
    %add3A = arith.constant 0 : i32
    %add3A_1 = arith.addi %mul3A_0, %add3A : i32
    %eq3A = arith.constant 0 : i32
    %eq3A_2 = arith.cmpi eq, %arg1, %eq3A : i32
    %convert_element_type3A = arith.extui %eq3A_2 : i1 to i32
    %cond3A = arith.constant 0 : i32
    %cond3A_3 = arith.cmpi ne, %convert_element_type3A, %cond3A : i32
    scf.if %cond3A_3 {
      "tpu.region"() ({
        %run_scoped3A = tpu.sem_alloc : memref<!tpu.dma_semaphore, #tpu.memory_space<semaphore_mem>>
        %dma_start3A_94 = arith.constant 0 : i32
        %dma_start3A_95 = arith.constant 0 : i32
        %dma_start3A_96 = tpu.memref_slice %arg2[%add3A_1, %dma_start3A_94, %dma_start3A_95] : memref<4x10008x128xf32, #tpu.memory_space<hbm>> -> memref<1x10008x128xf32, #tpu.memory_space<hbm>>
        %dma_start3A_97 = tpu.memref_squeeze %dma_start3A_96 : memref<1x10008x128xf32, #tpu.memory_space<hbm>> -> memref<10008x128xf32, #tpu.memory_space<hbm>>
        tpu.enqueue_dma source(%dma_start3A_97 : memref<10008x128xf32, #tpu.memory_space<hbm>>) target(%arg10 : memref<10008x128xf32, #tpu.memory_space<vmem_shared>>) target_semaphore(%run_scoped3A : memref<!tpu.dma_semaphore, #tpu.memory_space<semaphore_mem>>)
        %dma_wait3A = arith.constant 0 : i32
        %dma_wait3A_98 = arith.constant 0 : i32
        %dma_wait3A_99 = tpu.memref_slice %arg2[%add3A_1, %dma_wait3A, %dma_wait3A_98] : memref<4x10008x128xf32, #tpu.memory_space<hbm>> -> memref<1x10008x128xf32, #tpu.memory_space<hbm>>
        %dma_wait3A_100 = tpu.memref_squeeze %dma_wait3A_99 : memref<1x10008x128xf32, #tpu.memory_space<hbm>> -> memref<10008x128xf32, #tpu.memory_space<hbm>>
        tpu.wait_dma2 semaphore(%run_scoped3A : memref<!tpu.dma_semaphore, #tpu.memory_space<semaphore_mem>>) src(%dma_wait3A_100 : memref<10008x128xf32, #tpu.memory_space<hbm>>) dst(%arg10 : memref<10008x128xf32, #tpu.memory_space<vmem_shared>>)
        tpu.yield
      }) : () -> ()
    } else {
    }
    %barrier3A = arith.constant 0 : index
    tpu.barrier barrier_id(%barrier3A)
    "tpu.region"() ({
      %run_scoped3A = tpu.sem_alloc : memref<!tpu.dma_semaphore, #tpu.memory_space<semaphore_mem>>
      %dma_start3A_94 = arith.constant 0 : i32
      %dma_start3A_95 = arith.constant 0 : i32
      %dma_start3A_96 = tpu.memref_slice %arg3[%arg1, %dma_start3A_94, %dma_start3A_95] : memref<16x80x128xi32, #tpu.memory_space<hbm>> -> memref<1x80x128xi32, #tpu.memory_space<hbm>>
      %dma_start3A_97 = tpu.memref_squeeze %dma_start3A_96 : memref<1x80x128xi32, #tpu.memory_space<hbm>> -> memref<80x128xi32, #tpu.memory_space<hbm>>
      %dma_start3A_98 = arith.constant 0 : i32
      %dma_start3A_99 = arith.constant 0 : i32
      %dma_start3A_100 = tpu.memref_slice %dma_start3A_97[%dma_start3A_98, %dma_start3A_99] : memref<80x128xi32, #tpu.memory_space<hbm>> -> memref<40x128xi32, #tpu.memory_space<hbm>>
      %dma_start3A_101 = arith.constant 0 : i32
      %dma_start3A_102 = arith.constant 0 : i32
      %dma_start3A_103 = tpu.memref_slice %arg3[%arg1, %dma_start3A_101, %dma_start3A_102] : memref<16x80x128xi32, #tpu.memory_space<hbm>> -> memref<1x80x128xi32, #tpu.memory_space<hbm>>
      %dma_start3A_104 = tpu.memref_squeeze %dma_start3A_103 : memref<1x80x128xi32, #tpu.memory_space<hbm>> -> memref<80x128xi32, #tpu.memory_space<hbm>>
      %dma_start3A_105 = arith.constant 0 : i32
      %dma_start3A_106 = arith.constant 0 : i32
      %dma_start3A_107 = tpu.memref_slice %dma_start3A_104[%dma_start3A_105, %dma_start3A_106] : memref<80x128xi32, #tpu.memory_space<hbm>> -> memref<40x128xi32, #tpu.memory_space<hbm>>
      tpu.enqueue_dma source(%dma_start3A_107 : memref<40x128xi32, #tpu.memory_space<hbm>>) target(%arg6 : memref<40x128xi32, #tpu.memory_space<vmem>>) target_semaphore(%run_scoped3A : memref<!tpu.dma_semaphore, #tpu.memory_space<semaphore_mem>>)
      %dma_wait3A = arith.constant 0 : i32
      %dma_wait3A_108 = arith.constant 0 : i32
      %dma_wait3A_109 = tpu.memref_slice %arg3[%arg1, %dma_wait3A, %dma_wait3A_108] : memref<16x80x128xi32, #tpu.memory_space<hbm>> -> memref<1x80x128xi32, #tpu.memory_space<hbm>>
      %dma_wait3A_110 = tpu.memref_squeeze %dma_wait3A_109 : memref<1x80x128xi32, #tpu.memory_space<hbm>> -> memref<80x128xi32, #tpu.memory_space<hbm>>
      %dma_wait3A_111 = arith.constant 0 : i32
      %dma_wait3A_112 = arith.constant 0 : i32
      %dma_wait3A_113 = tpu.memref_slice %dma_wait3A_110[%dma_wait3A_111, %dma_wait3A_112] : memref<80x128xi32, #tpu.memory_space<hbm>> -> memref<40x128xi32, #tpu.memory_space<hbm>>
      %dma_wait3A_114 = arith.constant 0 : i32
      %dma_wait3A_115 = arith.constant 0 : i32
      %dma_wait3A_116 = tpu.memref_slice %arg3[%arg1, %dma_wait3A_114, %dma_wait3A_115] : memref<16x80x128xi32, #tpu.memory_space<hbm>> -> memref<1x80x128xi32, #tpu.memory_space<hbm>>
      %dma_wait3A_117 = tpu.memref_squeeze %dma_wait3A_116 : memref<1x80x128xi32, #tpu.memory_space<hbm>> -> memref<80x128xi32, #tpu.memory_space<hbm>>
      %dma_wait3A_118 = arith.constant 0 : i32
      %dma_wait3A_119 = arith.constant 0 : i32
      %dma_wait3A_120 = tpu.memref_slice %dma_wait3A_117[%dma_wait3A_118, %dma_wait3A_119] : memref<80x128xi32, #tpu.memory_space<hbm>> -> memref<40x128xi32, #tpu.memory_space<hbm>>
      tpu.wait_dma2 semaphore(%run_scoped3A : memref<!tpu.dma_semaphore, #tpu.memory_space<semaphore_mem>>) src(%dma_wait3A_120 : memref<40x128xi32, #tpu.memory_space<hbm>>) dst(%arg6 : memref<40x128xi32, #tpu.memory_space<vmem>>)
      tpu.yield
    }) : () -> ()
    "tpu.region"() ({
      %run_scoped3A = tpu.sem_alloc : memref<!tpu.dma_semaphore, #tpu.memory_space<semaphore_mem>>
      %dma_start3A_94 = arith.constant 0 : i32
      %dma_start3A_95 = arith.constant 0 : i32
      %dma_start3A_96 = tpu.memref_slice %arg4[%arg1, %dma_start3A_94, %dma_start3A_95] : memref<16x80x128xi32, #tpu.memory_space<hbm>> -> memref<1x80x128xi32, #tpu.memory_space<hbm>>
      %dma_start3A_97 = tpu.memref_squeeze %dma_start3A_96 : memref<1x80x128xi32, #tpu.memory_space<hbm>> -> memref<80x128xi32, #tpu.memory_space<hbm>>
      %dma_start3A_98 = arith.constant 0 : i32
      %dma_start3A_99 = arith.constant 0 : i32
      %dma_start3A_100 = tpu.memref_slice %dma_start3A_97[%dma_start3A_98, %dma_start3A_99] : memref<80x128xi32, #tpu.memory_space<hbm>> -> memref<40x128xi32, #tpu.memory_space<hbm>>
      %dma_start3A_101 = arith.constant 0 : i32
      %dma_start3A_102 = arith.constant 0 : i32
      %dma_start3A_103 = tpu.memref_slice %arg4[%arg1, %dma_start3A_101, %dma_start3A_102] : memref<16x80x128xi32, #tpu.memory_space<hbm>> -> memref<1x80x128xi32, #tpu.memory_space<hbm>>
      %dma_start3A_104 = tpu.memref_squeeze %dma_start3A_103 : memref<1x80x128xi32, #tpu.memory_space<hbm>> -> memref<80x128xi32, #tpu.memory_space<hbm>>
      %dma_start3A_105 = arith.constant 0 : i32
      %dma_start3A_106 = arith.constant 0 : i32
      %dma_start3A_107 = tpu.memref_slice %dma_start3A_104[%dma_start3A_105, %dma_start3A_106] : memref<80x128xi32, #tpu.memory_space<hbm>> -> memref<40x128xi32, #tpu.memory_space<hbm>>
      tpu.enqueue_dma source(%dma_start3A_107 : memref<40x128xi32, #tpu.memory_space<hbm>>) target(%arg7 : memref<40x128xi32, #tpu.memory_space<vmem>>) target_semaphore(%run_scoped3A : memref<!tpu.dma_semaphore, #tpu.memory_space<semaphore_mem>>)
      %dma_wait3A = arith.constant 0 : i32
      %dma_wait3A_108 = arith.constant 0 : i32
      %dma_wait3A_109 = tpu.memref_slice %arg4[%arg1, %dma_wait3A, %dma_wait3A_108] : memref<16x80x128xi32, #tpu.memory_space<hbm>> -> memref<1x80x128xi32, #tpu.memory_space<hbm>>
      %dma_wait3A_110 = tpu.memref_squeeze %dma_wait3A_109 : memref<1x80x128xi32, #tpu.memory_space<hbm>> -> memref<80x128xi32, #tpu.memory_space<hbm>>
      %dma_wait3A_111 = arith.constant 0 : i32
      %dma_wait3A_112 = arith.constant 0 : i32
      %dma_wait3A_113 = tpu.memref_slice %dma_wait3A_110[%dma_wait3A_111, %dma_wait3A_112] : memref<80x128xi32, #tpu.memory_space<hbm>> -> memref<40x128xi32, #tpu.memory_space<hbm>>
      %dma_wait3A_114 = arith.constant 0 : i32
      %dma_wait3A_115 = arith.constant 0 : i32
      %dma_wait3A_116 = tpu.memref_slice %arg4[%arg1, %dma_wait3A_114, %dma_wait3A_115] : memref<16x80x128xi32, #tpu.memory_space<hbm>> -> memref<1x80x128xi32, #tpu.memory_space<hbm>>
      %dma_wait3A_117 = tpu.memref_squeeze %dma_wait3A_116 : memref<1x80x128xi32, #tpu.memory_space<hbm>> -> memref<80x128xi32, #tpu.memory_space<hbm>>
      %dma_wait3A_118 = arith.constant 0 : i32
      %dma_wait3A_119 = arith.constant 0 : i32
      %dma_wait3A_120 = tpu.memref_slice %dma_wait3A_117[%dma_wait3A_118, %dma_wait3A_119] : memref<80x128xi32, #tpu.memory_space<hbm>> -> memref<40x128xi32, #tpu.memory_space<hbm>>
      tpu.wait_dma2 semaphore(%run_scoped3A : memref<!tpu.dma_semaphore, #tpu.memory_space<semaphore_mem>>) src(%dma_wait3A_120 : memref<40x128xi32, #tpu.memory_space<hbm>>) dst(%arg7 : memref<40x128xi32, #tpu.memory_space<vmem>>)
      tpu.yield
    }) : () -> ()
    %dma_start3A = arith.constant 0 : i32
    %dma_start3A_4 = arith.constant 0 : i32
    %dma_start3A_5 = tpu.memref_slice %arg6[%dma_start3A, %dma_start3A_4] : memref<40x128xi32, #tpu.memory_space<vmem>> -> memref<1x128xi32, #tpu.memory_space<vmem>>
    %dma_start3A_6 = tpu.memref_squeeze %dma_start3A_5 : memref<1x128xi32, #tpu.memory_space<vmem>> -> memref<128xi32, #tpu.memory_space<vmem>>
    %dma_start3A_7 = arith.constant 0 : i32
    %dma_start3A_8 = arith.constant 0 : i32
    %dma_start3A_9 = tpu.memref_slice %arg2[%add3A_1, %dma_start3A_7, %dma_start3A_8] : memref<4x10008x128xf32, #tpu.memory_space<hbm>> -> memref<1x10008x128xf32, #tpu.memory_space<hbm>>
    %dma_start3A_10 = tpu.memref_squeeze %dma_start3A_9 : memref<1x10008x128xf32, #tpu.memory_space<hbm>> -> memref<10008x128xf32, #tpu.memory_space<hbm>>
    %dma_start3A_11 = arith.constant 0 : i32
    %dma_start3A_12 = arith.constant 0 : i32
    %dma_start3A_13 = tpu.memref_slice %dma_start3A_10[%dma_start3A_11, %dma_start3A_12] : memref<10008x128xf32, #tpu.memory_space<hbm>> -> memref<10008x128xf32, #tpu.memory_space<hbm>>
    tpu.enqueue_indirect_dma source(%dma_start3A_13 : memref<10008x128xf32, #tpu.memory_space<hbm>>) target(%arg8 : memref<128x128xf32, #tpu.memory_space<vmem>>) offsets(%dma_start3A_6 : memref<128xi32, #tpu.memory_space<vmem>>) semaphore(%arg11 : memref<!tpu.dma_semaphore, #tpu.memory_space<semaphore_mem>>)
    %scan3A = arith.constant 0 : i32
    %scan3A_14 = arith.constant 0 : i32
    %scan3A_15 = arith.constant 20 : i32
    %scan3A_16 = arith.addi %scan3A_14, %scan3A_15 : i32
    %scan3A_17 = arith.constant 1 : i32
    scf.for %scan3A_94 = %scan3A_14 to %scan3A_16 step %scan3A_17  : i32 {
      %mul3A_95 = arith.constant 2 : i32
      %mul3A_96 = arith.muli %mul3A_95, %scan3A_94 : i32
      %mul3A_97 = arith.constant 2 : i32
      %mul3A_98 = arith.muli %mul3A_97, %scan3A_94 : i32
      %add3A_99 = arith.constant 1 : i32
      %add3A_100 = arith.addi %mul3A_98, %add3A_99 : i32
      %dma_start3A_101 = arith.constant 0 : i32
      %dma_start3A_102 = tpu.memref_slice %arg6[%add3A_100, %dma_start3A_101] : memref<40x128xi32, #tpu.memory_space<vmem>> -> memref<1x128xi32, #tpu.memory_space<vmem>>
      %dma_start3A_103 = tpu.memref_squeeze %dma_start3A_102 : memref<1x128xi32, #tpu.memory_space<vmem>> -> memref<128xi32, #tpu.memory_space<vmem>>
      %dma_start3A_104 = arith.constant 0 : i32
      %dma_start3A_105 = arith.constant 0 : i32
      %dma_start3A_106 = tpu.memref_slice %arg2[%add3A_1, %dma_start3A_104, %dma_start3A_105] : memref<4x10008x128xf32, #tpu.memory_space<hbm>> -> memref<1x10008x128xf32, #tpu.memory_space<hbm>>
      %dma_start3A_107 = tpu.memref_squeeze %dma_start3A_106 : memref<1x10008x128xf32, #tpu.memory_space<hbm>> -> memref<10008x128xf32, #tpu.memory_space<hbm>>
      %dma_start3A_108 = arith.constant 0 : i32
      %dma_start3A_109 = arith.constant 0 : i32
      %dma_start3A_110 = tpu.memref_slice %dma_start3A_107[%dma_start3A_108, %dma_start3A_109] : memref<10008x128xf32, #tpu.memory_space<hbm>> -> memref<10008x128xf32, #tpu.memory_space<hbm>>
      tpu.enqueue_indirect_dma source(%dma_start3A_110 : memref<10008x128xf32, #tpu.memory_space<hbm>>) target(%arg9 : memref<128x128xf32, #tpu.memory_space<vmem>>) offsets(%dma_start3A_103 : memref<128xi32, #tpu.memory_space<vmem>>) semaphore(%arg12 : memref<!tpu.dma_semaphore, #tpu.memory_space<semaphore_mem>>)
      %dma_wait3A = arith.constant 0 : i32
      %dma_wait3A_111 = tpu.memref_slice %arg6[%mul3A_96, %dma_wait3A] : memref<40x128xi32, #tpu.memory_space<vmem>> -> memref<1x128xi32, #tpu.memory_space<vmem>>
      %dma_wait3A_112 = tpu.memref_squeeze %dma_wait3A_111 : memref<1x128xi32, #tpu.memory_space<vmem>> -> memref<128xi32, #tpu.memory_space<vmem>>
      %dma_wait3A_113 = arith.constant 0 : i32
      %dma_wait3A_114 = arith.constant 0 : i32
      %dma_wait3A_115 = tpu.memref_slice %arg2[%add3A_1, %dma_wait3A_113, %dma_wait3A_114] : memref<4x10008x128xf32, #tpu.memory_space<hbm>> -> memref<1x10008x128xf32, #tpu.memory_space<hbm>>
      %dma_wait3A_116 = tpu.memref_squeeze %dma_wait3A_115 : memref<1x10008x128xf32, #tpu.memory_space<hbm>> -> memref<10008x128xf32, #tpu.memory_space<hbm>>
      %dma_wait3A_117 = arith.constant 0 : i32
      %dma_wait3A_118 = arith.constant 0 : i32
      %dma_wait3A_119 = tpu.memref_slice %dma_wait3A_116[%dma_wait3A_117, %dma_wait3A_118] : memref<10008x128xf32, #tpu.memory_space<hbm>> -> memref<10008x128xf32, #tpu.memory_space<hbm>>
      tpu.wait_indirect_dma semaphore(%arg11 : memref<!tpu.dma_semaphore, #tpu.memory_space<semaphore_mem>>) src(%dma_wait3A_119 : memref<10008x128xf32, #tpu.memory_space<hbm>>) dst(%arg8 : memref<128x128xf32, #tpu.memory_space<vmem>>)
      "tpu.region"() ({
        %run_scoped3A = tpu.sem_alloc : memref<!tpu.dma_semaphore, #tpu.memory_space<semaphore_mem>>
        %dma_start3A_136 = arith.constant 0 : i32
        %dma_start3A_137 = tpu.memref_slice %arg7[%mul3A_96, %dma_start3A_136] : memref<40x128xi32, #tpu.memory_space<vmem>> -> memref<1x128xi32, #tpu.memory_space<vmem>>
        %dma_start3A_138 = tpu.memref_squeeze %dma_start3A_137 : memref<1x128xi32, #tpu.memory_space<vmem>> -> memref<128xi32, #tpu.memory_space<vmem>>
        %dma_start3A_139 = arith.constant 0 : i32
        %dma_start3A_140 = arith.constant 0 : i32
        %dma_start3A_141 = tpu.memref_slice %arg10[%dma_start3A_139, %dma_start3A_140] : memref<10008x128xf32, #tpu.memory_space<vmem_shared>> -> memref<10008x128xf32, #tpu.memory_space<vmem_shared>>
        tpu.enqueue_indirect_dma source(%arg8 : memref<128x128xf32, #tpu.memory_space<vmem>>) target(%dma_start3A_141 : memref<10008x128xf32, #tpu.memory_space<vmem_shared>>) offsets(%dma_start3A_138 : memref<128xi32, #tpu.memory_space<vmem>>) semaphore(%run_scoped3A : memref<!tpu.dma_semaphore, #tpu.memory_space<semaphore_mem>>) {add = true}
        %dma_wait3A_142 = arith.constant 0 : i32
        %dma_wait3A_143 = tpu.memref_slice %arg7[%mul3A_96, %dma_wait3A_142] : memref<40x128xi32, #tpu.memory_space<vmem>> -> memref<1x128xi32, #tpu.memory_space<vmem>>
        %dma_wait3A_144 = tpu.memref_squeeze %dma_wait3A_143 : memref<1x128xi32, #tpu.memory_space<vmem>> -> memref<128xi32, #tpu.memory_space<vmem>>
        %dma_wait3A_145 = arith.constant 0 : i32
        %dma_wait3A_146 = arith.constant 0 : i32
        %dma_wait3A_147 = tpu.memref_slice %arg10[%dma_wait3A_145, %dma_wait3A_146] : memref<10008x128xf32, #tpu.memory_space<vmem_shared>> -> memref<10008x128xf32, #tpu.memory_space<vmem_shared>>
        tpu.wait_indirect_dma semaphore(%run_scoped3A : memref<!tpu.dma_semaphore, #tpu.memory_space<semaphore_mem>>) src(%arg8 : memref<128x128xf32, #tpu.memory_space<vmem>>) dst(%dma_wait3A_147 : memref<10008x128xf32, #tpu.memory_space<vmem_shared>>)
        tpu.yield
      }) : () -> ()
      %add3A_120 = arith.constant 2 : i32
      %add3A_121 = arith.addi %mul3A_96, %add3A_120 : i32
      %lt3A = arith.constant 40 : i32
      %lt3A_122 = arith.cmpi slt, %add3A_121, %lt3A : i32
      %convert_element_type3A_123 = arith.extui %lt3A_122 : i1 to i32
      %cond3A_124 = arith.constant 0 : i32
      %cond3A_125 = arith.cmpi ne, %convert_element_type3A_123, %cond3A_124 : i32
      scf.if %cond3A_125 {
        %add3A_136 = arith.constant 2 : i32
        %add3A_137 = arith.addi %mul3A_96, %add3A_136 : i32
        %dma_start3A_138 = arith.constant 0 : i32
        %dma_start3A_139 = tpu.memref_slice %arg6[%add3A_137, %dma_start3A_138] : memref<40x128xi32, #tpu.memory_space<vmem>> -> memref<1x128xi32, #tpu.memory_space<vmem>>
        %dma_start3A_140 = tpu.memref_squeeze %dma_start3A_139 : memref<1x128xi32, #tpu.memory_space<vmem>> -> memref<128xi32, #tpu.memory_space<vmem>>
        %dma_start3A_141 = arith.constant 0 : i32
        %dma_start3A_142 = arith.constant 0 : i32
        %dma_start3A_143 = tpu.memref_slice %arg2[%add3A_1, %dma_start3A_141, %dma_start3A_142] : memref<4x10008x128xf32, #tpu.memory_space<hbm>> -> memref<1x10008x128xf32, #tpu.memory_space<hbm>>
        %dma_start3A_144 = tpu.memref_squeeze %dma_start3A_143 : memref<1x10008x128xf32, #tpu.memory_space<hbm>> -> memref<10008x128xf32, #tpu.memory_space<hbm>>
        %dma_start3A_145 = arith.constant 0 : i32
        %dma_start3A_146 = arith.constant 0 : i32
        %dma_start3A_147 = tpu.memref_slice %dma_start3A_144[%dma_start3A_145, %dma_start3A_146] : memref<10008x128xf32, #tpu.memory_space<hbm>> -> memref<10008x128xf32, #tpu.memory_space<hbm>>
        tpu.enqueue_indirect_dma source(%dma_start3A_147 : memref<10008x128xf32, #tpu.memory_space<hbm>>) target(%arg8 : memref<128x128xf32, #tpu.memory_space<vmem>>) offsets(%dma_start3A_140 : memref<128xi32, #tpu.memory_space<vmem>>) semaphore(%arg11 : memref<!tpu.dma_semaphore, #tpu.memory_space<semaphore_mem>>)
      } else {
      }
      %dma_wait3A_126 = arith.constant 0 : i32
      %dma_wait3A_127 = tpu.memref_slice %arg6[%add3A_100, %dma_wait3A_126] : memref<40x128xi32, #tpu.memory_space<vmem>> -> memref<1x128xi32, #tpu.memory_space<vmem>>
      %dma_wait3A_128 = tpu.memref_squeeze %dma_wait3A_127 : memref<1x128xi32, #tpu.memory_space<vmem>> -> memref<128xi32, #tpu.memory_space<vmem>>
      %dma_wait3A_129 = arith.constant 0 : i32
      %dma_wait3A_130 = arith.constant 0 : i32
      %dma_wait3A_131 = tpu.memref_slice %arg2[%add3A_1, %dma_wait3A_129, %dma_wait3A_130] : memref<4x10008x128xf32, #tpu.memory_space<hbm>> -> memref<1x10008x128xf32, #tpu.memory_space<hbm>>
      %dma_wait3A_132 = tpu.memref_squeeze %dma_wait3A_131 : memref<1x10008x128xf32, #tpu.memory_space<hbm>> -> memref<10008x128xf32, #tpu.memory_space<hbm>>
      %dma_wait3A_133 = arith.constant 0 : i32
      %dma_wait3A_134 = arith.constant 0 : i32
      %dma_wait3A_135 = tpu.memref_slice %dma_wait3A_132[%dma_wait3A_133, %dma_wait3A_134] : memref<10008x128xf32, #tpu.memory_space<hbm>> -> memref<10008x128xf32, #tpu.memory_space<hbm>>
      tpu.wait_indirect_dma semaphore(%arg12 : memref<!tpu.dma_semaphore, #tpu.memory_space<semaphore_mem>>) src(%dma_wait3A_135 : memref<10008x128xf32, #tpu.memory_space<hbm>>) dst(%arg9 : memref<128x128xf32, #tpu.memory_space<vmem>>)
      "tpu.region"() ({
        %run_scoped3A = tpu.sem_alloc : memref<!tpu.dma_semaphore, #tpu.memory_space<semaphore_mem>>
        %dma_start3A_136 = arith.constant 0 : i32
        %dma_start3A_137 = tpu.memref_slice %arg7[%add3A_100, %dma_start3A_136] : memref<40x128xi32, #tpu.memory_space<vmem>> -> memref<1x128xi32, #tpu.memory_space<vmem>>
        %dma_start3A_138 = tpu.memref_squeeze %dma_start3A_137 : memref<1x128xi32, #tpu.memory_space<vmem>> -> memref<128xi32, #tpu.memory_space<vmem>>
        %dma_start3A_139 = arith.constant 0 : i32
        %dma_start3A_140 = arith.constant 0 : i32
        %dma_start3A_141 = tpu.memref_slice %arg10[%dma_start3A_139, %dma_start3A_140] : memref<10008x128xf32, #tpu.memory_space<vmem_shared>> -> memref<10008x128xf32, #tpu.memory_space<vmem_shared>>
        tpu.enqueue_indirect_dma source(%arg9 : memref<128x128xf32, #tpu.memory_space<vmem>>) target(%dma_start3A_141 : memref<10008x128xf32, #tpu.memory_space<vmem_shared>>) offsets(%dma_start3A_138 : memref<128xi32, #tpu.memory_space<vmem>>) semaphore(%run_scoped3A : memref<!tpu.dma_semaphore, #tpu.memory_space<semaphore_mem>>) {add = true}
        %dma_wait3A_142 = arith.constant 0 : i32
        %dma_wait3A_143 = tpu.memref_slice %arg7[%add3A_100, %dma_wait3A_142] : memref<40x128xi32, #tpu.memory_space<vmem>> -> memref<1x128xi32, #tpu.memory_space<vmem>>
        %dma_wait3A_144 = tpu.memref_squeeze %dma_wait3A_143 : memref<1x128xi32, #tpu.memory_space<vmem>> -> memref<128xi32, #tpu.memory_space<vmem>>
        %dma_wait3A_145 = arith.constant 0 : i32
        %dma_wait3A_146 = arith.constant 0 : i32
        %dma_wait3A_147 = tpu.memref_slice %arg10[%dma_wait3A_145, %dma_wait3A_146] : memref<10008x128xf32, #tpu.memory_space<vmem_shared>> -> memref<10008x128xf32, #tpu.memory_space<vmem_shared>>
        tpu.wait_indirect_dma semaphore(%run_scoped3A : memref<!tpu.dma_semaphore, #tpu.memory_space<semaphore_mem>>) src(%arg9 : memref<128x128xf32, #tpu.memory_space<vmem>>) dst(%dma_wait3A_147 : memref<10008x128xf32, #tpu.memory_space<vmem_shared>>)
        tpu.yield
      }) : () -> ()
    }
    %scan3A_18 = arith.constant 20 : i32
    "tpu.region"() ({
      %run_scoped3A = tpu.sem_alloc : memref<!tpu.dma_semaphore, #tpu.memory_space<semaphore_mem>>
      %dma_start3A_94 = arith.constant 0 : i32
      %dma_start3A_95 = arith.constant 0 : i32
      %dma_start3A_96 = tpu.memref_slice %arg3[%arg1, %dma_start3A_94, %dma_start3A_95] : memref<16x80x128xi32, #tpu.memory_space<hbm>> -> memref<1x80x128xi32, #tpu.memory_space<hbm>>
      %dma_start3A_97 = tpu.memref_squeeze %dma_start3A_96 : memref<1x80x128xi32, #tpu.memory_space<hbm>> -> memref<80x128xi32, #tpu.memory_space<hbm>>
      %dma_start3A_98 = arith.constant 40 : i32
      %dma_start3A_99 = arith.constant 0 : i32
      %dma_start3A_100 = tpu.memref_slice %dma_start3A_97[%dma_start3A_98, %dma_start3A_99] : memref<80x128xi32, #tpu.memory_space<hbm>> -> memref<40x128xi32, #tpu.memory_space<hbm>>
      %dma_start3A_101 = arith.constant 0 : i32
      %dma_start3A_102 = arith.constant 0 : i32
      %dma_start3A_103 = tpu.memref_slice %arg3[%arg1, %dma_start3A_101, %dma_start3A_102] : memref<16x80x128xi32, #tpu.memory_space<hbm>> -> memref<1x80x128xi32, #tpu.memory_space<hbm>>
      %dma_start3A_104 = tpu.memref_squeeze %dma_start3A_103 : memref<1x80x128xi32, #tpu.memory_space<hbm>> -> memref<80x128xi32, #tpu.memory_space<hbm>>
      %dma_start3A_105 = arith.constant 40 : i32
      %dma_start3A_106 = arith.constant 0 : i32
      %dma_start3A_107 = tpu.memref_slice %dma_start3A_104[%dma_start3A_105, %dma_start3A_106] : memref<80x128xi32, #tpu.memory_space<hbm>> -> memref<40x128xi32, #tpu.memory_space<hbm>>
      tpu.enqueue_dma source(%dma_start3A_107 : memref<40x128xi32, #tpu.memory_space<hbm>>) target(%arg6 : memref<40x128xi32, #tpu.memory_space<vmem>>) target_semaphore(%run_scoped3A : memref<!tpu.dma_semaphore, #tpu.memory_space<semaphore_mem>>)
      %dma_wait3A = arith.constant 0 : i32
      %dma_wait3A_108 = arith.constant 0 : i32
      %dma_wait3A_109 = tpu.memref_slice %arg3[%arg1, %dma_wait3A, %dma_wait3A_108] : memref<16x80x128xi32, #tpu.memory_space<hbm>> -> memref<1x80x128xi32, #tpu.memory_space<hbm>>
      %dma_wait3A_110 = tpu.memref_squeeze %dma_wait3A_109 : memref<1x80x128xi32, #tpu.memory_space<hbm>> -> memref<80x128xi32, #tpu.memory_space<hbm>>
      %dma_wait3A_111 = arith.constant 40 : i32
      %dma_wait3A_112 = arith.constant 0 : i32
      %dma_wait3A_113 = tpu.memref_slice %dma_wait3A_110[%dma_wait3A_111, %dma_wait3A_112] : memref<80x128xi32, #tpu.memory_space<hbm>> -> memref<40x128xi32, #tpu.memory_space<hbm>>
      %dma_wait3A_114 = arith.constant 0 : i32
      %dma_wait3A_115 = arith.constant 0 : i32
      %dma_wait3A_116 = tpu.memref_slice %arg3[%arg1, %dma_wait3A_114, %dma_wait3A_115] : memref<16x80x128xi32, #tpu.memory_space<hbm>> -> memref<1x80x128xi32, #tpu.memory_space<hbm>>
      %dma_wait3A_117 = tpu.memref_squeeze %dma_wait3A_116 : memref<1x80x128xi32, #tpu.memory_space<hbm>> -> memref<80x128xi32, #tpu.memory_space<hbm>>
      %dma_wait3A_118 = arith.constant 40 : i32
      %dma_wait3A_119 = arith.constant 0 : i32
      %dma_wait3A_120 = tpu.memref_slice %dma_wait3A_117[%dma_wait3A_118, %dma_wait3A_119] : memref<80x128xi32, #tpu.memory_space<hbm>> -> memref<40x128xi32, #tpu.memory_space<hbm>>
      tpu.wait_dma2 semaphore(%run_scoped3A : memref<!tpu.dma_semaphore, #tpu.memory_space<semaphore_mem>>) src(%dma_wait3A_120 : memref<40x128xi32, #tpu.memory_space<hbm>>) dst(%arg6 : memref<40x128xi32, #tpu.memory_space<vmem>>)
      tpu.yield
    }) : () -> ()
    "tpu.region"() ({
      %run_scoped3A = tpu.sem_alloc : memref<!tpu.dma_semaphore, #tpu.memory_space<semaphore_mem>>
      %dma_start3A_94 = arith.constant 0 : i32
      %dma_start3A_95 = arith.constant 0 : i32
      %dma_start3A_96 = tpu.memref_slice %arg4[%arg1, %dma_start3A_94, %dma_start3A_95] : memref<16x80x128xi32, #tpu.memory_space<hbm>> -> memref<1x80x128xi32, #tpu.memory_space<hbm>>
      %dma_start3A_97 = tpu.memref_squeeze %dma_start3A_96 : memref<1x80x128xi32, #tpu.memory_space<hbm>> -> memref<80x128xi32, #tpu.memory_space<hbm>>
      %dma_start3A_98 = arith.constant 40 : i32
      %dma_start3A_99 = arith.constant 0 : i32
      %dma_start3A_100 = tpu.memref_slice %dma_start3A_97[%dma_start3A_98, %dma_start3A_99] : memref<80x128xi32, #tpu.memory_space<hbm>> -> memref<40x128xi32, #tpu.memory_space<hbm>>
      %dma_start3A_101 = arith.constant 0 : i32
      %dma_start3A_102 = arith.constant 0 : i32
      %dma_start3A_103 = tpu.memref_slice %arg4[%arg1, %dma_start3A_101, %dma_start3A_102] : memref<16x80x128xi32, #tpu.memory_space<hbm>> -> memref<1x80x128xi32, #tpu.memory_space<hbm>>
      %dma_start3A_104 = tpu.memref_squeeze %dma_start3A_103 : memref<1x80x128xi32, #tpu.memory_space<hbm>> -> memref<80x128xi32, #tpu.memory_space<hbm>>
      %dma_start3A_105 = arith.constant 40 : i32
      %dma_start3A_106 = arith.constant 0 : i32
      %dma_start3A_107 = tpu.memref_slice %dma_start3A_104[%dma_start3A_105, %dma_start3A_106] : memref<80x128xi32, #tpu.memory_space<hbm>> -> memref<40x128xi32, #tpu.memory_space<hbm>>
      tpu.enqueue_dma source(%dma_start3A_107 : memref<40x128xi32, #tpu.memory_space<hbm>>) target(%arg7 : memref<40x128xi32, #tpu.memory_space<vmem>>) target_semaphore(%run_scoped3A : memref<!tpu.dma_semaphore, #tpu.memory_space<semaphore_mem>>)
      %dma_wait3A = arith.constant 0 : i32
      %dma_wait3A_108 = arith.constant 0 : i32
      %dma_wait3A_109 = tpu.memref_slice %arg4[%arg1, %dma_wait3A, %dma_wait3A_108] : memref<16x80x128xi32, #tpu.memory_space<hbm>> -> memref<1x80x128xi32, #tpu.memory_space<hbm>>
      %dma_wait3A_110 = tpu.memref_squeeze %dma_wait3A_109 : memref<1x80x128xi32, #tpu.memory_space<hbm>> -> memref<80x128xi32, #tpu.memory_space<hbm>>
      %dma_wait3A_111 = arith.constant 40 : i32
      %dma_wait3A_112 = arith.constant 0 : i32
      %dma_wait3A_113 = tpu.memref_slice %dma_wait3A_110[%dma_wait3A_111, %dma_wait3A_112] : memref<80x128xi32, #tpu.memory_space<hbm>> -> memref<40x128xi32, #tpu.memory_space<hbm>>
      %dma_wait3A_114 = arith.constant 0 : i32
      %dma_wait3A_115 = arith.constant 0 : i32
      %dma_wait3A_116 = tpu.memref_slice %arg4[%arg1, %dma_wait3A_114, %dma_wait3A_115] : memref<16x80x128xi32, #tpu.memory_space<hbm>> -> memref<1x80x128xi32, #tpu.memory_space<hbm>>
      %dma_wait3A_117 = tpu.memref_squeeze %dma_wait3A_116 : memref<1x80x128xi32, #tpu.memory_space<hbm>> -> memref<80x128xi32, #tpu.memory_space<hbm>>
      %dma_wait3A_118 = arith.constant 40 : i32
      %dma_wait3A_119 = arith.constant 0 : i32
      %dma_wait3A_120 = tpu.memref_slice %dma_wait3A_117[%dma_wait3A_118, %dma_wait3A_119] : memref<80x128xi32, #tpu.memory_space<hbm>> -> memref<40x128xi32, #tpu.memory_space<hbm>>
      tpu.wait_dma2 semaphore(%run_scoped3A : memref<!tpu.dma_semaphore, #tpu.memory_space<semaphore_mem>>) src(%dma_wait3A_120 : memref<40x128xi32, #tpu.memory_space<hbm>>) dst(%arg7 : memref<40x128xi32, #tpu.memory_space<vmem>>)
      tpu.yield
    }) : () -> ()
    %dma_start3A_19 = arith.constant 0 : i32
    %dma_start3A_20 = arith.constant 0 : i32
    %dma_start3A_21 = tpu.memref_slice %arg6[%dma_start3A_19, %dma_start3A_20] : memref<40x128xi32, #tpu.memory_space<vmem>> -> memref<1x128xi32, #tpu.memory_space<vmem>>
    %dma_start3A_22 = tpu.memref_squeeze %dma_start3A_21 : memref<1x128xi32, #tpu.memory_space<vmem>> -> memref<128xi32, #tpu.memory_space<vmem>>
    %dma_start3A_23 = arith.constant 0 : i32
    %dma_start3A_24 = arith.constant 0 : i32
    %dma_start3A_25 = tpu.memref_slice %arg2[%add3A_1, %dma_start3A_23, %dma_start3A_24] : memref<4x10008x128xf32, #tpu.memory_space<hbm>> -> memref<1x10008x128xf32, #tpu.memory_space<hbm>>
    %dma_start3A_26 = tpu.memref_squeeze %dma_start3A_25 : memref<1x10008x128xf32, #tpu.memory_space<hbm>> -> memref<10008x128xf32, #tpu.memory_space<hbm>>
    %dma_start3A_27 = arith.constant 0 : i32
    %dma_start3A_28 = arith.constant 0 : i32
    %dma_start3A_29 = tpu.memref_slice %dma_start3A_26[%dma_start3A_27, %dma_start3A_28] : memref<10008x128xf32, #tpu.memory_space<hbm>> -> memref<10008x128xf32, #tpu.memory_space<hbm>>
    tpu.enqueue_indirect_dma source(%dma_start3A_29 : memref<10008x128xf32, #tpu.memory_space<hbm>>) target(%arg8 : memref<128x128xf32, #tpu.memory_space<vmem>>) offsets(%dma_start3A_22 : memref<128xi32, #tpu.memory_space<vmem>>) semaphore(%arg11 : memref<!tpu.dma_semaphore, #tpu.memory_space<semaphore_mem>>)
    %scan3A_30 = arith.constant 0 : i32
    %scan3A_31 = arith.constant 0 : i32
    %scan3A_32 = arith.constant 20 : i32
    %scan3A_33 = arith.addi %scan3A_31, %scan3A_32 : i32
    %scan3A_34 = arith.constant 1 : i32
    scf.for %scan3A_94 = %scan3A_31 to %scan3A_33 step %scan3A_34  : i32 {
      %mul3A_95 = arith.constant 2 : i32
      %mul3A_96 = arith.muli %mul3A_95, %scan3A_94 : i32
      %mul3A_97 = arith.constant 2 : i32
      %mul3A_98 = arith.muli %mul3A_97, %scan3A_94 : i32
      %add3A_99 = arith.constant 1 : i32
      %add3A_100 = arith.addi %mul3A_98, %add3A_99 : i32
      %dma_start3A_101 = arith.constant 0 : i32
      %dma_start3A_102 = tpu.memref_slice %arg6[%add3A_100, %dma_start3A_101] : memref<40x128xi32, #tpu.memory_space<vmem>> -> memref<1x128xi32, #tpu.memory_space<vmem>>
      %dma_start3A_103 = tpu.memref_squeeze %dma_start3A_102 : memref<1x128xi32, #tpu.memory_space<vmem>> -> memref<128xi32, #tpu.memory_space<vmem>>
      %dma_start3A_104 = arith.constant 0 : i32
      %dma_start3A_105 = arith.constant 0 : i32
      %dma_start3A_106 = tpu.memref_slice %arg2[%add3A_1, %dma_start3A_104, %dma_start3A_105] : memref<4x10008x128xf32, #tpu.memory_space<hbm>> -> memref<1x10008x128xf32, #tpu.memory_space<hbm>>
      %dma_start3A_107 = tpu.memref_squeeze %dma_start3A_106 : memref<1x10008x128xf32, #tpu.memory_space<hbm>> -> memref<10008x128xf32, #tpu.memory_space<hbm>>
      %dma_start3A_108 = arith.constant 0 : i32
      %dma_start3A_109 = arith.constant 0 : i32
      %dma_start3A_110 = tpu.memref_slice %dma_start3A_107[%dma_start3A_108, %dma_start3A_109] : memref<10008x128xf32, #tpu.memory_space<hbm>> -> memref<10008x128xf32, #tpu.memory_space<hbm>>
      tpu.enqueue_indirect_dma source(%dma_start3A_110 : memref<10008x128xf32, #tpu.memory_space<hbm>>) target(%arg9 : memref<128x128xf32, #tpu.memory_space<vmem>>) offsets(%dma_start3A_103 : memref<128xi32, #tpu.memory_space<vmem>>) semaphore(%arg12 : memref<!tpu.dma_semaphore, #tpu.memory_space<semaphore_mem>>)
      %dma_wait3A = arith.constant 0 : i32
      %dma_wait3A_111 = tpu.memref_slice %arg6[%mul3A_96, %dma_wait3A] : memref<40x128xi32, #tpu.memory_space<vmem>> -> memref<1x128xi32, #tpu.memory_space<vmem>>
      %dma_wait3A_112 = tpu.memref_squeeze %dma_wait3A_111 : memref<1x128xi32, #tpu.memory_space<vmem>> -> memref<128xi32, #tpu.memory_space<vmem>>
      %dma_wait3A_113 = arith.constant 0 : i32
      %dma_wait3A_114 = arith.constant 0 : i32
      %dma_wait3A_115 = tpu.memref_slice %arg2[%add3A_1, %dma_wait3A_113, %dma_wait3A_114] : memref<4x10008x128xf32, #tpu.memory_space<hbm>> -> memref<1x10008x128xf32, #tpu.memory_space<hbm>>
      %dma_wait3A_116 = tpu.memref_squeeze %dma_wait3A_115 : memref<1x10008x128xf32, #tpu.memory_space<hbm>> -> memref<10008x128xf32, #tpu.memory_space<hbm>>
      %dma_wait3A_117 = arith.constant 0 : i32
      %dma_wait3A_118 = arith.constant 0 : i32
      %dma_wait3A_119 = tpu.memref_slice %dma_wait3A_116[%dma_wait3A_117, %dma_wait3A_118] : memref<10008x128xf32, #tpu.memory_space<hbm>> -> memref<10008x128xf32, #tpu.memory_space<hbm>>
      tpu.wait_indirect_dma semaphore(%arg11 : memref<!tpu.dma_semaphore, #tpu.memory_space<semaphore_mem>>) src(%dma_wait3A_119 : memref<10008x128xf32, #tpu.memory_space<hbm>>) dst(%arg8 : memref<128x128xf32, #tpu.memory_space<vmem>>)
      "tpu.region"() ({
        %run_scoped3A = tpu.sem_alloc : memref<!tpu.dma_semaphore, #tpu.memory_space<semaphore_mem>>
        %dma_start3A_136 = arith.constant 0 : i32
        %dma_start3A_137 = tpu.memref_slice %arg7[%mul3A_96, %dma_start3A_136] : memref<40x128xi32, #tpu.memory_space<vmem>> -> memref<1x128xi32, #tpu.memory_space<vmem>>
        %dma_start3A_138 = tpu.memref_squeeze %dma_start3A_137 : memref<1x128xi32, #tpu.memory_space<vmem>> -> memref<128xi32, #tpu.memory_space<vmem>>
        %dma_start3A_139 = arith.constant 0 : i32
        %dma_start3A_140 = arith.constant 0 : i32
        %dma_start3A_141 = tpu.memref_slice %arg10[%dma_start3A_139, %dma_start3A_140] : memref<10008x128xf32, #tpu.memory_space<vmem_shared>> -> memref<10008x128xf32, #tpu.memory_space<vmem_shared>>
        tpu.enqueue_indirect_dma source(%arg8 : memref<128x128xf32, #tpu.memory_space<vmem>>) target(%dma_start3A_141 : memref<10008x128xf32, #tpu.memory_space<vmem_shared>>) offsets(%dma_start3A_138 : memref<128xi32, #tpu.memory_space<vmem>>) semaphore(%run_scoped3A : memref<!tpu.dma_semaphore, #tpu.memory_space<semaphore_mem>>) {add = true}
        %dma_wait3A_142 = arith.constant 0 : i32
        %dma_wait3A_143 = tpu.memref_slice %arg7[%mul3A_96, %dma_wait3A_142] : memref<40x128xi32, #tpu.memory_space<vmem>> -> memref<1x128xi32, #tpu.memory_space<vmem>>
        %dma_wait3A_144 = tpu.memref_squeeze %dma_wait3A_143 : memref<1x128xi32, #tpu.memory_space<vmem>> -> memref<128xi32, #tpu.memory_space<vmem>>
        %dma_wait3A_145 = arith.constant 0 : i32
        %dma_wait3A_146 = arith.constant 0 : i32
        %dma_wait3A_147 = tpu.memref_slice %arg10[%dma_wait3A_145, %dma_wait3A_146] : memref<10008x128xf32, #tpu.memory_space<vmem_shared>> -> memref<10008x128xf32, #tpu.memory_space<vmem_shared>>
        tpu.wait_indirect_dma semaphore(%run_scoped3A : memref<!tpu.dma_semaphore, #tpu.memory_space<semaphore_mem>>) src(%arg8 : memref<128x128xf32, #tpu.memory_space<vmem>>) dst(%dma_wait3A_147 : memref<10008x128xf32, #tpu.memory_space<vmem_shared>>)
        tpu.yield
      }) : () -> ()
      %add3A_120 = arith.constant 2 : i32
      %add3A_121 = arith.addi %mul3A_96, %add3A_120 : i32
      %lt3A = arith.constant 40 : i32
      %lt3A_122 = arith.cmpi slt, %add3A_121, %lt3A : i32
      %convert_element_type3A_123 = arith.extui %lt3A_122 : i1 to i32
      %cond3A_124 = arith.constant 0 : i32
      %cond3A_125 = arith.cmpi ne, %convert_element_type3A_123, %cond3A_124 : i32
      scf.if %cond3A_125 {
        %add3A_136 = arith.constant 2 : i32
        %add3A_137 = arith.addi %mul3A_96, %add3A_136 : i32
        %dma_start3A_138 = arith.constant 0 : i32
        %dma_start3A_139 = tpu.memref_slice %arg6[%add3A_137, %dma_start3A_138] : memref<40x128xi32, #tpu.memory_space<vmem>> -> memref<1x128xi32, #tpu.memory_space<vmem>>
        %dma_start3A_140 = tpu.memref_squeeze %dma_start3A_139 : memref<1x128xi32, #tpu.memory_space<vmem>> -> memref<128xi32, #tpu.memory_space<vmem>>
        %dma_start3A_141 = arith.constant 0 : i32
        %dma_start3A_142 = arith.constant 0 : i32
        %dma_start3A_143 = tpu.memref_slice %arg2[%add3A_1, %dma_start3A_141, %dma_start3A_142] : memref<4x10008x128xf32, #tpu.memory_space<hbm>> -> memref<1x10008x128xf32, #tpu.memory_space<hbm>>
        %dma_start3A_144 = tpu.memref_squeeze %dma_start3A_143 : memref<1x10008x128xf32, #tpu.memory_space<hbm>> -> memref<10008x128xf32, #tpu.memory_space<hbm>>
        %dma_start3A_145 = arith.constant 0 : i32
        %dma_start3A_146 = arith.constant 0 : i32
        %dma_start3A_147 = tpu.memref_slice %dma_start3A_144[%dma_start3A_145, %dma_start3A_146] : memref<10008x128xf32, #tpu.memory_space<hbm>> -> memref<10008x128xf32, #tpu.memory_space<hbm>>
        tpu.enqueue_indirect_dma source(%dma_start3A_147 : memref<10008x128xf32, #tpu.memory_space<hbm>>) target(%arg8 : memref<128x128xf32, #tpu.memory_space<vmem>>) offsets(%dma_start3A_140 : memref<128xi32, #tpu.memory_space<vmem>>) semaphore(%arg11 : memref<!tpu.dma_semaphore, #tpu.memory_space<semaphore_mem>>)
      } else {
      }
      %dma_wait3A_126 = arith.constant 0 : i32
      %dma_wait3A_127 = tpu.memref_slice %arg6[%add3A_100, %dma_wait3A_126] : memref<40x128xi32, #tpu.memory_space<vmem>> -> memref<1x128xi32, #tpu.memory_space<vmem>>
      %dma_wait3A_128 = tpu.memref_squeeze %dma_wait3A_127 : memref<1x128xi32, #tpu.memory_space<vmem>> -> memref<128xi32, #tpu.memory_space<vmem>>
      %dma_wait3A_129 = arith.constant 0 : i32
      %dma_wait3A_130 = arith.constant 0 : i32
      %dma_wait3A_131 = tpu.memref_slice %arg2[%add3A_1, %dma_wait3A_129, %dma_wait3A_130] : memref<4x10008x128xf32, #tpu.memory_space<hbm>> -> memref<1x10008x128xf32, #tpu.memory_space<hbm>>
      %dma_wait3A_132 = tpu.memref_squeeze %dma_wait3A_131 : memref<1x10008x128xf32, #tpu.memory_space<hbm>> -> memref<10008x128xf32, #tpu.memory_space<hbm>>
      %dma_wait3A_133 = arith.constant 0 : i32
      %dma_wait3A_134 = arith.constant 0 : i32
      %dma_wait3A_135 = tpu.memref_slice %dma_wait3A_132[%dma_wait3A_133, %dma_wait3A_134] : memref<10008x128xf32, #tpu.memory_space<hbm>> -> memref<10008x128xf32, #tpu.memory_space<hbm>>
      tpu.wait_indirect_dma semaphore(%arg12 : memref<!tpu.dma_semaphore, #tpu.memory_space<semaphore_mem>>) src(%dma_wait3A_135 : memref<10008x128xf32, #tpu.memory_space<hbm>>) dst(%arg9 : memref<128x128xf32, #tpu.memory_space<vmem>>)
      "tpu.region"() ({
        %run_scoped3A = tpu.sem_alloc : memref<!tpu.dma_semaphore, #tpu.memory_space<semaphore_mem>>
        %dma_start3A_136 = arith.constant 0 : i32
        %dma_start3A_137 = tpu.memref_slice %arg7[%add3A_100, %dma_start3A_136] : memref<40x128xi32, #tpu.memory_space<vmem>> -> memref<1x128xi32, #tpu.memory_space<vmem>>
        %dma_start3A_138 = tpu.memref_squeeze %dma_start3A_137 : memref<1x128xi32, #tpu.memory_space<vmem>> -> memref<128xi32, #tpu.memory_space<vmem>>
        %dma_start3A_139 = arith.constant 0 : i32
        %dma_start3A_140 = arith.constant 0 : i32
        %dma_start3A_141 = tpu.memref_slice %arg10[%dma_start3A_139, %dma_start3A_140] : memref<10008x128xf32, #tpu.memory_space<vmem_shared>> -> memref<10008x128xf32, #tpu.memory_space<vmem_shared>>
        tpu.enqueue_indirect_dma source(%arg9 : memref<128x128xf32, #tpu.memory_space<vmem>>) target(%dma_start3A_141 : memref<10008x128xf32, #tpu.memory_space<vmem_shared>>) offsets(%dma_start3A_138 : memref<128xi32, #tpu.memory_space<vmem>>) semaphore(%run_scoped3A : memref<!tpu.dma_semaphore, #tpu.memory_space<semaphore_mem>>) {add = true}
        %dma_wait3A_142 = arith.constant 0 : i32
        %dma_wait3A_143 = tpu.memref_slice %arg7[%add3A_100, %dma_wait3A_142] : memref<40x128xi32, #tpu.memory_space<vmem>> -> memref<1x128xi32, #tpu.memory_space<vmem>>
        %dma_wait3A_144 = tpu.memref_squeeze %dma_wait3A_143 : memref<1x128xi32, #tpu.memory_space<vmem>> -> memref<128xi32, #tpu.memory_space<vmem>>
        %dma_wait3A_145 = arith.constant 0 : i32
        %dma_wait3A_146 = arith.constant 0 : i32
        %dma_wait3A_147 = tpu.memref_slice %arg10[%dma_wait3A_145, %dma_wait3A_146] : memref<10008x128xf32, #tpu.memory_space<vmem_shared>> -> memref<10008x128xf32, #tpu.memory_space<vmem_shared>>
        tpu.wait_indirect_dma semaphore(%run_scoped3A : memref<!tpu.dma_semaphore, #tpu.memory_space<semaphore_mem>>) src(%arg9 : memref<128x128xf32, #tpu.memory_space<vmem>>) dst(%dma_wait3A_147 : memref<10008x128xf32, #tpu.memory_space<vmem_shared>>)
        tpu.yield
      }) : () -> ()
    }
    %scan3A_35 = arith.constant 20 : i32
    %barrier3A_36 = arith.constant 0 : index
    tpu.barrier barrier_id(%barrier3A_36)
    %eq3A_37 = arith.constant 0 : i32
    %eq3A_38 = arith.cmpi eq, %arg1, %eq3A_37 : i32
    %convert_element_type3A_39 = arith.extui %eq3A_38 : i1 to i32
    %cond3A_40 = arith.constant 0 : i32
    %cond3A_41 = arith.cmpi ne, %convert_element_type3A_39, %cond3A_40 : i32
    scf.if %cond3A_41 {
      "tpu.region"() ({
        %run_scoped3A = tpu.sem_alloc : memref<!tpu.dma_semaphore, #tpu.memory_space<semaphore_mem>>
        %dma_start3A_94 = arith.constant 0 : i32
        %dma_start3A_95 = arith.constant 0 : i32
        %dma_start3A_96 = tpu.memref_slice %arg5[%add3A_1, %dma_start3A_94, %dma_start3A_95] : memref<4x10008x128xf32, #tpu.memory_space<hbm>> -> memref<1x10008x128xf32, #tpu.memory_space<hbm>>
        %dma_start3A_97 = tpu.memref_squeeze %dma_start3A_96 : memref<1x10008x128xf32, #tpu.memory_space<hbm>> -> memref<10008x128xf32, #tpu.memory_space<hbm>>
        tpu.enqueue_dma source(%arg10 : memref<10008x128xf32, #tpu.memory_space<vmem_shared>>) target(%dma_start3A_97 : memref<10008x128xf32, #tpu.memory_space<hbm>>) target_semaphore(%run_scoped3A : memref<!tpu.dma_semaphore, #tpu.memory_space<semaphore_mem>>)
        %dma_wait3A = arith.constant 0 : i32
        %dma_wait3A_98 = arith.constant 0 : i32
        %dma_wait3A_99 = tpu.memref_slice %arg5[%add3A_1, %dma_wait3A, %dma_wait3A_98] : memref<4x10008x128xf32, #tpu.memory_space<hbm>> -> memref<1x10008x128xf32, #tpu.memory_space<hbm>>
        %dma_wait3A_100 = tpu.memref_squeeze %dma_wait3A_99 : memref<1x10008x128xf32, #tpu.memory_space<hbm>> -> memref<10008x128xf32, #tpu.memory_space<hbm>>
        tpu.wait_dma2 semaphore(%run_scoped3A : memref<!tpu.dma_semaphore, #tpu.memory_space<semaphore_mem>>) src(%arg10 : memref<10008x128xf32, #tpu.memory_space<vmem_shared>>) dst(%dma_wait3A_100 : memref<10008x128xf32, #tpu.memory_space<hbm>>)
        tpu.yield
      }) : () -> ()
    } else {
    }
    %barrier3A_42 = arith.constant 0 : index
    tpu.barrier barrier_id(%barrier3A_42)
    %mul3A_43 = arith.constant 2 : i32
    %mul3A_44 = arith.muli %arg0, %mul3A_43 : i32
    %add3A_45 = arith.constant 1 : i32
    %add3A_46 = arith.addi %mul3A_44, %add3A_45 : i32
    %eq3A_47 = arith.constant 0 : i32
    %eq3A_48 = arith.cmpi eq, %arg1, %eq3A_47 : i32
    %convert_element_type3A_49 = arith.extui %eq3A_48 : i1 to i32
    %cond3A_50 = arith.constant 0 : i32
    %cond3A_51 = arith.cmpi ne, %convert_element_type3A_49, %cond3A_50 : i32
    scf.if %cond3A_51 {
      "tpu.region"() ({
        %run_scoped3A = tpu.sem_alloc : memref<!tpu.dma_semaphore, #tpu.memory_space<semaphore_mem>>
        %dma_start3A_94 = arith.constant 0 : i32
        %dma_start3A_95 = arith.constant 0 : i32
        %dma_start3A_96 = tpu.memref_slice %arg2[%add3A_46, %dma_start3A_94, %dma_start3A_95] : memref<4x10008x128xf32, #tpu.memory_space<hbm>> -> memref<1x10008x128xf32, #tpu.memory_space<hbm>>
        %dma_start3A_97 = tpu.memref_squeeze %dma_start3A_96 : memref<1x10008x128xf32, #tpu.memory_space<hbm>> -> memref<10008x128xf32, #tpu.memory_space<hbm>>
        tpu.enqueue_dma source(%dma_start3A_97 : memref<10008x128xf32, #tpu.memory_space<hbm>>) target(%arg10 : memref<10008x128xf32, #tpu.memory_space<vmem_shared>>) target_semaphore(%run_scoped3A : memref<!tpu.dma_semaphore, #tpu.memory_space<semaphore_mem>>)
        %dma_wait3A = arith.constant 0 : i32
        %dma_wait3A_98 = arith.constant 0 : i32
        %dma_wait3A_99 = tpu.memref_slice %arg2[%add3A_46, %dma_wait3A, %dma_wait3A_98] : memref<4x10008x128xf32, #tpu.memory_space<hbm>> -> memref<1x10008x128xf32, #tpu.memory_space<hbm>>
        %dma_wait3A_100 = tpu.memref_squeeze %dma_wait3A_99 : memref<1x10008x128xf32, #tpu.memory_space<hbm>> -> memref<10008x128xf32, #tpu.memory_space<hbm>>
        tpu.wait_dma2 semaphore(%run_scoped3A : memref<!tpu.dma_semaphore, #tpu.memory_space<semaphore_mem>>) src(%dma_wait3A_100 : memref<10008x128xf32, #tpu.memory_space<hbm>>) dst(%arg10 : memref<10008x128xf32, #tpu.memory_space<vmem_shared>>)
        tpu.yield
      }) : () -> ()
    } else {
    }
    %barrier3A_52 = arith.constant 0 : index
    tpu.barrier barrier_id(%barrier3A_52)
    "tpu.region"() ({
      %run_scoped3A = tpu.sem_alloc : memref<!tpu.dma_semaphore, #tpu.memory_space<semaphore_mem>>
      %dma_start3A_94 = arith.constant 0 : i32
      %dma_start3A_95 = arith.constant 0 : i32
      %dma_start3A_96 = tpu.memref_slice %arg3[%arg1, %dma_start3A_94, %dma_start3A_95] : memref<16x80x128xi32, #tpu.memory_space<hbm>> -> memref<1x80x128xi32, #tpu.memory_space<hbm>>
      %dma_start3A_97 = tpu.memref_squeeze %dma_start3A_96 : memref<1x80x128xi32, #tpu.memory_space<hbm>> -> memref<80x128xi32, #tpu.memory_space<hbm>>
      %dma_start3A_98 = arith.constant 0 : i32
      %dma_start3A_99 = arith.constant 0 : i32
      %dma_start3A_100 = tpu.memref_slice %dma_start3A_97[%dma_start3A_98, %dma_start3A_99] : memref<80x128xi32, #tpu.memory_space<hbm>> -> memref<40x128xi32, #tpu.memory_space<hbm>>
      %dma_start3A_101 = arith.constant 0 : i32
      %dma_start3A_102 = arith.constant 0 : i32
      %dma_start3A_103 = tpu.memref_slice %arg3[%arg1, %dma_start3A_101, %dma_start3A_102] : memref<16x80x128xi32, #tpu.memory_space<hbm>> -> memref<1x80x128xi32, #tpu.memory_space<hbm>>
      %dma_start3A_104 = tpu.memref_squeeze %dma_start3A_103 : memref<1x80x128xi32, #tpu.memory_space<hbm>> -> memref<80x128xi32, #tpu.memory_space<hbm>>
      %dma_start3A_105 = arith.constant 0 : i32
      %dma_start3A_106 = arith.constant 0 : i32
      %dma_start3A_107 = tpu.memref_slice %dma_start3A_104[%dma_start3A_105, %dma_start3A_106] : memref<80x128xi32, #tpu.memory_space<hbm>> -> memref<40x128xi32, #tpu.memory_space<hbm>>
      tpu.enqueue_dma source(%dma_start3A_107 : memref<40x128xi32, #tpu.memory_space<hbm>>) target(%arg6 : memref<40x128xi32, #tpu.memory_space<vmem>>) target_semaphore(%run_scoped3A : memref<!tpu.dma_semaphore, #tpu.memory_space<semaphore_mem>>)
      %dma_wait3A = arith.constant 0 : i32
      %dma_wait3A_108 = arith.constant 0 : i32
      %dma_wait3A_109 = tpu.memref_slice %arg3[%arg1, %dma_wait3A, %dma_wait3A_108] : memref<16x80x128xi32, #tpu.memory_space<hbm>> -> memref<1x80x128xi32, #tpu.memory_space<hbm>>
      %dma_wait3A_110 = tpu.memref_squeeze %dma_wait3A_109 : memref<1x80x128xi32, #tpu.memory_space<hbm>> -> memref<80x128xi32, #tpu.memory_space<hbm>>
      %dma_wait3A_111 = arith.constant 0 : i32
      %dma_wait3A_112 = arith.constant 0 : i32
      %dma_wait3A_113 = tpu.memref_slice %dma_wait3A_110[%dma_wait3A_111, %dma_wait3A_112] : memref<80x128xi32, #tpu.memory_space<hbm>> -> memref<40x128xi32, #tpu.memory_space<hbm>>
      %dma_wait3A_114 = arith.constant 0 : i32
      %dma_wait3A_115 = arith.constant 0 : i32
      %dma_wait3A_116 = tpu.memref_slice %arg3[%arg1, %dma_wait3A_114, %dma_wait3A_115] : memref<16x80x128xi32, #tpu.memory_space<hbm>> -> memref<1x80x128xi32, #tpu.memory_space<hbm>>
      %dma_wait3A_117 = tpu.memref_squeeze %dma_wait3A_116 : memref<1x80x128xi32, #tpu.memory_space<hbm>> -> memref<80x128xi32, #tpu.memory_space<hbm>>
      %dma_wait3A_118 = arith.constant 0 : i32
      %dma_wait3A_119 = arith.constant 0 : i32
      %dma_wait3A_120 = tpu.memref_slice %dma_wait3A_117[%dma_wait3A_118, %dma_wait3A_119] : memref<80x128xi32, #tpu.memory_space<hbm>> -> memref<40x128xi32, #tpu.memory_space<hbm>>
      tpu.wait_dma2 semaphore(%run_scoped3A : memref<!tpu.dma_semaphore, #tpu.memory_space<semaphore_mem>>) src(%dma_wait3A_120 : memref<40x128xi32, #tpu.memory_space<hbm>>) dst(%arg6 : memref<40x128xi32, #tpu.memory_space<vmem>>)
      tpu.yield
    }) : () -> ()
    "tpu.region"() ({
      %run_scoped3A = tpu.sem_alloc : memref<!tpu.dma_semaphore, #tpu.memory_space<semaphore_mem>>
      %dma_start3A_94 = arith.constant 0 : i32
      %dma_start3A_95 = arith.constant 0 : i32
      %dma_start3A_96 = tpu.memref_slice %arg4[%arg1, %dma_start3A_94, %dma_start3A_95] : memref<16x80x128xi32, #tpu.memory_space<hbm>> -> memref<1x80x128xi32, #tpu.memory_space<hbm>>
      %dma_start3A_97 = tpu.memref_squeeze %dma_start3A_96 : memref<1x80x128xi32, #tpu.memory_space<hbm>> -> memref<80x128xi32, #tpu.memory_space<hbm>>
      %dma_start3A_98 = arith.constant 0 : i32
      %dma_start3A_99 = arith.constant 0 : i32
      %dma_start3A_100 = tpu.memref_slice %dma_start3A_97[%dma_start3A_98, %dma_start3A_99] : memref<80x128xi32, #tpu.memory_space<hbm>> -> memref<40x128xi32, #tpu.memory_space<hbm>>
      %dma_start3A_101 = arith.constant 0 : i32
      %dma_start3A_102 = arith.constant 0 : i32
      %dma_start3A_103 = tpu.memref_slice %arg4[%arg1, %dma_start3A_101, %dma_start3A_102] : memref<16x80x128xi32, #tpu.memory_space<hbm>> -> memref<1x80x128xi32, #tpu.memory_space<hbm>>
      %dma_start3A_104 = tpu.memref_squeeze %dma_start3A_103 : memref<1x80x128xi32, #tpu.memory_space<hbm>> -> memref<80x128xi32, #tpu.memory_space<hbm>>
      %dma_start3A_105 = arith.constant 0 : i32
      %dma_start3A_106 = arith.constant 0 : i32
      %dma_start3A_107 = tpu.memref_slice %dma_start3A_104[%dma_start3A_105, %dma_start3A_106] : memref<80x128xi32, #tpu.memory_space<hbm>> -> memref<40x128xi32, #tpu.memory_space<hbm>>
      tpu.enqueue_dma source(%dma_start3A_107 : memref<40x128xi32, #tpu.memory_space<hbm>>) target(%arg7 : memref<40x128xi32, #tpu.memory_space<vmem>>) target_semaphore(%run_scoped3A : memref<!tpu.dma_semaphore, #tpu.memory_space<semaphore_mem>>)
      %dma_wait3A = arith.constant 0 : i32
      %dma_wait3A_108 = arith.constant 0 : i32
      %dma_wait3A_109 = tpu.memref_slice %arg4[%arg1, %dma_wait3A, %dma_wait3A_108] : memref<16x80x128xi32, #tpu.memory_space<hbm>> -> memref<1x80x128xi32, #tpu.memory_space<hbm>>
      %dma_wait3A_110 = tpu.memref_squeeze %dma_wait3A_109 : memref<1x80x128xi32, #tpu.memory_space<hbm>> -> memref<80x128xi32, #tpu.memory_space<hbm>>
      %dma_wait3A_111 = arith.constant 0 : i32
      %dma_wait3A_112 = arith.constant 0 : i32
      %dma_wait3A_113 = tpu.memref_slice %dma_wait3A_110[%dma_wait3A_111, %dma_wait3A_112] : memref<80x128xi32, #tpu.memory_space<hbm>> -> memref<40x128xi32, #tpu.memory_space<hbm>>
      %dma_wait3A_114 = arith.constant 0 : i32
      %dma_wait3A_115 = arith.constant 0 : i32
      %dma_wait3A_116 = tpu.memref_slice %arg4[%arg1, %dma_wait3A_114, %dma_wait3A_115] : memref<16x80x128xi32, #tpu.memory_space<hbm>> -> memref<1x80x128xi32, #tpu.memory_space<hbm>>
      %dma_wait3A_117 = tpu.memref_squeeze %dma_wait3A_116 : memref<1x80x128xi32, #tpu.memory_space<hbm>> -> memref<80x128xi32, #tpu.memory_space<hbm>>
      %dma_wait3A_118 = arith.constant 0 : i32
      %dma_wait3A_119 = arith.constant 0 : i32
      %dma_wait3A_120 = tpu.memref_slice %dma_wait3A_117[%dma_wait3A_118, %dma_wait3A_119] : memref<80x128xi32, #tpu.memory_space<hbm>> -> memref<40x128xi32, #tpu.memory_space<hbm>>
      tpu.wait_dma2 semaphore(%run_scoped3A : memref<!tpu.dma_semaphore, #tpu.memory_space<semaphore_mem>>) src(%dma_wait3A_120 : memref<40x128xi32, #tpu.memory_space<hbm>>) dst(%arg7 : memref<40x128xi32, #tpu.memory_space<vmem>>)
      tpu.yield
    }) : () -> ()
    %dma_start3A_53 = arith.constant 0 : i32
    %dma_start3A_54 = arith.constant 0 : i32
    %dma_start3A_55 = tpu.memref_slice %arg6[%dma_start3A_53, %dma_start3A_54] : memref<40x128xi32, #tpu.memory_space<vmem>> -> memref<1x128xi32, #tpu.memory_space<vmem>>
    %dma_start3A_56 = tpu.memref_squeeze %dma_start3A_55 : memref<1x128xi32, #tpu.memory_space<vmem>> -> memref<128xi32, #tpu.memory_space<vmem>>
    %dma_start3A_57 = arith.constant 0 : i32
    %dma_start3A_58 = arith.constant 0 : i32
    %dma_start3A_59 = tpu.memref_slice %arg2[%add3A_46, %dma_start3A_57, %dma_start3A_58] : memref<4x10008x128xf32, #tpu.memory_space<hbm>> -> memref<1x10008x128xf32, #tpu.memory_space<hbm>>
    %dma_start3A_60 = tpu.memref_squeeze %dma_start3A_59 : memref<1x10008x128xf32, #tpu.memory_space<hbm>> -> memref<10008x128xf32, #tpu.memory_space<hbm>>
    %dma_start3A_61 = arith.constant 0 : i32
    %dma_start3A_62 = arith.constant 0 : i32
    %dma_start3A_63 = tpu.memref_slice %dma_start3A_60[%dma_start3A_61, %dma_start3A_62] : memref<10008x128xf32, #tpu.memory_space<hbm>> -> memref<10008x128xf32, #tpu.memory_space<hbm>>
    tpu.enqueue_indirect_dma source(%dma_start3A_63 : memref<10008x128xf32, #tpu.memory_space<hbm>>) target(%arg8 : memref<128x128xf32, #tpu.memory_space<vmem>>) offsets(%dma_start3A_56 : memref<128xi32, #tpu.memory_space<vmem>>) semaphore(%arg11 : memref<!tpu.dma_semaphore, #tpu.memory_space<semaphore_mem>>)
    %scan3A_64 = arith.constant 0 : i32
    %scan3A_65 = arith.constant 0 : i32
    %scan3A_66 = arith.constant 20 : i32
    %scan3A_67 = arith.addi %scan3A_65, %scan3A_66 : i32
    %scan3A_68 = arith.constant 1 : i32
    scf.for %scan3A_94 = %scan3A_65 to %scan3A_67 step %scan3A_68  : i32 {
      %mul3A_95 = arith.constant 2 : i32
      %mul3A_96 = arith.muli %mul3A_95, %scan3A_94 : i32
      %mul3A_97 = arith.constant 2 : i32
      %mul3A_98 = arith.muli %mul3A_97, %scan3A_94 : i32
      %add3A_99 = arith.constant 1 : i32
      %add3A_100 = arith.addi %mul3A_98, %add3A_99 : i32
      %dma_start3A_101 = arith.constant 0 : i32
      %dma_start3A_102 = tpu.memref_slice %arg6[%add3A_100, %dma_start3A_101] : memref<40x128xi32, #tpu.memory_space<vmem>> -> memref<1x128xi32, #tpu.memory_space<vmem>>
      %dma_start3A_103 = tpu.memref_squeeze %dma_start3A_102 : memref<1x128xi32, #tpu.memory_space<vmem>> -> memref<128xi32, #tpu.memory_space<vmem>>
      %dma_start3A_104 = arith.constant 0 : i32
      %dma_start3A_105 = arith.constant 0 : i32
      %dma_start3A_106 = tpu.memref_slice %arg2[%add3A_46, %dma_start3A_104, %dma_start3A_105] : memref<4x10008x128xf32, #tpu.memory_space<hbm>> -> memref<1x10008x128xf32, #tpu.memory_space<hbm>>
      %dma_start3A_107 = tpu.memref_squeeze %dma_start3A_106 : memref<1x10008x128xf32, #tpu.memory_space<hbm>> -> memref<10008x128xf32, #tpu.memory_space<hbm>>
      %dma_start3A_108 = arith.constant 0 : i32
      %dma_start3A_109 = arith.constant 0 : i32
      %dma_start3A_110 = tpu.memref_slice %dma_start3A_107[%dma_start3A_108, %dma_start3A_109] : memref<10008x128xf32, #tpu.memory_space<hbm>> -> memref<10008x128xf32, #tpu.memory_space<hbm>>
      tpu.enqueue_indirect_dma source(%dma_start3A_110 : memref<10008x128xf32, #tpu.memory_space<hbm>>) target(%arg9 : memref<128x128xf32, #tpu.memory_space<vmem>>) offsets(%dma_start3A_103 : memref<128xi32, #tpu.memory_space<vmem>>) semaphore(%arg12 : memref<!tpu.dma_semaphore, #tpu.memory_space<semaphore_mem>>)
      %dma_wait3A = arith.constant 0 : i32
      %dma_wait3A_111 = tpu.memref_slice %arg6[%mul3A_96, %dma_wait3A] : memref<40x128xi32, #tpu.memory_space<vmem>> -> memref<1x128xi32, #tpu.memory_space<vmem>>
      %dma_wait3A_112 = tpu.memref_squeeze %dma_wait3A_111 : memref<1x128xi32, #tpu.memory_space<vmem>> -> memref<128xi32, #tpu.memory_space<vmem>>
      %dma_wait3A_113 = arith.constant 0 : i32
      %dma_wait3A_114 = arith.constant 0 : i32
      %dma_wait3A_115 = tpu.memref_slice %arg2[%add3A_46, %dma_wait3A_113, %dma_wait3A_114] : memref<4x10008x128xf32, #tpu.memory_space<hbm>> -> memref<1x10008x128xf32, #tpu.memory_space<hbm>>
      %dma_wait3A_116 = tpu.memref_squeeze %dma_wait3A_115 : memref<1x10008x128xf32, #tpu.memory_space<hbm>> -> memref<10008x128xf32, #tpu.memory_space<hbm>>
      %dma_wait3A_117 = arith.constant 0 : i32
      %dma_wait3A_118 = arith.constant 0 : i32
      %dma_wait3A_119 = tpu.memref_slice %dma_wait3A_116[%dma_wait3A_117, %dma_wait3A_118] : memref<10008x128xf32, #tpu.memory_space<hbm>> -> memref<10008x128xf32, #tpu.memory_space<hbm>>
      tpu.wait_indirect_dma semaphore(%arg11 : memref<!tpu.dma_semaphore, #tpu.memory_space<semaphore_mem>>) src(%dma_wait3A_119 : memref<10008x128xf32, #tpu.memory_space<hbm>>) dst(%arg8 : memref<128x128xf32, #tpu.memory_space<vmem>>)
      "tpu.region"() ({
        %run_scoped3A = tpu.sem_alloc : memref<!tpu.dma_semaphore, #tpu.memory_space<semaphore_mem>>
        %dma_start3A_136 = arith.constant 0 : i32
        %dma_start3A_137 = tpu.memref_slice %arg7[%mul3A_96, %dma_start3A_136] : memref<40x128xi32, #tpu.memory_space<vmem>> -> memref<1x128xi32, #tpu.memory_space<vmem>>
        %dma_start3A_138 = tpu.memref_squeeze %dma_start3A_137 : memref<1x128xi32, #tpu.memory_space<vmem>> -> memref<128xi32, #tpu.memory_space<vmem>>
        %dma_start3A_139 = arith.constant 0 : i32
        %dma_start3A_140 = arith.constant 0 : i32
        %dma_start3A_141 = tpu.memref_slice %arg10[%dma_start3A_139, %dma_start3A_140] : memref<10008x128xf32, #tpu.memory_space<vmem_shared>> -> memref<10008x128xf32, #tpu.memory_space<vmem_shared>>
        tpu.enqueue_indirect_dma source(%arg8 : memref<128x128xf32, #tpu.memory_space<vmem>>) target(%dma_start3A_141 : memref<10008x128xf32, #tpu.memory_space<vmem_shared>>) offsets(%dma_start3A_138 : memref<128xi32, #tpu.memory_space<vmem>>) semaphore(%run_scoped3A : memref<!tpu.dma_semaphore, #tpu.memory_space<semaphore_mem>>) {add = true}
        %dma_wait3A_142 = arith.constant 0 : i32
        %dma_wait3A_143 = tpu.memref_slice %arg7[%mul3A_96, %dma_wait3A_142] : memref<40x128xi32, #tpu.memory_space<vmem>> -> memref<1x128xi32, #tpu.memory_space<vmem>>
        %dma_wait3A_144 = tpu.memref_squeeze %dma_wait3A_143 : memref<1x128xi32, #tpu.memory_space<vmem>> -> memref<128xi32, #tpu.memory_space<vmem>>
        %dma_wait3A_145 = arith.constant 0 : i32
        %dma_wait3A_146 = arith.constant 0 : i32
        %dma_wait3A_147 = tpu.memref_slice %arg10[%dma_wait3A_145, %dma_wait3A_146] : memref<10008x128xf32, #tpu.memory_space<vmem_shared>> -> memref<10008x128xf32, #tpu.memory_space<vmem_shared>>
        tpu.wait_indirect_dma semaphore(%run_scoped3A : memref<!tpu.dma_semaphore, #tpu.memory_space<semaphore_mem>>) src(%arg8 : memref<128x128xf32, #tpu.memory_space<vmem>>) dst(%dma_wait3A_147 : memref<10008x128xf32, #tpu.memory_space<vmem_shared>>)
        tpu.yield
      }) : () -> ()
      %add3A_120 = arith.constant 2 : i32
      %add3A_121 = arith.addi %mul3A_96, %add3A_120 : i32
      %lt3A = arith.constant 40 : i32
      %lt3A_122 = arith.cmpi slt, %add3A_121, %lt3A : i32
      %convert_element_type3A_123 = arith.extui %lt3A_122 : i1 to i32
      %cond3A_124 = arith.constant 0 : i32
      %cond3A_125 = arith.cmpi ne, %convert_element_type3A_123, %cond3A_124 : i32
      scf.if %cond3A_125 {
        %add3A_136 = arith.constant 2 : i32
        %add3A_137 = arith.addi %mul3A_96, %add3A_136 : i32
        %dma_start3A_138 = arith.constant 0 : i32
        %dma_start3A_139 = tpu.memref_slice %arg6[%add3A_137, %dma_start3A_138] : memref<40x128xi32, #tpu.memory_space<vmem>> -> memref<1x128xi32, #tpu.memory_space<vmem>>
        %dma_start3A_140 = tpu.memref_squeeze %dma_start3A_139 : memref<1x128xi32, #tpu.memory_space<vmem>> -> memref<128xi32, #tpu.memory_space<vmem>>
        %dma_start3A_141 = arith.constant 0 : i32
        %dma_start3A_142 = arith.constant 0 : i32
        %dma_start3A_143 = tpu.memref_slice %arg2[%add3A_46, %dma_start3A_141, %dma_start3A_142] : memref<4x10008x128xf32, #tpu.memory_space<hbm>> -> memref<1x10008x128xf32, #tpu.memory_space<hbm>>
        %dma_start3A_144 = tpu.memref_squeeze %dma_start3A_143 : memref<1x10008x128xf32, #tpu.memory_space<hbm>> -> memref<10008x128xf32, #tpu.memory_space<hbm>>
        %dma_start3A_145 = arith.constant 0 : i32
        %dma_start3A_146 = arith.constant 0 : i32
        %dma_start3A_147 = tpu.memref_slice %dma_start3A_144[%dma_start3A_145, %dma_start3A_146] : memref<10008x128xf32, #tpu.memory_space<hbm>> -> memref<10008x128xf32, #tpu.memory_space<hbm>>
        tpu.enqueue_indirect_dma source(%dma_start3A_147 : memref<10008x128xf32, #tpu.memory_space<hbm>>) target(%arg8 : memref<128x128xf32, #tpu.memory_space<vmem>>) offsets(%dma_start3A_140 : memref<128xi32, #tpu.memory_space<vmem>>) semaphore(%arg11 : memref<!tpu.dma_semaphore, #tpu.memory_space<semaphore_mem>>)
      } else {
      }
      %dma_wait3A_126 = arith.constant 0 : i32
      %dma_wait3A_127 = tpu.memref_slice %arg6[%add3A_100, %dma_wait3A_126] : memref<40x128xi32, #tpu.memory_space<vmem>> -> memref<1x128xi32, #tpu.memory_space<vmem>>
      %dma_wait3A_128 = tpu.memref_squeeze %dma_wait3A_127 : memref<1x128xi32, #tpu.memory_space<vmem>> -> memref<128xi32, #tpu.memory_space<vmem>>
      %dma_wait3A_129 = arith.constant 0 : i32
      %dma_wait3A_130 = arith.constant 0 : i32
      %dma_wait3A_131 = tpu.memref_slice %arg2[%add3A_46, %dma_wait3A_129, %dma_wait3A_130] : memref<4x10008x128xf32, #tpu.memory_space<hbm>> -> memref<1x10008x128xf32, #tpu.memory_space<hbm>>
      %dma_wait3A_132 = tpu.memref_squeeze %dma_wait3A_131 : memref<1x10008x128xf32, #tpu.memory_space<hbm>> -> memref<10008x128xf32, #tpu.memory_space<hbm>>
      %dma_wait3A_133 = arith.constant 0 : i32
      %dma_wait3A_134 = arith.constant 0 : i32
      %dma_wait3A_135 = tpu.memref_slice %dma_wait3A_132[%dma_wait3A_133, %dma_wait3A_134] : memref<10008x128xf32, #tpu.memory_space<hbm>> -> memref<10008x128xf32, #tpu.memory_space<hbm>>
      tpu.wait_indirect_dma semaphore(%arg12 : memref<!tpu.dma_semaphore, #tpu.memory_space<semaphore_mem>>) src(%dma_wait3A_135 : memref<10008x128xf32, #tpu.memory_space<hbm>>) dst(%arg9 : memref<128x128xf32, #tpu.memory_space<vmem>>)
      "tpu.region"() ({
        %run_scoped3A = tpu.sem_alloc : memref<!tpu.dma_semaphore, #tpu.memory_space<semaphore_mem>>
        %dma_start3A_136 = arith.constant 0 : i32
        %dma_start3A_137 = tpu.memref_slice %arg7[%add3A_100, %dma_start3A_136] : memref<40x128xi32, #tpu.memory_space<vmem>> -> memref<1x128xi32, #tpu.memory_space<vmem>>
        %dma_start3A_138 = tpu.memref_squeeze %dma_start3A_137 : memref<1x128xi32, #tpu.memory_space<vmem>> -> memref<128xi32, #tpu.memory_space<vmem>>
        %dma_start3A_139 = arith.constant 0 : i32
        %dma_start3A_140 = arith.constant 0 : i32
        %dma_start3A_141 = tpu.memref_slice %arg10[%dma_start3A_139, %dma_start3A_140] : memref<10008x128xf32, #tpu.memory_space<vmem_shared>> -> memref<10008x128xf32, #tpu.memory_space<vmem_shared>>
        tpu.enqueue_indirect_dma source(%arg9 : memref<128x128xf32, #tpu.memory_space<vmem>>) target(%dma_start3A_141 : memref<10008x128xf32, #tpu.memory_space<vmem_shared>>) offsets(%dma_start3A_138 : memref<128xi32, #tpu.memory_space<vmem>>) semaphore(%run_scoped3A : memref<!tpu.dma_semaphore, #tpu.memory_space<semaphore_mem>>) {add = true}
        %dma_wait3A_142 = arith.constant 0 : i32
        %dma_wait3A_143 = tpu.memref_slice %arg7[%add3A_100, %dma_wait3A_142] : memref<40x128xi32, #tpu.memory_space<vmem>> -> memref<1x128xi32, #tpu.memory_space<vmem>>
        %dma_wait3A_144 = tpu.memref_squeeze %dma_wait3A_143 : memref<1x128xi32, #tpu.memory_space<vmem>> -> memref<128xi32, #tpu.memory_space<vmem>>
        %dma_wait3A_145 = arith.constant 0 : i32
        %dma_wait3A_146 = arith.constant 0 : i32
        %dma_wait3A_147 = tpu.memref_slice %arg10[%dma_wait3A_145, %dma_wait3A_146] : memref<10008x128xf32, #tpu.memory_space<vmem_shared>> -> memref<10008x128xf32, #tpu.memory_space<vmem_shared>>
        tpu.wait_indirect_dma semaphore(%run_scoped3A : memref<!tpu.dma_semaphore, #tpu.memory_space<semaphore_mem>>) src(%arg9 : memref<128x128xf32, #tpu.memory_space<vmem>>) dst(%dma_wait3A_147 : memref<10008x128xf32, #tpu.memory_space<vmem_shared>>)
        tpu.yield
      }) : () -> ()
    }
    %scan3A_69 = arith.constant 20 : i32
    "tpu.region"() ({
      %run_scoped3A = tpu.sem_alloc : memref<!tpu.dma_semaphore, #tpu.memory_space<semaphore_mem>>
      %dma_start3A_94 = arith.constant 0 : i32
      %dma_start3A_95 = arith.constant 0 : i32
      %dma_start3A_96 = tpu.memref_slice %arg3[%arg1, %dma_start3A_94, %dma_start3A_95] : memref<16x80x128xi32, #tpu.memory_space<hbm>> -> memref<1x80x128xi32, #tpu.memory_space<hbm>>
      %dma_start3A_97 = tpu.memref_squeeze %dma_start3A_96 : memref<1x80x128xi32, #tpu.memory_space<hbm>> -> memref<80x128xi32, #tpu.memory_space<hbm>>
      %dma_start3A_98 = arith.constant 40 : i32
      %dma_start3A_99 = arith.constant 0 : i32
      %dma_start3A_100 = tpu.memref_slice %dma_start3A_97[%dma_start3A_98, %dma_start3A_99] : memref<80x128xi32, #tpu.memory_space<hbm>> -> memref<40x128xi32, #tpu.memory_space<hbm>>
      %dma_start3A_101 = arith.constant 0 : i32
      %dma_start3A_102 = arith.constant 0 : i32
      %dma_start3A_103 = tpu.memref_slice %arg3[%arg1, %dma_start3A_101, %dma_start3A_102] : memref<16x80x128xi32, #tpu.memory_space<hbm>> -> memref<1x80x128xi32, #tpu.memory_space<hbm>>
      %dma_start3A_104 = tpu.memref_squeeze %dma_start3A_103 : memref<1x80x128xi32, #tpu.memory_space<hbm>> -> memref<80x128xi32, #tpu.memory_space<hbm>>
      %dma_start3A_105 = arith.constant 40 : i32
      %dma_start3A_106 = arith.constant 0 : i32
      %dma_start3A_107 = tpu.memref_slice %dma_start3A_104[%dma_start3A_105, %dma_start3A_106] : memref<80x128xi32, #tpu.memory_space<hbm>> -> memref<40x128xi32, #tpu.memory_space<hbm>>
      tpu.enqueue_dma source(%dma_start3A_107 : memref<40x128xi32, #tpu.memory_space<hbm>>) target(%arg6 : memref<40x128xi32, #tpu.memory_space<vmem>>) target_semaphore(%run_scoped3A : memref<!tpu.dma_semaphore, #tpu.memory_space<semaphore_mem>>)
      %dma_wait3A = arith.constant 0 : i32
      %dma_wait3A_108 = arith.constant 0 : i32
      %dma_wait3A_109 = tpu.memref_slice %arg3[%arg1, %dma_wait3A, %dma_wait3A_108] : memref<16x80x128xi32, #tpu.memory_space<hbm>> -> memref<1x80x128xi32, #tpu.memory_space<hbm>>
      %dma_wait3A_110 = tpu.memref_squeeze %dma_wait3A_109 : memref<1x80x128xi32, #tpu.memory_space<hbm>> -> memref<80x128xi32, #tpu.memory_space<hbm>>
      %dma_wait3A_111 = arith.constant 40 : i32
      %dma_wait3A_112 = arith.constant 0 : i32
      %dma_wait3A_113 = tpu.memref_slice %dma_wait3A_110[%dma_wait3A_111, %dma_wait3A_112] : memref<80x128xi32, #tpu.memory_space<hbm>> -> memref<40x128xi32, #tpu.memory_space<hbm>>
      %dma_wait3A_114 = arith.constant 0 : i32
      %dma_wait3A_115 = arith.constant 0 : i32
      %dma_wait3A_116 = tpu.memref_slice %arg3[%arg1, %dma_wait3A_114, %dma_wait3A_115] : memref<16x80x128xi32, #tpu.memory_space<hbm>> -> memref<1x80x128xi32, #tpu.memory_space<hbm>>
      %dma_wait3A_117 = tpu.memref_squeeze %dma_wait3A_116 : memref<1x80x128xi32, #tpu.memory_space<hbm>> -> memref<80x128xi32, #tpu.memory_space<hbm>>
      %dma_wait3A_118 = arith.constant 40 : i32
      %dma_wait3A_119 = arith.constant 0 : i32
      %dma_wait3A_120 = tpu.memref_slice %dma_wait3A_117[%dma_wait3A_118, %dma_wait3A_119] : memref<80x128xi32, #tpu.memory_space<hbm>> -> memref<40x128xi32, #tpu.memory_space<hbm>>
      tpu.wait_dma2 semaphore(%run_scoped3A : memref<!tpu.dma_semaphore, #tpu.memory_space<semaphore_mem>>) src(%dma_wait3A_120 : memref<40x128xi32, #tpu.memory_space<hbm>>) dst(%arg6 : memref<40x128xi32, #tpu.memory_space<vmem>>)
      tpu.yield
    }) : () -> ()
    "tpu.region"() ({
      %run_scoped3A = tpu.sem_alloc : memref<!tpu.dma_semaphore, #tpu.memory_space<semaphore_mem>>
      %dma_start3A_94 = arith.constant 0 : i32
      %dma_start3A_95 = arith.constant 0 : i32
      %dma_start3A_96 = tpu.memref_slice %arg4[%arg1, %dma_start3A_94, %dma_start3A_95] : memref<16x80x128xi32, #tpu.memory_space<hbm>> -> memref<1x80x128xi32, #tpu.memory_space<hbm>>
      %dma_start3A_97 = tpu.memref_squeeze %dma_start3A_96 : memref<1x80x128xi32, #tpu.memory_space<hbm>> -> memref<80x128xi32, #tpu.memory_space<hbm>>
      %dma_start3A_98 = arith.constant 40 : i32
      %dma_start3A_99 = arith.constant 0 : i32
      %dma_start3A_100 = tpu.memref_slice %dma_start3A_97[%dma_start3A_98, %dma_start3A_99] : memref<80x128xi32, #tpu.memory_space<hbm>> -> memref<40x128xi32, #tpu.memory_space<hbm>>
      %dma_start3A_101 = arith.constant 0 : i32
      %dma_start3A_102 = arith.constant 0 : i32
      %dma_start3A_103 = tpu.memref_slice %arg4[%arg1, %dma_start3A_101, %dma_start3A_102] : memref<16x80x128xi32, #tpu.memory_space<hbm>> -> memref<1x80x128xi32, #tpu.memory_space<hbm>>
      %dma_start3A_104 = tpu.memref_squeeze %dma_start3A_103 : memref<1x80x128xi32, #tpu.memory_space<hbm>> -> memref<80x128xi32, #tpu.memory_space<hbm>>
      %dma_start3A_105 = arith.constant 40 : i32
      %dma_start3A_106 = arith.constant 0 : i32
      %dma_start3A_107 = tpu.memref_slice %dma_start3A_104[%dma_start3A_105, %dma_start3A_106] : memref<80x128xi32, #tpu.memory_space<hbm>> -> memref<40x128xi32, #tpu.memory_space<hbm>>
      tpu.enqueue_dma source(%dma_start3A_107 : memref<40x128xi32, #tpu.memory_space<hbm>>) target(%arg7 : memref<40x128xi32, #tpu.memory_space<vmem>>) target_semaphore(%run_scoped3A : memref<!tpu.dma_semaphore, #tpu.memory_space<semaphore_mem>>)
      %dma_wait3A = arith.constant 0 : i32
      %dma_wait3A_108 = arith.constant 0 : i32
      %dma_wait3A_109 = tpu.memref_slice %arg4[%arg1, %dma_wait3A, %dma_wait3A_108] : memref<16x80x128xi32, #tpu.memory_space<hbm>> -> memref<1x80x128xi32, #tpu.memory_space<hbm>>
      %dma_wait3A_110 = tpu.memref_squeeze %dma_wait3A_109 : memref<1x80x128xi32, #tpu.memory_space<hbm>> -> memref<80x128xi32, #tpu.memory_space<hbm>>
      %dma_wait3A_111 = arith.constant 40 : i32
      %dma_wait3A_112 = arith.constant 0 : i32
      %dma_wait3A_113 = tpu.memref_slice %dma_wait3A_110[%dma_wait3A_111, %dma_wait3A_112] : memref<80x128xi32, #tpu.memory_space<hbm>> -> memref<40x128xi32, #tpu.memory_space<hbm>>
      %dma_wait3A_114 = arith.constant 0 : i32
      %dma_wait3A_115 = arith.constant 0 : i32
      %dma_wait3A_116 = tpu.memref_slice %arg4[%arg1, %dma_wait3A_114, %dma_wait3A_115] : memref<16x80x128xi32, #tpu.memory_space<hbm>> -> memref<1x80x128xi32, #tpu.memory_space<hbm>>
      %dma_wait3A_117 = tpu.memref_squeeze %dma_wait3A_116 : memref<1x80x128xi32, #tpu.memory_space<hbm>> -> memref<80x128xi32, #tpu.memory_space<hbm>>
      %dma_wait3A_118 = arith.constant 40 : i32
      %dma_wait3A_119 = arith.constant 0 : i32
      %dma_wait3A_120 = tpu.memref_slice %dma_wait3A_117[%dma_wait3A_118, %dma_wait3A_119] : memref<80x128xi32, #tpu.memory_space<hbm>> -> memref<40x128xi32, #tpu.memory_space<hbm>>
      tpu.wait_dma2 semaphore(%run_scoped3A : memref<!tpu.dma_semaphore, #tpu.memory_space<semaphore_mem>>) src(%dma_wait3A_120 : memref<40x128xi32, #tpu.memory_space<hbm>>) dst(%arg7 : memref<40x128xi32, #tpu.memory_space<vmem>>)
      tpu.yield
    }) : () -> ()
    %dma_start3A_70 = arith.constant 0 : i32
    %dma_start3A_71 = arith.constant 0 : i32
    %dma_start3A_72 = tpu.memref_slice %arg6[%dma_start3A_70, %dma_start3A_71] : memref<40x128xi32, #tpu.memory_space<vmem>> -> memref<1x128xi32, #tpu.memory_space<vmem>>
    %dma_start3A_73 = tpu.memref_squeeze %dma_start3A_72 : memref<1x128xi32, #tpu.memory_space<vmem>> -> memref<128xi32, #tpu.memory_space<vmem>>
    %dma_start3A_74 = arith.constant 0 : i32
    %dma_start3A_75 = arith.constant 0 : i32
    %dma_start3A_76 = tpu.memref_slice %arg2[%add3A_46, %dma_start3A_74, %dma_start3A_75] : memref<4x10008x128xf32, #tpu.memory_space<hbm>> -> memref<1x10008x128xf32, #tpu.memory_space<hbm>>
    %dma_start3A_77 = tpu.memref_squeeze %dma_start3A_76 : memref<1x10008x128xf32, #tpu.memory_space<hbm>> -> memref<10008x128xf32, #tpu.memory_space<hbm>>
    %dma_start3A_78 = arith.constant 0 : i32
    %dma_start3A_79 = arith.constant 0 : i32
    %dma_start3A_80 = tpu.memref_slice %dma_start3A_77[%dma_start3A_78, %dma_start3A_79] : memref<10008x128xf32, #tpu.memory_space<hbm>> -> memref<10008x128xf32, #tpu.memory_space<hbm>>
    tpu.enqueue_indirect_dma source(%dma_start3A_80 : memref<10008x128xf32, #tpu.memory_space<hbm>>) target(%arg8 : memref<128x128xf32, #tpu.memory_space<vmem>>) offsets(%dma_start3A_73 : memref<128xi32, #tpu.memory_space<vmem>>) semaphore(%arg11 : memref<!tpu.dma_semaphore, #tpu.memory_space<semaphore_mem>>)
    %scan3A_81 = arith.constant 0 : i32
    %scan3A_82 = arith.constant 0 : i32
    %scan3A_83 = arith.constant 20 : i32
    %scan3A_84 = arith.addi %scan3A_82, %scan3A_83 : i32
    %scan3A_85 = arith.constant 1 : i32
    scf.for %scan3A_94 = %scan3A_82 to %scan3A_84 step %scan3A_85  : i32 {
      %mul3A_95 = arith.constant 2 : i32
      %mul3A_96 = arith.muli %mul3A_95, %scan3A_94 : i32
      %mul3A_97 = arith.constant 2 : i32
      %mul3A_98 = arith.muli %mul3A_97, %scan3A_94 : i32
      %add3A_99 = arith.constant 1 : i32
      %add3A_100 = arith.addi %mul3A_98, %add3A_99 : i32
      %dma_start3A_101 = arith.constant 0 : i32
      %dma_start3A_102 = tpu.memref_slice %arg6[%add3A_100, %dma_start3A_101] : memref<40x128xi32, #tpu.memory_space<vmem>> -> memref<1x128xi32, #tpu.memory_space<vmem>>
      %dma_start3A_103 = tpu.memref_squeeze %dma_start3A_102 : memref<1x128xi32, #tpu.memory_space<vmem>> -> memref<128xi32, #tpu.memory_space<vmem>>
      %dma_start3A_104 = arith.constant 0 : i32
      %dma_start3A_105 = arith.constant 0 : i32
      %dma_start3A_106 = tpu.memref_slice %arg2[%add3A_46, %dma_start3A_104, %dma_start3A_105] : memref<4x10008x128xf32, #tpu.memory_space<hbm>> -> memref<1x10008x128xf32, #tpu.memory_space<hbm>>
      %dma_start3A_107 = tpu.memref_squeeze %dma_start3A_106 : memref<1x10008x128xf32, #tpu.memory_space<hbm>> -> memref<10008x128xf32, #tpu.memory_space<hbm>>
      %dma_start3A_108 = arith.constant 0 : i32
      %dma_start3A_109 = arith.constant 0 : i32
      %dma_start3A_110 = tpu.memref_slice %dma_start3A_107[%dma_start3A_108, %dma_start3A_109] : memref<10008x128xf32, #tpu.memory_space<hbm>> -> memref<10008x128xf32, #tpu.memory_space<hbm>>
      tpu.enqueue_indirect_dma source(%dma_start3A_110 : memref<10008x128xf32, #tpu.memory_space<hbm>>) target(%arg9 : memref<128x128xf32, #tpu.memory_space<vmem>>) offsets(%dma_start3A_103 : memref<128xi32, #tpu.memory_space<vmem>>) semaphore(%arg12 : memref<!tpu.dma_semaphore, #tpu.memory_space<semaphore_mem>>)
      %dma_wait3A = arith.constant 0 : i32
      %dma_wait3A_111 = tpu.memref_slice %arg6[%mul3A_96, %dma_wait3A] : memref<40x128xi32, #tpu.memory_space<vmem>> -> memref<1x128xi32, #tpu.memory_space<vmem>>
      %dma_wait3A_112 = tpu.memref_squeeze %dma_wait3A_111 : memref<1x128xi32, #tpu.memory_space<vmem>> -> memref<128xi32, #tpu.memory_space<vmem>>
      %dma_wait3A_113 = arith.constant 0 : i32
      %dma_wait3A_114 = arith.constant 0 : i32
      %dma_wait3A_115 = tpu.memref_slice %arg2[%add3A_46, %dma_wait3A_113, %dma_wait3A_114] : memref<4x10008x128xf32, #tpu.memory_space<hbm>> -> memref<1x10008x128xf32, #tpu.memory_space<hbm>>
      %dma_wait3A_116 = tpu.memref_squeeze %dma_wait3A_115 : memref<1x10008x128xf32, #tpu.memory_space<hbm>> -> memref<10008x128xf32, #tpu.memory_space<hbm>>
      %dma_wait3A_117 = arith.constant 0 : i32
      %dma_wait3A_118 = arith.constant 0 : i32
      %dma_wait3A_119 = tpu.memref_slice %dma_wait3A_116[%dma_wait3A_117, %dma_wait3A_118] : memref<10008x128xf32, #tpu.memory_space<hbm>> -> memref<10008x128xf32, #tpu.memory_space<hbm>>
      tpu.wait_indirect_dma semaphore(%arg11 : memref<!tpu.dma_semaphore, #tpu.memory_space<semaphore_mem>>) src(%dma_wait3A_119 : memref<10008x128xf32, #tpu.memory_space<hbm>>) dst(%arg8 : memref<128x128xf32, #tpu.memory_space<vmem>>)
      "tpu.region"() ({
        %run_scoped3A = tpu.sem_alloc : memref<!tpu.dma_semaphore, #tpu.memory_space<semaphore_mem>>
        %dma_start3A_136 = arith.constant 0 : i32
        %dma_start3A_137 = tpu.memref_slice %arg7[%mul3A_96, %dma_start3A_136] : memref<40x128xi32, #tpu.memory_space<vmem>> -> memref<1x128xi32, #tpu.memory_space<vmem>>
        %dma_start3A_138 = tpu.memref_squeeze %dma_start3A_137 : memref<1x128xi32, #tpu.memory_space<vmem>> -> memref<128xi32, #tpu.memory_space<vmem>>
        %dma_start3A_139 = arith.constant 0 : i32
        %dma_start3A_140 = arith.constant 0 : i32
        %dma_start3A_141 = tpu.memref_slice %arg10[%dma_start3A_139, %dma_start3A_140] : memref<10008x128xf32, #tpu.memory_space<vmem_shared>> -> memref<10008x128xf32, #tpu.memory_space<vmem_shared>>
        tpu.enqueue_indirect_dma source(%arg8 : memref<128x128xf32, #tpu.memory_space<vmem>>) target(%dma_start3A_141 : memref<10008x128xf32, #tpu.memory_space<vmem_shared>>) offsets(%dma_start3A_138 : memref<128xi32, #tpu.memory_space<vmem>>) semaphore(%run_scoped3A : memref<!tpu.dma_semaphore, #tpu.memory_space<semaphore_mem>>) {add = true}
        %dma_wait3A_142 = arith.constant 0 : i32
        %dma_wait3A_143 = tpu.memref_slice %arg7[%mul3A_96, %dma_wait3A_142] : memref<40x128xi32, #tpu.memory_space<vmem>> -> memref<1x128xi32, #tpu.memory_space<vmem>>
        %dma_wait3A_144 = tpu.memref_squeeze %dma_wait3A_143 : memref<1x128xi32, #tpu.memory_space<vmem>> -> memref<128xi32, #tpu.memory_space<vmem>>
        %dma_wait3A_145 = arith.constant 0 : i32
        %dma_wait3A_146 = arith.constant 0 : i32
        %dma_wait3A_147 = tpu.memref_slice %arg10[%dma_wait3A_145, %dma_wait3A_146] : memref<10008x128xf32, #tpu.memory_space<vmem_shared>> -> memref<10008x128xf32, #tpu.memory_space<vmem_shared>>
        tpu.wait_indirect_dma semaphore(%run_scoped3A : memref<!tpu.dma_semaphore, #tpu.memory_space<semaphore_mem>>) src(%arg8 : memref<128x128xf32, #tpu.memory_space<vmem>>) dst(%dma_wait3A_147 : memref<10008x128xf32, #tpu.memory_space<vmem_shared>>)
        tpu.yield
      }) : () -> ()
      %add3A_120 = arith.constant 2 : i32
      %add3A_121 = arith.addi %mul3A_96, %add3A_120 : i32
      %lt3A = arith.constant 40 : i32
      %lt3A_122 = arith.cmpi slt, %add3A_121, %lt3A : i32
      %convert_element_type3A_123 = arith.extui %lt3A_122 : i1 to i32
      %cond3A_124 = arith.constant 0 : i32
      %cond3A_125 = arith.cmpi ne, %convert_element_type3A_123, %cond3A_124 : i32
      scf.if %cond3A_125 {
        %add3A_136 = arith.constant 2 : i32
        %add3A_137 = arith.addi %mul3A_96, %add3A_136 : i32
        %dma_start3A_138 = arith.constant 0 : i32
        %dma_start3A_139 = tpu.memref_slice %arg6[%add3A_137, %dma_start3A_138] : memref<40x128xi32, #tpu.memory_space<vmem>> -> memref<1x128xi32, #tpu.memory_space<vmem>>
        %dma_start3A_140 = tpu.memref_squeeze %dma_start3A_139 : memref<1x128xi32, #tpu.memory_space<vmem>> -> memref<128xi32, #tpu.memory_space<vmem>>
        %dma_start3A_141 = arith.constant 0 : i32
        %dma_start3A_142 = arith.constant 0 : i32
        %dma_start3A_143 = tpu.memref_slice %arg2[%add3A_46, %dma_start3A_141, %dma_start3A_142] : memref<4x10008x128xf32, #tpu.memory_space<hbm>> -> memref<1x10008x128xf32, #tpu.memory_space<hbm>>
        %dma_start3A_144 = tpu.memref_squeeze %dma_start3A_143 : memref<1x10008x128xf32, #tpu.memory_space<hbm>> -> memref<10008x128xf32, #tpu.memory_space<hbm>>
        %dma_start3A_145 = arith.constant 0 : i32
        %dma_start3A_146 = arith.constant 0 : i32
        %dma_start3A_147 = tpu.memref_slice %dma_start3A_144[%dma_start3A_145, %dma_start3A_146] : memref<10008x128xf32, #tpu.memory_space<hbm>> -> memref<10008x128xf32, #tpu.memory_space<hbm>>
        tpu.enqueue_indirect_dma source(%dma_start3A_147 : memref<10008x128xf32, #tpu.memory_space<hbm>>) target(%arg8 : memref<128x128xf32, #tpu.memory_space<vmem>>) offsets(%dma_start3A_140 : memref<128xi32, #tpu.memory_space<vmem>>) semaphore(%arg11 : memref<!tpu.dma_semaphore, #tpu.memory_space<semaphore_mem>>)
      } else {
      }
      %dma_wait3A_126 = arith.constant 0 : i32
      %dma_wait3A_127 = tpu.memref_slice %arg6[%add3A_100, %dma_wait3A_126] : memref<40x128xi32, #tpu.memory_space<vmem>> -> memref<1x128xi32, #tpu.memory_space<vmem>>
      %dma_wait3A_128 = tpu.memref_squeeze %dma_wait3A_127 : memref<1x128xi32, #tpu.memory_space<vmem>> -> memref<128xi32, #tpu.memory_space<vmem>>
      %dma_wait3A_129 = arith.constant 0 : i32
      %dma_wait3A_130 = arith.constant 0 : i32
      %dma_wait3A_131 = tpu.memref_slice %arg2[%add3A_46, %dma_wait3A_129, %dma_wait3A_130] : memref<4x10008x128xf32, #tpu.memory_space<hbm>> -> memref<1x10008x128xf32, #tpu.memory_space<hbm>>
      %dma_wait3A_132 = tpu.memref_squeeze %dma_wait3A_131 : memref<1x10008x128xf32, #tpu.memory_space<hbm>> -> memref<10008x128xf32, #tpu.memory_space<hbm>>
      %dma_wait3A_133 = arith.constant 0 : i32
      %dma_wait3A_134 = arith.constant 0 : i32
      %dma_wait3A_135 = tpu.memref_slice %dma_wait3A_132[%dma_wait3A_133, %dma_wait3A_134] : memref<10008x128xf32, #tpu.memory_space<hbm>> -> memref<10008x128xf32, #tpu.memory_space<hbm>>
      tpu.wait_indirect_dma semaphore(%arg12 : memref<!tpu.dma_semaphore, #tpu.memory_space<semaphore_mem>>) src(%dma_wait3A_135 : memref<10008x128xf32, #tpu.memory_space<hbm>>) dst(%arg9 : memref<128x128xf32, #tpu.memory_space<vmem>>)
      "tpu.region"() ({
        %run_scoped3A = tpu.sem_alloc : memref<!tpu.dma_semaphore, #tpu.memory_space<semaphore_mem>>
        %dma_start3A_136 = arith.constant 0 : i32
        %dma_start3A_137 = tpu.memref_slice %arg7[%add3A_100, %dma_start3A_136] : memref<40x128xi32, #tpu.memory_space<vmem>> -> memref<1x128xi32, #tpu.memory_space<vmem>>
        %dma_start3A_138 = tpu.memref_squeeze %dma_start3A_137 : memref<1x128xi32, #tpu.memory_space<vmem>> -> memref<128xi32, #tpu.memory_space<vmem>>
        %dma_start3A_139 = arith.constant 0 : i32
        %dma_start3A_140 = arith.constant 0 : i32
        %dma_start3A_141 = tpu.memref_slice %arg10[%dma_start3A_139, %dma_start3A_140] : memref<10008x128xf32, #tpu.memory_space<vmem_shared>> -> memref<10008x128xf32, #tpu.memory_space<vmem_shared>>
        tpu.enqueue_indirect_dma source(%arg9 : memref<128x128xf32, #tpu.memory_space<vmem>>) target(%dma_start3A_141 : memref<10008x128xf32, #tpu.memory_space<vmem_shared>>) offsets(%dma_start3A_138 : memref<128xi32, #tpu.memory_space<vmem>>) semaphore(%run_scoped3A : memref<!tpu.dma_semaphore, #tpu.memory_space<semaphore_mem>>) {add = true}
        %dma_wait3A_142 = arith.constant 0 : i32
        %dma_wait3A_143 = tpu.memref_slice %arg7[%add3A_100, %dma_wait3A_142] : memref<40x128xi32, #tpu.memory_space<vmem>> -> memref<1x128xi32, #tpu.memory_space<vmem>>
        %dma_wait3A_144 = tpu.memref_squeeze %dma_wait3A_143 : memref<1x128xi32, #tpu.memory_space<vmem>> -> memref<128xi32, #tpu.memory_space<vmem>>
        %dma_wait3A_145 = arith.constant 0 : i32
        %dma_wait3A_146 = arith.constant 0 : i32
        %dma_wait3A_147 = tpu.memref_slice %arg10[%dma_wait3A_145, %dma_wait3A_146] : memref<10008x128xf32, #tpu.memory_space<vmem_shared>> -> memref<10008x128xf32, #tpu.memory_space<vmem_shared>>
        tpu.wait_indirect_dma semaphore(%run_scoped3A : memref<!tpu.dma_semaphore, #tpu.memory_space<semaphore_mem>>) src(%arg9 : memref<128x128xf32, #tpu.memory_space<vmem>>) dst(%dma_wait3A_147 : memref<10008x128xf32, #tpu.memory_space<vmem_shared>>)
        tpu.yield
      }) : () -> ()
    }
    %scan3A_86 = arith.constant 20 : i32
    %barrier3A_87 = arith.constant 0 : index
    tpu.barrier barrier_id(%barrier3A_87)
    %eq3A_88 = arith.constant 0 : i32
    %eq3A_89 = arith.cmpi eq, %arg1, %eq3A_88 : i32
    %convert_element_type3A_90 = arith.extui %eq3A_89 : i1 to i32
    %cond3A_91 = arith.constant 0 : i32
    %cond3A_92 = arith.cmpi ne, %convert_element_type3A_90, %cond3A_91 : i32
    scf.if %cond3A_92 {
      "tpu.region"() ({
        %run_scoped3A = tpu.sem_alloc : memref<!tpu.dma_semaphore, #tpu.memory_space<semaphore_mem>>
        %dma_start3A_94 = arith.constant 0 : i32
        %dma_start3A_95 = arith.constant 0 : i32
        %dma_start3A_96 = tpu.memref_slice %arg5[%add3A_46, %dma_start3A_94, %dma_start3A_95] : memref<4x10008x128xf32, #tpu.memory_space<hbm>> -> memref<1x10008x128xf32, #tpu.memory_space<hbm>>
        %dma_start3A_97 = tpu.memref_squeeze %dma_start3A_96 : memref<1x10008x128xf32, #tpu.memory_space<hbm>> -> memref<10008x128xf32, #tpu.memory_space<hbm>>
        tpu.enqueue_dma source(%arg10 : memref<10008x128xf32, #tpu.memory_space<vmem_shared>>) target(%dma_start3A_97 : memref<10008x128xf32, #tpu.memory_space<hbm>>) target_semaphore(%run_scoped3A : memref<!tpu.dma_semaphore, #tpu.memory_space<semaphore_mem>>)
        %dma_wait3A = arith.constant 0 : i32
        %dma_wait3A_98 = arith.constant 0 : i32
        %dma_wait3A_99 = tpu.memref_slice %arg5[%add3A_46, %dma_wait3A, %dma_wait3A_98] : memref<4x10008x128xf32, #tpu.memory_space<hbm>> -> memref<1x10008x128xf32, #tpu.memory_space<hbm>>
        %dma_wait3A_100 = tpu.memref_squeeze %dma_wait3A_99 : memref<1x10008x128xf32, #tpu.memory_space<hbm>> -> memref<10008x128xf32, #tpu.memory_space<hbm>>
        tpu.wait_dma2 semaphore(%run_scoped3A : memref<!tpu.dma_semaphore, #tpu.memory_space<semaphore_mem>>) src(%arg10 : memref<10008x128xf32, #tpu.memory_space<vmem_shared>>) dst(%dma_wait3A_100 : memref<10008x128xf32, #tpu.memory_space<hbm>>)
        tpu.yield
      }) : () -> ()
    } else {
    }
    %barrier3A_93 = arith.constant 0 : index
    tpu.barrier barrier_id(%barrier3A_93)
    return
  }
}

module attributes {stable_mosaic.version = 14 : i64} {
  func.func @_mm_body(%arg0: i32, %arg1: memref<1112x512xf32, #tpu.memory_space<vmem>>, %arg2: memref<1112x1xf32, #tpu.memory_space<vmem>>, %arg3: memref<512x512xf32, #tpu.memory_space<vmem>>, %arg4: memref<4x1112x128xf32, #tpu.memory_space<vmem>>) attributes {dimension_semantics = [#tpu.dimension_semantics<arbitrary>], iteration_bounds = array<i64: 9>, scalar_prefetch = 0 : i64, scratch_operands = 0 : i64, tpu.core_type = #tpu.core_type<tc>, window_params = [{transform_indices = @transform_0, window_bounds = array<i64: 1112, 512>}, {transform_indices = @transform_1, window_bounds = array<i64: 1112, 1>}, {pipeline_mode = #tpu.pipeline_mode<synchronous>, transform_indices = @transform_2, window_bounds = array<i64: 512, 512>}, {transform_indices = @transform_3, window_bounds = array<i64: 4, 1112, 128>}]} {
    %get3A = arith.constant 0 : index
    %get3A_0 = arith.constant 0 : index
    %get3A_1 = vector.load %arg1[%get3A, %get3A_0] : memref<1112x512xf32, #tpu.memory_space<vmem>>, vector<1112x512xf32>
    %get3A_2 = arith.constant 0 : index
    %get3A_3 = arith.constant 0 : index
    %get3A_4 = vector.load %arg2[%get3A_2, %get3A_3] : memref<1112x1xf32, #tpu.memory_space<vmem>>, vector<1112x1xf32>
    %mul3A = vector.broadcast %get3A_4 : vector<1112x1xf32> to vector<1112x512xf32>
    %mul3A_5 = arith.mulf %get3A_1, %mul3A : vector<1112x512xf32>
    %get3A_6 = arith.constant 0 : index
    %get3A_7 = arith.constant 0 : index
    %get3A_8 = vector.load %arg3[%get3A_6, %get3A_7] : memref<512x512xf32, #tpu.memory_space<vmem>>, vector<512x512xf32>
    %dot_general3A = arith.constant dense<0.000000e+00> : vector<1112x512xf32>
    %dot_general3A_9 = tpu.matmul %mul3A_5, %get3A_8, %dot_general3A {dimension_numbers = #tpu.dot_dimension_numbers<[1], [0], [0], [1], [0, 0, 1, 1], [], []>, transpose_lhs_hint = false} : vector<1112x512xf32>, vector<512x512xf32>, vector<1112x512xf32> -> vector<1112x512xf32>
    %slice3A = vector.extract_strided_slice %dot_general3A_9 {offsets = [0, 0], sizes = [1112, 128], strides = [1, 1]} : vector<1112x512xf32> to vector<1112x128xf32>
    %swap3A = arith.constant 0 : index
    %swap3A_10 = arith.constant 0 : index
    %swap3A_11 = arith.constant 0 : index
    %swap3A_12 = vector.load %arg4[%swap3A, %swap3A_10, %swap3A_11] : memref<4x1112x128xf32, #tpu.memory_space<vmem>>, vector<1x1112x128xf32>
    %swap3A_13 = vector.shape_cast %swap3A_12 : vector<1x1112x128xf32> to vector<1112x128xf32>
    %swap3A_14 = vector.shape_cast %slice3A : vector<1112x128xf32> to vector<1x1112x128xf32>
    tpu.vector_store %arg4[%swap3A, %swap3A_10, %swap3A_11], %swap3A_14 {strides = array<i32>} : memref<4x1112x128xf32, #tpu.memory_space<vmem>>, vector<1x1112x128xf32>,
    %slice3A_15 = vector.extract_strided_slice %dot_general3A_9 {offsets = [0, 128], sizes = [1112, 128], strides = [1, 1]} : vector<1112x512xf32> to vector<1112x128xf32>
    %swap3A_16 = arith.constant 1 : index
    %swap3A_17 = arith.constant 0 : index
    %swap3A_18 = arith.constant 0 : index
    %swap3A_19 = vector.load %arg4[%swap3A_16, %swap3A_17, %swap3A_18] : memref<4x1112x128xf32, #tpu.memory_space<vmem>>, vector<1x1112x128xf32>
    %swap3A_20 = vector.shape_cast %swap3A_19 : vector<1x1112x128xf32> to vector<1112x128xf32>
    %swap3A_21 = vector.shape_cast %slice3A_15 : vector<1112x128xf32> to vector<1x1112x128xf32>
    tpu.vector_store %arg4[%swap3A_16, %swap3A_17, %swap3A_18], %swap3A_21 {strides = array<i32>} : memref<4x1112x128xf32, #tpu.memory_space<vmem>>, vector<1x1112x128xf32>,
    %slice3A_22 = vector.extract_strided_slice %dot_general3A_9 {offsets = [0, 256], sizes = [1112, 128], strides = [1, 1]} : vector<1112x512xf32> to vector<1112x128xf32>
    %swap3A_23 = arith.constant 2 : index
    %swap3A_24 = arith.constant 0 : index
    %swap3A_25 = arith.constant 0 : index
    %swap3A_26 = vector.load %arg4[%swap3A_23, %swap3A_24, %swap3A_25] : memref<4x1112x128xf32, #tpu.memory_space<vmem>>, vector<1x1112x128xf32>
    %swap3A_27 = vector.shape_cast %swap3A_26 : vector<1x1112x128xf32> to vector<1112x128xf32>
    %swap3A_28 = vector.shape_cast %slice3A_22 : vector<1112x128xf32> to vector<1x1112x128xf32>
    tpu.vector_store %arg4[%swap3A_23, %swap3A_24, %swap3A_25], %swap3A_28 {strides = array<i32>} : memref<4x1112x128xf32, #tpu.memory_space<vmem>>, vector<1x1112x128xf32>,
    %slice3A_29 = vector.extract_strided_slice %dot_general3A_9 {offsets = [0, 384], sizes = [1112, 128], strides = [1, 1]} : vector<1112x512xf32> to vector<1112x128xf32>
    %swap3A_30 = arith.constant 3 : index
    %swap3A_31 = arith.constant 0 : index
    %swap3A_32 = arith.constant 0 : index
    %swap3A_33 = vector.load %arg4[%swap3A_30, %swap3A_31, %swap3A_32] : memref<4x1112x128xf32, #tpu.memory_space<vmem>>, vector<1x1112x128xf32>
    %swap3A_34 = vector.shape_cast %swap3A_33 : vector<1x1112x128xf32> to vector<1112x128xf32>
    %swap3A_35 = vector.shape_cast %slice3A_29 : vector<1112x128xf32> to vector<1x1112x128xf32>
    tpu.vector_store %arg4[%swap3A_30, %swap3A_31, %swap3A_32], %swap3A_35 {strides = array<i32>} : memref<4x1112x128xf32, #tpu.memory_space<vmem>>, vector<1x1112x128xf32>,
    return
  }
  func.func @transform_0(%arg0: i32) -> (i32, i32) {
    %c0_i32 = arith.constant 0 : i32
    %c0_i32_0 = arith.constant 0 : i32
    return %arg0, %c0_i32 : i32, i32
  }
  func.func @transform_1(%arg0: i32) -> (i32, i32) {
    %c0_i32 = arith.constant 0 : i32
    %c0_i32_0 = arith.constant 0 : i32
    return %arg0, %c0_i32 : i32, i32
  }
  func.func @transform_2(%arg0: i32) -> (i32, i32) {
    %c0_i32 = arith.constant 0 : i32
    %c0_i32_0 = arith.constant 0 : i32
    %c0_i32_1 = arith.constant 0 : i32
    return %c0_i32, %c0_i32_0 : i32, i32
  }
  func.func @transform_3(%arg0: i32) -> (i32, i32, i32) {
    %c0_i32 = arith.constant 0 : i32
    %c0_i32_0 = arith.constant 0 : i32
    %c0_i32_1 = arith.constant 0 : i32
    return %c0_i32, %arg0, %c0_i32_0 : i32, i32, i32
  }
}

module attributes {stable_mosaic.version = 14 : i64} {
  func.func @_ew_body(%arg0: i32, %arg1: memref<4x1112x128xf32, #tpu.memory_space<vmem>>, %arg2: memref<1112x1xf32, #tpu.memory_space<vmem>>, %arg3: memref<1x512xf32, #tpu.memory_space<vmem>>, %arg4: memref<1112x512xf32, #tpu.memory_space<vmem>>, %arg5: memref<1112x512xf32, #tpu.memory_space<vmem>>) attributes {dimension_semantics = [#tpu.dimension_semantics<arbitrary>], iteration_bounds = array<i64: 9>, scalar_prefetch = 0 : i64, scratch_operands = 0 : i64, tpu.core_type = #tpu.core_type<tc>, window_params = [{transform_indices = @transform_0, window_bounds = array<i64: 4, 1112, 128>}, {transform_indices = @transform_1, window_bounds = array<i64: 1112, 1>}, {pipeline_mode = #tpu.pipeline_mode<synchronous>, transform_indices = @transform_2, window_bounds = array<i64: 1, 512>}, {transform_indices = @transform_3, window_bounds = array<i64: 1112, 512>}, {transform_indices = @transform_4, window_bounds = array<i64: 1112, 512>}]} {
    %get3A = arith.constant 0 : index
    %get3A_0 = arith.constant 0 : index
    %get3A_1 = arith.constant 0 : index
    %get3A_2 = vector.load %arg1[%get3A, %get3A_0, %get3A_1] : memref<4x1112x128xf32, #tpu.memory_space<vmem>>, vector<1x1112x128xf32>
    %get3A_3 = vector.shape_cast %get3A_2 : vector<1x1112x128xf32> to vector<1112x128xf32>
    %get3A_4 = arith.constant 1 : index
    %get3A_5 = arith.constant 0 : index
    %get3A_6 = arith.constant 0 : index
    %get3A_7 = vector.load %arg1[%get3A_4, %get3A_5, %get3A_6] : memref<4x1112x128xf32, #tpu.memory_space<vmem>>, vector<1x1112x128xf32>
    %get3A_8 = vector.shape_cast %get3A_7 : vector<1x1112x128xf32> to vector<1112x128xf32>
    %get3A_9 = arith.constant 2 : index
    %get3A_10 = arith.constant 0 : index
    %get3A_11 = arith.constant 0 : index
    %get3A_12 = vector.load %arg1[%get3A_9, %get3A_10, %get3A_11] : memref<4x1112x128xf32, #tpu.memory_space<vmem>>, vector<1x1112x128xf32>
    %get3A_13 = vector.shape_cast %get3A_12 : vector<1x1112x128xf32> to vector<1112x128xf32>
    %get3A_14 = arith.constant 3 : index
    %get3A_15 = arith.constant 0 : index
    %get3A_16 = arith.constant 0 : index
    %get3A_17 = vector.load %arg1[%get3A_14, %get3A_15, %get3A_16] : memref<4x1112x128xf32, #tpu.memory_space<vmem>>, vector<1x1112x128xf32>
    %get3A_18 = vector.shape_cast %get3A_17 : vector<1x1112x128xf32> to vector<1112x128xf32>
    %concatenate3A = tpu.concatenate %get3A_3, %get3A_8, %get3A_13, %get3A_18 in 1 : vector<1112x128xf32>, vector<1112x128xf32>, vector<1112x128xf32>, vector<1112x128xf32> -> vector<1112x512xf32>
    %get3A_19 = arith.constant 0 : index
    %get3A_20 = arith.constant 0 : index
    %get3A_21 = vector.load %arg4[%get3A_19, %get3A_20] : memref<1112x512xf32, #tpu.memory_space<vmem>>, vector<1112x512xf32>
    %get3A_22 = arith.constant 0 : index
    %get3A_23 = arith.constant 0 : index
    %get3A_24 = vector.load %arg2[%get3A_22, %get3A_23] : memref<1112x1xf32, #tpu.memory_space<vmem>>, vector<1112x1xf32>
    %mul3A = vector.broadcast %get3A_24 : vector<1112x1xf32> to vector<1112x512xf32>
    %mul3A_25 = arith.mulf %concatenate3A, %mul3A : vector<1112x512xf32>
    %get3A_26 = arith.constant 0 : index
    %get3A_27 = arith.constant 0 : index
    %get3A_28 = vector.load %arg3[%get3A_26, %get3A_27] : memref<1x512xf32, #tpu.memory_space<vmem>>, vector<1x512xf32>
    %add3A = vector.broadcast %get3A_28 : vector<1x512xf32> to vector<1112x512xf32>
    %add3A_29 = arith.addf %mul3A_25, %add3A : vector<1112x512xf32>
    %max3A = arith.constant 0.000000e+00 : f32
    %max3A_30 = vector.broadcast %max3A : f32 to vector<1112x512xf32>
    %max3A_31 = arith.maximumf %add3A_29, %max3A_30 : vector<1112x512xf32>
    %add3A_32 = arith.addf %get3A_21, %max3A_31 : vector<1112x512xf32>
    %swap3A = arith.constant 0 : index
    %swap3A_33 = arith.constant 0 : index
    %swap3A_34 = vector.load %arg5[%swap3A, %swap3A_33] : memref<1112x512xf32, #tpu.memory_space<vmem>>, vector<1112x512xf32>
    tpu.vector_store %arg5[%swap3A, %swap3A_33], %add3A_32 {strides = array<i32>} : memref<1112x512xf32, #tpu.memory_space<vmem>>, vector<1112x512xf32>,
    return
  }
  func.func @transform_0(%arg0: i32) -> (i32, i32, i32) {
    %c0_i32 = arith.constant 0 : i32
    %c0_i32_0 = arith.constant 0 : i32
    %c0_i32_1 = arith.constant 0 : i32
    return %c0_i32, %arg0, %c0_i32_0 : i32, i32, i32
  }
  func.func @transform_1(%arg0: i32) -> (i32, i32) {
    %c0_i32 = arith.constant 0 : i32
    %c0_i32_0 = arith.constant 0 : i32
    return %arg0, %c0_i32 : i32, i32
  }
  func.func @transform_2(%arg0: i32) -> (i32, i32) {
    %c0_i32 = arith.constant 0 : i32
    %c0_i32_0 = arith.constant 0 : i32
    %c0_i32_1 = arith.constant 0 : i32
    return %c0_i32, %c0_i32_0 : i32, i32
  }
  func.func @transform_3(%arg0: i32) -> (i32, i32) {
    %c0_i32 = arith.constant 0 : i32
    %c0_i32_0 = arith.constant 0 : i32
    return %arg0, %c0_i32 : i32, i32
  }
  func.func @transform_4(%arg0: i32) -> (i32, i32) {
    %c0_i32 = arith.constant 0 : i32
    %c0_i32_0 = arith.constant 0 : i32
    return %arg0, %c0_i32 : i32, i32
  }
}

module attributes {stable_mosaic.version = 14 : i64} {
  func.func @_segmax_body(%arg0: i32, %arg1: memref<1112x512xf32, #tpu.memory_space<vmem>>, %arg2: memref<1112x1xi32, #tpu.memory_space<vmem>>, %arg3: memref<64x512xf32, #tpu.memory_space<vmem>>) attributes {dimension_semantics = [#tpu.dimension_semantics<arbitrary>], iteration_bounds = array<i64: 9>, scalar_prefetch = 0 : i64, scratch_operands = 0 : i64, tpu.core_type = #tpu.core_type<tc>, window_params = [{transform_indices = @transform_0, window_bounds = array<i64: 1112, 512>}, {transform_indices = @transform_1, window_bounds = array<i64: 1112, 1>}, {pipeline_mode = #tpu.pipeline_mode<synchronous>, transform_indices = @transform_2, window_bounds = array<i64: 64, 512>}]} {
    %eq3A = arith.constant 0 : i32
    %eq3A_0 = arith.cmpi eq, %arg0, %eq3A : i32
    %convert_element_type3A = arith.extui %eq3A_0 : i1 to i32
    %cond3A = arith.constant 0 : i32
    %cond3A_1 = arith.cmpi ne, %convert_element_type3A, %cond3A : i32
    scf.if %cond3A_1 {
      %broadcast_in_dim3A = arith.constant 0xFF800000 : f32
      %broadcast_in_dim3A_18 = vector.broadcast %broadcast_in_dim3A : f32 to vector<64x512xf32>
      %swap3A = arith.constant 0 : index
      %swap3A_19 = arith.constant 0 : index
      %swap3A_20 = vector.load %arg3[%swap3A, %swap3A_19] : memref<64x512xf32, #tpu.memory_space<vmem>>, vector<64x512xf32>
      tpu.vector_store %arg3[%swap3A, %swap3A_19], %broadcast_in_dim3A_18 {strides = array<i32>} : memref<64x512xf32, #tpu.memory_space<vmem>>, vector<64x512xf32>,
    } else {
    }
    %get3A = arith.constant 0 : index
    %get3A_2 = arith.constant 0 : index
    %get3A_3 = vector.load %arg2[%get3A, %get3A_2] : memref<1112x1xi32, #tpu.memory_space<vmem>>, vector<1112x1xi32>
    %get3A_4 = arith.constant 0 : index
    %get3A_5 = arith.constant 0 : index
    %get3A_6 = vector.load %arg1[%get3A_4, %get3A_5] : memref<1112x512xf32, #tpu.memory_space<vmem>>, vector<1112x512xf32>
    %slice3A = vector.extract_strided_slice %get3A_3 {offsets = [0, 0], sizes = [1, 1], strides = [1, 1]} : vector<1112x1xi32> to vector<1x1xi32>
    %squeeze3A = vector.extract %slice3A[0, 0] : i32 from vector<1x1xi32>
    %slice3A_7 = vector.extract_strided_slice %get3A_3 {offsets = [1111, 0], sizes = [1, 1], strides = [1, 1]} : vector<1112x1xi32> to vector<1x1xi32>
    %squeeze3A_8 = vector.extract %slice3A_7[0, 0] : i32 from vector<1x1xi32>
    %add3A = arith.constant 1 : i32
    %add3A_9 = arith.addi %squeeze3A_8, %add3A : i32
    %while3A = arith.constant 0 : i32
    %while3A_10 = arith.subi %add3A_9, %squeeze3A : i32
    %while3A_11 = arith.addi %squeeze3A, %while3A_10 : i32
    %while3A_12 = arith.constant 1 : i32
    %while3A_13 = arith.divsi %while3A_10, %while3A_12 : i32
    %while3A_14 = arith.muli %while3A_13, %while3A_12 : i32
    %while3A_15 = arith.addi %squeeze3A, %while3A_14 : i32
    %while3A_16 = arith.constant 1 : i32
    scf.for %while3A_18 = %squeeze3A to %while3A_15 step %while3A_16  : i32 {
      %eq3A_19 = vector.broadcast %while3A_18 : i32 to vector<1112x1xi32>
      %eq3A_20 = arith.cmpi eq, %get3A_3, %eq3A_19 : vector<1112x1xi32>
      %jit3A = arith.constant 0xFF800000 : f32
      %broadcast_in_dim3A = vector.shape_cast %eq3A_20 : vector<1112x1xi1> to vector<1112x1xi1>
      %broadcast_in_dim3A_21 = vector.broadcast %broadcast_in_dim3A : vector<1112x1xi1> to vector<1112x512xi1>
      %broadcast_in_dim3A_22 = vector.broadcast %jit3A : f32 to vector<1112x512xf32>
      %select_n3A = arith.select %broadcast_in_dim3A_21, %get3A_6, %broadcast_in_dim3A_22 : vector<1112x512xi1>, vector<1112x512xf32>
      %reduce_max3A = arith.constant dense<0xFF800000> : vector<512xf32>
      %reduce_max3A_23 = vector.multi_reduction <maximumf>, %select_n3A, %reduce_max3A [0] : vector<1112x512xf32> to vector<512xf32>
      %broadcast_in_dim3A_24 = vector.shape_cast %reduce_max3A_23 : vector<512xf32> to vector<1x512xf32>
      %get3A_25 = arith.index_cast %while3A_18 : i32 to index
      %get3A_26 = arith.constant 0 : index
      %get3A_27 = vector.load %arg3[%get3A_25, %get3A_26] : memref<64x512xf32, #tpu.memory_space<vmem>>, vector<1x512xf32>
      %max3A = arith.maximumf %get3A_27, %broadcast_in_dim3A_24 : vector<1x512xf32>
      %swap3A = arith.index_cast %while3A_18 : i32 to index
      %swap3A_28 = arith.constant 0 : index
      %swap3A_29 = vector.load %arg3[%swap3A, %swap3A_28] : memref<64x512xf32, #tpu.memory_space<vmem>>, vector<1x512xf32>
      tpu.vector_store %arg3[%swap3A, %swap3A_28], %max3A {strides = array<i32>} : memref<64x512xf32, #tpu.memory_space<vmem>>, vector<1x512xf32>,
    }
    %while3A_17 = arith.constant 1 : i32
    scf.for %while3A_18 = %while3A_15 to %while3A_11 step %while3A_17  : i32 {
      %eq3A_19 = vector.broadcast %while3A_18 : i32 to vector<1112x1xi32>
      %eq3A_20 = arith.cmpi eq, %get3A_3, %eq3A_19 : vector<1112x1xi32>
      %jit3A = arith.constant 0xFF800000 : f32
      %broadcast_in_dim3A = vector.shape_cast %eq3A_20 : vector<1112x1xi1> to vector<1112x1xi1>
      %broadcast_in_dim3A_21 = vector.broadcast %broadcast_in_dim3A : vector<1112x1xi1> to vector<1112x512xi1>
      %broadcast_in_dim3A_22 = vector.broadcast %jit3A : f32 to vector<1112x512xf32>
      %select_n3A = arith.select %broadcast_in_dim3A_21, %get3A_6, %broadcast_in_dim3A_22 : vector<1112x512xi1>, vector<1112x512xf32>
      %reduce_max3A = arith.constant dense<0xFF800000> : vector<512xf32>
      %reduce_max3A_23 = vector.multi_reduction <maximumf>, %select_n3A, %reduce_max3A [0] : vector<1112x512xf32> to vector<512xf32>
      %broadcast_in_dim3A_24 = vector.shape_cast %reduce_max3A_23 : vector<512xf32> to vector<1x512xf32>
      %get3A_25 = arith.index_cast %while3A_18 : i32 to index
      %get3A_26 = arith.constant 0 : index
      %get3A_27 = vector.load %arg3[%get3A_25, %get3A_26] : memref<64x512xf32, #tpu.memory_space<vmem>>, vector<1x512xf32>
      %max3A = arith.maximumf %get3A_27, %broadcast_in_dim3A_24 : vector<1x512xf32>
      %swap3A = arith.index_cast %while3A_18 : i32 to index
      %swap3A_28 = arith.constant 0 : index
      %swap3A_29 = vector.load %arg3[%swap3A, %swap3A_28] : memref<64x512xf32, #tpu.memory_space<vmem>>, vector<1x512xf32>
      tpu.vector_store %arg3[%swap3A, %swap3A_28], %max3A {strides = array<i32>} : memref<64x512xf32, #tpu.memory_space<vmem>>, vector<1x512xf32>,
    }
    return
  }
  func.func @transform_0(%arg0: i32) -> (i32, i32) {
    %c0_i32 = arith.constant 0 : i32
    %c0_i32_0 = arith.constant 0 : i32
    return %arg0, %c0_i32 : i32, i32
  }
  func.func @transform_1(%arg0: i32) -> (i32, i32) {
    %c0_i32 = arith.constant 0 : i32
    %c0_i32_0 = arith.constant 0 : i32
    return %arg0, %c0_i32 : i32, i32
  }
  func.func @transform_2(%arg0: i32) -> (i32, i32) {
    %c0_i32 = arith.constant 0 : i32
    %c0_i32_0 = arith.constant 0 : i32
    %c0_i32_1 = arith.constant 0 : i32
    return %c0_i32, %c0_i32_0 : i32, i32
  }
}

</mosaic_0001>

<sc_bundles>
// kernel: kernel.13.cloned.1.call-start
scs
__scs_entry_jumppad:
0x0: {  	(pc) =	sbr.rel $0x88, $3  }
0x1: {  	(tag) =	ssettag $0x0;
	lr =	simm.s32 $0x1  }
0x2: {  	[smem:$0x3F98] =	sst lr;
	_ =	strace $0xD0000000  }
0x3: {  	_ = 	snop  }
0x4: {  	_ = 	snop  }
0x5: {  	_ = 	snop  }
0x6: {  	_ = 	snop  }
0x7: {  	_ = 	snop  }
__scs_overlays_trampoline_lowered:
0x8: {  	[smem:$0x3FA7] =	sst s0  }
0x9: {  	[smem:$0x3FA8] =	sst s1  }
0xa: {  	[smem:$0x3FA9] =	sst s2  }
0xb: {  	[smem:$0x3FAA] =	sst s3  }
0xc: {  	[smem:$0x3FAB] =	sst s4  }
0xd: {  	[smem:$0x3FAC] =	sst s5  }
0xe: {  	[smem:$0x3FAD] =	sst s6  }
0xf: {  	[smem:$0x3FAE] =	sst s7  }
0x10: {  	[smem:$0x3FAF] =	sst s8  }
0x11: {  	[smem:$0x3FB0] =	sst s9;
	s0 =	simm.s32 @!p0 $0x0  }
0x12: {  	s1 =	sld [smem:$0x3F96];
	s0 =	simm.s32 @p0 $0x1  }
0x13: {  	[smem:$0x3FB1] =	sst s0;
	s0 =	simm.s32 @!p1 $0x0  }
0x14: {  	s2 =	sld [smem:$0x3F95];
	s0 =	simm.s32 @p1 $0x1  }
0x15: {  	[smem:$0x3FB2] =	sst s0;
	s0 =	simm.s32 @!p2 $0x0  }
0x16: {  	s3 =	sld [smem:$0x3FDB];
	s0 =	simm.s32 @p2 $0x1  }
0x17: {  	s4 =	simm.s32 $0x1BF5;
	[smem:$0x3FB4] =	sst s0  }
0x18: {  	s0 =	sld [smem:$0x3F97];
	_ =	swait.ge [sflag:s4], $0x0  }
0x19: {  	s7 =	sld [smem:$0x3F98]  }
0x1a: {  	s8 =	sadd.s32 $0xFFFFE003, lr  }
0x1b: {  	s9 =	sadd.s32 $0xFFFFFEF7, lr;
	s5 =	simm.s32 $0xFFFFFFFF;
	p2 =	slt.u32 s8, $0xFFFFF086  }
0x1c: {  	p1 =	slt.u32 s9, $0xF7A;
	s5 =	simm.s32 @!p2 $0x0  }
0x1d: {  	s5 =	simm.s32 @p1 $0x1;
	p0 =	seq.s32 s7, s2  }
0x1e: {  	s7 =	smul.u32 @!p0 $0xF7A, s2;
	p2 =	seq.s32 @!p0 s5, $0x0  }
0x1f: {  	s9 =	smul.u32 $0xF7A, s1;
	s8 =	simm.s32 @!p0 $0x1BF5;
	p2 =	por !p2, p0  }
0x20: {  	[sflag:s8] =	ssyncset.s32 @!p0 $0xFFFFF086;
	s6 =	sadd.s32 @!p0 s3, s7;
	s7 =	simm.s32 @!p0 $0x108  }
0x21: {  	s3 =	sadd.s32 s3, s9;
	s6 =	sadd.s32 @!p0 $0x88, s6;
	s7 =	simm.s32 @p2 $0x1082  }
0x22: {  	[simem:s7], [sflag:s8] =	dma.local @!p0 [hbm:s6], $0xF7A  }
0x23: {  	s9 =	sor.u32 $0xD0000000, s2;
	s6 =	simm.s32 $0x108;
	_ =	swait.ge @!p0 [sflag:s8], $0x0  }
0x24: {  	s3 =	sadd.s32 $0x88, s3;
	s6 =	simm.s32 @!p1 $0x1082;
	[sflag:s4] =	ssyncset.s32 $0xFFFFF086  }
0x25: {  	[simem:s6], [sflag:s4] =	dma.local [hbm:s3], $0xF7A  }
0x26: {  	[smem:$0x3F98] =	sst s1;
	(tag) =	ssettag s2;
	_ =	strace s9  }
0x27: {  	s1 =	sld [smem:$0x3FA8]  }
0x28: {  	s2 =	sld [smem:$0x3FA9]  }
0x29: {  	s4 =	sld [smem:$0x3FAB]  }
0x2a: {  	p0 =	seq.s32 s5, $0x0;
	s5 =	sld [smem:$0x3FAC]  }
0x2b: {  	s6 =	sld [smem:$0x3FAD]  }
0x2c: {  	s7 =	sld [smem:$0x3FAE]  }
0x2d: {  	s3 =	simm.s32 $0x108;
	s8 =	sld [smem:$0x3FAF]  }
0x2e: {  	s3 =	simm.s32 @!p0 $0x1082;
	s9 =	sld [smem:$0x3FB0]  }
0x2f: {  	lr =	sadd.s32 s0, s3;
	s0 =	sld [smem:$0x3FA7]  }
0x30: {  	s3 =	sld [smem:$0x3FAA]  }
0x31: {  	[smem:$0x3FB3] =	sst s10  }
0x32: {  	s10 =	sld [smem:$0x3FB1];
	_ =	sdelay $0x3  }
0x33: {  	p0 =	seq.s32 s10, $0x1;
	s10 =	sld [smem:$0x3FB3];
	_ =	sdelay $0x3  }
0x34: {  	[smem:$0x3FB3] =	sst s10  }
0x35: {  	s10 =	sld [smem:$0x3FB2];
	_ =	sdelay $0x3  }
0x36: {  	p1 =	seq.s32 s10, $0x1;
	s10 =	sld [smem:$0x3FB3];
	_ =	sdelay $0x3  }
0x37: {  	[smem:$0x3FB3] =	sst s10  }
0x38: {  	s10 =	sld [smem:$0x3FB4]  }
0x39: {  	_ = 	snop;
	(pc) =	sbr.ind lr, $3  }
0x3a: {  	_ = 	snop  }
0x3b: {  	_ = 	snop  }
0x3c: {  	p2 =	seq.s32 s10, $0x1;
	s10 =	sld [smem:$0x3FB3]  }
0x3d: {  	_ =	shalt  }
0x3e: {  	_ =	shalt  }
0x3f: {  	_ =	shalt  }
0x40: {  	_ =	shalt  }
0x41: {  	_ =	shalt  }
0x42: {  	_ =	shalt  }
0x43: {  	_ =	shalt  }
0x44: {  	_ =	shalt  }
0x45: {  	_ =	shalt  }
0x46: {  	_ =	shalt  }
0x47: {  	_ =	shalt  }
0x48: {  	_ =	shalt  }
0x49: {  	_ =	shalt  }
0x4a: {  	_ =	shalt  }
0x4b: {  	_ =	shalt  }
0x4c: {  	_ =	shalt  }
0x4d: {  	_ =	shalt  }
0x4e: {  	_ =	shalt  }
0x4f: {  	_ =	shalt  }
0x50: {  	_ =	shalt  }
0x51: {  	_ =	shalt  }
0x52: {  	_ =	shalt  }
0x53: {  	_ =	shalt  }
0x54: {  	_ =	shalt  }
0x55: {  	_ =	shalt  }
0x56: {  	_ =	shalt  }
0x57: {  	_ =	shalt  }
0x58: {  	_ =	shalt  }
0x59: {  	_ =	shalt  }
0x5a: {  	_ =	shalt  }
0x5b: {  	_ =	shalt  }
0x5c: {  	_ =	shalt  }
0x5d: {  	_ =	shalt  }
0x5e: {  	_ =	shalt  }
0x5f: {  	_ =	shalt  }
0x60: {  	_ =	shalt  }
0x61: {  	_ =	shalt  }
0x62: {  	_ =	shalt  }
0x63: {  	_ =	shalt  }
0x64: {  	_ =	shalt  }
0x65: {  	_ =	shalt  }
0x66: {  	_ =	shalt  }
0x67: {  	_ =	shalt  }
0x68: {  	_ =	shalt  }
0x69: {  	_ =	shalt  }
0x6a: {  	_ =	shalt  }
0x6b: {  	_ =	shalt  }
0x6c: {  	_ =	shalt  }
0x6d: {  	_ =	shalt  }
0x6e: {  	_ =	shalt  }
0x6f: {  	_ =	shalt  }
0x70: {  	_ =	shalt  }
0x71: {  	_ =	shalt  }
0x72: {  	_ =	shalt  }
0x73: {  	_ =	shalt  }
0x74: {  	_ =	shalt  }
0x75: {  	_ =	shalt  }
0x76: {  	_ =	shalt  }
0x77: {  	_ =	shalt  }
0x78: {  	_ =	shalt  }
0x79: {  	_ =	shalt  }
0x7a: {  	_ =	shalt  }
0x7b: {  	_ =	shalt  }
0x7c: {  	_ =	shalt  }
0x7d: {  	_ =	shalt  }
0x7e: {  	_ =	shalt  }
0x7f: {  	_ =	shalt  }
0x80: {  	_ =	shalt  }
0x81: {  	_ =	shalt  }
0x82: {  	_ =	shalt  }
0x83: {  	_ =	shalt  }
0x84: {  	_ =	shalt  }
0x85: {  	_ =	shalt  }
0x86: {  	_ =	shalt  }
0x87: {  	_ =	shalt  }
.Lfunc_end0:
.L_simem_size_0:
called_computation_lowered:
.L_overlay_start_0:
0x88: {  	s2 =	sld [smem:$0x3FD9]  }
0x89: {  	s3 =	sld [smem:$0x3FFE];
	_ =	sdelay $0x1  }
0x8a: {  	s1 =	srdreg.scid  }
0x8b: {  	s0 =	sand.u32 $0x1, s1  }
0x8c: {  	s14 =	sshll.u32 s0, $0xA;
	s2 =	sadd.s32 s3, s2  }
0x8d: {  	s2 =	sadd.s32 s2, s14  }
0x8e: {  	[smem:$0x3FBF] =	sst s2  }
0x8f: {  	_ = 	snop  }
0x90: {  	s2 =	sld [smem:$0x3FD0];
	_ =	sdelay $0x2  }
0x91: {  	s15 =	simm.s32 $0xA;
	s4 =	simm.s32 $0x10  }
0x92: {  	[smem:s4], [sflag:s15] =	dma.local [hbm:s2], $0x1  }
0x93: {  	_ =	swait.eq [sflag:s15], $0x1  }
0x94: {  	[sflag:s15] =	ssyncset.done $0x0  }
0x95: {  	[sflag:s15] =	ssyncadd.s32 $0xFFFFFFFF  }
0x96: {  	s16 =	sld [smem:$0x10];
	(tm) =	ssettm $0x1  }
0x97: {  	s17 =	sld [smem:$0x3FFB];
	_ =	sdelay $0x3  }
0x98: {  	_ =	strace s17  }
0x99: {  	s3 =	sld [smem:$0x3FFC];
	_ =	sdelay $0x3  }
0x9a: {  	_ =	strace s3  }
0x9b: {  	s3 =	sld [smem:$0x3FFD];
	_ =	sdelay $0x3  }
0x9c: {  	_ =	strace s3  }
0x9d: {  	_ =	strace $0x8FFFFFFF  }
0x9e: {  	s18 =	sld [smem:$0x3FDB];
	_ =	sdelay $0x1  }
0x9f: {  	s19 =	simm.s32 $_scs_section_size  }
0xa0: {  	s5 =	simm.s32 $_size__tile_overlayer_lowered;
	s6 =	simm.s32 $_tile_overlayer_lowered  }
0xa1: {  	s22 =	simm.s32 $0x1BFF;
	s21 =	sshll.u32 s6, $0x1;
	s3 =	sadd.s32 s19, s18  }
0xa2: {  	s7 =	simm.s32 $0x0;
	s20 =	sshll.u32 s5, $0x1;
	s5 =	sadd.s32 s21, s3  }
0xa3: {  	[timem:s7], [sflag:s22] =	dma.local [hbm:s5], s20  }
0xa4: {  	_ =	swait.ge [sflag:s22], s20  }
0xa5: {  	s4 =	ssub.s32 $0x0, s20;
	[sflag:s22] =	ssyncset.done $0x0  }
0xa6: {  	[sflag:s22] =	ssyncadd.s32 s4;
	_ =	sdelay $0x1  }
0xa7: {  	s23 =	simm.s32 $0x1B8B  }
0xa8: {  	_ =	swait.ge [sflag:s23], $0x1  }
0xa9: {  	[sflag:s23] =	ssyncset.done $0x0  }
0xaa: {  	s25 =	simm.s32 $0x1B8E;
	s24 =	sld [smem:$0x3FFE];
	[sflag:s23] =	ssyncadd.s32 $0xFFFFFFFF  }
0xab: {  	s26 =	simm.s32 $execute0_lowered;
	[smem:$0x3FD2] =	sst s25  }
0xac: {  	s5 =	sshll.u32 s26, $0x1;
	_ =	strace $0x80000046;
	[dreg:$0x1] =	wrdreg $0xFFFFFFFF  }
0xad: {  	s28 =	simm.s32 $_size_execute0_lowered;
	s3 =	sadd.s32 s3, s5;
	[dreg:$0x0] =	wrdreg $0x0  }
0xae: {  	s5 =	sshll.u32 s28, $0x1;
	[dreg:$0x2] =	wrdreg s3  }
0xaf: {  	[dreg:$0x3] =	wrdreg s5  }
0xb0: {  	[dreg:$0x4] =	wrdreg $0xC0  }
0xb1: {  	_ =	task [dreg:s7], $0x5FFFF  }
0xb2: {  	[dreg:$0x1] =	wrdreg $0xFFFFFFFF  }
0xb3: {  	[dreg:$0x0] =	wrdreg $0x60  }
0xb4: {  	[dreg:$0x2] =	wrdreg s24  }
0xb5: {  	[dreg:$0x3] =	wrdreg s16  }
0xb6: {  	[dreg:$0x4] =	wrdreg $0x68000  }
0xb7: {  	[dreg:$0x5] =	wrdreg $0x9  }
0xb8: {  	_ =	task.clear_ibuf [dreg:s7], $0x6FFFF;
	_ =	strace $0x90000046  }
0xb9: {  	s29 =	simm.s32 $0x9;
	_ =	strace $0x80000048  }
0xba: {  	_ =	swait.ge [sflag:s29], $0x1  }
0xbb: {  	[sflag:s29] =	ssyncadd.s32 $0xFFFFFFFF  }
0xbc: {  	_ =	strace $0x90000048  }
0xbd: {  	_ =	sfence  }
0xbe: {  	s30 =	sld [smem:$0x0];
	_ =	sdelay $0x2  }
0xbf: {  	s31 =	sshll.u32 s1, $0xD;
	s1 =	sshrl.u32 s1, $0x2  }
0xc0: {  	s3 =	sand.u32 $0x4000, s31;
	s1 =	sadd.s32 s1, s30  }
0xc1: {  	s0 =	sor.u32 s3, s0;
	s1 =	sshll.u32 s1, $0x11  }
0xc2: {  	s0 =	sor.u32 s1, s0  }
0xc3: {  	s0 =	sadd.s32 $0x8F2B, s0  }
0xc4: {  	[sflag:s0] =	ssyncadd.remote.s32 $0x1  }
0xc5: {  	_ =	sfence.sel $0xFFFF  }
0xc6: {  	[dreg:$0x0] =	wrdreg $0xFFFFFFFF;
	(pc) =	sbr.abs _section_cstart, $3  }
0xc7: {  	[dreg:$0x1] =	wrdreg $0xFFFFFFFF  }
0xc8: {  	_ =	task.clear_ibuf [dreg:s7], $0x2FFFF;
	_ =	strace $0x9FFFFFFF  }
0xc9: {  	(tm) =	ssettm $0x7FFFFFFF  }
tec
execute0_lowered:
.L_overlay_start_1:
0x0: {  	(tag) =	ssettag $0x1  }
0x1: {  	s4 =	rddreg [dreg:$0x0]  }
0x2: {  	s1 =	rddreg [dreg:$0x1]  }
0x3: {  	s2 =	rddreg [dreg:$0x2]  }
0x4: {  	s0 =	rddreg [dreg:$0x3];
	s11 =	stileid.u32  }
0x5: {  	s5 =	srdreg.scid;
	s3 =	simm.s32 $0x0;
	s10 =	simm.s32 $0x80  }
0x6: {  	s13 =	simm.s32 $0x0;
	s6 =	smul.u32 $0x500, s11;
	s7 =	sand.u32 $0x1, s5  }
0x7: {  	[smem:$0x7FF] =	sst s3;
	p0 =	sne.s32 s11, $0x0;
	s5 =	ssub.s32 $0x2, s7  }
0x8: {  	_ =	strace $0x80000047;
	s9 =	sor.u32 s7, s11;
	s7 =	simm.s32 $0x1  }
0x9: {  	s6 =	sadd.s32 s6, s4;
	s8 =	sshrl.u32 s5, $0x1;
	s4 =	sadd.s32 $0x7A00, s4  }
0xa: {  	p1 =	sne.s32 s9, $0x0;
	s9 =	sshrl.u32 @!p0 s2, $0x3;
	s8 =	ssub.s32 s5, s8  }
0xb: {  	s5 =	sadd.s32 $0x2A00, s6;
	s11 =	sshll.u32 @!p1 s11, $0x6;
	s12 =	sshrl.u32 @!p1 s2, $0x3  }
0xc: {  	s6 =	smax.u32 s8, $0x1;
	s8 =	simm.s32 $0x2800;
	s11 =	sor.u32 @!p1 $0x1C01, s11  }
.LBB2_1:
0xd: {  	[tilespmem:s3], [sflag:$0x1] =	stream.linear.gather [hbm4b:s5+s3], $0x2800, $0x38;
	[tilespmem:$0x1A0C0] =	vst v63  }
0xe: {  	_ =	swait.ge [sflag:s7], $0x2800  }
0xf: {  	[sflag:s7] =	ssyncset.done $0x0  }
0x10: {  	[sflag:s7] =	ssyncadd.s32 $0xFFFFD800  }
0x11: {  	[tilespmem:s8], [sflag:$0x1] =	stream.linear.gather [hbm4b:s1+s3], $0x4000, $0x38;
	[tilespmem:$0x1A0C0] =	vst v63  }
0x12: {  	_ =	swait.ge [sflag:s7], $0x4000  }
0x13: {  	[sflag:s7] =	ssyncset.done $0x0  }
0x14: {  	s14 =	simm.s32 @!p0 $0x1C01;
	[sflag:s7] =	ssyncadd.s32 $0xFFFFC000  }
0x15: {  	[spmem:s9], [sflag:s14] =	dma.local @!p0 [hbm:s1], $0x27180  }
0x16: {  	s14 =	simm.s32 @!p0 $0x1  }
0x17: {  	_ =	swait.ge @!p0 [sflag:s14], $0x27180  }
0x18: {  	[sflag:s14] =	ssyncset.done @!p0 $0x0  }
0x19: {  	[sflag:s14] =	ssyncadd.s32 @!p0 $0xFFFD8E80  }
0x1a: {  	s31 =	simm.s32 $0x0;
	[bflag:$0x0] =	sbarrier.arrive $0xFFFF  }
0x1b: {  	[spmem:s2] =	stream.indirect.scatter.add.f32 [tilespmem:s8], [sflag:$0x1], $0x80, s31, s10, $0xb8;
	[tilespmem:$0x1A0C0] =	vst v63  }
0x1c: {  	_ =	swait.ge [sflag:s7], $0x4000  }
0x1d: {  	s14 =	simm.s32 $0x200;
	[sflag:s7] =	ssyncset.done $0x0  }
.LBB2_2:
0x1e: {  	s15 =	sshra.s32 s14, $0x2;
	[sflag:s7] =	ssyncadd.s32 $0xFFFFC000;
	p2 =	sne.s32 s14, $0x9E00  }
0x1f: {  	[spmem:s2] =	stream.indirect.scatter.add.f32 [tilespmem:s8], [sflag:$0x1], $0x80, s15, s10, $0xb8;
	[tilespmem:$0x1A0C0] =	vst v63  }
.Ltmp0:
0x20: {  	_ = 	snop;
	(pc) =	sbr.rel @p2 .LBB2_2-.Ltmp0, $4  }
0x21: {  	_ = 	snop  }
0x22: {  	s14 =	sadd.s32 $0x200, s14  }
0x23: {  	_ =	swait.ge [sflag:s7], $0x4000  }
0x24: {  	[sflag:s7] =	ssyncset.done $0x0  }
0x25: {  	s13 =	sadd.s32 $0x1, s13  }
0x26: {  	[sflag:s7] =	ssyncadd.s32 $0xFFFFC000;
	p2 =	sne.s32 s13, s6  }
.Ltmp1:
0x27: {  	s14 =	simm.s32 @!p1 $0x1;
	[bflag:$0x0] =	sbarrier.arrive $0xFFFF;
	(pc) =	sbr.rel @p2 .LBB2_1-.Ltmp1, $4  }
0x28: {  	[hbm:s4], [sflag:s11] =	dma.local @!p1 [spmem:s12], $0x27180  }
0x29: {  	_ =	swait.ge @!p1 [sflag:s14], $0x27180  }
0x2a: {  	[sflag:s14] =	ssyncset.done @!p1 $0x0  }
0x2b: {  	[sflag:s14] =	ssyncadd.s32 @!p1 $0xFFFD8E80  }
0x2c: {  	_ =	sfence.sel $0x180000  }
0x2d: {  	[bflag:$0x0] =	sbarrier.arrive $0xFFFF  }
0x2e: {  	_ =	strace $0x90000047  }
0x2f: {  	s0 =	sadd.s32 @!p0 $0x100000, s0;
	[bflag:$0x2] =	sbarrier.arrive $0xFFFF  }
0x30: {  	[sflag:s0] =	ssyncadd.tile.s32 @!p0 $0x1;
	_ =	shalt  }
.Lfunc_end2:
_tile_overlayer_lowered:
.L_overlay_start_2:
0x31: {  	(tag) =	ssettag $0x2  }
0x32: {  	s0 =	rddreg [dreg:$0x0];
	s2 =	stileid.u32  }
0x33: {  	s1 =	rddreg [dreg:$0x1];
	p0 =	sne.s32 s2, $0x0  }
0x34: {  	s3 =	rddreg [dreg:$0x2];
	[bflag:$0x3] =	sbarrier.arrive $0xFFFF;
	s2 =	simm.s32 @!p0 $0x1C01  }
0x35: {  	[timem:s3], [sflag:s2] =	dma.local @!p0 [hbm:s0], s1  }
0x36: {  	s0 =	simm.s32 @!p0 $0x1  }
0x37: {  	_ =	swait.ge @!p0 [sflag:s0], s1  }
0x38: {  	s1 =	ssub.s32 @!p0 $0x0, s1;
	[sflag:s0] =	ssyncset.done @!p0 $0x0  }
0x39: {  	[sflag:s0] =	ssyncadd.s32 @!p0 s1  }
0x3a: {  	[bflag:$0x3] =	sbarrier.arrive $0xFFFF  }
0x3b: {  	_ =	shalt  }

// kernel: kernel.16.cloned.1.call-start
scs
__scs_entry_jumppad:
0x0: {  	(pc) =	sbr.rel $0x88, $3  }
0x1: {  	(tag) =	ssettag $0x0;
	lr =	simm.s32 $0x1  }
0x2: {  	[smem:$0x3F98] =	sst lr;
	_ =	strace $0xD0000000  }
0x3: {  	_ = 	snop  }
0x4: {  	_ = 	snop  }
0x5: {  	_ = 	snop  }
0x6: {  	_ = 	snop  }
0x7: {  	_ = 	snop  }
__scs_overlays_trampoline_lowered:
0x8: {  	[smem:$0x3FA7] =	sst s0  }
0x9: {  	[smem:$0x3FA8] =	sst s1  }
0xa: {  	[smem:$0x3FA9] =	sst s2  }
0xb: {  	[smem:$0x3FAA] =	sst s3  }
0xc: {  	[smem:$0x3FAB] =	sst s4  }
0xd: {  	[smem:$0x3FAC] =	sst s5  }
0xe: {  	[smem:$0x3FAD] =	sst s6  }
0xf: {  	[smem:$0x3FAE] =	sst s7  }
0x10: {  	[smem:$0x3FAF] =	sst s8  }
0x11: {  	[smem:$0x3FB0] =	sst s9;
	s0 =	simm.s32 @!p0 $0x0  }
0x12: {  	s1 =	sld [smem:$0x3F96];
	s0 =	simm.s32 @p0 $0x1  }
0x13: {  	[smem:$0x3FB1] =	sst s0;
	s0 =	simm.s32 @!p1 $0x0  }
0x14: {  	s2 =	sld [smem:$0x3F95];
	s0 =	simm.s32 @p1 $0x1  }
0x15: {  	[smem:$0x3FB2] =	sst s0;
	s0 =	simm.s32 @!p2 $0x0  }
0x16: {  	s3 =	sld [smem:$0x3FDB];
	s0 =	simm.s32 @p2 $0x1  }
0x17: {  	s4 =	simm.s32 $0x1BF5;
	[smem:$0x3FB4] =	sst s0  }
0x18: {  	s0 =	sld [smem:$0x3F97];
	_ =	swait.ge [sflag:s4], $0x0  }
0x19: {  	s7 =	sld [smem:$0x3F98]  }
0x1a: {  	s8 =	sadd.s32 $0xFFFFE003, lr  }
0x1b: {  	s9 =	sadd.s32 $0xFFFFFEF7, lr;
	s5 =	simm.s32 $0xFFFFFFFF;
	p2 =	slt.u32 s8, $0xFFFFF086  }
0x1c: {  	p1 =	slt.u32 s9, $0xF7A;
	s5 =	simm.s32 @!p2 $0x0  }
0x1d: {  	s5 =	simm.s32 @p1 $0x1;
	p0 =	seq.s32 s7, s2  }
0x1e: {  	s7 =	smul.u32 @!p0 $0xF7A, s2;
	p2 =	seq.s32 @!p0 s5, $0x0  }
0x1f: {  	s9 =	smul.u32 $0xF7A, s1;
	s8 =	simm.s32 @!p0 $0x1BF5;
	p2 =	por !p2, p0  }
0x20: {  	[sflag:s8] =	ssyncset.s32 @!p0 $0xFFFFF086;
	s6 =	sadd.s32 @!p0 s3, s7;
	s7 =	simm.s32 @!p0 $0x108  }
0x21: {  	s3 =	sadd.s32 s3, s9;
	s6 =	sadd.s32 @!p0 $0x88, s6;
	s7 =	simm.s32 @p2 $0x1082  }
0x22: {  	[simem:s7], [sflag:s8] =	dma.local @!p0 [hbm:s6], $0xF7A  }
0x23: {  	s9 =	sor.u32 $0xD0000000, s2;
	s6 =	simm.s32 $0x108;
	_ =	swait.ge @!p0 [sflag:s8], $0x0  }
0x24: {  	s3 =	sadd.s32 $0x88, s3;
	s6 =	simm.s32 @!p1 $0x1082;
	[sflag:s4] =	ssyncset.s32 $0xFFFFF086  }
0x25: {  	[simem:s6], [sflag:s4] =	dma.local [hbm:s3], $0xF7A  }
0x26: {  	[smem:$0x3F98] =	sst s1;
	(tag) =	ssettag s2;
	_ =	strace s9  }
0x27: {  	s1 =	sld [smem:$0x3FA8]  }
0x28: {  	s2 =	sld [smem:$0x3FA9]  }
0x29: {  	s4 =	sld [smem:$0x3FAB]  }
0x2a: {  	p0 =	seq.s32 s5, $0x0;
	s5 =	sld [smem:$0x3FAC]  }
0x2b: {  	s6 =	sld [smem:$0x3FAD]  }
0x2c: {  	s7 =	sld [smem:$0x3FAE]  }
0x2d: {  	s3 =	simm.s32 $0x108;
	s8 =	sld [smem:$0x3FAF]  }
0x2e: {  	s3 =	simm.s32 @!p0 $0x1082;
	s9 =	sld [smem:$0x3FB0]  }
0x2f: {  	lr =	sadd.s32 s0, s3;
	s0 =	sld [smem:$0x3FA7]  }
0x30: {  	s3 =	sld [smem:$0x3FAA]  }
0x31: {  	[smem:$0x3FB3] =	sst s10  }
0x32: {  	s10 =	sld [smem:$0x3FB1];
	_ =	sdelay $0x3  }
0x33: {  	p0 =	seq.s32 s10, $0x1;
	s10 =	sld [smem:$0x3FB3];
	_ =	sdelay $0x3  }
0x34: {  	[smem:$0x3FB3] =	sst s10  }
0x35: {  	s10 =	sld [smem:$0x3FB2];
	_ =	sdelay $0x3  }
0x36: {  	p1 =	seq.s32 s10, $0x1;
	s10 =	sld [smem:$0x3FB3];
	_ =	sdelay $0x3  }
0x37: {  	[smem:$0x3FB3] =	sst s10  }
0x38: {  	s10 =	sld [smem:$0x3FB4]  }
0x39: {  	_ = 	snop;
	(pc) =	sbr.ind lr, $3  }
0x3a: {  	_ = 	snop  }
0x3b: {  	_ = 	snop  }
0x3c: {  	p2 =	seq.s32 s10, $0x1;
	s10 =	sld [smem:$0x3FB3]  }
0x3d: {  	_ =	shalt  }
0x3e: {  	_ =	shalt  }
0x3f: {  	_ =	shalt  }
0x40: {  	_ =	shalt  }
0x41: {  	_ =	shalt  }
0x42: {  	_ =	shalt  }
0x43: {  	_ =	shalt  }
0x44: {  	_ =	shalt  }
0x45: {  	_ =	shalt  }
0x46: {  	_ =	shalt  }
0x47: {  	_ =	shalt  }
0x48: {  	_ =	shalt  }
0x49: {  	_ =	shalt  }
0x4a: {  	_ =	shalt  }
0x4b: {  	_ =	shalt  }
0x4c: {  	_ =	shalt  }
0x4d: {  	_ =	shalt  }
0x4e: {  	_ =	shalt  }
0x4f: {  	_ =	shalt  }
0x50: {  	_ =	shalt  }
0x51: {  	_ =	shalt  }
0x52: {  	_ =	shalt  }
0x53: {  	_ =	shalt  }
0x54: {  	_ =	shalt  }
0x55: {  	_ =	shalt  }
0x56: {  	_ =	shalt  }
0x57: {  	_ =	shalt  }
0x58: {  	_ =	shalt  }
0x59: {  	_ =	shalt  }
0x5a: {  	_ =	shalt  }
0x5b: {  	_ =	shalt  }
0x5c: {  	_ =	shalt  }
0x5d: {  	_ =	shalt  }
0x5e: {  	_ =	shalt  }
0x5f: {  	_ =	shalt  }
0x60: {  	_ =	shalt  }
0x61: {  	_ =	shalt  }
0x62: {  	_ =	shalt  }
0x63: {  	_ =	shalt  }
0x64: {  	_ =	shalt  }
0x65: {  	_ =	shalt  }
0x66: {  	_ =	shalt  }
0x67: {  	_ =	shalt  }
0x68: {  	_ =	shalt  }
0x69: {  	_ =	shalt  }
0x6a: {  	_ =	shalt  }
0x6b: {  	_ =	shalt  }
0x6c: {  	_ =	shalt  }
0x6d: {  	_ =	shalt  }
0x6e: {  	_ =	shalt  }
0x6f: {  	_ =	shalt  }
0x70: {  	_ =	shalt  }
0x71: {  	_ =	shalt  }
0x72: {  	_ =	shalt  }
0x73: {  	_ =	shalt  }
0x74: {  	_ =	shalt  }
0x75: {  	_ =	shalt  }
0x76: {  	_ =	shalt  }
0x77: {  	_ =	shalt  }
0x78: {  	_ =	shalt  }
0x79: {  	_ =	shalt  }
0x7a: {  	_ =	shalt  }
0x7b: {  	_ =	shalt  }
0x7c: {  	_ =	shalt  }
0x7d: {  	_ =	shalt  }
0x7e: {  	_ =	shalt  }
0x7f: {  	_ =	shalt  }
0x80: {  	_ =	shalt  }
0x81: {  	_ =	shalt  }
0x82: {  	_ =	shalt  }
0x83: {  	_ =	shalt  }
0x84: {  	_ =	shalt  }
0x85: {  	_ =	shalt  }
0x86: {  	_ =	shalt  }
0x87: {  	_ =	shalt  }
.Lfunc_end0:
.L_simem_size_0:
called_computation.1_lowered:
.L_overlay_start_0:
0x88: {  	s2 =	sld [smem:$0x3FD9]  }
0x89: {  	s3 =	sld [smem:$0x3FFE];
	_ =	sdelay $0x1  }
0x8a: {  	s1 =	srdreg.scid  }
0x8b: {  	s0 =	sand.u32 $0x1, s1  }
0x8c: {  	s16 =	sshll.u32 s0, $0xA;
	s2 =	sadd.s32 s3, s2  }
0x8d: {  	s2 =	sadd.s32 s2, s16  }
0x8e: {  	[smem:$0x3FBF] =	sst s2  }
0x8f: {  	_ = 	snop  }
0x90: {  	(tm) =	ssettm $0x1  }
0x91: {  	s17 =	sld [smem:$0x3FFB];
	_ =	sdelay $0x3  }
0x92: {  	_ =	strace s17  }
0x93: {  	s2 =	sld [smem:$0x3FFC];
	_ =	sdelay $0x3  }
0x94: {  	_ =	strace s2  }
0x95: {  	s2 =	sld [smem:$0x3FFD];
	_ =	sdelay $0x3  }
0x96: {  	_ =	strace s2  }
0x97: {  	_ =	strace $0x8FFFFFFF  }
0x98: {  	s18 =	sld [smem:$0x3FDB];
	_ =	sdelay $0x1  }
0x99: {  	s19 =	simm.s32 $_scs_section_size  }
0x9a: {  	s4 =	simm.s32 $_size__tile_overlayer_lowered;
	s5 =	simm.s32 $_tile_overlayer_lowered  }
0x9b: {  	s22 =	simm.s32 $0x1BFF;
	s21 =	sshll.u32 s5, $0x1;
	s2 =	sadd.s32 s19, s18  }
0x9c: {  	s6 =	simm.s32 $0x0;
	s20 =	sshll.u32 s4, $0x1;
	s4 =	sadd.s32 s21, s2  }
0x9d: {  	[timem:s6], [sflag:s22] =	dma.local [hbm:s4], s20  }
0x9e: {  	_ =	swait.ge [sflag:s22], s20  }
0x9f: {  	s3 =	ssub.s32 $0x0, s20;
	[sflag:s22] =	ssyncset.done $0x0  }
0xa0: {  	[sflag:s22] =	ssyncadd.s32 s3;
	_ =	sdelay $0x1  }
0xa1: {  	s23 =	simm.s32 $0x1B8B  }
0xa2: {  	_ =	swait.ge [sflag:s23], $0x1  }
0xa3: {  	[sflag:s23] =	ssyncset.done $0x0  }
0xa4: {  	s25 =	simm.s32 $0x1B8E;
	s24 =	sld [smem:$0x3FFE];
	[sflag:s23] =	ssyncadd.s32 $0xFFFFFFFF  }
0xa5: {  	s26 =	simm.s32 $execute0_lowered;
	[smem:$0x3FD2] =	sst s25  }
0xa6: {  	s4 =	sshll.u32 s26, $0x1;
	_ =	strace $0x80000049;
	[dreg:$0x1] =	wrdreg $0xFFFFFFFF  }
0xa7: {  	s28 =	simm.s32 $_size_execute0_lowered;
	s2 =	sadd.s32 s2, s4;
	[dreg:$0x0] =	wrdreg $0x0  }
0xa8: {  	s4 =	sshll.u32 s28, $0x1;
	[dreg:$0x2] =	wrdreg s2  }
0xa9: {  	[dreg:$0x3] =	wrdreg s4  }
0xaa: {  	[dreg:$0x4] =	wrdreg $0xC0  }
0xab: {  	_ =	task [dreg:s6], $0x5FFFF  }
0xac: {  	[dreg:$0x1] =	wrdreg $0xFFFFFFFF  }
0xad: {  	[dreg:$0x0] =	wrdreg $0x60  }
0xae: {  	[dreg:$0x2] =	wrdreg s24  }
0xaf: {  	[dreg:$0x3] =	wrdreg $0xA8000  }
0xb0: {  	[dreg:$0x4] =	wrdreg $0x9  }
0xb1: {  	_ =	task.clear_ibuf [dreg:s6], $0x5FFFF;
	_ =	strace $0x90000049  }
0xb2: {  	s29 =	simm.s32 $0x9;
	_ =	strace $0x8000004B  }
0xb3: {  	_ =	swait.ge [sflag:s29], $0x1  }
0xb4: {  	[sflag:s29] =	ssyncadd.s32 $0xFFFFFFFF  }
0xb5: {  	_ =	strace $0x9000004B  }
0xb6: {  	_ =	sfence  }
0xb7: {  	s30 =	sld [smem:$0x0];
	_ =	sdelay $0x2  }
0xb8: {  	s31 =	sshll.u32 s1, $0xD;
	s1 =	sshrl.u32 s1, $0x2  }
0xb9: {  	s3 =	sand.u32 $0x4000, s31;
	s1 =	sadd.s32 s1, s30  }
0xba: {  	s0 =	sor.u32 s3, s0;
	s1 =	sshll.u32 s1, $0x11  }
0xbb: {  	s0 =	sor.u32 s1, s0  }
0xbc: {  	s0 =	sadd.s32 $0x8F2B, s0  }
0xbd: {  	[sflag:s0] =	ssyncadd.remote.s32 $0x1  }
0xbe: {  	_ =	sfence.sel $0xFFFF  }
0xbf: {  	[dreg:$0x0] =	wrdreg $0xFFFFFFFF;
	(pc) =	sbr.abs _section_cstart, $3  }
0xc0: {  	[dreg:$0x1] =	wrdreg $0xFFFFFFFF  }
0xc1: {  	_ =	task.clear_ibuf [dreg:s6], $0x2FFFF;
	_ =	strace $0x9FFFFFFF  }
0xc2: {  	(tm) =	ssettm $0x7FFFFFFF  }
0xc3: {  	_ =	shalt  }
tec
execute0_lowered:
.L_overlay_start_1:
0x0: {  	(tag) =	ssettag $0x1  }
0x1: {  	s3 =	rddreg [dreg:$0x0]  }
0x2: {  	s1 =	rddreg [dreg:$0x1]  }
0x3: {  	s0 =	rddreg [dreg:$0x2]  }
0x4: {  	s2 =	simm.s32 $0x0;
	s21 =	stileid.u32;
	s4 =	srdreg.scid  }
0x5: {  	s12 =	simm.s32 $0x1400;
	s13 =	simm.s32 $0x80;
	s14 =	simm.s32 $0x2800  }
0x6: {  	s15 =	simm.s32 $0x6800;
	s16 =	simm.s32 $0x1;
	s17 =	simm.s32 $0x2  }
0x7: {  	s18 =	simm.s32 $0x1380;
	s19 =	simm.s32 $0x2700;
	s20 =	simm.s32 $0x2780  }
0x8: {  	[smem:$0x7FF] =	sst s2;
	s5 =	smul.u32 $0x500, s21;
	s4 =	sand.u32 $0x1, s4  }
0x9: {  	s8 =	sadd.s32 $0xD0200, s3;
	s9 =	sadd.s32 $0x33C00, s3;
	p0 =	sne.s32 s21, $0x0  }
0xa: {  	p1 =	seq.s32 s21, $0x0;
	s6 =	ssub.s32 $0x2, s4;
	s7 =	smul.u32 $0x4E300, s4  }
0xb: {  	s21 =	simm.s32 $0x0;
	_ =	strace $0x8000004A;
	s31 =	sshrl.u32 s6, $0x1  }
0xc: {  	s5 =	sadd.s32 s5, s3;
	s10 =	ssub.s32 s6, s31;
	s3 =	sadd.s32 s8, s7  }
0xd: {  	s4 =	sadd.s32 $0x2EC00, s5;
	s5 =	sadd.s32 $0x2A00, s5;
	s11 =	sadd.s32 $0x27180, s7  }
0xe: {  	s6 =	sadd.s32 s9, s7;
	s7 =	sadd.s32 s8, s11;
	s8 =	smax.u32 s10, $0x1  }
0xf: {  	s9 =	sadd.s32 s9, s11;
	s10 =	sshrl.u32 @!p0 s1, $0x3;
	s11 =	simm.s32 $0x3  }
.LBB2_1:
0x10: {  	s22 =	simm.s32 @!p0 $0x1C03  }
0x11: {  	[spmem:s10], [sflag:s22] =	dma.local @!p0 [hbm:s3], $0x27180  }
0x12: {  	s22 =	simm.s32 @!p0 $0x3  }
0x13: {  	_ =	swait.ge @!p0 [sflag:s22], $0x27180  }
0x14: {  	[sflag:s22] =	ssyncset.done @!p0 $0x0  }
0x15: {  	[sflag:s22] =	ssyncadd.s32 @!p0 $0xFFFD8E80  }
0x16: {  	[bflag:$0x0] =	sbarrier.arrive $0xFFFF  }
0x17: {  	[tilespmem:s2], [sflag:$0x3] =	stream.linear.gather [hbm4b:s4+s2], $0x1400, $0x38;
	[tilespmem:$0x1E0C0] =	vst v63  }
0x18: {  	_ =	swait.ge [sflag:s11], $0x1400  }
0x19: {  	[sflag:s11] =	ssyncset.done $0x0  }
0x1a: {  	[sflag:s11] =	ssyncadd.s32 $0xFFFFEC00  }
0x1b: {  	[tilespmem:s12], [sflag:$0x3] =	stream.linear.gather [hbm4b:s5+s2], $0x1400, $0x38;
	[tilespmem:$0x1E0C0] =	vst v63  }
0x1c: {  	_ =	swait.ge [sflag:s11], $0x1400  }
0x1d: {  	[sflag:s11] =	ssyncset.done $0x0  }
0x1e: {  	[sflag:s11] =	ssyncadd.s32 $0xFFFFEC00  }
0x1f: {  	[tilespmem:s14], [sflag:$0x1] =	stream.indirect.gather [hbm4b:s3+s13], $0x80, s2, s13, $0xb8;
	[tilespmem:$0x1E0C0] =	vst v63  }
0x20: {  	s28 =	simm.s32 $0x80  }
0x21: {  	[tilespmem:s15], [sflag:$0x2] =	stream.indirect.gather [hbm4b:s3+s13], $0x80, s28, s13, $0xb8;
	[tilespmem:$0x1E0C0] =	vst v63  }
0x22: {  	_ =	swait.ge [sflag:s16], $0x4000  }
0x23: {  	[sflag:s16] =	ssyncset.done $0x0  }
0x24: {  	s29 =	simm.s32 $0x1400;
	[sflag:s16] =	ssyncadd.s32 $0xFFFFC000  }
0x25: {  	[spmem:s1] =	stream.indirect.scatter.add.f32 [tilespmem:s14], [sflag:$0x3], $0x80, s29, s13, $0xb8;
	[tilespmem:$0x1E0C0] =	vst v63  }
0x26: {  	_ =	swait.ge [sflag:s11], $0x4000  }
0x27: {  	[sflag:s11] =	ssyncset.done $0x0  }
0x28: {  	s30 =	simm.s32 $0x100;
	[sflag:s11] =	ssyncadd.s32 $0xFFFFC000  }
0x29: {  	[tilespmem:s14], [sflag:$0x1] =	stream.indirect.gather [hbm4b:s3+s13], $0x80, s30, s13, $0xb8;
	[tilespmem:$0x1E0C0] =	vst v63  }
0x2a: {  	_ =	swait.ge [sflag:s17], $0x4000  }
0x2b: {  	[sflag:s17] =	ssyncset.done $0x0  }
0x2c: {  	s31 =	simm.s32 $0x1480;
	[sflag:s17] =	ssyncadd.s32 $0xFFFFC000  }
0x2d: {  	[spmem:s1] =	stream.indirect.scatter.add.f32 [tilespmem:s15], [sflag:$0x3], $0x80, s31, s13, $0xb8;
	[tilespmem:$0x1E0C0] =	vst v63  }
0x2e: {  	_ =	swait.ge [sflag:s11], $0x4000  }
0x2f: {  	s23 =	simm.s32 $0x800;
	s22 =	simm.s32 $0x100;
	[sflag:s11] =	ssyncset.done $0x0  }
.LBB2_2:
0x30: {  	s24 =	sadd.s32 $0x80, s22  }
0x31: {  	[sflag:s11] =	ssyncadd.s32 $0xFFFFC000;
	s25 =	smov.u32 s23;
	s26 =	sadd.s32 $0x400, s23  }
0x32: {  	[tilespmem:s15], [sflag:$0x2] =	stream.indirect.gather [hbm4b:s3+s13], $0x80, s24, s13, $0xb8;
	[tilespmem:$0x1E0C0] =	vst v63  }
0x33: {  	p2 =	sne.s32 s23, $0x4800;
	_ =	swait.ge [sflag:s16], $0x4000  }
0x34: {  	[sflag:s16] =	ssyncset.done $0x0  }
0x35: {  	s23 =	sadd.s32 $0x1400, s22;
	[sflag:s16] =	ssyncadd.s32 $0xFFFFC000  }
0x36: {  	[spmem:s1] =	stream.indirect.scatter.add.f32 [tilespmem:s14], [sflag:$0x3], $0x80, s23, s13, $0xb8;
	[tilespmem:$0x1E0C0] =	vst v63  }
0x37: {  	_ =	swait.ge [sflag:s11], $0x4000  }
0x38: {  	[sflag:s11] =	ssyncset.done $0x0  }
0x39: {  	s23 =	sadd.s32 $0x100, s22;
	[sflag:s11] =	ssyncadd.s32 $0xFFFFC000  }
0x3a: {  	[tilespmem:s14], [sflag:$0x1] =	stream.indirect.gather [hbm4b:s3+s13], $0x80, s23, s13, $0xb8;
	[tilespmem:$0x1E0C0] =	vst v63  }
0x3b: {  	_ =	swait.ge [sflag:s17], $0x4000  }
.Ltmp0:
0x3c: {  	[sflag:s17] =	ssyncset.done $0x0;
	(pc) =	sbr.rel @p2 .LBB2_2-.Ltmp0, $4  }
0x3d: {  	s22 =	sadd.s32 $0x1480, s22;
	[sflag:s17] =	ssyncadd.s32 $0xFFFFC000  }
0x3e: {  	[spmem:s1] =	stream.indirect.scatter.add.f32 [tilespmem:s15], [sflag:$0x3], $0x80, s22, s13, $0xb8;
	[tilespmem:$0x1E0C0] =	vst v63  }
0x3f: {  	_ =	swait.ge [sflag:s11], $0x4000  }
0x40: {  	s23 =	smov.u32 s26;
	s22 =	sshra.s32 s25, $0x2;
	[sflag:s11] =	ssyncset.done $0x0  }
0x41: {  	s23 =	sadd.s32 $0x80, s22;
	[sflag:s11] =	ssyncadd.s32 $0xFFFFC000  }
0x42: {  	[tilespmem:s15], [sflag:$0x2] =	stream.indirect.gather [hbm4b:s3+s13], $0x80, s23, s13, $0xb8;
	[tilespmem:$0x1E0C0] =	vst v63  }
0x43: {  	_ =	swait.ge [sflag:s16], $0x4000  }
0x44: {  	[sflag:s16] =	ssyncset.done $0x0  }
0x45: {  	s24 =	sadd.s32 $0x1400, s22;
	[sflag:s16] =	ssyncadd.s32 $0xFFFFC000  }
0x46: {  	[spmem:s1] =	stream.indirect.scatter.add.f32 [tilespmem:s14], [sflag:$0x3], $0x80, s24, s13, $0xb8;
	[tilespmem:$0x1E0C0] =	vst v63  }
0x47: {  	_ =	swait.ge [sflag:s11], $0x4000  }
0x48: {  	[sflag:s11] =	ssyncset.done $0x0  }
0x49: {  	s25 =	sadd.s32 $0x100, s22;
	[sflag:s11] =	ssyncadd.s32 $0xFFFFC000  }
0x4a: {  	[tilespmem:s14], [sflag:$0x1] =	stream.indirect.gather [hbm4b:s3+s13], $0x80, s25, s13, $0xb8;
	[tilespmem:$0x1E0C0] =	vst v63  }
0x4b: {  	_ =	swait.ge [sflag:s17], $0x4000  }
0x4c: {  	[sflag:s17] =	ssyncset.done $0x0  }
0x4d: {  	s26 =	sadd.s32 $0x1480, s22;
	[sflag:s17] =	ssyncadd.s32 $0xFFFFC000  }
0x4e: {  	[spmem:s1] =	stream.indirect.scatter.add.f32 [tilespmem:s15], [sflag:$0x3], $0x80, s26, s13, $0xb8;
	[tilespmem:$0x1E0C0] =	vst v63  }
0x4f: {  	_ =	swait.ge [sflag:s11], $0x4000  }
0x50: {  	[sflag:s11] =	ssyncset.done $0x0  }
0x51: {  	[sflag:s11] =	ssyncadd.s32 $0xFFFFC000  }
0x52: {  	[tilespmem:s15], [sflag:$0x2] =	stream.indirect.gather [hbm4b:s3+s13], $0x80, s18, s13, $0xb8;
	[tilespmem:$0x1E0C0] =	vst v63  }
0x53: {  	_ =	swait.ge [sflag:s16], $0x4000  }
0x54: {  	[sflag:s16] =	ssyncset.done $0x0  }
0x55: {  	[sflag:s16] =	ssyncadd.s32 $0xFFFFC000  }
0x56: {  	[spmem:s1] =	stream.indirect.scatter.add.f32 [tilespmem:s14], [sflag:$0x3], $0x80, s19, s13, $0xb8;
	[tilespmem:$0x1E0C0] =	vst v63  }
0x57: {  	_ =	swait.ge [sflag:s11], $0x4000  }
0x58: {  	[sflag:s11] =	ssyncset.done $0x0  }
0x59: {  	[sflag:s11] =	ssyncadd.s32 $0xFFFFC000  }
0x5a: {  	_ =	swait.ge [sflag:s17], $0x4000  }
0x5b: {  	[sflag:s17] =	ssyncset.done $0x0  }
0x5c: {  	[sflag:s17] =	ssyncadd.s32 $0xFFFFC000  }
0x5d: {  	[spmem:s1] =	stream.indirect.scatter.add.f32 [tilespmem:s15], [sflag:$0x3], $0x80, s20, s13, $0xb8;
	[tilespmem:$0x1E0C0] =	vst v63  }
0x5e: {  	_ =	swait.ge [sflag:s11], $0x4000  }
0x5f: {  	[sflag:s11] =	ssyncset.done $0x0  }
0x60: {  	s22 =	sadd.s32 $0x280, s4;
	s24 =	simm.s32 $0x0;
	[sflag:s11] =	ssyncadd.s32 $0xFFFFC000  }
0x61: {  	[tilespmem:s24], [sflag:$0x3] =	stream.linear.gather [hbm4b:s22+s24], $0x1400, $0x38;
	[tilespmem:$0x1E0C0] =	vst v63  }
0x62: {  	_ =	swait.ge [sflag:s11], $0x1400  }
0x63: {  	[sflag:s11] =	ssyncset.done $0x0  }
0x64: {  	s23 =	sadd.s32 $0x280, s5;
	[sflag:s11] =	ssyncadd.s32 $0xFFFFEC00  }
0x65: {  	[tilespmem:s12], [sflag:$0x3] =	stream.linear.gather [hbm4b:s23+s24], $0x1400, $0x38;
	[tilespmem:$0x1E0C0] =	vst v63  }
0x66: {  	_ =	swait.ge [sflag:s11], $0x1400  }
0x67: {  	[sflag:s11] =	ssyncset.done $0x0  }
0x68: {  	[sflag:s11] =	ssyncadd.s32 $0xFFFFEC00  }
0x69: {  	[tilespmem:s14], [sflag:$0x1] =	stream.indirect.gather [hbm4b:s3+s13], $0x80, s24, s13, $0xb8;
	[tilespmem:$0x1E0C0] =	vst v63  }
0x6a: {  	s28 =	simm.s32 $0x80  }
0x6b: {  	[tilespmem:s15], [sflag:$0x2] =	stream.indirect.gather [hbm4b:s3+s13], $0x80, s28, s13, $0xb8;
	[tilespmem:$0x1E0C0] =	vst v63  }
0x6c: {  	_ =	swait.ge [sflag:s16], $0x4000  }
0x6d: {  	[sflag:s16] =	ssyncset.done $0x0  }
0x6e: {  	s29 =	simm.s32 $0x1400;
	[sflag:s16] =	ssyncadd.s32 $0xFFFFC000  }
0x6f: {  	[spmem:s1] =	stream.indirect.scatter.add.f32 [tilespmem:s14], [sflag:$0x3], $0x80, s29, s13, $0xb8;
	[tilespmem:$0x1E0C0] =	vst v63  }
0x70: {  	_ =	swait.ge [sflag:s11], $0x4000  }
0x71: {  	[sflag:s11] =	ssyncset.done $0x0  }
0x72: {  	s30 =	simm.s32 $0x100;
	[sflag:s11] =	ssyncadd.s32 $0xFFFFC000  }
0x73: {  	[tilespmem:s14], [sflag:$0x1] =	stream.indirect.gather [hbm4b:s3+s13], $0x80, s30, s13, $0xb8;
	[tilespmem:$0x1E0C0] =	vst v63  }
0x74: {  	_ =	swait.ge [sflag:s17], $0x4000  }
0x75: {  	[sflag:s17] =	ssyncset.done $0x0  }
0x76: {  	s31 =	simm.s32 $0x1480;
	[sflag:s17] =	ssyncadd.s32 $0xFFFFC000  }
0x77: {  	[spmem:s1] =	stream.indirect.scatter.add.f32 [tilespmem:s15], [sflag:$0x3], $0x80, s31, s13, $0xb8;
	[tilespmem:$0x1E0C0] =	vst v63  }
0x78: {  	_ =	swait.ge [sflag:s11], $0x4000  }
0x79: {  	s25 =	simm.s32 $0x800;
	s24 =	simm.s32 $0x100;
	[sflag:s11] =	ssyncset.done $0x0  }
.LBB2_4:
0x7a: {  	s26 =	sadd.s32 $0x80, s24  }
0x7b: {  	[sflag:s11] =	ssyncadd.s32 $0xFFFFC000;
	s28 =	smov.u32 s25;
	s29 =	sadd.s32 $0x400, s25  }
0x7c: {  	[tilespmem:s15], [sflag:$0x2] =	stream.indirect.gather [hbm4b:s3+s13], $0x80, s26, s13, $0xb8;
	[tilespmem:$0x1E0C0] =	vst v63  }
0x7d: {  	p2 =	sne.s32 s25, $0x4800;
	_ =	swait.ge [sflag:s16], $0x4000  }
0x7e: {  	[sflag:s16] =	ssyncset.done $0x0  }
0x7f: {  	s25 =	sadd.s32 $0x1400, s24;
	[sflag:s16] =	ssyncadd.s32 $0xFFFFC000  }
0x80: {  	[spmem:s1] =	stream.indirect.scatter.add.f32 [tilespmem:s14], [sflag:$0x3], $0x80, s25, s13, $0xb8;
	[tilespmem:$0x1E0C0] =	vst v63  }
0x81: {  	_ =	swait.ge [sflag:s11], $0x4000  }
0x82: {  	[sflag:s11] =	ssyncset.done $0x0  }
0x83: {  	s25 =	sadd.s32 $0x100, s24;
	[sflag:s11] =	ssyncadd.s32 $0xFFFFC000  }
0x84: {  	[tilespmem:s14], [sflag:$0x1] =	stream.indirect.gather [hbm4b:s3+s13], $0x80, s25, s13, $0xb8;
	[tilespmem:$0x1E0C0] =	vst v63  }
0x85: {  	_ =	swait.ge [sflag:s17], $0x4000  }
.Ltmp1:
0x86: {  	[sflag:s17] =	ssyncset.done $0x0;
	(pc) =	sbr.rel @p2 .LBB2_4-.Ltmp1, $4  }
0x87: {  	s24 =	sadd.s32 $0x1480, s24;
	[sflag:s17] =	ssyncadd.s32 $0xFFFFC000  }
0x88: {  	[spmem:s1] =	stream.indirect.scatter.add.f32 [tilespmem:s15], [sflag:$0x3], $0x80, s24, s13, $0xb8;
	[tilespmem:$0x1E0C0] =	vst v63  }
0x89: {  	_ =	swait.ge [sflag:s11], $0x4000  }
0x8a: {  	s25 =	smov.u32 s29;
	s24 =	sshra.s32 s28, $0x2;
	[sflag:s11] =	ssyncset.done $0x0  }
0x8b: {  	s25 =	sadd.s32 $0x80, s24;
	[sflag:s11] =	ssyncadd.s32 $0xFFFFC000  }
0x8c: {  	[tilespmem:s15], [sflag:$0x2] =	stream.indirect.gather [hbm4b:s3+s13], $0x80, s25, s13, $0xb8;
	[tilespmem:$0x1E0C0] =	vst v63  }
0x8d: {  	_ =	swait.ge [sflag:s16], $0x4000  }
0x8e: {  	[sflag:s16] =	ssyncset.done $0x0  }
0x8f: {  	s30 =	sadd.s32 $0x1400, s24;
	[sflag:s16] =	ssyncadd.s32 $0xFFFFC000  }
0x90: {  	[spmem:s1] =	stream.indirect.scatter.add.f32 [tilespmem:s14], [sflag:$0x3], $0x80, s30, s13, $0xb8;
	[tilespmem:$0x1E0C0] =	vst v63  }
0x91: {  	_ =	swait.ge [sflag:s11], $0x4000  }
0x92: {  	[sflag:s11] =	ssyncset.done $0x0  }
0x93: {  	s31 =	sadd.s32 $0x100, s24;
	[sflag:s11] =	ssyncadd.s32 $0xFFFFC000  }
0x94: {  	[tilespmem:s14], [sflag:$0x1] =	stream.indirect.gather [hbm4b:s3+s13], $0x80, s31, s13, $0xb8;
	[tilespmem:$0x1E0C0] =	vst v63  }
0x95: {  	_ =	swait.ge [sflag:s17], $0x4000  }
0x96: {  	[sflag:s17] =	ssyncset.done $0x0  }
0x97: {  	s25 =	sadd.s32 $0x1480, s24;
	[sflag:s17] =	ssyncadd.s32 $0xFFFFC000  }
0x98: {  	[spmem:s1] =	stream.indirect.scatter.add.f32 [tilespmem:s15], [sflag:$0x3], $0x80, s25, s13, $0xb8;
	[tilespmem:$0x1E0C0] =	vst v63  }
0x99: {  	_ =	swait.ge [sflag:s11], $0x4000  }
0x9a: {  	[sflag:s11] =	ssyncset.done $0x0  }
0x9b: {  	[sflag:s11] =	ssyncadd.s32 $0xFFFFC000  }
0x9c: {  	[tilespmem:s15], [sflag:$0x2] =	stream.indirect.gather [hbm4b:s3+s13], $0x80, s18, s13, $0xb8;
	[tilespmem:$0x1E0C0] =	vst v63  }
0x9d: {  	_ =	swait.ge [sflag:s16], $0x4000  }
0x9e: {  	[sflag:s16] =	ssyncset.done $0x0  }
0x9f: {  	[sflag:s16] =	ssyncadd.s32 $0xFFFFC000  }
0xa0: {  	[spmem:s1] =	stream.indirect.scatter.add.f32 [tilespmem:s14], [sflag:$0x3], $0x80, s19, s13, $0xb8;
	[tilespmem:$0x1E0C0] =	vst v63  }
0xa1: {  	_ =	swait.ge [sflag:s11], $0x4000  }
0xa2: {  	[sflag:s11] =	ssyncset.done $0x0  }
0xa3: {  	[sflag:s11] =	ssyncadd.s32 $0xFFFFC000  }
0xa4: {  	_ =	swait.ge [sflag:s17], $0x4000  }
0xa5: {  	[sflag:s17] =	ssyncset.done $0x0  }
0xa6: {  	[sflag:s17] =	ssyncadd.s32 $0xFFFFC000  }
0xa7: {  	[spmem:s1] =	stream.indirect.scatter.add.f32 [tilespmem:s15], [sflag:$0x3], $0x80, s20, s13, $0xb8;
	[tilespmem:$0x1E0C0] =	vst v63  }
0xa8: {  	_ =	swait.ge [sflag:s11], $0x4000  }
0xa9: {  	[sflag:s11] =	ssyncset.done $0x0  }
0xaa: {  	s26 =	simm.s32 @p1 $0x3;
	[sflag:s11] =	ssyncadd.s32 $0xFFFFC000  }
0xab: {  	s24 =	sshrl.u32 @p1 s1, $0x3;
	s25 =	simm.s32 @p1 $0x1C03;
	[bflag:$0x0] =	sbarrier.arrive $0xFFFF  }
0xac: {  	[hbm:s6], [sflag:s25] =	dma.local @p1 [spmem:s24], $0x27180  }
0xad: {  	_ =	swait.ge @p1 [sflag:s26], $0x27180  }
0xae: {  	[sflag:s26] =	ssyncset.done @p1 $0x0  }
0xaf: {  	[sflag:s26] =	ssyncadd.s32 @p1 $0xFFFD8E80  }
0xb0: {  	[bflag:$0x0] =	sbarrier.arrive @p1 $0xFFFF  }
0xb1: {  	[spmem:s24], [sflag:s25] =	dma.local @p1 [hbm:s7], $0x27180  }
0xb2: {  	_ =	swait.ge @p1 [sflag:s26], $0x27180  }
0xb3: {  	[sflag:s26] =	ssyncset.done @p1 $0x0  }
0xb4: {  	[sflag:s26] =	ssyncadd.s32 @p1 $0xFFFD8E80  }
0xb5: {  	[bflag:$0x0] =	sbarrier.arrive @!p1 $0xFFFF  }
0xb6: {  	s26 =	simm.s32 $0x0;
	[bflag:$0x0] =	sbarrier.arrive $0xFFFF  }
0xb7: {  	[tilespmem:s26], [sflag:$0x3] =	stream.linear.gather [hbm4b:s4+s26], $0x1400, $0x38;
	[tilespmem:$0x1E0C0] =	vst v63  }
0xb8: {  	_ =	swait.ge [sflag:s11], $0x1400  }
0xb9: {  	[sflag:s11] =	ssyncset.done $0x0  }
0xba: {  	[sflag:s11] =	ssyncadd.s32 $0xFFFFEC00  }
0xbb: {  	[tilespmem:s12], [sflag:$0x3] =	stream.linear.gather [hbm4b:s5+s26], $0x1400, $0x38;
	[tilespmem:$0x1E0C0] =	vst v63  }
0xbc: {  	_ =	swait.ge [sflag:s11], $0x1400  }
0xbd: {  	[sflag:s11] =	ssyncset.done $0x0  }
0xbe: {  	[sflag:s11] =	ssyncadd.s32 $0xFFFFEC00  }
0xbf: {  	[tilespmem:s14], [sflag:$0x1] =	stream.indirect.gather [hbm4b:s7+s13], $0x80, s26, s13, $0xb8;
	[tilespmem:$0x1E0C0] =	vst v63  }
0xc0: {  	s28 =	simm.s32 $0x80  }
0xc1: {  	[tilespmem:s15], [sflag:$0x2] =	stream.indirect.gather [hbm4b:s7+s13], $0x80, s28, s13, $0xb8;
	[tilespmem:$0x1E0C0] =	vst v63  }
0xc2: {  	_ =	swait.ge [sflag:s16], $0x4000  }
0xc3: {  	[sflag:s16] =	ssyncset.done $0x0  }
0xc4: {  	s29 =	simm.s32 $0x1400;
	[sflag:s16] =	ssyncadd.s32 $0xFFFFC000  }
0xc5: {  	[spmem:s1] =	stream.indirect.scatter.add.f32 [tilespmem:s14], [sflag:$0x3], $0x80, s29, s13, $0xb8;
	[tilespmem:$0x1E0C0] =	vst v63  }
0xc6: {  	_ =	swait.ge [sflag:s11], $0x4000  }
0xc7: {  	[sflag:s11] =	ssyncset.done $0x0  }
0xc8: {  	s30 =	simm.s32 $0x100;
	[sflag:s11] =	ssyncadd.s32 $0xFFFFC000  }
0xc9: {  	[tilespmem:s14], [sflag:$0x1] =	stream.indirect.gather [hbm4b:s7+s13], $0x80, s30, s13, $0xb8;
	[tilespmem:$0x1E0C0] =	vst v63  }
0xca: {  	_ =	swait.ge [sflag:s17], $0x4000  }
0xcb: {  	[sflag:s17] =	ssyncset.done $0x0  }
0xcc: {  	s31 =	simm.s32 $0x1480;
	[sflag:s17] =	ssyncadd.s32 $0xFFFFC000  }
0xcd: {  	[spmem:s1] =	stream.indirect.scatter.add.f32 [tilespmem:s15], [sflag:$0x3], $0x80, s31, s13, $0xb8;
	[tilespmem:$0x1E0C0] =	vst v63  }
0xce: {  	_ =	swait.ge [sflag:s11], $0x4000  }
0xcf: {  	s25 =	simm.s32 $0x800;
	s24 =	simm.s32 $0x100;
	[sflag:s11] =	ssyncset.done $0x0  }
.LBB2_6:
0xd0: {  	s26 =	sadd.s32 $0x80, s24  }
0xd1: {  	[sflag:s11] =	ssyncadd.s32 $0xFFFFC000;
	s28 =	smov.u32 s25;
	s29 =	sadd.s32 $0x400, s25  }
0xd2: {  	[tilespmem:s15], [sflag:$0x2] =	stream.indirect.gather [hbm4b:s7+s13], $0x80, s26, s13, $0xb8;
	[tilespmem:$0x1E0C0] =	vst v63  }
0xd3: {  	p2 =	sne.s32 s25, $0x4800;
	_ =	swait.ge [sflag:s16], $0x4000  }
0xd4: {  	[sflag:s16] =	ssyncset.done $0x0  }
0xd5: {  	s25 =	sadd.s32 $0x1400, s24;
	[sflag:s16] =	ssyncadd.s32 $0xFFFFC000  }
0xd6: {  	[spmem:s1] =	stream.indirect.scatter.add.f32 [tilespmem:s14], [sflag:$0x3], $0x80, s25, s13, $0xb8;
	[tilespmem:$0x1E0C0] =	vst v63  }
0xd7: {  	_ =	swait.ge [sflag:s11], $0x4000  }
0xd8: {  	[sflag:s11] =	ssyncset.done $0x0  }
0xd9: {  	s25 =	sadd.s32 $0x100, s24;
	[sflag:s11] =	ssyncadd.s32 $0xFFFFC000  }
0xda: {  	[tilespmem:s14], [sflag:$0x1] =	stream.indirect.gather [hbm4b:s7+s13], $0x80, s25, s13, $0xb8;
	[tilespmem:$0x1E0C0] =	vst v63  }
0xdb: {  	_ =	swait.ge [sflag:s17], $0x4000  }
.Ltmp2:
0xdc: {  	[sflag:s17] =	ssyncset.done $0x0;
	(pc) =	sbr.rel @p2 .LBB2_6-.Ltmp2, $4  }
0xdd: {  	s24 =	sadd.s32 $0x1480, s24;
	[sflag:s17] =	ssyncadd.s32 $0xFFFFC000  }
0xde: {  	[spmem:s1] =	stream.indirect.scatter.add.f32 [tilespmem:s15], [sflag:$0x3], $0x80, s24, s13, $0xb8;
	[tilespmem:$0x1E0C0] =	vst v63  }
0xdf: {  	_ =	swait.ge [sflag:s11], $0x4000  }
0xe0: {  	s25 =	smov.u32 s29;
	s24 =	sshra.s32 s28, $0x2;
	[sflag:s11] =	ssyncset.done $0x0  }
0xe1: {  	s25 =	sadd.s32 $0x80, s24;
	[sflag:s11] =	ssyncadd.s32 $0xFFFFC000  }
0xe2: {  	[tilespmem:s15], [sflag:$0x2] =	stream.indirect.gather [hbm4b:s7+s13], $0x80, s25, s13, $0xb8;
	[tilespmem:$0x1E0C0] =	vst v63  }
0xe3: {  	_ =	swait.ge [sflag:s16], $0x4000  }
0xe4: {  	[sflag:s16] =	ssyncset.done $0x0  }
0xe5: {  	s30 =	sadd.s32 $0x1400, s24;
	[sflag:s16] =	ssyncadd.s32 $0xFFFFC000  }
0xe6: {  	[spmem:s1] =	stream.indirect.scatter.add.f32 [tilespmem:s14], [sflag:$0x3], $0x80, s30, s13, $0xb8;
	[tilespmem:$0x1E0C0] =	vst v63  }
0xe7: {  	_ =	swait.ge [sflag:s11], $0x4000  }
0xe8: {  	[sflag:s11] =	ssyncset.done $0x0  }
0xe9: {  	s31 =	sadd.s32 $0x100, s24;
	[sflag:s11] =	ssyncadd.s32 $0xFFFFC000  }
0xea: {  	[tilespmem:s14], [sflag:$0x1] =	stream.indirect.gather [hbm4b:s7+s13], $0x80, s31, s13, $0xb8;
	[tilespmem:$0x1E0C0] =	vst v63  }
0xeb: {  	_ =	swait.ge [sflag:s17], $0x4000  }
0xec: {  	[sflag:s17] =	ssyncset.done $0x0  }
0xed: {  	s25 =	sadd.s32 $0x1480, s24;
	[sflag:s17] =	ssyncadd.s32 $0xFFFFC000  }
0xee: {  	[spmem:s1] =	stream.indirect.scatter.add.f32 [tilespmem:s15], [sflag:$0x3], $0x80, s25, s13, $0xb8;
	[tilespmem:$0x1E0C0] =	vst v63  }
0xef: {  	_ =	swait.ge [sflag:s11], $0x4000  }
0xf0: {  	[sflag:s11] =	ssyncset.done $0x0  }
0xf1: {  	[sflag:s11] =	ssyncadd.s32 $0xFFFFC000  }
0xf2: {  	[tilespmem:s15], [sflag:$0x2] =	stream.indirect.gather [hbm4b:s7+s13], $0x80, s18, s13, $0xb8;
	[tilespmem:$0x1E0C0] =	vst v63  }
0xf3: {  	_ =	swait.ge [sflag:s16], $0x4000  }
0xf4: {  	[sflag:s16] =	ssyncset.done $0x0  }
0xf5: {  	[sflag:s16] =	ssyncadd.s32 $0xFFFFC000  }
0xf6: {  	[spmem:s1] =	stream.indirect.scatter.add.f32 [tilespmem:s14], [sflag:$0x3], $0x80, s19, s13, $0xb8;
	[tilespmem:$0x1E0C0] =	vst v63  }
0xf7: {  	_ =	swait.ge [sflag:s11], $0x4000  }
0xf8: {  	[sflag:s11] =	ssyncset.done $0x0  }
0xf9: {  	[sflag:s11] =	ssyncadd.s32 $0xFFFFC000  }
0xfa: {  	_ =	swait.ge [sflag:s17], $0x4000  }
0xfb: {  	[sflag:s17] =	ssyncset.done $0x0  }
0xfc: {  	[sflag:s17] =	ssyncadd.s32 $0xFFFFC000  }
0xfd: {  	[spmem:s1] =	stream.indirect.scatter.add.f32 [tilespmem:s15], [sflag:$0x3], $0x80, s20, s13, $0xb8;
	[tilespmem:$0x1E0C0] =	vst v63  }
0xfe: {  	_ =	swait.ge [sflag:s11], $0x4000  }
0xff: {  	[sflag:s11] =	ssyncset.done $0x0  }
0x100: {  	s26 =	simm.s32 $0x0;
	[sflag:s11] =	ssyncadd.s32 $0xFFFFC000  }
0x101: {  	[tilespmem:s26], [sflag:$0x3] =	stream.linear.gather [hbm4b:s22+s26], $0x1400, $0x38;
	[tilespmem:$0x1E0C0] =	vst v63  }
0x102: {  	_ =	swait.ge [sflag:s11], $0x1400  }
0x103: {  	[sflag:s11] =	ssyncset.done $0x0  }
0x104: {  	[sflag:s11] =	ssyncadd.s32 $0xFFFFEC00  }
0x105: {  	[tilespmem:s12], [sflag:$0x3] =	stream.linear.gather [hbm4b:s23+s26], $0x1400, $0x38;
	[tilespmem:$0x1E0C0] =	vst v63  }
0x106: {  	_ =	swait.ge [sflag:s11], $0x1400  }
0x107: {  	[sflag:s11] =	ssyncset.done $0x0  }
0x108: {  	[sflag:s11] =	ssyncadd.s32 $0xFFFFEC00  }
0x109: {  	[tilespmem:s14], [sflag:$0x1] =	stream.indirect.gather [hbm4b:s7+s13], $0x80, s26, s13, $0xb8;
	[tilespmem:$0x1E0C0] =	vst v63  }
0x10a: {  	s28 =	simm.s32 $0x80  }
0x10b: {  	[tilespmem:s15], [sflag:$0x2] =	stream.indirect.gather [hbm4b:s7+s13], $0x80, s28, s13, $0xb8;
	[tilespmem:$0x1E0C0] =	vst v63  }
0x10c: {  	_ =	swait.ge [sflag:s16], $0x4000  }
0x10d: {  	[sflag:s16] =	ssyncset.done $0x0  }
0x10e: {  	s29 =	simm.s32 $0x1400;
	[sflag:s16] =	ssyncadd.s32 $0xFFFFC000  }
0x10f: {  	[spmem:s1] =	stream.indirect.scatter.add.f32 [tilespmem:s14], [sflag:$0x3], $0x80, s29, s13, $0xb8;
	[tilespmem:$0x1E0C0] =	vst v63  }
0x110: {  	_ =	swait.ge [sflag:s11], $0x4000  }
0x111: {  	[sflag:s11] =	ssyncset.done $0x0  }
0x112: {  	s30 =	simm.s32 $0x100;
	[sflag:s11] =	ssyncadd.s32 $0xFFFFC000  }
0x113: {  	[tilespmem:s14], [sflag:$0x1] =	stream.indirect.gather [hbm4b:s7+s13], $0x80, s30, s13, $0xb8;
	[tilespmem:$0x1E0C0] =	vst v63  }
0x114: {  	_ =	swait.ge [sflag:s17], $0x4000  }
0x115: {  	[sflag:s17] =	ssyncset.done $0x0  }
0x116: {  	s31 =	simm.s32 $0x1480;
	[sflag:s17] =	ssyncadd.s32 $0xFFFFC000  }
0x117: {  	[spmem:s1] =	stream.indirect.scatter.add.f32 [tilespmem:s15], [sflag:$0x3], $0x80, s31, s13, $0xb8;
	[tilespmem:$0x1E0C0] =	vst v63  }
0x118: {  	_ =	swait.ge [sflag:s11], $0x4000  }
0x119: {  	s22 =	simm.s32 $0x100;
	s23 =	simm.s32 $0x800;
	[sflag:s11] =	ssyncset.done $0x0  }
.LBB2_8:
0x11a: {  	s24 =	sadd.s32 $0x80, s22  }
0x11b: {  	[sflag:s11] =	ssyncadd.s32 $0xFFFFC000;
	s25 =	smov.u32 s23;
	s26 =	sadd.s32 $0x400, s23  }
0x11c: {  	[tilespmem:s15], [sflag:$0x2] =	stream.indirect.gather [hbm4b:s7+s13], $0x80, s24, s13, $0xb8;
	[tilespmem:$0x1E0C0] =	vst v63  }
0x11d: {  	p2 =	sne.s32 s23, $0x4800;
	_ =	swait.ge [sflag:s16], $0x4000  }
0x11e: {  	[sflag:s16] =	ssyncset.done $0x0  }
0x11f: {  	s23 =	sadd.s32 $0x1400, s22;
	[sflag:s16] =	ssyncadd.s32 $0xFFFFC000  }
0x120: {  	[spmem:s1] =	stream.indirect.scatter.add.f32 [tilespmem:s14], [sflag:$0x3], $0x80, s23, s13, $0xb8;
	[tilespmem:$0x1E0C0] =	vst v63  }
0x121: {  	_ =	swait.ge [sflag:s11], $0x4000  }
0x122: {  	[sflag:s11] =	ssyncset.done $0x0  }
0x123: {  	s23 =	sadd.s32 $0x100, s22;
	[sflag:s11] =	ssyncadd.s32 $0xFFFFC000  }
0x124: {  	[tilespmem:s14], [sflag:$0x1] =	stream.indirect.gather [hbm4b:s7+s13], $0x80, s23, s13, $0xb8;
	[tilespmem:$0x1E0C0] =	vst v63  }
0x125: {  	_ =	swait.ge [sflag:s17], $0x4000  }
.Ltmp3:
0x126: {  	[sflag:s17] =	ssyncset.done $0x0;
	(pc) =	sbr.rel @p2 .LBB2_8-.Ltmp3, $4  }
0x127: {  	s22 =	sadd.s32 $0x1480, s22;
	[sflag:s17] =	ssyncadd.s32 $0xFFFFC000  }
0x128: {  	[spmem:s1] =	stream.indirect.scatter.add.f32 [tilespmem:s15], [sflag:$0x3], $0x80, s22, s13, $0xb8;
	[tilespmem:$0x1E0C0] =	vst v63  }
0x129: {  	_ =	swait.ge [sflag:s11], $0x4000  }
0x12a: {  	s23 =	smov.u32 s26;
	s22 =	sshra.s32 s25, $0x2;
	[sflag:s11] =	ssyncset.done $0x0  }
0x12b: {  	s23 =	sadd.s32 $0x80, s22;
	[sflag:s11] =	ssyncadd.s32 $0xFFFFC000  }
0x12c: {  	[tilespmem:s15], [sflag:$0x2] =	stream.indirect.gather [hbm4b:s7+s13], $0x80, s23, s13, $0xb8;
	[tilespmem:$0x1E0C0] =	vst v63  }
0x12d: {  	_ =	swait.ge [sflag:s16], $0x4000  }
0x12e: {  	[sflag:s16] =	ssyncset.done $0x0  }
0x12f: {  	s29 =	sadd.s32 $0x1400, s22;
	[sflag:s16] =	ssyncadd.s32 $0xFFFFC000  }
0x130: {  	[spmem:s1] =	stream.indirect.scatter.add.f32 [tilespmem:s14], [sflag:$0x3], $0x80, s29, s13, $0xb8;
	[tilespmem:$0x1E0C0] =	vst v63  }
0x131: {  	_ =	swait.ge [sflag:s11], $0x4000  }
0x132: {  	[sflag:s11] =	ssyncset.done $0x0  }
0x133: {  	s30 =	sadd.s32 $0x100, s22;
	[sflag:s11] =	ssyncadd.s32 $0xFFFFC000  }
0x134: {  	[tilespmem:s14], [sflag:$0x1] =	stream.indirect.gather [hbm4b:s7+s13], $0x80, s30, s13, $0xb8;
	[tilespmem:$0x1E0C0] =	vst v63  }
0x135: {  	_ =	swait.ge [sflag:s17], $0x4000  }
0x136: {  	[sflag:s17] =	ssyncset.done $0x0  }
0x137: {  	s31 =	sadd.s32 $0x1480, s22;
	[sflag:s17] =	ssyncadd.s32 $0xFFFFC000  }
0x138: {  	[spmem:s1] =	stream.indirect.scatter.add.f32 [tilespmem:s15], [sflag:$0x3], $0x80, s31, s13, $0xb8;
	[tilespmem:$0x1E0C0] =	vst v63  }
0x139: {  	_ =	swait.ge [sflag:s11], $0x4000  }
0x13a: {  	[sflag:s11] =	ssyncset.done $0x0  }
0x13b: {  	[sflag:s11] =	ssyncadd.s32 $0xFFFFC000  }
0x13c: {  	[tilespmem:s15], [sflag:$0x2] =	stream.indirect.gather [hbm4b:s7+s13], $0x80, s18, s13, $0xb8;
	[tilespmem:$0x1E0C0] =	vst v63  }
0x13d: {  	_ =	swait.ge [sflag:s16], $0x4000  }
0x13e: {  	[sflag:s16] =	ssyncset.done $0x0  }
0x13f: {  	[sflag:s16] =	ssyncadd.s32 $0xFFFFC000  }
0x140: {  	[spmem:s1] =	stream.indirect.scatter.add.f32 [tilespmem:s14], [sflag:$0x3], $0x80, s19, s13, $0xb8;
	[tilespmem:$0x1E0C0] =	vst v63  }
0x141: {  	_ =	swait.ge [sflag:s11], $0x4000  }
0x142: {  	[sflag:s11] =	ssyncset.done $0x0  }
0x143: {  	[sflag:s11] =	ssyncadd.s32 $0xFFFFC000  }
0x144: {  	_ =	swait.ge [sflag:s17], $0x4000  }
0x145: {  	[sflag:s17] =	ssyncset.done $0x0  }
0x146: {  	[sflag:s17] =	ssyncadd.s32 $0xFFFFC000  }
0x147: {  	[spmem:s1] =	stream.indirect.scatter.add.f32 [tilespmem:s15], [sflag:$0x3], $0x80, s20, s13, $0xb8;
	[tilespmem:$0x1E0C0] =	vst v63  }
0x148: {  	_ =	swait.ge [sflag:s11], $0x4000  }
0x149: {  	[sflag:s11] =	ssyncset.done $0x0  }
0x14a: {  	[sflag:s11] =	ssyncadd.s32 $0xFFFFC000  }
0x14b: {  	s22 =	simm.s32 @!p0 $0x1C03;
	s21 =	sadd.s32 $0x1, s21;
	[bflag:$0x0] =	sbarrier.arrive $0xFFFF  }
0x14c: {  	[hbm:s9], [sflag:s22] =	dma.local @!p0 [spmem:s10], $0x27180  }
0x14d: {  	p2 =	sne.s32 s21, s8;
	s22 =	simm.s32 @!p0 $0x3  }
.Ltmp4:
0x14e: {  	_ =	swait.ge @!p0 [sflag:s22], $0x27180;
	(pc) =	sbr.rel @p2 .LBB2_1-.Ltmp4, $3  }
0x14f: {  	[sflag:s22] =	ssyncset.done @!p0 $0x0  }
0x150: {  	[sflag:s22] =	ssyncadd.s32 @!p0 $0xFFFD8E80  }
0x151: {  	[bflag:$0x0] =	sbarrier.arrive $0xFFFF;
	_ =	sdelay $0x1  }
0x152: {  	_ =	sfence.sel $0x180000  }
0x153: {  	[bflag:$0x0] =	sbarrier.arrive $0xFFFF  }
0x154: {  	_ =	strace $0x9000004A  }
0x155: {  	s0 =	sadd.s32 @!p0 $0x100000, s0;
	[bflag:$0x2] =	sbarrier.arrive $0xFFFF  }
0x156: {  	[sflag:s0] =	ssyncadd.tile.s32 @!p0 $0x1;
	_ =	shalt  }
.Lfunc_end2:
_tile_overlayer_lowered:
.L_overlay_start_2:
0x157: {  	(tag) =	ssettag $0x2  }
0x158: {  	s0 =	rddreg [dreg:$0x0];
	s2 =	stileid.u32  }
0x159: {  	s1 =	rddreg [dreg:$0x1];
	p0 =	sne.s32 s2, $0x0  }
0x15a: {  	s3 =	rddreg [dreg:$0x2];
	[bflag:$0x3] =	sbarrier.arrive $0xFFFF;
	s2 =	simm.s32 @!p0 $0x1C03  }
0x15b: {  	[timem:s3], [sflag:s2] =	dma.local @!p0 [hbm:s0], s1  }
0x15c: {  	s0 =	simm.s32 @!p0 $0x3  }
0x15d: {  	_ =	swait.ge @!p0 [sflag:s0], s1  }
0x15e: {  	s1 =	ssub.s32 @!p0 $0x0, s1;
	[sflag:s0] =	ssyncset.done @!p0 $0x0  }
0x15f: {  	[sflag:s0] =	ssyncadd.s32 @!p0 s1  }
0x160: {  	[bflag:$0x3] =	sbarrier.arrive $0xFFFF  }
0x161: {  	_ =	shalt  }

// kernel: kernel.19.cloned.1.call-start
scs
__scs_entry_jumppad:
0x0: {  	(pc) =	sbr.rel $0x88, $3  }
0x1: {  	(tag) =	ssettag $0x0;
	lr =	simm.s32 $0x1  }
0x2: {  	[smem:$0x3F98] =	sst lr;
	_ =	strace $0xD0000000  }
0x3: {  	_ = 	snop  }
0x4: {  	_ = 	snop  }
0x5: {  	_ = 	snop  }
0x6: {  	_ = 	snop  }
0x7: {  	_ = 	snop  }
__scs_overlays_trampoline_lowered:
0x8: {  	[smem:$0x3FA7] =	sst s0  }
0x9: {  	[smem:$0x3FA8] =	sst s1  }
0xa: {  	[smem:$0x3FA9] =	sst s2  }
0xb: {  	[smem:$0x3FAA] =	sst s3  }
0xc: {  	[smem:$0x3FAB] =	sst s4  }
0xd: {  	[smem:$0x3FAC] =	sst s5  }
0xe: {  	[smem:$0x3FAD] =	sst s6  }
0xf: {  	[smem:$0x3FAE] =	sst s7  }
0x10: {  	[smem:$0x3FAF] =	sst s8  }
0x11: {  	[smem:$0x3FB0] =	sst s9;
	s0 =	simm.s32 @!p0 $0x0  }
0x12: {  	s1 =	sld [smem:$0x3F96];
	s0 =	simm.s32 @p0 $0x1  }
0x13: {  	[smem:$0x3FB1] =	sst s0;
	s0 =	simm.s32 @!p1 $0x0  }
0x14: {  	s2 =	sld [smem:$0x3F95];
	s0 =	simm.s32 @p1 $0x1  }
0x15: {  	[smem:$0x3FB2] =	sst s0;
	s0 =	simm.s32 @!p2 $0x0  }
0x16: {  	s3 =	sld [smem:$0x3FDB];
	s0 =	simm.s32 @p2 $0x1  }
0x17: {  	s4 =	simm.s32 $0x1BF5;
	[smem:$0x3FB4] =	sst s0  }
0x18: {  	s0 =	sld [smem:$0x3F97];
	_ =	swait.ge [sflag:s4], $0x0  }
0x19: {  	s7 =	sld [smem:$0x3F98]  }
0x1a: {  	s8 =	sadd.s32 $0xFFFFE003, lr  }
0x1b: {  	s9 =	sadd.s32 $0xFFFFFEF7, lr;
	s5 =	simm.s32 $0xFFFFFFFF;
	p2 =	slt.u32 s8, $0xFFFFF086  }
0x1c: {  	p1 =	slt.u32 s9, $0xF7A;
	s5 =	simm.s32 @!p2 $0x0  }
0x1d: {  	s5 =	simm.s32 @p1 $0x1;
	p0 =	seq.s32 s7, s2  }
0x1e: {  	s7 =	smul.u32 @!p0 $0xF7A, s2;
	p2 =	seq.s32 @!p0 s5, $0x0  }
0x1f: {  	s9 =	smul.u32 $0xF7A, s1;
	s8 =	simm.s32 @!p0 $0x1BF5;
	p2 =	por !p2, p0  }
0x20: {  	[sflag:s8] =	ssyncset.s32 @!p0 $0xFFFFF086;
	s6 =	sadd.s32 @!p0 s3, s7;
	s7 =	simm.s32 @!p0 $0x108  }
0x21: {  	s3 =	sadd.s32 s3, s9;
	s6 =	sadd.s32 @!p0 $0x88, s6;
	s7 =	simm.s32 @p2 $0x1082  }
0x22: {  	[simem:s7], [sflag:s8] =	dma.local @!p0 [hbm:s6], $0xF7A  }
0x23: {  	s9 =	sor.u32 $0xD0000000, s2;
	s6 =	simm.s32 $0x108;
	_ =	swait.ge @!p0 [sflag:s8], $0x0  }
0x24: {  	s3 =	sadd.s32 $0x88, s3;
	s6 =	simm.s32 @!p1 $0x1082;
	[sflag:s4] =	ssyncset.s32 $0xFFFFF086  }
0x25: {  	[simem:s6], [sflag:s4] =	dma.local [hbm:s3], $0xF7A  }
0x26: {  	[smem:$0x3F98] =	sst s1;
	(tag) =	ssettag s2;
	_ =	strace s9  }
0x27: {  	s1 =	sld [smem:$0x3FA8]  }
0x28: {  	s2 =	sld [smem:$0x3FA9]  }
0x29: {  	s4 =	sld [smem:$0x3FAB]  }
0x2a: {  	p0 =	seq.s32 s5, $0x0;
	s5 =	sld [smem:$0x3FAC]  }
0x2b: {  	s6 =	sld [smem:$0x3FAD]  }
0x2c: {  	s7 =	sld [smem:$0x3FAE]  }
0x2d: {  	s3 =	simm.s32 $0x108;
	s8 =	sld [smem:$0x3FAF]  }
0x2e: {  	s3 =	simm.s32 @!p0 $0x1082;
	s9 =	sld [smem:$0x3FB0]  }
0x2f: {  	lr =	sadd.s32 s0, s3;
	s0 =	sld [smem:$0x3FA7]  }
0x30: {  	s3 =	sld [smem:$0x3FAA]  }
0x31: {  	[smem:$0x3FB3] =	sst s10  }
0x32: {  	s10 =	sld [smem:$0x3FB1];
	_ =	sdelay $0x3  }
0x33: {  	p0 =	seq.s32 s10, $0x1;
	s10 =	sld [smem:$0x3FB3];
	_ =	sdelay $0x3  }
0x34: {  	[smem:$0x3FB3] =	sst s10  }
0x35: {  	s10 =	sld [smem:$0x3FB2];
	_ =	sdelay $0x3  }
0x36: {  	p1 =	seq.s32 s10, $0x1;
	s10 =	sld [smem:$0x3FB3];
	_ =	sdelay $0x3  }
0x37: {  	[smem:$0x3FB3] =	sst s10  }
0x38: {  	s10 =	sld [smem:$0x3FB4]  }
0x39: {  	_ = 	snop;
	(pc) =	sbr.ind lr, $3  }
0x3a: {  	_ = 	snop  }
0x3b: {  	_ = 	snop  }
0x3c: {  	p2 =	seq.s32 s10, $0x1;
	s10 =	sld [smem:$0x3FB3]  }
0x3d: {  	_ =	shalt  }
0x3e: {  	_ =	shalt  }
0x3f: {  	_ =	shalt  }
0x40: {  	_ =	shalt  }
0x41: {  	_ =	shalt  }
0x42: {  	_ =	shalt  }
0x43: {  	_ =	shalt  }
0x44: {  	_ =	shalt  }
0x45: {  	_ =	shalt  }
0x46: {  	_ =	shalt  }
0x47: {  	_ =	shalt  }
0x48: {  	_ =	shalt  }
0x49: {  	_ =	shalt  }
0x4a: {  	_ =	shalt  }
0x4b: {  	_ =	shalt  }
0x4c: {  	_ =	shalt  }
0x4d: {  	_ =	shalt  }
0x4e: {  	_ =	shalt  }
0x4f: {  	_ =	shalt  }
0x50: {  	_ =	shalt  }
0x51: {  	_ =	shalt  }
0x52: {  	_ =	shalt  }
0x53: {  	_ =	shalt  }
0x54: {  	_ =	shalt  }
0x55: {  	_ =	shalt  }
0x56: {  	_ =	shalt  }
0x57: {  	_ =	shalt  }
0x58: {  	_ =	shalt  }
0x59: {  	_ =	shalt  }
0x5a: {  	_ =	shalt  }
0x5b: {  	_ =	shalt  }
0x5c: {  	_ =	shalt  }
0x5d: {  	_ =	shalt  }
0x5e: {  	_ =	shalt  }
0x5f: {  	_ =	shalt  }
0x60: {  	_ =	shalt  }
0x61: {  	_ =	shalt  }
0x62: {  	_ =	shalt  }
0x63: {  	_ =	shalt  }
0x64: {  	_ =	shalt  }
0x65: {  	_ =	shalt  }
0x66: {  	_ =	shalt  }
0x67: {  	_ =	shalt  }
0x68: {  	_ =	shalt  }
0x69: {  	_ =	shalt  }
0x6a: {  	_ =	shalt  }
0x6b: {  	_ =	shalt  }
0x6c: {  	_ =	shalt  }
0x6d: {  	_ =	shalt  }
0x6e: {  	_ =	shalt  }
0x6f: {  	_ =	shalt  }
0x70: {  	_ =	shalt  }
0x71: {  	_ =	shalt  }
0x72: {  	_ =	shalt  }
0x73: {  	_ =	shalt  }
0x74: {  	_ =	shalt  }
0x75: {  	_ =	shalt  }
0x76: {  	_ =	shalt  }
0x77: {  	_ =	shalt  }
0x78: {  	_ =	shalt  }
0x79: {  	_ =	shalt  }
0x7a: {  	_ =	shalt  }
0x7b: {  	_ =	shalt  }
0x7c: {  	_ =	shalt  }
0x7d: {  	_ =	shalt  }
0x7e: {  	_ =	shalt  }
0x7f: {  	_ =	shalt  }
0x80: {  	_ =	shalt  }
0x81: {  	_ =	shalt  }
0x82: {  	_ =	shalt  }
0x83: {  	_ =	shalt  }
0x84: {  	_ =	shalt  }
0x85: {  	_ =	shalt  }
0x86: {  	_ =	shalt  }
0x87: {  	_ =	shalt  }
.Lfunc_end0:
.L_simem_size_0:
called_computation.2_lowered:
.L_overlay_start_0:
0x88: {  	s2 =	sld [smem:$0x3FD9]  }
0x89: {  	s3 =	sld [smem:$0x3FFE];
	_ =	sdelay $0x1  }
0x8a: {  	s1 =	srdreg.scid  }
0x8b: {  	s0 =	sand.u32 $0x1, s1  }
0x8c: {  	s16 =	sshll.u32 s0, $0xA;
	s2 =	sadd.s32 s3, s2  }
0x8d: {  	s2 =	sadd.s32 s2, s16  }
0x8e: {  	[smem:$0x3FBF] =	sst s2  }
0x8f: {  	_ = 	snop  }
0x90: {  	(tm) =	ssettm $0x1  }
0x91: {  	s17 =	sld [smem:$0x3FFB];
	_ =	sdelay $0x3  }
0x92: {  	_ =	strace s17  }
0x93: {  	s2 =	sld [smem:$0x3FFC];
	_ =	sdelay $0x3  }
0x94: {  	_ =	strace s2  }
0x95: {  	s2 =	sld [smem:$0x3FFD];
	_ =	sdelay $0x3  }
0x96: {  	_ =	strace s2  }
0x97: {  	_ =	strace $0x8FFFFFFF  }
0x98: {  	s18 =	sld [smem:$0x3FDB];
	_ =	sdelay $0x1  }
0x99: {  	s19 =	simm.s32 $_scs_section_size  }
0x9a: {  	s4 =	simm.s32 $_size__tile_overlayer_lowered;
	s5 =	simm.s32 $_tile_overlayer_lowered  }
0x9b: {  	s22 =	simm.s32 $0x1BFF;
	s21 =	sshll.u32 s5, $0x1;
	s2 =	sadd.s32 s19, s18  }
0x9c: {  	s6 =	simm.s32 $0x0;
	s20 =	sshll.u32 s4, $0x1;
	s4 =	sadd.s32 s21, s2  }
0x9d: {  	[timem:s6], [sflag:s22] =	dma.local [hbm:s4], s20  }
0x9e: {  	_ =	swait.ge [sflag:s22], s20  }
0x9f: {  	s3 =	ssub.s32 $0x0, s20;
	[sflag:s22] =	ssyncset.done $0x0  }
0xa0: {  	[sflag:s22] =	ssyncadd.s32 s3;
	_ =	sdelay $0x1  }
0xa1: {  	s23 =	simm.s32 $0x1B8B  }
0xa2: {  	_ =	swait.ge [sflag:s23], $0x1  }
0xa3: {  	[sflag:s23] =	ssyncset.done $0x0  }
0xa4: {  	s25 =	simm.s32 $0x1B8E;
	s24 =	sld [smem:$0x3FFE];
	[sflag:s23] =	ssyncadd.s32 $0xFFFFFFFF  }
0xa5: {  	s26 =	simm.s32 $execute0_lowered;
	[smem:$0x3FD2] =	sst s25  }
0xa6: {  	s4 =	sshll.u32 s26, $0x1;
	_ =	strace $0x8000004C;
	[dreg:$0x1] =	wrdreg $0xFFFFFFFF  }
0xa7: {  	s28 =	simm.s32 $_size_execute0_lowered;
	s2 =	sadd.s32 s2, s4;
	[dreg:$0x0] =	wrdreg $0x0  }
0xa8: {  	s4 =	sshll.u32 s28, $0x1;
	[dreg:$0x2] =	wrdreg s2  }
0xa9: {  	[dreg:$0x3] =	wrdreg s4  }
0xaa: {  	[dreg:$0x4] =	wrdreg $0xC0  }
0xab: {  	_ =	task [dreg:s6], $0x5FFFF  }
0xac: {  	[dreg:$0x1] =	wrdreg $0xFFFFFFFF  }
0xad: {  	[dreg:$0x0] =	wrdreg $0x60  }
0xae: {  	[dreg:$0x2] =	wrdreg s24  }
0xaf: {  	[dreg:$0x3] =	wrdreg $0xA8000  }
0xb0: {  	[dreg:$0x4] =	wrdreg $0x9  }
0xb1: {  	_ =	task.clear_ibuf [dreg:s6], $0x5FFFF;
	_ =	strace $0x9000004C  }
0xb2: {  	s29 =	simm.s32 $0x9;
	_ =	strace $0x8000004E  }
0xb3: {  	_ =	swait.ge [sflag:s29], $0x1  }
0xb4: {  	[sflag:s29] =	ssyncadd.s32 $0xFFFFFFFF  }
0xb5: {  	_ =	strace $0x9000004E  }
0xb6: {  	_ =	sfence  }
0xb7: {  	s30 =	sld [smem:$0x0];
	_ =	sdelay $0x2  }
0xb8: {  	s31 =	sshll.u32 s1, $0xD;
	s1 =	sshrl.u32 s1, $0x2  }
0xb9: {  	s3 =	sand.u32 $0x4000, s31;
	s1 =	sadd.s32 s1, s30  }
0xba: {  	s0 =	sor.u32 s3, s0;
	s1 =	sshll.u32 s1, $0x11  }
0xbb: {  	s0 =	sor.u32 s1, s0  }
0xbc: {  	s0 =	sadd.s32 $0x8F2B, s0  }
0xbd: {  	[sflag:s0] =	ssyncadd.remote.s32 $0x1  }
0xbe: {  	_ =	sfence.sel $0xFFFF  }
0xbf: {  	[dreg:$0x0] =	wrdreg $0xFFFFFFFF;
	(pc) =	sbr.abs _section_cstart, $3  }
0xc0: {  	[dreg:$0x1] =	wrdreg $0xFFFFFFFF  }
0xc1: {  	_ =	task.clear_ibuf [dreg:s6], $0x2FFFF;
	_ =	strace $0x9FFFFFFF  }
0xc2: {  	(tm) =	ssettm $0x7FFFFFFF  }
0xc3: {  	_ =	shalt  }
tec
execute0_lowered:
.L_overlay_start_1:
0x0: {  	(tag) =	ssettag $0x1  }
0x1: {  	s3 =	rddreg [dreg:$0x0]  }
0x2: {  	s1 =	rddreg [dreg:$0x1]  }
0x3: {  	s0 =	rddreg [dreg:$0x2]  }
0x4: {  	s2 =	simm.s32 $0x0;
	s21 =	stileid.u32;
	s4 =	srdreg.scid  }
0x5: {  	s12 =	simm.s32 $0x1400;
	s13 =	simm.s32 $0x80;
	s14 =	simm.s32 $0x2800  }
0x6: {  	s15 =	simm.s32 $0x6800;
	s16 =	simm.s32 $0x1;
	s17 =	simm.s32 $0x2  }
0x7: {  	s18 =	simm.s32 $0x1380;
	s19 =	simm.s32 $0x2700;
	s20 =	simm.s32 $0x2780  }
0x8: {  	[smem:$0x7FF] =	sst s2;
	s5 =	smul.u32 $0x500, s21;
	s4 =	sand.u32 $0x1, s4  }
0x9: {  	s8 =	sadd.s32 $0x33C00, s3;
	s9 =	sadd.s32 $0xD0200, s3;
	p0 =	sne.s32 s21, $0x0  }
0xa: {  	p1 =	seq.s32 s21, $0x0;
	s6 =	ssub.s32 $0x2, s4;
	s7 =	smul.u32 $0x4E300, s4  }
0xb: {  	s21 =	simm.s32 $0x0;
	_ =	strace $0x8000004D;
	s31 =	sshrl.u32 s6, $0x1  }
0xc: {  	s5 =	sadd.s32 s5, s3;
	s10 =	ssub.s32 s6, s31;
	s3 =	sadd.s32 s8, s7  }
0xd: {  	s4 =	sadd.s32 $0x2EC00, s5;
	s5 =	sadd.s32 $0x2A00, s5;
	s11 =	sadd.s32 $0x27180, s7  }
0xe: {  	s6 =	sadd.s32 s9, s7;
	s7 =	sadd.s32 s8, s11;
	s8 =	smax.u32 s10, $0x1  }
0xf: {  	s9 =	sadd.s32 s9, s11;
	s10 =	sshrl.u32 @!p0 s1, $0x3;
	s11 =	simm.s32 $0x3  }
.LBB2_1:
0x10: {  	s22 =	simm.s32 @!p0 $0x1C03  }
0x11: {  	[spmem:s10], [sflag:s22] =	dma.local @!p0 [hbm:s3], $0x27180  }
0x12: {  	s22 =	simm.s32 @!p0 $0x3  }
0x13: {  	_ =	swait.ge @!p0 [sflag:s22], $0x27180  }
0x14: {  	[sflag:s22] =	ssyncset.done @!p0 $0x0  }
0x15: {  	[sflag:s22] =	ssyncadd.s32 @!p0 $0xFFFD8E80  }
0x16: {  	[bflag:$0x0] =	sbarrier.arrive $0xFFFF  }
0x17: {  	[tilespmem:s2], [sflag:$0x3] =	stream.linear.gather [hbm4b:s4+s2], $0x1400, $0x38;
	[tilespmem:$0x1E0C0] =	vst v63  }
0x18: {  	_ =	swait.ge [sflag:s11], $0x1400  }
0x19: {  	[sflag:s11] =	ssyncset.done $0x0  }
0x1a: {  	[sflag:s11] =	ssyncadd.s32 $0xFFFFEC00  }
0x1b: {  	[tilespmem:s12], [sflag:$0x3] =	stream.linear.gather [hbm4b:s5+s2], $0x1400, $0x38;
	[tilespmem:$0x1E0C0] =	vst v63  }
0x1c: {  	_ =	swait.ge [sflag:s11], $0x1400  }
0x1d: {  	[sflag:s11] =	ssyncset.done $0x0  }
0x1e: {  	[sflag:s11] =	ssyncadd.s32 $0xFFFFEC00  }
0x1f: {  	[tilespmem:s14], [sflag:$0x1] =	stream.indirect.gather [hbm4b:s3+s13], $0x80, s2, s13, $0xb8;
	[tilespmem:$0x1E0C0] =	vst v63  }
0x20: {  	s28 =	simm.s32 $0x80  }
0x21: {  	[tilespmem:s15], [sflag:$0x2] =	stream.indirect.gather [hbm4b:s3+s13], $0x80, s28, s13, $0xb8;
	[tilespmem:$0x1E0C0] =	vst v63  }
0x22: {  	_ =	swait.ge [sflag:s16], $0x4000  }
0x23: {  	[sflag:s16] =	ssyncset.done $0x0  }
0x24: {  	s29 =	simm.s32 $0x1400;
	[sflag:s16] =	ssyncadd.s32 $0xFFFFC000  }
0x25: {  	[spmem:s1] =	stream.indirect.scatter.add.f32 [tilespmem:s14], [sflag:$0x3], $0x80, s29, s13, $0xb8;
	[tilespmem:$0x1E0C0] =	vst v63  }
0x26: {  	_ =	swait.ge [sflag:s11], $0x4000  }
0x27: {  	[sflag:s11] =	ssyncset.done $0x0  }
0x28: {  	s30 =	simm.s32 $0x100;
	[sflag:s11] =	ssyncadd.s32 $0xFFFFC000  }
0x29: {  	[tilespmem:s14], [sflag:$0x1] =	stream.indirect.gather [hbm4b:s3+s13], $0x80, s30, s13, $0xb8;
	[tilespmem:$0x1E0C0] =	vst v63  }
0x2a: {  	_ =	swait.ge [sflag:s17], $0x4000  }
0x2b: {  	[sflag:s17] =	ssyncset.done $0x0  }
0x2c: {  	s31 =	simm.s32 $0x1480;
	[sflag:s17] =	ssyncadd.s32 $0xFFFFC000  }
0x2d: {  	[spmem:s1] =	stream.indirect.scatter.add.f32 [tilespmem:s15], [sflag:$0x3], $0x80, s31, s13, $0xb8;
	[tilespmem:$0x1E0C0] =	vst v63  }
0x2e: {  	_ =	swait.ge [sflag:s11], $0x4000  }
0x2f: {  	s23 =	simm.s32 $0x800;
	s22 =	simm.s32 $0x100;
	[sflag:s11] =	ssyncset.done $0x0  }
.LBB2_2:
0x30: {  	s24 =	sadd.s32 $0x80, s22  }
0x31: {  	[sflag:s11] =	ssyncadd.s32 $0xFFFFC000;
	s25 =	smov.u32 s23;
	s26 =	sadd.s32 $0x400, s23  }
0x32: {  	[tilespmem:s15], [sflag:$0x2] =	stream.indirect.gather [hbm4b:s3+s13], $0x80, s24, s13, $0xb8;
	[tilespmem:$0x1E0C0] =	vst v63  }
0x33: {  	p2 =	sne.s32 s23, $0x4800;
	_ =	swait.ge [sflag:s16], $0x4000  }
0x34: {  	[sflag:s16] =	ssyncset.done $0x0  }
0x35: {  	s23 =	sadd.s32 $0x1400, s22;
	[sflag:s16] =	ssyncadd.s32 $0xFFFFC000  }
0x36: {  	[spmem:s1] =	stream.indirect.scatter.add.f32 [tilespmem:s14], [sflag:$0x3], $0x80, s23, s13, $0xb8;
	[tilespmem:$0x1E0C0] =	vst v63  }
0x37: {  	_ =	swait.ge [sflag:s11], $0x4000  }
0x38: {  	[sflag:s11] =	ssyncset.done $0x0  }
0x39: {  	s23 =	sadd.s32 $0x100, s22;
	[sflag:s11] =	ssyncadd.s32 $0xFFFFC000  }
0x3a: {  	[tilespmem:s14], [sflag:$0x1] =	stream.indirect.gather [hbm4b:s3+s13], $0x80, s23, s13, $0xb8;
	[tilespmem:$0x1E0C0] =	vst v63  }
0x3b: {  	_ =	swait.ge [sflag:s17], $0x4000  }
.Ltmp0:
0x3c: {  	[sflag:s17] =	ssyncset.done $0x0;
	(pc) =	sbr.rel @p2 .LBB2_2-.Ltmp0, $4  }
0x3d: {  	s22 =	sadd.s32 $0x1480, s22;
	[sflag:s17] =	ssyncadd.s32 $0xFFFFC000  }
0x3e: {  	[spmem:s1] =	stream.indirect.scatter.add.f32 [tilespmem:s15], [sflag:$0x3], $0x80, s22, s13, $0xb8;
	[tilespmem:$0x1E0C0] =	vst v63  }
0x3f: {  	_ =	swait.ge [sflag:s11], $0x4000  }
0x40: {  	s23 =	smov.u32 s26;
	s22 =	sshra.s32 s25, $0x2;
	[sflag:s11] =	ssyncset.done $0x0  }
0x41: {  	s23 =	sadd.s32 $0x80, s22;
	[sflag:s11] =	ssyncadd.s32 $0xFFFFC000  }
0x42: {  	[tilespmem:s15], [sflag:$0x2] =	stream.indirect.gather [hbm4b:s3+s13], $0x80, s23, s13, $0xb8;
	[tilespmem:$0x1E0C0] =	vst v63  }
0x43: {  	_ =	swait.ge [sflag:s16], $0x4000  }
0x44: {  	[sflag:s16] =	ssyncset.done $0x0  }
0x45: {  	s24 =	sadd.s32 $0x1400, s22;
	[sflag:s16] =	ssyncadd.s32 $0xFFFFC000  }
0x46: {  	[spmem:s1] =	stream.indirect.scatter.add.f32 [tilespmem:s14], [sflag:$0x3], $0x80, s24, s13, $0xb8;
	[tilespmem:$0x1E0C0] =	vst v63  }
0x47: {  	_ =	swait.ge [sflag:s11], $0x4000  }
0x48: {  	[sflag:s11] =	ssyncset.done $0x0  }
0x49: {  	s25 =	sadd.s32 $0x100, s22;
	[sflag:s11] =	ssyncadd.s32 $0xFFFFC000  }
0x4a: {  	[tilespmem:s14], [sflag:$0x1] =	stream.indirect.gather [hbm4b:s3+s13], $0x80, s25, s13, $0xb8;
	[tilespmem:$0x1E0C0] =	vst v63  }
0x4b: {  	_ =	swait.ge [sflag:s17], $0x4000  }
0x4c: {  	[sflag:s17] =	ssyncset.done $0x0  }
0x4d: {  	s26 =	sadd.s32 $0x1480, s22;
	[sflag:s17] =	ssyncadd.s32 $0xFFFFC000  }
0x4e: {  	[spmem:s1] =	stream.indirect.scatter.add.f32 [tilespmem:s15], [sflag:$0x3], $0x80, s26, s13, $0xb8;
	[tilespmem:$0x1E0C0] =	vst v63  }
0x4f: {  	_ =	swait.ge [sflag:s11], $0x4000  }
0x50: {  	[sflag:s11] =	ssyncset.done $0x0  }
0x51: {  	[sflag:s11] =	ssyncadd.s32 $0xFFFFC000  }
0x52: {  	[tilespmem:s15], [sflag:$0x2] =	stream.indirect.gather [hbm4b:s3+s13], $0x80, s18, s13, $0xb8;
	[tilespmem:$0x1E0C0] =	vst v63  }
0x53: {  	_ =	swait.ge [sflag:s16], $0x4000  }
0x54: {  	[sflag:s16] =	ssyncset.done $0x0  }
0x55: {  	[sflag:s16] =	ssyncadd.s32 $0xFFFFC000  }
0x56: {  	[spmem:s1] =	stream.indirect.scatter.add.f32 [tilespmem:s14], [sflag:$0x3], $0x80, s19, s13, $0xb8;
	[tilespmem:$0x1E0C0] =	vst v63  }
0x57: {  	_ =	swait.ge [sflag:s11], $0x4000  }
0x58: {  	[sflag:s11] =	ssyncset.done $0x0  }
0x59: {  	[sflag:s11] =	ssyncadd.s32 $0xFFFFC000  }
0x5a: {  	_ =	swait.ge [sflag:s17], $0x4000  }
0x5b: {  	[sflag:s17] =	ssyncset.done $0x0  }
0x5c: {  	[sflag:s17] =	ssyncadd.s32 $0xFFFFC000  }
0x5d: {  	[spmem:s1] =	stream.indirect.scatter.add.f32 [tilespmem:s15], [sflag:$0x3], $0x80, s20, s13, $0xb8;
	[tilespmem:$0x1E0C0] =	vst v63  }
0x5e: {  	_ =	swait.ge [sflag:s11], $0x4000  }
0x5f: {  	[sflag:s11] =	ssyncset.done $0x0  }
0x60: {  	s22 =	sadd.s32 $0x280, s4;
	s24 =	simm.s32 $0x0;
	[sflag:s11] =	ssyncadd.s32 $0xFFFFC000  }
0x61: {  	[tilespmem:s24], [sflag:$0x3] =	stream.linear.gather [hbm4b:s22+s24], $0x1400, $0x38;
	[tilespmem:$0x1E0C0] =	vst v63  }
0x62: {  	_ =	swait.ge [sflag:s11], $0x1400  }
0x63: {  	[sflag:s11] =	ssyncset.done $0x0  }
0x64: {  	s23 =	sadd.s32 $0x280, s5;
	[sflag:s11] =	ssyncadd.s32 $0xFFFFEC00  }
0x65: {  	[tilespmem:s12], [sflag:$0x3] =	stream.linear.gather [hbm4b:s23+s24], $0x1400, $0x38;
	[tilespmem:$0x1E0C0] =	vst v63  }
0x66: {  	_ =	swait.ge [sflag:s11], $0x1400  }
0x67: {  	[sflag:s11] =	ssyncset.done $0x0  }
0x68: {  	[sflag:s11] =	ssyncadd.s32 $0xFFFFEC00  }
0x69: {  	[tilespmem:s14], [sflag:$0x1] =	stream.indirect.gather [hbm4b:s3+s13], $0x80, s24, s13, $0xb8;
	[tilespmem:$0x1E0C0] =	vst v63  }
0x6a: {  	s28 =	simm.s32 $0x80  }
0x6b: {  	[tilespmem:s15], [sflag:$0x2] =	stream.indirect.gather [hbm4b:s3+s13], $0x80, s28, s13, $0xb8;
	[tilespmem:$0x1E0C0] =	vst v63  }
0x6c: {  	_ =	swait.ge [sflag:s16], $0x4000  }
0x6d: {  	[sflag:s16] =	ssyncset.done $0x0  }
0x6e: {  	s29 =	simm.s32 $0x1400;
	[sflag:s16] =	ssyncadd.s32 $0xFFFFC000  }
0x6f: {  	[spmem:s1] =	stream.indirect.scatter.add.f32 [tilespmem:s14], [sflag:$0x3], $0x80, s29, s13, $0xb8;
	[tilespmem:$0x1E0C0] =	vst v63  }
0x70: {  	_ =	swait.ge [sflag:s11], $0x4000  }
0x71: {  	[sflag:s11] =	ssyncset.done $0x0  }
0x72: {  	s30 =	simm.s32 $0x100;
	[sflag:s11] =	ssyncadd.s32 $0xFFFFC000  }
0x73: {  	[tilespmem:s14], [sflag:$0x1] =	stream.indirect.gather [hbm4b:s3+s13], $0x80, s30, s13, $0xb8;
	[tilespmem:$0x1E0C0] =	vst v63  }
0x74: {  	_ =	swait.ge [sflag:s17], $0x4000  }
0x75: {  	[sflag:s17] =	ssyncset.done $0x0  }
0x76: {  	s31 =	simm.s32 $0x1480;
	[sflag:s17] =	ssyncadd.s32 $0xFFFFC000  }
0x77: {  	[spmem:s1] =	stream.indirect.scatter.add.f32 [tilespmem:s15], [sflag:$0x3], $0x80, s31, s13, $0xb8;
	[tilespmem:$0x1E0C0] =	vst v63  }
0x78: {  	_ =	swait.ge [sflag:s11], $0x4000  }
0x79: {  	s25 =	simm.s32 $0x800;
	s24 =	simm.s32 $0x100;
	[sflag:s11] =	ssyncset.done $0x0  }
.LBB2_4:
0x7a: {  	s26 =	sadd.s32 $0x80, s24  }
0x7b: {  	[sflag:s11] =	ssyncadd.s32 $0xFFFFC000;
	s28 =	smov.u32 s25;
	s29 =	sadd.s32 $0x400, s25  }
0x7c: {  	[tilespmem:s15], [sflag:$0x2] =	stream.indirect.gather [hbm4b:s3+s13], $0x80, s26, s13, $0xb8;
	[tilespmem:$0x1E0C0] =	vst v63  }
0x7d: {  	p2 =	sne.s32 s25, $0x4800;
	_ =	swait.ge [sflag:s16], $0x4000  }
0x7e: {  	[sflag:s16] =	ssyncset.done $0x0  }
0x7f: {  	s25 =	sadd.s32 $0x1400, s24;
	[sflag:s16] =	ssyncadd.s32 $0xFFFFC000  }
0x80: {  	[spmem:s1] =	stream.indirect.scatter.add.f32 [tilespmem:s14], [sflag:$0x3], $0x80, s25, s13, $0xb8;
	[tilespmem:$0x1E0C0] =	vst v63  }
0x81: {  	_ =	swait.ge [sflag:s11], $0x4000  }
0x82: {  	[sflag:s11] =	ssyncset.done $0x0  }
0x83: {  	s25 =	sadd.s32 $0x100, s24;
	[sflag:s11] =	ssyncadd.s32 $0xFFFFC000  }
0x84: {  	[tilespmem:s14], [sflag:$0x1] =	stream.indirect.gather [hbm4b:s3+s13], $0x80, s25, s13, $0xb8;
	[tilespmem:$0x1E0C0] =	vst v63  }
0x85: {  	_ =	swait.ge [sflag:s17], $0x4000  }
.Ltmp1:
0x86: {  	[sflag:s17] =	ssyncset.done $0x0;
	(pc) =	sbr.rel @p2 .LBB2_4-.Ltmp1, $4  }
0x87: {  	s24 =	sadd.s32 $0x1480, s24;
	[sflag:s17] =	ssyncadd.s32 $0xFFFFC000  }
0x88: {  	[spmem:s1] =	stream.indirect.scatter.add.f32 [tilespmem:s15], [sflag:$0x3], $0x80, s24, s13, $0xb8;
	[tilespmem:$0x1E0C0] =	vst v63  }
0x89: {  	_ =	swait.ge [sflag:s11], $0x4000  }
0x8a: {  	s25 =	smov.u32 s29;
	s24 =	sshra.s32 s28, $0x2;
	[sflag:s11] =	ssyncset.done $0x0  }
0x8b: {  	s25 =	sadd.s32 $0x80, s24;
	[sflag:s11] =	ssyncadd.s32 $0xFFFFC000  }
0x8c: {  	[tilespmem:s15], [sflag:$0x2] =	stream.indirect.gather [hbm4b:s3+s13], $0x80, s25, s13, $0xb8;
	[tilespmem:$0x1E0C0] =	vst v63  }
0x8d: {  	_ =	swait.ge [sflag:s16], $0x4000  }
0x8e: {  	[sflag:s16] =	ssyncset.done $0x0  }
0x8f: {  	s30 =	sadd.s32 $0x1400, s24;
	[sflag:s16] =	ssyncadd.s32 $0xFFFFC000  }
0x90: {  	[spmem:s1] =	stream.indirect.scatter.add.f32 [tilespmem:s14], [sflag:$0x3], $0x80, s30, s13, $0xb8;
	[tilespmem:$0x1E0C0] =	vst v63  }
0x91: {  	_ =	swait.ge [sflag:s11], $0x4000  }
0x92: {  	[sflag:s11] =	ssyncset.done $0x0  }
0x93: {  	s31 =	sadd.s32 $0x100, s24;
	[sflag:s11] =	ssyncadd.s32 $0xFFFFC000  }
0x94: {  	[tilespmem:s14], [sflag:$0x1] =	stream.indirect.gather [hbm4b:s3+s13], $0x80, s31, s13, $0xb8;
	[tilespmem:$0x1E0C0] =	vst v63  }
0x95: {  	_ =	swait.ge [sflag:s17], $0x4000  }
0x96: {  	[sflag:s17] =	ssyncset.done $0x0  }
0x97: {  	s25 =	sadd.s32 $0x1480, s24;
	[sflag:s17] =	ssyncadd.s32 $0xFFFFC000  }
0x98: {  	[spmem:s1] =	stream.indirect.scatter.add.f32 [tilespmem:s15], [sflag:$0x3], $0x80, s25, s13, $0xb8;
	[tilespmem:$0x1E0C0] =	vst v63  }
0x99: {  	_ =	swait.ge [sflag:s11], $0x4000  }
0x9a: {  	[sflag:s11] =	ssyncset.done $0x0  }
0x9b: {  	[sflag:s11] =	ssyncadd.s32 $0xFFFFC000  }
0x9c: {  	[tilespmem:s15], [sflag:$0x2] =	stream.indirect.gather [hbm4b:s3+s13], $0x80, s18, s13, $0xb8;
	[tilespmem:$0x1E0C0] =	vst v63  }
0x9d: {  	_ =	swait.ge [sflag:s16], $0x4000  }
0x9e: {  	[sflag:s16] =	ssyncset.done $0x0  }
0x9f: {  	[sflag:s16] =	ssyncadd.s32 $0xFFFFC000  }
0xa0: {  	[spmem:s1] =	stream.indirect.scatter.add.f32 [tilespmem:s14], [sflag:$0x3], $0x80, s19, s13, $0xb8;
	[tilespmem:$0x1E0C0] =	vst v63  }
0xa1: {  	_ =	swait.ge [sflag:s11], $0x4000  }
0xa2: {  	[sflag:s11] =	ssyncset.done $0x0  }
0xa3: {  	[sflag:s11] =	ssyncadd.s32 $0xFFFFC000  }
0xa4: {  	_ =	swait.ge [sflag:s17], $0x4000  }
0xa5: {  	[sflag:s17] =	ssyncset.done $0x0  }
0xa6: {  	[sflag:s17] =	ssyncadd.s32 $0xFFFFC000  }
0xa7: {  	[spmem:s1] =	stream.indirect.scatter.add.f32 [tilespmem:s15], [sflag:$0x3], $0x80, s20, s13, $0xb8;
	[tilespmem:$0x1E0C0] =	vst v63  }
0xa8: {  	_ =	swait.ge [sflag:s11], $0x4000  }
0xa9: {  	[sflag:s11] =	ssyncset.done $0x0  }
0xaa: {  	s26 =	simm.s32 @p1 $0x3;
	[sflag:s11] =	ssyncadd.s32 $0xFFFFC000  }
0xab: {  	s24 =	sshrl.u32 @p1 s1, $0x3;
	s25 =	simm.s32 @p1 $0x1C03;
	[bflag:$0x0] =	sbarrier.arrive $0xFFFF  }
0xac: {  	[hbm:s6], [sflag:s25] =	dma.local @p1 [spmem:s24], $0x27180  }
0xad: {  	_ =	swait.ge @p1 [sflag:s26], $0x27180  }
0xae: {  	[sflag:s26] =	ssyncset.done @p1 $0x0  }
0xaf: {  	[sflag:s26] =	ssyncadd.s32 @p1 $0xFFFD8E80  }
0xb0: {  	[bflag:$0x0] =	sbarrier.arrive @p1 $0xFFFF  }
0xb1: {  	[spmem:s24], [sflag:s25] =	dma.local @p1 [hbm:s7], $0x27180  }
0xb2: {  	_ =	swait.ge @p1 [sflag:s26], $0x27180  }
0xb3: {  	[sflag:s26] =	ssyncset.done @p1 $0x0  }
0xb4: {  	[sflag:s26] =	ssyncadd.s32 @p1 $0xFFFD8E80  }
0xb5: {  	[bflag:$0x0] =	sbarrier.arrive @!p1 $0xFFFF  }
0xb6: {  	s26 =	simm.s32 $0x0;
	[bflag:$0x0] =	sbarrier.arrive $0xFFFF  }
0xb7: {  	[tilespmem:s26], [sflag:$0x3] =	stream.linear.gather [hbm4b:s4+s26], $0x1400, $0x38;
	[tilespmem:$0x1E0C0] =	vst v63  }
0xb8: {  	_ =	swait.ge [sflag:s11], $0x1400  }
0xb9: {  	[sflag:s11] =	ssyncset.done $0x0  }
0xba: {  	[sflag:s11] =	ssyncadd.s32 $0xFFFFEC00  }
0xbb: {  	[tilespmem:s12], [sflag:$0x3] =	stream.linear.gather [hbm4b:s5+s26], $0x1400, $0x38;
	[tilespmem:$0x1E0C0] =	vst v63  }
0xbc: {  	_ =	swait.ge [sflag:s11], $0x1400  }
0xbd: {  	[sflag:s11] =	ssyncset.done $0x0  }
0xbe: {  	[sflag:s11] =	ssyncadd.s32 $0xFFFFEC00  }
0xbf: {  	[tilespmem:s14], [sflag:$0x1] =	stream.indirect.gather [hbm4b:s7+s13], $0x80, s26, s13, $0xb8;
	[tilespmem:$0x1E0C0] =	vst v63  }
0xc0: {  	s28 =	simm.s32 $0x80  }
0xc1: {  	[tilespmem:s15], [sflag:$0x2] =	stream.indirect.gather [hbm4b:s7+s13], $0x80, s28, s13, $0xb8;
	[tilespmem:$0x1E0C0] =	vst v63  }
0xc2: {  	_ =	swait.ge [sflag:s16], $0x4000  }
0xc3: {  	[sflag:s16] =	ssyncset.done $0x0  }
0xc4: {  	s29 =	simm.s32 $0x1400;
	[sflag:s16] =	ssyncadd.s32 $0xFFFFC000  }
0xc5: {  	[spmem:s1] =	stream.indirect.scatter.add.f32 [tilespmem:s14], [sflag:$0x3], $0x80, s29, s13, $0xb8;
	[tilespmem:$0x1E0C0] =	vst v63  }
0xc6: {  	_ =	swait.ge [sflag:s11], $0x4000  }
0xc7: {  	[sflag:s11] =	ssyncset.done $0x0  }
0xc8: {  	s30 =	simm.s32 $0x100;
	[sflag:s11] =	ssyncadd.s32 $0xFFFFC000  }
0xc9: {  	[tilespmem:s14], [sflag:$0x1] =	stream.indirect.gather [hbm4b:s7+s13], $0x80, s30, s13, $0xb8;
	[tilespmem:$0x1E0C0] =	vst v63  }
0xca: {  	_ =	swait.ge [sflag:s17], $0x4000  }
0xcb: {  	[sflag:s17] =	ssyncset.done $0x0  }
0xcc: {  	s31 =	simm.s32 $0x1480;
	[sflag:s17] =	ssyncadd.s32 $0xFFFFC000  }
0xcd: {  	[spmem:s1] =	stream.indirect.scatter.add.f32 [tilespmem:s15], [sflag:$0x3], $0x80, s31, s13, $0xb8;
	[tilespmem:$0x1E0C0] =	vst v63  }
0xce: {  	_ =	swait.ge [sflag:s11], $0x4000  }
0xcf: {  	s25 =	simm.s32 $0x800;
	s24 =	simm.s32 $0x100;
	[sflag:s11] =	ssyncset.done $0x0  }
.LBB2_6:
0xd0: {  	s26 =	sadd.s32 $0x80, s24  }
0xd1: {  	[sflag:s11] =	ssyncadd.s32 $0xFFFFC000;
	s28 =	smov.u32 s25;
	s29 =	sadd.s32 $0x400, s25  }
0xd2: {  	[tilespmem:s15], [sflag:$0x2] =	stream.indirect.gather [hbm4b:s7+s13], $0x80, s26, s13, $0xb8;
	[tilespmem:$0x1E0C0] =	vst v63  }
0xd3: {  	p2 =	sne.s32 s25, $0x4800;
	_ =	swait.ge [sflag:s16], $0x4000  }
0xd4: {  	[sflag:s16] =	ssyncset.done $0x0  }
0xd5: {  	s25 =	sadd.s32 $0x1400, s24;
	[sflag:s16] =	ssyncadd.s32 $0xFFFFC000  }
0xd6: {  	[spmem:s1] =	stream.indirect.scatter.add.f32 [tilespmem:s14], [sflag:$0x3], $0x80, s25, s13, $0xb8;
	[tilespmem:$0x1E0C0] =	vst v63  }
0xd7: {  	_ =	swait.ge [sflag:s11], $0x4000  }
0xd8: {  	[sflag:s11] =	ssyncset.done $0x0  }
0xd9: {  	s25 =	sadd.s32 $0x100, s24;
	[sflag:s11] =	ssyncadd.s32 $0xFFFFC000  }
0xda: {  	[tilespmem:s14], [sflag:$0x1] =	stream.indirect.gather [hbm4b:s7+s13], $0x80, s25, s13, $0xb8;
	[tilespmem:$0x1E0C0] =	vst v63  }
0xdb: {  	_ =	swait.ge [sflag:s17], $0x4000  }
.Ltmp2:
0xdc: {  	[sflag:s17] =	ssyncset.done $0x0;
	(pc) =	sbr.rel @p2 .LBB2_6-.Ltmp2, $4  }
0xdd: {  	s24 =	sadd.s32 $0x1480, s24;
	[sflag:s17] =	ssyncadd.s32 $0xFFFFC000  }
0xde: {  	[spmem:s1] =	stream.indirect.scatter.add.f32 [tilespmem:s15], [sflag:$0x3], $0x80, s24, s13, $0xb8;
	[tilespmem:$0x1E0C0] =	vst v63  }
0xdf: {  	_ =	swait.ge [sflag:s11], $0x4000  }
0xe0: {  	s25 =	smov.u32 s29;
	s24 =	sshra.s32 s28, $0x2;
	[sflag:s11] =	ssyncset.done $0x0  }
0xe1: {  	s25 =	sadd.s32 $0x80, s24;
	[sflag:s11] =	ssyncadd.s32 $0xFFFFC000  }
0xe2: {  	[tilespmem:s15], [sflag:$0x2] =	stream.indirect.gather [hbm4b:s7+s13], $0x80, s25, s13, $0xb8;
	[tilespmem:$0x1E0C0] =	vst v63  }
0xe3: {  	_ =	swait.ge [sflag:s16], $0x4000  }
0xe4: {  	[sflag:s16] =	ssyncset.done $0x0  }
0xe5: {  	s30 =	sadd.s32 $0x1400, s24;
	[sflag:s16] =	ssyncadd.s32 $0xFFFFC000  }
0xe6: {  	[spmem:s1] =	stream.indirect.scatter.add.f32 [tilespmem:s14], [sflag:$0x3], $0x80, s30, s13, $0xb8;
	[tilespmem:$0x1E0C0] =	vst v63  }
0xe7: {  	_ =	swait.ge [sflag:s11], $0x4000  }
0xe8: {  	[sflag:s11] =	ssyncset.done $0x0  }
0xe9: {  	s31 =	sadd.s32 $0x100, s24;
	[sflag:s11] =	ssyncadd.s32 $0xFFFFC000  }
0xea: {  	[tilespmem:s14], [sflag:$0x1] =	stream.indirect.gather [hbm4b:s7+s13], $0x80, s31, s13, $0xb8;
	[tilespmem:$0x1E0C0] =	vst v63  }
0xeb: {  	_ =	swait.ge [sflag:s17], $0x4000  }
0xec: {  	[sflag:s17] =	ssyncset.done $0x0  }
0xed: {  	s25 =	sadd.s32 $0x1480, s24;
	[sflag:s17] =	ssyncadd.s32 $0xFFFFC000  }
0xee: {  	[spmem:s1] =	stream.indirect.scatter.add.f32 [tilespmem:s15], [sflag:$0x3], $0x80, s25, s13, $0xb8;
	[tilespmem:$0x1E0C0] =	vst v63  }
0xef: {  	_ =	swait.ge [sflag:s11], $0x4000  }
0xf0: {  	[sflag:s11] =	ssyncset.done $0x0  }
0xf1: {  	[sflag:s11] =	ssyncadd.s32 $0xFFFFC000  }
0xf2: {  	[tilespmem:s15], [sflag:$0x2] =	stream.indirect.gather [hbm4b:s7+s13], $0x80, s18, s13, $0xb8;
	[tilespmem:$0x1E0C0] =	vst v63  }
0xf3: {  	_ =	swait.ge [sflag:s16], $0x4000  }
0xf4: {  	[sflag:s16] =	ssyncset.done $0x0  }
0xf5: {  	[sflag:s16] =	ssyncadd.s32 $0xFFFFC000  }
0xf6: {  	[spmem:s1] =	stream.indirect.scatter.add.f32 [tilespmem:s14], [sflag:$0x3], $0x80, s19, s13, $0xb8;
	[tilespmem:$0x1E0C0] =	vst v63  }
0xf7: {  	_ =	swait.ge [sflag:s11], $0x4000  }
0xf8: {  	[sflag:s11] =	ssyncset.done $0x0  }
0xf9: {  	[sflag:s11] =	ssyncadd.s32 $0xFFFFC000  }
0xfa: {  	_ =	swait.ge [sflag:s17], $0x4000  }
0xfb: {  	[sflag:s17] =	ssyncset.done $0x0  }
0xfc: {  	[sflag:s17] =	ssyncadd.s32 $0xFFFFC000  }
0xfd: {  	[spmem:s1] =	stream.indirect.scatter.add.f32 [tilespmem:s15], [sflag:$0x3], $0x80, s20, s13, $0xb8;
	[tilespmem:$0x1E0C0] =	vst v63  }
0xfe: {  	_ =	swait.ge [sflag:s11], $0x4000  }
0xff: {  	[sflag:s11] =	ssyncset.done $0x0  }
0x100: {  	s26 =	simm.s32 $0x0;
	[sflag:s11] =	ssyncadd.s32 $0xFFFFC000  }
0x101: {  	[tilespmem:s26], [sflag:$0x3] =	stream.linear.gather [hbm4b:s22+s26], $0x1400, $0x38;
	[tilespmem:$0x1E0C0] =	vst v63  }
0x102: {  	_ =	swait.ge [sflag:s11], $0x1400  }
0x103: {  	[sflag:s11] =	ssyncset.done $0x0  }
0x104: {  	[sflag:s11] =	ssyncadd.s32 $0xFFFFEC00  }
0x105: {  	[tilespmem:s12], [sflag:$0x3] =	stream.linear.gather [hbm4b:s23+s26], $0x1400, $0x38;
	[tilespmem:$0x1E0C0] =	vst v63  }
0x106: {  	_ =	swait.ge [sflag:s11], $0x1400  }
0x107: {  	[sflag:s11] =	ssyncset.done $0x0  }
0x108: {  	[sflag:s11] =	ssyncadd.s32 $0xFFFFEC00  }
0x109: {  	[tilespmem:s14], [sflag:$0x1] =	stream.indirect.gather [hbm4b:s7+s13], $0x80, s26, s13, $0xb8;
	[tilespmem:$0x1E0C0] =	vst v63  }
0x10a: {  	s28 =	simm.s32 $0x80  }
0x10b: {  	[tilespmem:s15], [sflag:$0x2] =	stream.indirect.gather [hbm4b:s7+s13], $0x80, s28, s13, $0xb8;
	[tilespmem:$0x1E0C0] =	vst v63  }
0x10c: {  	_ =	swait.ge [sflag:s16], $0x4000  }
0x10d: {  	[sflag:s16] =	ssyncset.done $0x0  }
0x10e: {  	s29 =	simm.s32 $0x1400;
	[sflag:s16] =	ssyncadd.s32 $0xFFFFC000  }
0x10f: {  	[spmem:s1] =	stream.indirect.scatter.add.f32 [tilespmem:s14], [sflag:$0x3], $0x80, s29, s13, $0xb8;
	[tilespmem:$0x1E0C0] =	vst v63  }
0x110: {  	_ =	swait.ge [sflag:s11], $0x4000  }
0x111: {  	[sflag:s11] =	ssyncset.done $0x0  }
0x112: {  	s30 =	simm.s32 $0x100;
	[sflag:s11] =	ssyncadd.s32 $0xFFFFC000  }
0x113: {  	[tilespmem:s14], [sflag:$0x1] =	stream.indirect.gather [hbm4b:s7+s13], $0x80, s30, s13, $0xb8;
	[tilespmem:$0x1E0C0] =	vst v63  }
0x114: {  	_ =	swait.ge [sflag:s17], $0x4000  }
0x115: {  	[sflag:s17] =	ssyncset.done $0x0  }
0x116: {  	s31 =	simm.s32 $0x1480;
	[sflag:s17] =	ssyncadd.s32 $0xFFFFC000  }
0x117: {  	[spmem:s1] =	stream.indirect.scatter.add.f32 [tilespmem:s15], [sflag:$0x3], $0x80, s31, s13, $0xb8;
	[tilespmem:$0x1E0C0] =	vst v63  }
0x118: {  	_ =	swait.ge [sflag:s11], $0x4000  }
0x119: {  	s22 =	simm.s32 $0x100;
	s23 =	simm.s32 $0x800;
	[sflag:s11] =	ssyncset.done $0x0  }
.LBB2_8:
0x11a: {  	s24 =	sadd.s32 $0x80, s22  }
0x11b: {  	[sflag:s11] =	ssyncadd.s32 $0xFFFFC000;
	s25 =	smov.u32 s23;
	s26 =	sadd.s32 $0x400, s23  }
0x11c: {  	[tilespmem:s15], [sflag:$0x2] =	stream.indirect.gather [hbm4b:s7+s13], $0x80, s24, s13, $0xb8;
	[tilespmem:$0x1E0C0] =	vst v63  }
0x11d: {  	p2 =	sne.s32 s23, $0x4800;
	_ =	swait.ge [sflag:s16], $0x4000  }
0x11e: {  	[sflag:s16] =	ssyncset.done $0x0  }
0x11f: {  	s23 =	sadd.s32 $0x1400, s22;
	[sflag:s16] =	ssyncadd.s32 $0xFFFFC000  }
0x120: {  	[spmem:s1] =	stream.indirect.scatter.add.f32 [tilespmem:s14], [sflag:$0x3], $0x80, s23, s13, $0xb8;
	[tilespmem:$0x1E0C0] =	vst v63  }
0x121: {  	_ =	swait.ge [sflag:s11], $0x4000  }
0x122: {  	[sflag:s11] =	ssyncset.done $0x0  }
0x123: {  	s23 =	sadd.s32 $0x100, s22;
	[sflag:s11] =	ssyncadd.s32 $0xFFFFC000  }
0x124: {  	[tilespmem:s14], [sflag:$0x1] =	stream.indirect.gather [hbm4b:s7+s13], $0x80, s23, s13, $0xb8;
	[tilespmem:$0x1E0C0] =	vst v63  }
0x125: {  	_ =	swait.ge [sflag:s17], $0x4000  }
.Ltmp3:
0x126: {  	[sflag:s17] =	ssyncset.done $0x0;
	(pc) =	sbr.rel @p2 .LBB2_8-.Ltmp3, $4  }
0x127: {  	s22 =	sadd.s32 $0x1480, s22;
	[sflag:s17] =	ssyncadd.s32 $0xFFFFC000  }
0x128: {  	[spmem:s1] =	stream.indirect.scatter.add.f32 [tilespmem:s15], [sflag:$0x3], $0x80, s22, s13, $0xb8;
	[tilespmem:$0x1E0C0] =	vst v63  }
0x129: {  	_ =	swait.ge [sflag:s11], $0x4000  }
0x12a: {  	s23 =	smov.u32 s26;
	s22 =	sshra.s32 s25, $0x2;
	[sflag:s11] =	ssyncset.done $0x0  }
0x12b: {  	s23 =	sadd.s32 $0x80, s22;
	[sflag:s11] =	ssyncadd.s32 $0xFFFFC000  }
0x12c: {  	[tilespmem:s15], [sflag:$0x2] =	stream.indirect.gather [hbm4b:s7+s13], $0x80, s23, s13, $0xb8;
	[tilespmem:$0x1E0C0] =	vst v63  }
0x12d: {  	_ =	swait.ge [sflag:s16], $0x4000  }
0x12e: {  	[sflag:s16] =	ssyncset.done $0x0  }
0x12f: {  	s29 =	sadd.s32 $0x1400, s22;
	[sflag:s16] =	ssyncadd.s32 $0xFFFFC000  }
0x130: {  	[spmem:s1] =	stream.indirect.scatter.add.f32 [tilespmem:s14], [sflag:$0x3], $0x80, s29, s13, $0xb8;
	[tilespmem:$0x1E0C0] =	vst v63  }
0x131: {  	_ =	swait.ge [sflag:s11], $0x4000  }
0x132: {  	[sflag:s11] =	ssyncset.done $0x0  }
0x133: {  	s30 =	sadd.s32 $0x100, s22;
	[sflag:s11] =	ssyncadd.s32 $0xFFFFC000  }
0x134: {  	[tilespmem:s14], [sflag:$0x1] =	stream.indirect.gather [hbm4b:s7+s13], $0x80, s30, s13, $0xb8;
	[tilespmem:$0x1E0C0] =	vst v63  }
0x135: {  	_ =	swait.ge [sflag:s17], $0x4000  }
0x136: {  	[sflag:s17] =	ssyncset.done $0x0  }
0x137: {  	s31 =	sadd.s32 $0x1480, s22;
	[sflag:s17] =	ssyncadd.s32 $0xFFFFC000  }
0x138: {  	[spmem:s1] =	stream.indirect.scatter.add.f32 [tilespmem:s15], [sflag:$0x3], $0x80, s31, s13, $0xb8;
	[tilespmem:$0x1E0C0] =	vst v63  }
0x139: {  	_ =	swait.ge [sflag:s11], $0x4000  }
0x13a: {  	[sflag:s11] =	ssyncset.done $0x0  }
0x13b: {  	[sflag:s11] =	ssyncadd.s32 $0xFFFFC000  }
0x13c: {  	[tilespmem:s15], [sflag:$0x2] =	stream.indirect.gather [hbm4b:s7+s13], $0x80, s18, s13, $0xb8;
	[tilespmem:$0x1E0C0] =	vst v63  }
0x13d: {  	_ =	swait.ge [sflag:s16], $0x4000  }
0x13e: {  	[sflag:s16] =	ssyncset.done $0x0  }
0x13f: {  	[sflag:s16] =	ssyncadd.s32 $0xFFFFC000  }
0x140: {  	[spmem:s1] =	stream.indirect.scatter.add.f32 [tilespmem:s14], [sflag:$0x3], $0x80, s19, s13, $0xb8;
	[tilespmem:$0x1E0C0] =	vst v63  }
0x141: {  	_ =	swait.ge [sflag:s11], $0x4000  }
0x142: {  	[sflag:s11] =	ssyncset.done $0x0  }
0x143: {  	[sflag:s11] =	ssyncadd.s32 $0xFFFFC000  }
0x144: {  	_ =	swait.ge [sflag:s17], $0x4000  }
0x145: {  	[sflag:s17] =	ssyncset.done $0x0  }
0x146: {  	[sflag:s17] =	ssyncadd.s32 $0xFFFFC000  }
0x147: {  	[spmem:s1] =	stream.indirect.scatter.add.f32 [tilespmem:s15], [sflag:$0x3], $0x80, s20, s13, $0xb8;
	[tilespmem:$0x1E0C0] =	vst v63  }
0x148: {  	_ =	swait.ge [sflag:s11], $0x4000  }
0x149: {  	[sflag:s11] =	ssyncset.done $0x0  }
0x14a: {  	[sflag:s11] =	ssyncadd.s32 $0xFFFFC000  }
0x14b: {  	s22 =	simm.s32 @!p0 $0x1C03;
	s21 =	sadd.s32 $0x1, s21;
	[bflag:$0x0] =	sbarrier.arrive $0xFFFF  }
0x14c: {  	[hbm:s9], [sflag:s22] =	dma.local @!p0 [spmem:s10], $0x27180  }
0x14d: {  	p2 =	sne.s32 s21, s8;
	s22 =	simm.s32 @!p0 $0x3  }
.Ltmp4:
0x14e: {  	_ =	swait.ge @!p0 [sflag:s22], $0x27180;
	(pc) =	sbr.rel @p2 .LBB2_1-.Ltmp4, $3  }
0x14f: {  	[sflag:s22] =	ssyncset.done @!p0 $0x0  }
0x150: {  	[sflag:s22] =	ssyncadd.s32 @!p0 $0xFFFD8E80  }
0x151: {  	[bflag:$0x0] =	sbarrier.arrive $0xFFFF;
	_ =	sdelay $0x1  }
0x152: {  	_ =	sfence.sel $0x180000  }
0x153: {  	[bflag:$0x0] =	sbarrier.arrive $0xFFFF  }
0x154: {  	_ =	strace $0x9000004D  }
0x155: {  	s0 =	sadd.s32 @!p0 $0x100000, s0;
	[bflag:$0x2] =	sbarrier.arrive $0xFFFF  }
0x156: {  	[sflag:s0] =	ssyncadd.tile.s32 @!p0 $0x1;
	_ =	shalt  }
.Lfunc_end2:
_tile_overlayer_lowered:
.L_overlay_start_2:
0x157: {  	(tag) =	ssettag $0x2  }
0x158: {  	s0 =	rddreg [dreg:$0x0];
	s2 =	stileid.u32  }
0x159: {  	s1 =	rddreg [dreg:$0x1];
	p0 =	sne.s32 s2, $0x0  }
0x15a: {  	s3 =	rddreg [dreg:$0x2];
	[bflag:$0x3] =	sbarrier.arrive $0xFFFF;
	s2 =	simm.s32 @!p0 $0x1C03  }
0x15b: {  	[timem:s3], [sflag:s2] =	dma.local @!p0 [hbm:s0], s1  }
0x15c: {  	s0 =	simm.s32 @!p0 $0x3  }
0x15d: {  	_ =	swait.ge @!p0 [sflag:s0], s1  }
0x15e: {  	s1 =	ssub.s32 @!p0 $0x0, s1;
	[sflag:s0] =	ssyncset.done @!p0 $0x0  }
0x15f: {  	[sflag:s0] =	ssyncadd.s32 @!p0 s1  }
0x160: {  	[bflag:$0x3] =	sbarrier.arrive $0xFFFF  }
0x161: {  	_ =	shalt  }

// kernel: kernel.22.cloned.1.call-start
scs
__scs_entry_jumppad:
0x0: {  	(pc) =	sbr.rel $0x88, $3  }
0x1: {  	(tag) =	ssettag $0x0;
	lr =	simm.s32 $0x1  }
0x2: {  	[smem:$0x3F98] =	sst lr;
	_ =	strace $0xD0000000  }
0x3: {  	_ = 	snop  }
0x4: {  	_ = 	snop  }
0x5: {  	_ = 	snop  }
0x6: {  	_ = 	snop  }
0x7: {  	_ = 	snop  }
__scs_overlays_trampoline_lowered:
0x8: {  	[smem:$0x3FA7] =	sst s0  }
0x9: {  	[smem:$0x3FA8] =	sst s1  }
0xa: {  	[smem:$0x3FA9] =	sst s2  }
0xb: {  	[smem:$0x3FAA] =	sst s3  }
0xc: {  	[smem:$0x3FAB] =	sst s4  }
0xd: {  	[smem:$0x3FAC] =	sst s5  }
0xe: {  	[smem:$0x3FAD] =	sst s6  }
0xf: {  	[smem:$0x3FAE] =	sst s7  }
0x10: {  	[smem:$0x3FAF] =	sst s8  }
0x11: {  	[smem:$0x3FB0] =	sst s9;
	s0 =	simm.s32 @!p0 $0x0  }
0x12: {  	s1 =	sld [smem:$0x3F96];
	s0 =	simm.s32 @p0 $0x1  }
0x13: {  	[smem:$0x3FB1] =	sst s0;
	s0 =	simm.s32 @!p1 $0x0  }
0x14: {  	s2 =	sld [smem:$0x3F95];
	s0 =	simm.s32 @p1 $0x1  }
0x15: {  	[smem:$0x3FB2] =	sst s0;
	s0 =	simm.s32 @!p2 $0x0  }
0x16: {  	s3 =	sld [smem:$0x3FDB];
	s0 =	simm.s32 @p2 $0x1  }
0x17: {  	s4 =	simm.s32 $0x1BF5;
	[smem:$0x3FB4] =	sst s0  }
0x18: {  	s0 =	sld [smem:$0x3F97];
	_ =	swait.ge [sflag:s4], $0x0  }
0x19: {  	s7 =	sld [smem:$0x3F98]  }
0x1a: {  	s8 =	sadd.s32 $0xFFFFE003, lr  }
0x1b: {  	s9 =	sadd.s32 $0xFFFFFEF7, lr;
	s5 =	simm.s32 $0xFFFFFFFF;
	p2 =	slt.u32 s8, $0xFFFFF086  }
0x1c: {  	p1 =	slt.u32 s9, $0xF7A;
	s5 =	simm.s32 @!p2 $0x0  }
0x1d: {  	s5 =	simm.s32 @p1 $0x1;
	p0 =	seq.s32 s7, s2  }
0x1e: {  	s7 =	smul.u32 @!p0 $0xF7A, s2;
	p2 =	seq.s32 @!p0 s5, $0x0  }
0x1f: {  	s9 =	smul.u32 $0xF7A, s1;
	s8 =	simm.s32 @!p0 $0x1BF5;
	p2 =	por !p2, p0  }
0x20: {  	[sflag:s8] =	ssyncset.s32 @!p0 $0xFFFFF086;
	s6 =	sadd.s32 @!p0 s3, s7;
	s7 =	simm.s32 @!p0 $0x108  }
0x21: {  	s3 =	sadd.s32 s3, s9;
	s6 =	sadd.s32 @!p0 $0x88, s6;
	s7 =	simm.s32 @p2 $0x1082  }
0x22: {  	[simem:s7], [sflag:s8] =	dma.local @!p0 [hbm:s6], $0xF7A  }
0x23: {  	s9 =	sor.u32 $0xD0000000, s2;
	s6 =	simm.s32 $0x108;
	_ =	swait.ge @!p0 [sflag:s8], $0x0  }
0x24: {  	s3 =	sadd.s32 $0x88, s3;
	s6 =	simm.s32 @!p1 $0x1082;
	[sflag:s4] =	ssyncset.s32 $0xFFFFF086  }
0x25: {  	[simem:s6], [sflag:s4] =	dma.local [hbm:s3], $0xF7A  }
0x26: {  	[smem:$0x3F98] =	sst s1;
	(tag) =	ssettag s2;
	_ =	strace s9  }
0x27: {  	s1 =	sld [smem:$0x3FA8]  }
0x28: {  	s2 =	sld [smem:$0x3FA9]  }
0x29: {  	s4 =	sld [smem:$0x3FAB]  }
0x2a: {  	p0 =	seq.s32 s5, $0x0;
	s5 =	sld [smem:$0x3FAC]  }
0x2b: {  	s6 =	sld [smem:$0x3FAD]  }
0x2c: {  	s7 =	sld [smem:$0x3FAE]  }
0x2d: {  	s3 =	simm.s32 $0x108;
	s8 =	sld [smem:$0x3FAF]  }
0x2e: {  	s3 =	simm.s32 @!p0 $0x1082;
	s9 =	sld [smem:$0x3FB0]  }
0x2f: {  	lr =	sadd.s32 s0, s3;
	s0 =	sld [smem:$0x3FA7]  }
0x30: {  	s3 =	sld [smem:$0x3FAA]  }
0x31: {  	[smem:$0x3FB3] =	sst s10  }
0x32: {  	s10 =	sld [smem:$0x3FB1];
	_ =	sdelay $0x3  }
0x33: {  	p0 =	seq.s32 s10, $0x1;
	s10 =	sld [smem:$0x3FB3];
	_ =	sdelay $0x3  }
0x34: {  	[smem:$0x3FB3] =	sst s10  }
0x35: {  	s10 =	sld [smem:$0x3FB2];
	_ =	sdelay $0x3  }
0x36: {  	p1 =	seq.s32 s10, $0x1;
	s10 =	sld [smem:$0x3FB3];
	_ =	sdelay $0x3  }
0x37: {  	[smem:$0x3FB3] =	sst s10  }
0x38: {  	s10 =	sld [smem:$0x3FB4]  }
0x39: {  	_ = 	snop;
	(pc) =	sbr.ind lr, $3  }
0x3a: {  	_ = 	snop  }
0x3b: {  	_ = 	snop  }
0x3c: {  	p2 =	seq.s32 s10, $0x1;
	s10 =	sld [smem:$0x3FB3]  }
0x3d: {  	_ =	shalt  }
0x3e: {  	_ =	shalt  }
0x3f: {  	_ =	shalt  }
0x40: {  	_ =	shalt  }
0x41: {  	_ =	shalt  }
0x42: {  	_ =	shalt  }
0x43: {  	_ =	shalt  }
0x44: {  	_ =	shalt  }
0x45: {  	_ =	shalt  }
0x46: {  	_ =	shalt  }
0x47: {  	_ =	shalt  }
0x48: {  	_ =	shalt  }
0x49: {  	_ =	shalt  }
0x4a: {  	_ =	shalt  }
0x4b: {  	_ =	shalt  }
0x4c: {  	_ =	shalt  }
0x4d: {  	_ =	shalt  }
0x4e: {  	_ =	shalt  }
0x4f: {  	_ =	shalt  }
0x50: {  	_ =	shalt  }
0x51: {  	_ =	shalt  }
0x52: {  	_ =	shalt  }
0x53: {  	_ =	shalt  }
0x54: {  	_ =	shalt  }
0x55: {  	_ =	shalt  }
0x56: {  	_ =	shalt  }
0x57: {  	_ =	shalt  }
0x58: {  	_ =	shalt  }
0x59: {  	_ =	shalt  }
0x5a: {  	_ =	shalt  }
0x5b: {  	_ =	shalt  }
0x5c: {  	_ =	shalt  }
0x5d: {  	_ =	shalt  }
0x5e: {  	_ =	shalt  }
0x5f: {  	_ =	shalt  }
0x60: {  	_ =	shalt  }
0x61: {  	_ =	shalt  }
0x62: {  	_ =	shalt  }
0x63: {  	_ =	shalt  }
0x64: {  	_ =	shalt  }
0x65: {  	_ =	shalt  }
0x66: {  	_ =	shalt  }
0x67: {  	_ =	shalt  }
0x68: {  	_ =	shalt  }
0x69: {  	_ =	shalt  }
0x6a: {  	_ =	shalt  }
0x6b: {  	_ =	shalt  }
0x6c: {  	_ =	shalt  }
0x6d: {  	_ =	shalt  }
0x6e: {  	_ =	shalt  }
0x6f: {  	_ =	shalt  }
0x70: {  	_ =	shalt  }
0x71: {  	_ =	shalt  }
0x72: {  	_ =	shalt  }
0x73: {  	_ =	shalt  }
0x74: {  	_ =	shalt  }
0x75: {  	_ =	shalt  }
0x76: {  	_ =	shalt  }
0x77: {  	_ =	shalt  }
0x78: {  	_ =	shalt  }
0x79: {  	_ =	shalt  }
0x7a: {  	_ =	shalt  }
0x7b: {  	_ =	shalt  }
0x7c: {  	_ =	shalt  }
0x7d: {  	_ =	shalt  }
0x7e: {  	_ =	shalt  }
0x7f: {  	_ =	shalt  }
0x80: {  	_ =	shalt  }
0x81: {  	_ =	shalt  }
0x82: {  	_ =	shalt  }
0x83: {  	_ =	shalt  }
0x84: {  	_ =	shalt  }
0x85: {  	_ =	shalt  }
0x86: {  	_ =	shalt  }
0x87: {  	_ =	shalt  }
.Lfunc_end0:
.L_simem_size_0:
called_computation.3_lowered:
.L_overlay_start_0:
0x88: {  	s2 =	sld [smem:$0x3FD9]  }
0x89: {  	s3 =	sld [smem:$0x3FFE];
	_ =	sdelay $0x1  }
0x8a: {  	s1 =	srdreg.scid  }
0x8b: {  	s0 =	sand.u32 $0x1, s1  }
0x8c: {  	s16 =	sshll.u32 s0, $0xA;
	s2 =	sadd.s32 s3, s2  }
0x8d: {  	s2 =	sadd.s32 s2, s16  }
0x8e: {  	[smem:$0x3FBF] =	sst s2  }
0x8f: {  	_ = 	snop  }
0x90: {  	(tm) =	ssettm $0x1  }
0x91: {  	s17 =	sld [smem:$0x3FFB];
	_ =	sdelay $0x3  }
0x92: {  	_ =	strace s17  }
0x93: {  	s2 =	sld [smem:$0x3FFC];
	_ =	sdelay $0x3  }
0x94: {  	_ =	strace s2  }
0x95: {  	s2 =	sld [smem:$0x3FFD];
	_ =	sdelay $0x3  }
0x96: {  	_ =	strace s2  }
0x97: {  	_ =	strace $0x8FFFFFFF  }
0x98: {  	s18 =	sld [smem:$0x3FDB];
	_ =	sdelay $0x1  }
0x99: {  	s19 =	simm.s32 $_scs_section_size  }
0x9a: {  	s4 =	simm.s32 $_size__tile_overlayer_lowered;
	s5 =	simm.s32 $_tile_overlayer_lowered  }
0x9b: {  	s22 =	simm.s32 $0x1BFF;
	s21 =	sshll.u32 s5, $0x1;
	s2 =	sadd.s32 s19, s18  }
0x9c: {  	s6 =	simm.s32 $0x0;
	s20 =	sshll.u32 s4, $0x1;
	s4 =	sadd.s32 s21, s2  }
0x9d: {  	[timem:s6], [sflag:s22] =	dma.local [hbm:s4], s20  }
0x9e: {  	_ =	swait.ge [sflag:s22], s20  }
0x9f: {  	s3 =	ssub.s32 $0x0, s20;
	[sflag:s22] =	ssyncset.done $0x0  }
0xa0: {  	[sflag:s22] =	ssyncadd.s32 s3;
	_ =	sdelay $0x1  }
0xa1: {  	s23 =	simm.s32 $0x1B8B  }
0xa2: {  	_ =	swait.ge [sflag:s23], $0x1  }
0xa3: {  	[sflag:s23] =	ssyncset.done $0x0  }
0xa4: {  	s25 =	simm.s32 $0x1B8E;
	s24 =	sld [smem:$0x3FFE];
	[sflag:s23] =	ssyncadd.s32 $0xFFFFFFFF  }
0xa5: {  	s26 =	simm.s32 $execute0_lowered;
	[smem:$0x3FD2] =	sst s25  }
0xa6: {  	s4 =	sshll.u32 s26, $0x1;
	_ =	strace $0x8000004F;
	[dreg:$0x1] =	wrdreg $0xFFFFFFFF  }
0xa7: {  	s28 =	simm.s32 $_size_execute0_lowered;
	s2 =	sadd.s32 s2, s4;
	[dreg:$0x0] =	wrdreg $0x0  }
0xa8: {  	s4 =	sshll.u32 s28, $0x1;
	[dreg:$0x2] =	wrdreg s2  }
0xa9: {  	[dreg:$0x3] =	wrdreg s4  }
0xaa: {  	[dreg:$0x4] =	wrdreg $0xC0  }
0xab: {  	_ =	task [dreg:s6], $0x5FFFF  }
0xac: {  	[dreg:$0x1] =	wrdreg $0xFFFFFFFF  }
0xad: {  	[dreg:$0x0] =	wrdreg $0x60  }
0xae: {  	[dreg:$0x2] =	wrdreg s24  }
0xaf: {  	[dreg:$0x3] =	wrdreg $0xA8000  }
0xb0: {  	[dreg:$0x4] =	wrdreg $0x9  }
0xb1: {  	_ =	task.clear_ibuf [dreg:s6], $0x5FFFF;
	_ =	strace $0x9000004F  }
0xb2: {  	s29 =	simm.s32 $0x9;
	_ =	strace $0x80000051  }
0xb3: {  	_ =	swait.ge [sflag:s29], $0x1  }
0xb4: {  	[sflag:s29] =	ssyncadd.s32 $0xFFFFFFFF  }
0xb5: {  	_ =	strace $0x90000051  }
0xb6: {  	_ =	sfence  }
0xb7: {  	s30 =	sld [smem:$0x0];
	_ =	sdelay $0x2  }
0xb8: {  	s31 =	sshll.u32 s1, $0xD;
	s1 =	sshrl.u32 s1, $0x2  }
0xb9: {  	s3 =	sand.u32 $0x4000, s31;
	s1 =	sadd.s32 s1, s30  }
0xba: {  	s0 =	sor.u32 s3, s0;
	s1 =	sshll.u32 s1, $0x11  }
0xbb: {  	s0 =	sor.u32 s1, s0  }
0xbc: {  	s0 =	sadd.s32 $0x8F2B, s0  }
0xbd: {  	[sflag:s0] =	ssyncadd.remote.s32 $0x1  }
0xbe: {  	_ =	sfence.sel $0xFFFF  }
0xbf: {  	[dreg:$0x0] =	wrdreg $0xFFFFFFFF;
	(pc) =	sbr.abs _section_cstart, $3  }
0xc0: {  	[dreg:$0x1] =	wrdreg $0xFFFFFFFF  }
0xc1: {  	_ =	task.clear_ibuf [dreg:s6], $0x2FFFF;
	_ =	strace $0x9FFFFFFF  }
0xc2: {  	(tm) =	ssettm $0x7FFFFFFF  }
0xc3: {  	_ =	shalt  }
tec
execute0_lowered:
.L_overlay_start_1:
0x0: {  	(tag) =	ssettag $0x1  }
0x1: {  	s3 =	rddreg [dreg:$0x0]  }
0x2: {  	s1 =	rddreg [dreg:$0x1]  }
0x3: {  	s0 =	rddreg [dreg:$0x2]  }
0x4: {  	s2 =	simm.s32 $0x0;
	s21 =	stileid.u32;
	s4 =	srdreg.scid  }
0x5: {  	s12 =	simm.s32 $0x1400;
	s13 =	simm.s32 $0x80;
	s14 =	simm.s32 $0x2800  }
0x6: {  	s15 =	simm.s32 $0x6800;
	s16 =	simm.s32 $0x1;
	s17 =	simm.s32 $0x2  }
0x7: {  	s18 =	simm.s32 $0x1380;
	s19 =	simm.s32 $0x2700;
	s20 =	simm.s32 $0x2780  }
0x8: {  	[smem:$0x7FF] =	sst s2;
	s5 =	smul.u32 $0x500, s21;
	s4 =	sand.u32 $0x1, s4  }
0x9: {  	s8 =	sadd.s32 $0xD0200, s3;
	s9 =	sadd.s32 $0x16C800, s3;
	p0 =	sne.s32 s21, $0x0  }
0xa: {  	p1 =	seq.s32 s21, $0x0;
	s6 =	ssub.s32 $0x2, s4;
	s7 =	smul.u32 $0x4E300, s4  }
0xb: {  	s21 =	simm.s32 $0x0;
	_ =	strace $0x80000050;
	s31 =	sshrl.u32 s6, $0x1  }
0xc: {  	s5 =	sadd.s32 s5, s3;
	s10 =	ssub.s32 s6, s31;
	s3 =	sadd.s32 s8, s7  }
0xd: {  	s4 =	sadd.s32 $0x2EC00, s5;
	s5 =	sadd.s32 $0x2A00, s5;
	s11 =	sadd.s32 $0x27180, s7  }
0xe: {  	s6 =	sadd.s32 s9, s7;
	s7 =	sadd.s32 s8, s11;
	s8 =	smax.u32 s10, $0x1  }
0xf: {  	s9 =	sadd.s32 s9, s11;
	s10 =	sshrl.u32 @!p0 s1, $0x3;
	s11 =	simm.s32 $0x3  }
.LBB2_1:
0x10: {  	s22 =	simm.s32 @!p0 $0x1C03  }
0x11: {  	[spmem:s10], [sflag:s22] =	dma.local @!p0 [hbm:s3], $0x27180  }
0x12: {  	s22 =	simm.s32 @!p0 $0x3  }
0x13: {  	_ =	swait.ge @!p0 [sflag:s22], $0x27180  }
0x14: {  	[sflag:s22] =	ssyncset.done @!p0 $0x0  }
0x15: {  	[sflag:s22] =	ssyncadd.s32 @!p0 $0xFFFD8E80  }
0x16: {  	[bflag:$0x0] =	sbarrier.arrive $0xFFFF  }
0x17: {  	[tilespmem:s2], [sflag:$0x3] =	stream.linear.gather [hbm4b:s4+s2], $0x1400, $0x38;
	[tilespmem:$0x1E0C0] =	vst v63  }
0x18: {  	_ =	swait.ge [sflag:s11], $0x1400  }
0x19: {  	[sflag:s11] =	ssyncset.done $0x0  }
0x1a: {  	[sflag:s11] =	ssyncadd.s32 $0xFFFFEC00  }
0x1b: {  	[tilespmem:s12], [sflag:$0x3] =	stream.linear.gather [hbm4b:s5+s2], $0x1400, $0x38;
	[tilespmem:$0x1E0C0] =	vst v63  }
0x1c: {  	_ =	swait.ge [sflag:s11], $0x1400  }
0x1d: {  	[sflag:s11] =	ssyncset.done $0x0  }
0x1e: {  	[sflag:s11] =	ssyncadd.s32 $0xFFFFEC00  }
0x1f: {  	[tilespmem:s14], [sflag:$0x1] =	stream.indirect.gather [hbm4b:s3+s13], $0x80, s2, s13, $0xb8;
	[tilespmem:$0x1E0C0] =	vst v63  }
0x20: {  	s28 =	simm.s32 $0x80  }
0x21: {  	[tilespmem:s15], [sflag:$0x2] =	stream.indirect.gather [hbm4b:s3+s13], $0x80, s28, s13, $0xb8;
	[tilespmem:$0x1E0C0] =	vst v63  }
0x22: {  	_ =	swait.ge [sflag:s16], $0x4000  }
0x23: {  	[sflag:s16] =	ssyncset.done $0x0  }
0x24: {  	s29 =	simm.s32 $0x1400;
	[sflag:s16] =	ssyncadd.s32 $0xFFFFC000  }
0x25: {  	[spmem:s1] =	stream.indirect.scatter.add.f32 [tilespmem:s14], [sflag:$0x3], $0x80, s29, s13, $0xb8;
	[tilespmem:$0x1E0C0] =	vst v63  }
0x26: {  	_ =	swait.ge [sflag:s11], $0x4000  }
0x27: {  	[sflag:s11] =	ssyncset.done $0x0  }
0x28: {  	s30 =	simm.s32 $0x100;
	[sflag:s11] =	ssyncadd.s32 $0xFFFFC000  }
0x29: {  	[tilespmem:s14], [sflag:$0x1] =	stream.indirect.gather [hbm4b:s3+s13], $0x80, s30, s13, $0xb8;
	[tilespmem:$0x1E0C0] =	vst v63  }
0x2a: {  	_ =	swait.ge [sflag:s17], $0x4000  }
0x2b: {  	[sflag:s17] =	ssyncset.done $0x0  }
0x2c: {  	s31 =	simm.s32 $0x1480;
	[sflag:s17] =	ssyncadd.s32 $0xFFFFC000  }
0x2d: {  	[spmem:s1] =	stream.indirect.scatter.add.f32 [tilespmem:s15], [sflag:$0x3], $0x80, s31, s13, $0xb8;
	[tilespmem:$0x1E0C0] =	vst v63  }
0x2e: {  	_ =	swait.ge [sflag:s11], $0x4000  }
0x2f: {  	s23 =	simm.s32 $0x800;
	s22 =	simm.s32 $0x100;
	[sflag:s11] =	ssyncset.done $0x0  }
.LBB2_2:
0x30: {  	s24 =	sadd.s32 $0x80, s22  }
0x31: {  	[sflag:s11] =	ssyncadd.s32 $0xFFFFC000;
	s25 =	smov.u32 s23;
	s26 =	sadd.s32 $0x400, s23  }
0x32: {  	[tilespmem:s15], [sflag:$0x2] =	stream.indirect.gather [hbm4b:s3+s13], $0x80, s24, s13, $0xb8;
	[tilespmem:$0x1E0C0] =	vst v63  }
0x33: {  	p2 =	sne.s32 s23, $0x4800;
	_ =	swait.ge [sflag:s16], $0x4000  }
0x34: {  	[sflag:s16] =	ssyncset.done $0x0  }
0x35: {  	s23 =	sadd.s32 $0x1400, s22;
	[sflag:s16] =	ssyncadd.s32 $0xFFFFC000  }
0x36: {  	[spmem:s1] =	stream.indirect.scatter.add.f32 [tilespmem:s14], [sflag:$0x3], $0x80, s23, s13, $0xb8;
	[tilespmem:$0x1E0C0] =	vst v63  }
0x37: {  	_ =	swait.ge [sflag:s11], $0x4000  }
0x38: {  	[sflag:s11] =	ssyncset.done $0x0  }
0x39: {  	s23 =	sadd.s32 $0x100, s22;
	[sflag:s11] =	ssyncadd.s32 $0xFFFFC000  }
0x3a: {  	[tilespmem:s14], [sflag:$0x1] =	stream.indirect.gather [hbm4b:s3+s13], $0x80, s23, s13, $0xb8;
	[tilespmem:$0x1E0C0] =	vst v63  }
0x3b: {  	_ =	swait.ge [sflag:s17], $0x4000  }
.Ltmp0:
0x3c: {  	[sflag:s17] =	ssyncset.done $0x0;
	(pc) =	sbr.rel @p2 .LBB2_2-.Ltmp0, $4  }
0x3d: {  	s22 =	sadd.s32 $0x1480, s22;
	[sflag:s17] =	ssyncadd.s32 $0xFFFFC000  }
0x3e: {  	[spmem:s1] =	stream.indirect.scatter.add.f32 [tilespmem:s15], [sflag:$0x3], $0x80, s22, s13, $0xb8;
	[tilespmem:$0x1E0C0] =	vst v63  }
0x3f: {  	_ =	swait.ge [sflag:s11], $0x4000  }
0x40: {  	s23 =	smov.u32 s26;
	s22 =	sshra.s32 s25, $0x2;
	[sflag:s11] =	ssyncset.done $0x0  }
0x41: {  	s23 =	sadd.s32 $0x80, s22;
	[sflag:s11] =	ssyncadd.s32 $0xFFFFC000  }
0x42: {  	[tilespmem:s15], [sflag:$0x2] =	stream.indirect.gather [hbm4b:s3+s13], $0x80, s23, s13, $0xb8;
	[tilespmem:$0x1E0C0] =	vst v63  }
0x43: {  	_ =	swait.ge [sflag:s16], $0x4000  }
0x44: {  	[sflag:s16] =	ssyncset.done $0x0  }
0x45: {  	s24 =	sadd.s32 $0x1400, s22;
	[sflag:s16] =	ssyncadd.s32 $0xFFFFC000  }
0x46: {  	[spmem:s1] =	stream.indirect.scatter.add.f32 [tilespmem:s14], [sflag:$0x3], $0x80, s24, s13, $0xb8;
	[tilespmem:$0x1E0C0] =	vst v63  }
0x47: {  	_ =	swait.ge [sflag:s11], $0x4000  }
0x48: {  	[sflag:s11] =	ssyncset.done $0x0  }
0x49: {  	s25 =	sadd.s32 $0x100, s22;
	[sflag:s11] =	ssyncadd.s32 $0xFFFFC000  }
0x4a: {  	[tilespmem:s14], [sflag:$0x1] =	stream.indirect.gather [hbm4b:s3+s13], $0x80, s25, s13, $0xb8;
	[tilespmem:$0x1E0C0] =	vst v63  }
0x4b: {  	_ =	swait.ge [sflag:s17], $0x4000  }
0x4c: {  	[sflag:s17] =	ssyncset.done $0x0  }
0x4d: {  	s26 =	sadd.s32 $0x1480, s22;
	[sflag:s17] =	ssyncadd.s32 $0xFFFFC000  }
0x4e: {  	[spmem:s1] =	stream.indirect.scatter.add.f32 [tilespmem:s15], [sflag:$0x3], $0x80, s26, s13, $0xb8;
	[tilespmem:$0x1E0C0] =	vst v63  }
0x4f: {  	_ =	swait.ge [sflag:s11], $0x4000  }
0x50: {  	[sflag:s11] =	ssyncset.done $0x0  }
0x51: {  	[sflag:s11] =	ssyncadd.s32 $0xFFFFC000  }
0x52: {  	[tilespmem:s15], [sflag:$0x2] =	stream.indirect.gather [hbm4b:s3+s13], $0x80, s18, s13, $0xb8;
	[tilespmem:$0x1E0C0] =	vst v63  }
0x53: {  	_ =	swait.ge [sflag:s16], $0x4000  }
0x54: {  	[sflag:s16] =	ssyncset.done $0x0  }
0x55: {  	[sflag:s16] =	ssyncadd.s32 $0xFFFFC000  }
0x56: {  	[spmem:s1] =	stream.indirect.scatter.add.f32 [tilespmem:s14], [sflag:$0x3], $0x80, s19, s13, $0xb8;
	[tilespmem:$0x1E0C0] =	vst v63  }
0x57: {  	_ =	swait.ge [sflag:s11], $0x4000  }
0x58: {  	[sflag:s11] =	ssyncset.done $0x0  }
0x59: {  	[sflag:s11] =	ssyncadd.s32 $0xFFFFC000  }
0x5a: {  	_ =	swait.ge [sflag:s17], $0x4000  }
0x5b: {  	[sflag:s17] =	ssyncset.done $0x0  }
0x5c: {  	[sflag:s17] =	ssyncadd.s32 $0xFFFFC000  }
0x5d: {  	[spmem:s1] =	stream.indirect.scatter.add.f32 [tilespmem:s15], [sflag:$0x3], $0x80, s20, s13, $0xb8;
	[tilespmem:$0x1E0C0] =	vst v63  }
0x5e: {  	_ =	swait.ge [sflag:s11], $0x4000  }
0x5f: {  	[sflag:s11] =	ssyncset.done $0x0  }
0x60: {  	s22 =	sadd.s32 $0x280, s4;
	s24 =	simm.s32 $0x0;
	[sflag:s11] =	ssyncadd.s32 $0xFFFFC000  }
0x61: {  	[tilespmem:s24], [sflag:$0x3] =	stream.linear.gather [hbm4b:s22+s24], $0x1400, $0x38;
	[tilespmem:$0x1E0C0] =	vst v63  }
0x62: {  	_ =	swait.ge [sflag:s11], $0x1400  }
0x63: {  	[sflag:s11] =	ssyncset.done $0x0  }
0x64: {  	s23 =	sadd.s32 $0x280, s5;
	[sflag:s11] =	ssyncadd.s32 $0xFFFFEC00  }
0x65: {  	[tilespmem:s12], [sflag:$0x3] =	stream.linear.gather [hbm4b:s23+s24], $0x1400, $0x38;
	[tilespmem:$0x1E0C0] =	vst v63  }
0x66: {  	_ =	swait.ge [sflag:s11], $0x1400  }
0x67: {  	[sflag:s11] =	ssyncset.done $0x0  }
0x68: {  	[sflag:s11] =	ssyncadd.s32 $0xFFFFEC00  }
0x69: {  	[tilespmem:s14], [sflag:$0x1] =	stream.indirect.gather [hbm4b:s3+s13], $0x80, s24, s13, $0xb8;
	[tilespmem:$0x1E0C0] =	vst v63  }
0x6a: {  	s28 =	simm.s32 $0x80  }
0x6b: {  	[tilespmem:s15], [sflag:$0x2] =	stream.indirect.gather [hbm4b:s3+s13], $0x80, s28, s13, $0xb8;
	[tilespmem:$0x1E0C0] =	vst v63  }
0x6c: {  	_ =	swait.ge [sflag:s16], $0x4000  }
0x6d: {  	[sflag:s16] =	ssyncset.done $0x0  }
0x6e: {  	s29 =	simm.s32 $0x1400;
	[sflag:s16] =	ssyncadd.s32 $0xFFFFC000  }
0x6f: {  	[spmem:s1] =	stream.indirect.scatter.add.f32 [tilespmem:s14], [sflag:$0x3], $0x80, s29, s13, $0xb8;
	[tilespmem:$0x1E0C0] =	vst v63  }
0x70: {  	_ =	swait.ge [sflag:s11], $0x4000  }
0x71: {  	[sflag:s11] =	ssyncset.done $0x0  }
0x72: {  	s30 =	simm.s32 $0x100;
	[sflag:s11] =	ssyncadd.s32 $0xFFFFC000  }
0x73: {  	[tilespmem:s14], [sflag:$0x1] =	stream.indirect.gather [hbm4b:s3+s13], $0x80, s30, s13, $0xb8;
	[tilespmem:$0x1E0C0] =	vst v63  }
0x74: {  	_ =	swait.ge [sflag:s17], $0x4000  }
0x75: {  	[sflag:s17] =	ssyncset.done $0x0  }
0x76: {  	s31 =	simm.s32 $0x1480;
	[sflag:s17] =	ssyncadd.s32 $0xFFFFC000  }
0x77: {  	[spmem:s1] =	stream.indirect.scatter.add.f32 [tilespmem:s15], [sflag:$0x3], $0x80, s31, s13, $0xb8;
	[tilespmem:$0x1E0C0] =	vst v63  }
0x78: {  	_ =	swait.ge [sflag:s11], $0x4000  }
0x79: {  	s25 =	simm.s32 $0x800;
	s24 =	simm.s32 $0x100;
	[sflag:s11] =	ssyncset.done $0x0  }
.LBB2_4:
0x7a: {  	s26 =	sadd.s32 $0x80, s24  }
0x7b: {  	[sflag:s11] =	ssyncadd.s32 $0xFFFFC000;
	s28 =	smov.u32 s25;
	s29 =	sadd.s32 $0x400, s25  }
0x7c: {  	[tilespmem:s15], [sflag:$0x2] =	stream.indirect.gather [hbm4b:s3+s13], $0x80, s26, s13, $0xb8;
	[tilespmem:$0x1E0C0] =	vst v63  }
0x7d: {  	p2 =	sne.s32 s25, $0x4800;
	_ =	swait.ge [sflag:s16], $0x4000  }
0x7e: {  	[sflag:s16] =	ssyncset.done $0x0  }
0x7f: {  	s25 =	sadd.s32 $0x1400, s24;
	[sflag:s16] =	ssyncadd.s32 $0xFFFFC000  }
0x80: {  	[spmem:s1] =	stream.indirect.scatter.add.f32 [tilespmem:s14], [sflag:$0x3], $0x80, s25, s13, $0xb8;
	[tilespmem:$0x1E0C0] =	vst v63  }
0x81: {  	_ =	swait.ge [sflag:s11], $0x4000  }
0x82: {  	[sflag:s11] =	ssyncset.done $0x0  }
0x83: {  	s25 =	sadd.s32 $0x100, s24;
	[sflag:s11] =	ssyncadd.s32 $0xFFFFC000  }
0x84: {  	[tilespmem:s14], [sflag:$0x1] =	stream.indirect.gather [hbm4b:s3+s13], $0x80, s25, s13, $0xb8;
	[tilespmem:$0x1E0C0] =	vst v63  }
0x85: {  	_ =	swait.ge [sflag:s17], $0x4000  }
.Ltmp1:
0x86: {  	[sflag:s17] =	ssyncset.done $0x0;
	(pc) =	sbr.rel @p2 .LBB2_4-.Ltmp1, $4  }
0x87: {  	s24 =	sadd.s32 $0x1480, s24;
	[sflag:s17] =	ssyncadd.s32 $0xFFFFC000  }
0x88: {  	[spmem:s1] =	stream.indirect.scatter.add.f32 [tilespmem:s15], [sflag:$0x3], $0x80, s24, s13, $0xb8;
	[tilespmem:$0x1E0C0] =	vst v63  }
0x89: {  	_ =	swait.ge [sflag:s11], $0x4000  }
0x8a: {  	s25 =	smov.u32 s29;
	s24 =	sshra.s32 s28, $0x2;
	[sflag:s11] =	ssyncset.done $0x0  }
0x8b: {  	s25 =	sadd.s32 $0x80, s24;
	[sflag:s11] =	ssyncadd.s32 $0xFFFFC000  }
0x8c: {  	[tilespmem:s15], [sflag:$0x2] =	stream.indirect.gather [hbm4b:s3+s13], $0x80, s25, s13, $0xb8;
	[tilespmem:$0x1E0C0] =	vst v63  }
0x8d: {  	_ =	swait.ge [sflag:s16], $0x4000  }
0x8e: {  	[sflag:s16] =	ssyncset.done $0x0  }
0x8f: {  	s30 =	sadd.s32 $0x1400, s24;
	[sflag:s16] =	ssyncadd.s32 $0xFFFFC000  }
0x90: {  	[spmem:s1] =	stream.indirect.scatter.add.f32 [tilespmem:s14], [sflag:$0x3], $0x80, s30, s13, $0xb8;
	[tilespmem:$0x1E0C0] =	vst v63  }
0x91: {  	_ =	swait.ge [sflag:s11], $0x4000  }
0x92: {  	[sflag:s11] =	ssyncset.done $0x0  }
0x93: {  	s31 =	sadd.s32 $0x100, s24;
	[sflag:s11] =	ssyncadd.s32 $0xFFFFC000  }
0x94: {  	[tilespmem:s14], [sflag:$0x1] =	stream.indirect.gather [hbm4b:s3+s13], $0x80, s31, s13, $0xb8;
	[tilespmem:$0x1E0C0] =	vst v63  }
0x95: {  	_ =	swait.ge [sflag:s17], $0x4000  }
0x96: {  	[sflag:s17] =	ssyncset.done $0x0  }
0x97: {  	s25 =	sadd.s32 $0x1480, s24;
	[sflag:s17] =	ssyncadd.s32 $0xFFFFC000  }
0x98: {  	[spmem:s1] =	stream.indirect.scatter.add.f32 [tilespmem:s15], [sflag:$0x3], $0x80, s25, s13, $0xb8;
	[tilespmem:$0x1E0C0] =	vst v63  }
0x99: {  	_ =	swait.ge [sflag:s11], $0x4000  }
0x9a: {  	[sflag:s11] =	ssyncset.done $0x0  }
0x9b: {  	[sflag:s11] =	ssyncadd.s32 $0xFFFFC000  }
0x9c: {  	[tilespmem:s15], [sflag:$0x2] =	stream.indirect.gather [hbm4b:s3+s13], $0x80, s18, s13, $0xb8;
	[tilespmem:$0x1E0C0] =	vst v63  }
0x9d: {  	_ =	swait.ge [sflag:s16], $0x4000  }
0x9e: {  	[sflag:s16] =	ssyncset.done $0x0  }
0x9f: {  	[sflag:s16] =	ssyncadd.s32 $0xFFFFC000  }
0xa0: {  	[spmem:s1] =	stream.indirect.scatter.add.f32 [tilespmem:s14], [sflag:$0x3], $0x80, s19, s13, $0xb8;
	[tilespmem:$0x1E0C0] =	vst v63  }
0xa1: {  	_ =	swait.ge [sflag:s11], $0x4000  }
0xa2: {  	[sflag:s11] =	ssyncset.done $0x0  }
0xa3: {  	[sflag:s11] =	ssyncadd.s32 $0xFFFFC000  }
0xa4: {  	_ =	swait.ge [sflag:s17], $0x4000  }
0xa5: {  	[sflag:s17] =	ssyncset.done $0x0  }
0xa6: {  	[sflag:s17] =	ssyncadd.s32 $0xFFFFC000  }
0xa7: {  	[spmem:s1] =	stream.indirect.scatter.add.f32 [tilespmem:s15], [sflag:$0x3], $0x80, s20, s13, $0xb8;
	[tilespmem:$0x1E0C0] =	vst v63  }
0xa8: {  	_ =	swait.ge [sflag:s11], $0x4000  }
0xa9: {  	[sflag:s11] =	ssyncset.done $0x0  }
0xaa: {  	s26 =	simm.s32 @p1 $0x3;
	[sflag:s11] =	ssyncadd.s32 $0xFFFFC000  }
0xab: {  	s24 =	sshrl.u32 @p1 s1, $0x3;
	s25 =	simm.s32 @p1 $0x1C03;
	[bflag:$0x0] =	sbarrier.arrive $0xFFFF  }
0xac: {  	[hbm:s6], [sflag:s25] =	dma.local @p1 [spmem:s24], $0x27180  }
0xad: {  	_ =	swait.ge @p1 [sflag:s26], $0x27180  }
0xae: {  	[sflag:s26] =	ssyncset.done @p1 $0x0  }
0xaf: {  	[sflag:s26] =	ssyncadd.s32 @p1 $0xFFFD8E80  }
0xb0: {  	[bflag:$0x0] =	sbarrier.arrive @p1 $0xFFFF  }
0xb1: {  	[spmem:s24], [sflag:s25] =	dma.local @p1 [hbm:s7], $0x27180  }
0xb2: {  	_ =	swait.ge @p1 [sflag:s26], $0x27180  }
0xb3: {  	[sflag:s26] =	ssyncset.done @p1 $0x0  }
0xb4: {  	[sflag:s26] =	ssyncadd.s32 @p1 $0xFFFD8E80  }
0xb5: {  	[bflag:$0x0] =	sbarrier.arrive @!p1 $0xFFFF  }
0xb6: {  	s26 =	simm.s32 $0x0;
	[bflag:$0x0] =	sbarrier.arrive $0xFFFF  }
0xb7: {  	[tilespmem:s26], [sflag:$0x3] =	stream.linear.gather [hbm4b:s4+s26], $0x1400, $0x38;
	[tilespmem:$0x1E0C0] =	vst v63  }
0xb8: {  	_ =	swait.ge [sflag:s11], $0x1400  }
0xb9: {  	[sflag:s11] =	ssyncset.done $0x0  }
0xba: {  	[sflag:s11] =	ssyncadd.s32 $0xFFFFEC00  }
0xbb: {  	[tilespmem:s12], [sflag:$0x3] =	stream.linear.gather [hbm4b:s5+s26], $0x1400, $0x38;
	[tilespmem:$0x1E0C0] =	vst v63  }
0xbc: {  	_ =	swait.ge [sflag:s11], $0x1400  }
0xbd: {  	[sflag:s11] =	ssyncset.done $0x0  }
0xbe: {  	[sflag:s11] =	ssyncadd.s32 $0xFFFFEC00  }
0xbf: {  	[tilespmem:s14], [sflag:$0x1] =	stream.indirect.gather [hbm4b:s7+s13], $0x80, s26, s13, $0xb8;
	[tilespmem:$0x1E0C0] =	vst v63  }
0xc0: {  	s28 =	simm.s32 $0x80  }
0xc1: {  	[tilespmem:s15], [sflag:$0x2] =	stream.indirect.gather [hbm4b:s7+s13], $0x80, s28, s13, $0xb8;
	[tilespmem:$0x1E0C0] =	vst v63  }
0xc2: {  	_ =	swait.ge [sflag:s16], $0x4000  }
0xc3: {  	[sflag:s16] =	ssyncset.done $0x0  }
0xc4: {  	s29 =	simm.s32 $0x1400;
	[sflag:s16] =	ssyncadd.s32 $0xFFFFC000  }
0xc5: {  	[spmem:s1] =	stream.indirect.scatter.add.f32 [tilespmem:s14], [sflag:$0x3], $0x80, s29, s13, $0xb8;
	[tilespmem:$0x1E0C0] =	vst v63  }
0xc6: {  	_ =	swait.ge [sflag:s11], $0x4000  }
0xc7: {  	[sflag:s11] =	ssyncset.done $0x0  }
0xc8: {  	s30 =	simm.s32 $0x100;
	[sflag:s11] =	ssyncadd.s32 $0xFFFFC000  }
0xc9: {  	[tilespmem:s14], [sflag:$0x1] =	stream.indirect.gather [hbm4b:s7+s13], $0x80, s30, s13, $0xb8;
	[tilespmem:$0x1E0C0] =	vst v63  }
0xca: {  	_ =	swait.ge [sflag:s17], $0x4000  }
0xcb: {  	[sflag:s17] =	ssyncset.done $0x0  }
0xcc: {  	s31 =	simm.s32 $0x1480;
	[sflag:s17] =	ssyncadd.s32 $0xFFFFC000  }
0xcd: {  	[spmem:s1] =	stream.indirect.scatter.add.f32 [tilespmem:s15], [sflag:$0x3], $0x80, s31, s13, $0xb8;
	[tilespmem:$0x1E0C0] =	vst v63  }
0xce: {  	_ =	swait.ge [sflag:s11], $0x4000  }
0xcf: {  	s25 =	simm.s32 $0x800;
	s24 =	simm.s32 $0x100;
	[sflag:s11] =	ssyncset.done $0x0  }
.LBB2_6:
0xd0: {  	s26 =	sadd.s32 $0x80, s24  }
0xd1: {  	[sflag:s11] =	ssyncadd.s32 $0xFFFFC000;
	s28 =	smov.u32 s25;
	s29 =	sadd.s32 $0x400, s25  }
0xd2: {  	[tilespmem:s15], [sflag:$0x2] =	stream.indirect.gather [hbm4b:s7+s13], $0x80, s26, s13, $0xb8;
	[tilespmem:$0x1E0C0] =	vst v63  }
0xd3: {  	p2 =	sne.s32 s25, $0x4800;
	_ =	swait.ge [sflag:s16], $0x4000  }
0xd4: {  	[sflag:s16] =	ssyncset.done $0x0  }
0xd5: {  	s25 =	sadd.s32 $0x1400, s24;
	[sflag:s16] =	ssyncadd.s32 $0xFFFFC000  }
0xd6: {  	[spmem:s1] =	stream.indirect.scatter.add.f32 [tilespmem:s14], [sflag:$0x3], $0x80, s25, s13, $0xb8;
	[tilespmem:$0x1E0C0] =	vst v63  }
0xd7: {  	_ =	swait.ge [sflag:s11], $0x4000  }
0xd8: {  	[sflag:s11] =	ssyncset.done $0x0  }
0xd9: {  	s25 =	sadd.s32 $0x100, s24;
	[sflag:s11] =	ssyncadd.s32 $0xFFFFC000  }
0xda: {  	[tilespmem:s14], [sflag:$0x1] =	stream.indirect.gather [hbm4b:s7+s13], $0x80, s25, s13, $0xb8;
	[tilespmem:$0x1E0C0] =	vst v63  }
0xdb: {  	_ =	swait.ge [sflag:s17], $0x4000  }
.Ltmp2:
0xdc: {  	[sflag:s17] =	ssyncset.done $0x0;
	(pc) =	sbr.rel @p2 .LBB2_6-.Ltmp2, $4  }
0xdd: {  	s24 =	sadd.s32 $0x1480, s24;
	[sflag:s17] =	ssyncadd.s32 $0xFFFFC000  }
0xde: {  	[spmem:s1] =	stream.indirect.scatter.add.f32 [tilespmem:s15], [sflag:$0x3], $0x80, s24, s13, $0xb8;
	[tilespmem:$0x1E0C0] =	vst v63  }
0xdf: {  	_ =	swait.ge [sflag:s11], $0x4000  }
0xe0: {  	s25 =	smov.u32 s29;
	s24 =	sshra.s32 s28, $0x2;
	[sflag:s11] =	ssyncset.done $0x0  }
0xe1: {  	s25 =	sadd.s32 $0x80, s24;
	[sflag:s11] =	ssyncadd.s32 $0xFFFFC000  }
0xe2: {  	[tilespmem:s15], [sflag:$0x2] =	stream.indirect.gather [hbm4b:s7+s13], $0x80, s25, s13, $0xb8;
	[tilespmem:$0x1E0C0] =	vst v63  }
0xe3: {  	_ =	swait.ge [sflag:s16], $0x4000  }
0xe4: {  	[sflag:s16] =	ssyncset.done $0x0  }
0xe5: {  	s30 =	sadd.s32 $0x1400, s24;
	[sflag:s16] =	ssyncadd.s32 $0xFFFFC000  }
0xe6: {  	[spmem:s1] =	stream.indirect.scatter.add.f32 [tilespmem:s14], [sflag:$0x3], $0x80, s30, s13, $0xb8;
	[tilespmem:$0x1E0C0] =	vst v63  }
0xe7: {  	_ =	swait.ge [sflag:s11], $0x4000  }
0xe8: {  	[sflag:s11] =	ssyncset.done $0x0  }
0xe9: {  	s31 =	sadd.s32 $0x100, s24;
	[sflag:s11] =	ssyncadd.s32 $0xFFFFC000  }
0xea: {  	[tilespmem:s14], [sflag:$0x1] =	stream.indirect.gather [hbm4b:s7+s13], $0x80, s31, s13, $0xb8;
	[tilespmem:$0x1E0C0] =	vst v63  }
0xeb: {  	_ =	swait.ge [sflag:s17], $0x4000  }
0xec: {  	[sflag:s17] =	ssyncset.done $0x0  }
0xed: {  	s25 =	sadd.s32 $0x1480, s24;
	[sflag:s17] =	ssyncadd.s32 $0xFFFFC000  }
0xee: {  	[spmem:s1] =	stream.indirect.scatter.add.f32 [tilespmem:s15], [sflag:$0x3], $0x80, s25, s13, $0xb8;
	[tilespmem:$0x1E0C0] =	vst v63  }
0xef: {  	_ =	swait.ge [sflag:s11], $0x4000  }
0xf0: {  	[sflag:s11] =	ssyncset.done $0x0  }
0xf1: {  	[sflag:s11] =	ssyncadd.s32 $0xFFFFC000  }
0xf2: {  	[tilespmem:s15], [sflag:$0x2] =	stream.indirect.gather [hbm4b:s7+s13], $0x80, s18, s13, $0xb8;
	[tilespmem:$0x1E0C0] =	vst v63  }
0xf3: {  	_ =	swait.ge [sflag:s16], $0x4000  }
0xf4: {  	[sflag:s16] =	ssyncset.done $0x0  }
0xf5: {  	[sflag:s16] =	ssyncadd.s32 $0xFFFFC000  }
0xf6: {  	[spmem:s1] =	stream.indirect.scatter.add.f32 [tilespmem:s14], [sflag:$0x3], $0x80, s19, s13, $0xb8;
	[tilespmem:$0x1E0C0] =	vst v63  }
0xf7: {  	_ =	swait.ge [sflag:s11], $0x4000  }
0xf8: {  	[sflag:s11] =	ssyncset.done $0x0  }
0xf9: {  	[sflag:s11] =	ssyncadd.s32 $0xFFFFC000  }
0xfa: {  	_ =	swait.ge [sflag:s17], $0x4000  }
0xfb: {  	[sflag:s17] =	ssyncset.done $0x0  }
0xfc: {  	[sflag:s17] =	ssyncadd.s32 $0xFFFFC000  }
0xfd: {  	[spmem:s1] =	stream.indirect.scatter.add.f32 [tilespmem:s15], [sflag:$0x3], $0x80, s20, s13, $0xb8;
	[tilespmem:$0x1E0C0] =	vst v63  }
0xfe: {  	_ =	swait.ge [sflag:s11], $0x4000  }
0xff: {  	[sflag:s11] =	ssyncset.done $0x0  }
0x100: {  	s26 =	simm.s32 $0x0;
	[sflag:s11] =	ssyncadd.s32 $0xFFFFC000  }
0x101: {  	[tilespmem:s26], [sflag:$0x3] =	stream.linear.gather [hbm4b:s22+s26], $0x1400, $0x38;
	[tilespmem:$0x1E0C0] =	vst v63  }
0x102: {  	_ =	swait.ge [sflag:s11], $0x1400  }
0x103: {  	[sflag:s11] =	ssyncset.done $0x0  }
0x104: {  	[sflag:s11] =	ssyncadd.s32 $0xFFFFEC00  }
0x105: {  	[tilespmem:s12], [sflag:$0x3] =	stream.linear.gather [hbm4b:s23+s26], $0x1400, $0x38;
	[tilespmem:$0x1E0C0] =	vst v63  }
0x106: {  	_ =	swait.ge [sflag:s11], $0x1400  }
0x107: {  	[sflag:s11] =	ssyncset.done $0x0  }
0x108: {  	[sflag:s11] =	ssyncadd.s32 $0xFFFFEC00  }
0x109: {  	[tilespmem:s14], [sflag:$0x1] =	stream.indirect.gather [hbm4b:s7+s13], $0x80, s26, s13, $0xb8;
	[tilespmem:$0x1E0C0] =	vst v63  }
0x10a: {  	s28 =	simm.s32 $0x80  }
0x10b: {  	[tilespmem:s15], [sflag:$0x2] =	stream.indirect.gather [hbm4b:s7+s13], $0x80, s28, s13, $0xb8;
	[tilespmem:$0x1E0C0] =	vst v63  }
0x10c: {  	_ =	swait.ge [sflag:s16], $0x4000  }
0x10d: {  	[sflag:s16] =	ssyncset.done $0x0  }
0x10e: {  	s29 =	simm.s32 $0x1400;
	[sflag:s16] =	ssyncadd.s32 $0xFFFFC000  }
0x10f: {  	[spmem:s1] =	stream.indirect.scatter.add.f32 [tilespmem:s14], [sflag:$0x3], $0x80, s29, s13, $0xb8;
	[tilespmem:$0x1E0C0] =	vst v63  }
0x110: {  	_ =	swait.ge [sflag:s11], $0x4000  }
0x111: {  	[sflag:s11] =	ssyncset.done $0x0  }
0x112: {  	s30 =	simm.s32 $0x100;
	[sflag:s11] =	ssyncadd.s32 $0xFFFFC000  }
0x113: {  	[tilespmem:s14], [sflag:$0x1] =	stream.indirect.gather [hbm4b:s7+s13], $0x80, s30, s13, $0xb8;
	[tilespmem:$0x1E0C0] =	vst v63  }
0x114: {  	_ =	swait.ge [sflag:s17], $0x4000  }
0x115: {  	[sflag:s17] =	ssyncset.done $0x0  }
0x116: {  	s31 =	simm.s32 $0x1480;
	[sflag:s17] =	ssyncadd.s32 $0xFFFFC000  }
0x117: {  	[spmem:s1] =	stream.indirect.scatter.add.f32 [tilespmem:s15], [sflag:$0x3], $0x80, s31, s13, $0xb8;
	[tilespmem:$0x1E0C0] =	vst v63  }
0x118: {  	_ =	swait.ge [sflag:s11], $0x4000  }
0x119: {  	s22 =	simm.s32 $0x100;
	s23 =	simm.s32 $0x800;
	[sflag:s11] =	ssyncset.done $0x0  }
.LBB2_8:
0x11a: {  	s24 =	sadd.s32 $0x80, s22  }
0x11b: {  	[sflag:s11] =	ssyncadd.s32 $0xFFFFC000;
	s25 =	smov.u32 s23;
	s26 =	sadd.s32 $0x400, s23  }
0x11c: {  	[tilespmem:s15], [sflag:$0x2] =	stream.indirect.gather [hbm4b:s7+s13], $0x80, s24, s13, $0xb8;
	[tilespmem:$0x1E0C0] =	vst v63  }
0x11d: {  	p2 =	sne.s32 s23, $0x4800;
	_ =	swait.ge [sflag:s16], $0x4000  }
0x11e: {  	[sflag:s16] =	ssyncset.done $0x0  }
0x11f: {  	s23 =	sadd.s32 $0x1400, s22;
	[sflag:s16] =	ssyncadd.s32 $0xFFFFC000  }
0x120: {  	[spmem:s1] =	stream.indirect.scatter.add.f32 [tilespmem:s14], [sflag:$0x3], $0x80, s23, s13, $0xb8;
	[tilespmem:$0x1E0C0] =	vst v63  }
0x121: {  	_ =	swait.ge [sflag:s11], $0x4000  }
0x122: {  	[sflag:s11] =	ssyncset.done $0x0  }
0x123: {  	s23 =	sadd.s32 $0x100, s22;
	[sflag:s11] =	ssyncadd.s32 $0xFFFFC000  }
0x124: {  	[tilespmem:s14], [sflag:$0x1] =	stream.indirect.gather [hbm4b:s7+s13], $0x80, s23, s13, $0xb8;
	[tilespmem:$0x1E0C0] =	vst v63  }
0x125: {  	_ =	swait.ge [sflag:s17], $0x4000  }
.Ltmp3:
0x126: {  	[sflag:s17] =	ssyncset.done $0x0;
	(pc) =	sbr.rel @p2 .LBB2_8-.Ltmp3, $4  }
0x127: {  	s22 =	sadd.s32 $0x1480, s22;
	[sflag:s17] =	ssyncadd.s32 $0xFFFFC000  }
0x128: {  	[spmem:s1] =	stream.indirect.scatter.add.f32 [tilespmem:s15], [sflag:$0x3], $0x80, s22, s13, $0xb8;
	[tilespmem:$0x1E0C0] =	vst v63  }
0x129: {  	_ =	swait.ge [sflag:s11], $0x4000  }
0x12a: {  	s23 =	smov.u32 s26;
	s22 =	sshra.s32 s25, $0x2;
	[sflag:s11] =	ssyncset.done $0x0  }
0x12b: {  	s23 =	sadd.s32 $0x80, s22;
	[sflag:s11] =	ssyncadd.s32 $0xFFFFC000  }
0x12c: {  	[tilespmem:s15], [sflag:$0x2] =	stream.indirect.gather [hbm4b:s7+s13], $0x80, s23, s13, $0xb8;
	[tilespmem:$0x1E0C0] =	vst v63  }
0x12d: {  	_ =	swait.ge [sflag:s16], $0x4000  }
0x12e: {  	[sflag:s16] =	ssyncset.done $0x0  }
0x12f: {  	s29 =	sadd.s32 $0x1400, s22;
	[sflag:s16] =	ssyncadd.s32 $0xFFFFC000  }
0x130: {  	[spmem:s1] =	stream.indirect.scatter.add.f32 [tilespmem:s14], [sflag:$0x3], $0x80, s29, s13, $0xb8;
	[tilespmem:$0x1E0C0] =	vst v63  }
0x131: {  	_ =	swait.ge [sflag:s11], $0x4000  }
0x132: {  	[sflag:s11] =	ssyncset.done $0x0  }
0x133: {  	s30 =	sadd.s32 $0x100, s22;
	[sflag:s11] =	ssyncadd.s32 $0xFFFFC000  }
0x134: {  	[tilespmem:s14], [sflag:$0x1] =	stream.indirect.gather [hbm4b:s7+s13], $0x80, s30, s13, $0xb8;
	[tilespmem:$0x1E0C0] =	vst v63  }
0x135: {  	_ =	swait.ge [sflag:s17], $0x4000  }
0x136: {  	[sflag:s17] =	ssyncset.done $0x0  }
0x137: {  	s31 =	sadd.s32 $0x1480, s22;
	[sflag:s17] =	ssyncadd.s32 $0xFFFFC000  }
0x138: {  	[spmem:s1] =	stream.indirect.scatter.add.f32 [tilespmem:s15], [sflag:$0x3], $0x80, s31, s13, $0xb8;
	[tilespmem:$0x1E0C0] =	vst v63  }
0x139: {  	_ =	swait.ge [sflag:s11], $0x4000  }
0x13a: {  	[sflag:s11] =	ssyncset.done $0x0  }
0x13b: {  	[sflag:s11] =	ssyncadd.s32 $0xFFFFC000  }
0x13c: {  	[tilespmem:s15], [sflag:$0x2] =	stream.indirect.gather [hbm4b:s7+s13], $0x80, s18, s13, $0xb8;
	[tilespmem:$0x1E0C0] =	vst v63  }
0x13d: {  	_ =	swait.ge [sflag:s16], $0x4000  }
0x13e: {  	[sflag:s16] =	ssyncset.done $0x0  }
0x13f: {  	[sflag:s16] =	ssyncadd.s32 $0xFFFFC000  }
0x140: {  	[spmem:s1] =	stream.indirect.scatter.add.f32 [tilespmem:s14], [sflag:$0x3], $0x80, s19, s13, $0xb8;
	[tilespmem:$0x1E0C0] =	vst v63  }
0x141: {  	_ =	swait.ge [sflag:s11], $0x4000  }
0x142: {  	[sflag:s11] =	ssyncset.done $0x0  }
0x143: {  	[sflag:s11] =	ssyncadd.s32 $0xFFFFC000  }
0x144: {  	_ =	swait.ge [sflag:s17], $0x4000  }
0x145: {  	[sflag:s17] =	ssyncset.done $0x0  }
0x146: {  	[sflag:s17] =	ssyncadd.s32 $0xFFFFC000  }
0x147: {  	[spmem:s1] =	stream.indirect.scatter.add.f32 [tilespmem:s15], [sflag:$0x3], $0x80, s20, s13, $0xb8;
	[tilespmem:$0x1E0C0] =	vst v63  }
0x148: {  	_ =	swait.ge [sflag:s11], $0x4000  }
0x149: {  	[sflag:s11] =	ssyncset.done $0x0  }
0x14a: {  	[sflag:s11] =	ssyncadd.s32 $0xFFFFC000  }
0x14b: {  	s22 =	simm.s32 @!p0 $0x1C03;
	s21 =	sadd.s32 $0x1, s21;
	[bflag:$0x0] =	sbarrier.arrive $0xFFFF  }
0x14c: {  	[hbm:s9], [sflag:s22] =	dma.local @!p0 [spmem:s10], $0x27180  }
0x14d: {  	p2 =	sne.s32 s21, s8;
	s22 =	simm.s32 @!p0 $0x3  }
.Ltmp4:
0x14e: {  	_ =	swait.ge @!p0 [sflag:s22], $0x27180;
	(pc) =	sbr.rel @p2 .LBB2_1-.Ltmp4, $3  }
0x14f: {  	[sflag:s22] =	ssyncset.done @!p0 $0x0  }
0x150: {  	[sflag:s22] =	ssyncadd.s32 @!p0 $0xFFFD8E80  }
0x151: {  	[bflag:$0x0] =	sbarrier.arrive $0xFFFF;
	_ =	sdelay $0x1  }
0x152: {  	_ =	sfence.sel $0x180000  }
0x153: {  	[bflag:$0x0] =	sbarrier.arrive $0xFFFF  }
0x154: {  	_ =	strace $0x90000050  }
0x155: {  	s0 =	sadd.s32 @!p0 $0x100000, s0;
	[bflag:$0x2] =	sbarrier.arrive $0xFFFF  }
0x156: {  	[sflag:s0] =	ssyncadd.tile.s32 @!p0 $0x1;
	_ =	shalt  }
.Lfunc_end2:
_tile_overlayer_lowered:
.L_overlay_start_2:
0x157: {  	(tag) =	ssettag $0x2  }
0x158: {  	s0 =	rddreg [dreg:$0x0];
	s2 =	stileid.u32  }
0x159: {  	s1 =	rddreg [dreg:$0x1];
	p0 =	sne.s32 s2, $0x0  }
0x15a: {  	s3 =	rddreg [dreg:$0x2];
	[bflag:$0x3] =	sbarrier.arrive $0xFFFF;
	s2 =	simm.s32 @!p0 $0x1C03  }
0x15b: {  	[timem:s3], [sflag:s2] =	dma.local @!p0 [hbm:s0], s1  }
0x15c: {  	s0 =	simm.s32 @!p0 $0x3  }
0x15d: {  	_ =	swait.ge @!p0 [sflag:s0], s1  }
0x15e: {  	s1 =	ssub.s32 @!p0 $0x0, s1;
	[sflag:s0] =	ssyncset.done @!p0 $0x0  }
0x15f: {  	[sflag:s0] =	ssyncadd.s32 @!p0 s1  }
0x160: {  	[bflag:$0x3] =	sbarrier.arrive $0xFFFF  }
0x161: {  	_ =	shalt  }

</sc_bundles>
